<compile_context>
chip_gen: v7x
topology: tpu7x:2x2x1
jax: 0.10.2.dev20260603
libtpu: 0.0.44.dev20260713+nightly
codegen_flags: <defaults>
</compile_context>

<pallas_src>
import functools

import jax
import jax.numpy as jnp
from jax import lax
from jax.experimental import pallas as pl
from jax.experimental.pallas import tpu as pltpu
from jax.experimental.pallas import tpu_sc as plsc

N = 10000
D = 128
DL = 16
E = 320000
NC = 2
NS = 16
NW = NC * NS
EPW = E // NW
B = 125
NB = EPW // B
RPT = 640
RPT_L = N - (NS - 1) * RPT


def _make_agg_body(with_deg):
    def body(tab_hbm, sd_hbm, zz_hbm, *rest):
        if with_deg:
            (zd_hbm, ones_hbm, agg_hbm, deg_hbm,
             ib0, ib1, ib2, ib3, rows0, rows1, onesb, acc, degacc,
             semi0, semi1, semi2, semi3, semg0, semg1,
             sems0, sems1, semz) = rest
        else:
            (agg_hbm,
             ib0, ib1, ib2, ib3, rows0, rows1, acc,
             semi0, semi1, semi2, semi3, semg0, semg1,
             sems0, sems1, semz) = rest
        c = lax.axis_index("c")
        s = lax.axis_index("s")
        wid = s * NC + c
        last = s == NS - 1

        def zero_start():
            @pl.when(~last)
            def _():
                pltpu.async_copy(zz_hbm, acc.at[pl.ds(s * RPT, RPT)], semz)
                if with_deg:
                    pltpu.async_copy(zd_hbm, degacc.at[pl.ds(s * RPT, RPT)],
                                     semz)

            @pl.when(last)
            def _():
                pltpu.async_copy(zz_hbm.at[pl.ds(0, RPT_L)],
                                 acc.at[pl.ds(s * RPT, RPT_L)], semz)
                if with_deg:
                    pltpu.async_copy(zd_hbm.at[pl.ds(0, RPT_L)],
                                     degacc.at[pl.ds(s * RPT, RPT_L)], semz)

        def zero_wait():
            @pl.when(~last)
            def _():
                pltpu.make_async_copy(zz_hbm, acc.at[pl.ds(s * RPT, RPT)],
                                      semz).wait()
                if with_deg:
                    pltpu.make_async_copy(
                        zd_hbm, degacc.at[pl.ds(s * RPT, RPT)], semz).wait()

            @pl.when(last)
            def _():
                pltpu.make_async_copy(zz_hbm.at[pl.ds(0, RPT_L)],
                                      acc.at[pl.ds(s * RPT, RPT_L)],
                                      semz).wait()
                if with_deg:
                    pltpu.make_async_copy(
                        zd_hbm.at[pl.ds(0, RPT_L)],
                        degacc.at[pl.ds(s * RPT, RPT_L)], semz).wait()

        zero_start()
        if with_deg:
            pltpu.async_copy(ones_hbm, onesb, semz)

        ibase = wid * NB

        def iload(i, ib, sem):
            pltpu.async_copy(sd_hbm.at[ibase + i], ib.at[0], sem)
            pltpu.async_copy(sd_hbm.at[NW * NB + ibase + i], ib.at[1], sem)

        def iwait(ib, sem):
            pltpu.make_async_copy(sd_hbm.at[0], ib.at[0], sem).wait()
            pltpu.make_async_copy(sd_hbm.at[0], ib.at[1], sem).wait()

        def gather(ib, rows, sem):
            pltpu.async_copy(tab_hbm.at[ib.at[0]], rows, sem)

        def gwait(rows, sem):
            pltpu.make_async_copy(tab_hbm.at[ib0.at[0]], rows, sem).wait()

        def scat(ib, rows, sem):
            pltpu.async_copy(rows, acc.at[ib.at[1]], sem, add=True)
            if with_deg:
                pltpu.async_copy(onesb, degacc.at[ib.at[1]], sem, add=True)

        def swait(ib, rows, sem):
            pltpu.make_async_copy(rows, acc.at[ib.at[1]], sem).wait()
            if with_deg:
                pltpu.make_async_copy(onesb, degacc.at[ib.at[1]], sem).wait()

        iload(0, ib0, semi0)
        iload(1, ib1, semi1)
        iload(2, ib2, semi2)
        iload(3, ib3, semi3)
        iwait(ib0, semi0)
        gather(ib0, rows0, semg0)
        iwait(ib1, semi1)
        gather(ib1, rows1, semg1)
        zero_wait()
        if with_deg:
            pltpu.make_async_copy(ones_hbm, onesb, semz).wait()
        plsc.subcore_barrier()

        def quarter(i_next, ib_c, semi_c, ib_n, semi_n, rows, semg, sems):
            gwait(rows, semg)
            scat(ib_c, rows, sems)
            swait(ib_c, rows, sems)
            iload(i_next, ib_c, semi_c)
            iwait(ib_n, semi_n)
            gather(ib_n, rows, semg)

        def step(j, carry):
            i0 = 4 * j
            quarter(i0 + 4, ib0, semi0, ib2, semi2, rows0, semg0, sems0)
            quarter(i0 + 5, ib1, semi1, ib3, semi3, rows1, semg1, sems1)
            quarter(i0 + 6, ib2, semi2, ib0, semi0, rows0, semg0, sems0)
            quarter(i0 + 7, ib3, semi3, ib1, semi1, rows1, semg1, sems1)
            return carry

        lax.fori_loop(0, NB // 4 - 1, step, 0)
        gwait(rows0, semg0)
        scat(ib0, rows0, sems0)
        swait(ib0, rows0, sems0)
        iwait(ib2, semi2)
        gather(ib2, rows0, semg0)
        gwait(rows1, semg1)
        scat(ib1, rows1, sems1)
        swait(ib1, rows1, sems1)
        iwait(ib3, semi3)
        gather(ib3, rows1, semg1)
        gwait(rows0, semg0)
        scat(ib2, rows0, sems0)
        swait(ib2, rows0, sems0)
        gwait(rows1, semg1)
        scat(ib3, rows1, sems1)
        swait(ib3, rows1, sems1)
        plsc.subcore_barrier()

        @pl.when(~last)
        def _():
            pltpu.sync_copy(acc.at[pl.ds(s * RPT, RPT)],
                            agg_hbm.at[pl.ds(c * N + s * RPT, RPT)])
            if with_deg:
                pltpu.sync_copy(degacc.at[pl.ds(s * RPT, RPT)],
                                deg_hbm.at[pl.ds(c * N + s * RPT, RPT)])

        @pl.when(last)
        def _():
            pltpu.sync_copy(acc.at[pl.ds(s * RPT, RPT_L)],
                            agg_hbm.at[pl.ds(c * N + s * RPT, RPT_L)])
            if with_deg:
                pltpu.sync_copy(degacc.at[pl.ds(s * RPT, RPT_L)],
                                deg_hbm.at[pl.ds(c * N + s * RPT, RPT_L)])

    return body


_SC_MESH = dict(
    mesh=plsc.VectorSubcoreMesh(core_axis_name="c", subcore_axis_name="s"),
    compiler_params=pltpu.CompilerParams(use_tc_tiling_on_sc=False),
)

_IDX_SCRATCH = (
    (pltpu.VMEM((2, B), jnp.int32),) * 4
    + (
        pltpu.VMEM((B, D), jnp.float32),
        pltpu.VMEM((B, D), jnp.float32),
    )
)

_SEMS = (pltpu.SemaphoreType.DMA,) * 9


def _sc_agg_deg(table, sd, zz, zd, ones_in):
    return pl.kernel(
        _make_agg_body(True),
        out_type=(jax.ShapeDtypeStruct((NC * N, D), jnp.float32),
                  jax.ShapeDtypeStruct((NC * N, DL), jnp.float32)),
        scratch_types=_IDX_SCRATCH + (
            pltpu.VMEM((B, DL), jnp.float32),
            pltpu.VMEM_SHARED((N, D), jnp.float32),
            pltpu.VMEM_SHARED((N, DL), jnp.float32),
        ) + _SEMS,
        **_SC_MESH,
    )(table, sd, zz, zd, ones_in)


def _sc_agg(table, sd, zz):
    return pl.kernel(
        _make_agg_body(False),
        out_type=jax.ShapeDtypeStruct((NC * N, D), jnp.float32),
        scratch_types=_IDX_SCRATCH + (
            pltpu.VMEM_SHARED((N, D), jnp.float32),
        ) + _SEMS,
        **_SC_MESH,
    )(table, sd, zz)


BLK = 1000
NBLK = N // BLK


def _layer_body(relu, x_ref, a0_ref, a1_ref, d0_ref, d1_ref, ws_ref, wn_ref,
                b_ref, o_ref):
    d = d0_ref[:, 0:1] + d1_ref[:, 0:1]
    rdeg = 1.0 / jnp.maximum(d, 1.0)
    neigh = (a0_ref[...] + a1_ref[...]) * rdeg
    h = (jnp.dot(x_ref[...], ws_ref[...], preferred_element_type=jnp.float32)
         + jnp.dot(neigh, wn_ref[...], preferred_element_type=jnp.float32)
         + b_ref[...])
    o_ref[...] = jnp.maximum(h, 0.0) if relu else h


def _tc_layer(x, agg, degp, ws_t, wn_t, b, relu):
    return pl.pallas_call(
        functools.partial(_layer_body, relu),
        grid=(NBLK,),
        in_specs=[
            pl.BlockSpec((BLK, D), lambda i: (i, 0)),
            pl.BlockSpec((BLK, D), lambda i: (i, 0)),
            pl.BlockSpec((BLK, D), lambda i: (i + NBLK, 0)),
            pl.BlockSpec((BLK, DL), lambda i: (i, 0)),
            pl.BlockSpec((BLK, DL), lambda i: (i + NBLK, 0)),
            pl.BlockSpec((D, D), lambda i: (0, 0)),
            pl.BlockSpec((D, D), lambda i: (0, 0)),
            pl.BlockSpec((1, D), lambda i: (0, 0)),
        ],
        out_specs=pl.BlockSpec((BLK, D), lambda i: (i, 0)),
        out_shape=jax.ShapeDtypeStruct((N, D), jnp.float32),
    )(x, agg, agg, degp, degp, ws_t, wn_t, b)


def kernel(x, edge_index, W_self1, W_neigh1, b1, W_self2, W_neigh2, b2):
    sd = edge_index.astype(jnp.int32).reshape(2 * NW * NB, B)
    zz = jnp.zeros((RPT, D), jnp.float32)
    zd = jnp.zeros((RPT, DL), jnp.float32)
    ones_in = jnp.ones((B, DL), jnp.float32)
    agg1, degp = _sc_agg_deg(x, sd, zz, zd, ones_in)
    h1 = _tc_layer(x, agg1, degp, W_self1.T, W_neigh1.T, b1[None, :], True)
    agg2 = _sc_agg(h1, sd, zz)
    return _tc_layer(h1, agg2, degp, W_self2.T, W_neigh2.T, b2[None, :], False)

# --- scband reference (transcript-rebuilt; emitter-appended) ---
"""Pipeline reference for scband-graph-sage-13589276525101 (READ-ONLY COPY).

The authoritative reference and input builder live on the scoring server;
editing this copy changes nothing except your own understanding.
"""

import jax, jax.numpy as jnp
import numpy as np

N_NODES = 10000
N_EDGES = 320000
D_FEAT = 128
H_FEATS = 128


def setup_inputs(seed: int = 0) -> dict:
    key = jax.random.key(seed)
    k = jax.random.split(key, 8)
    x = jax.random.normal(k[0], (N_NODES, D_FEAT), dtype=jnp.float32)
    edge_index = jax.random.randint(k[1], (2, N_EDGES), 0, N_NODES, dtype=jnp.int64)
    s1 = 1.0 / np.sqrt(D_FEAT)
    s2 = 1.0 / np.sqrt(H_FEATS)
    W_self1 = jax.random.uniform(k[2], (H_FEATS, D_FEAT), minval=-s1, maxval=s1, dtype=jnp.float32)
    W_neigh1 = jax.random.uniform(k[3], (H_FEATS, D_FEAT), minval=-s1, maxval=s1, dtype=jnp.float32)
    b1 = jnp.zeros((H_FEATS,), dtype=jnp.float32)
    W_self2 = jax.random.uniform(k[4], (H_FEATS, H_FEATS), minval=-s2, maxval=s2, dtype=jnp.float32)
    W_neigh2 = jax.random.uniform(k[5], (H_FEATS, H_FEATS), minval=-s2, maxval=s2, dtype=jnp.float32)
    b2 = jnp.zeros((H_FEATS,), dtype=jnp.float32)
    return {"x": x, "edge_index": edge_index, "W_self1": W_self1, "W_neigh1": W_neigh1, "b1": b1, "W_self2": W_self2, "W_neigh2": W_neigh2, "b2": b2}


def _sage_conv(h, src, dst, n_nodes, W_self, W_neigh, b):
    # DGL SAGEConv with 'mean' aggregator: fc_self(h) + fc_neigh(mean_{u in N(v)} h_u) + bias
    msgs = h[src]  # gather along edges
    agg = jax.ops.segment_sum(msgs, dst, num_segments=n_nodes)
    deg = jax.ops.segment_sum(jnp.ones((src.shape[0], 1), dtype=h.dtype), dst, num_segments=n_nodes)
    h_neigh = agg / jnp.maximum(deg, 1.0)  # zero-degree nodes get zero neighbor feature
    return h @ W_self.T + h_neigh @ W_neigh.T + b


def reference(x, edge_index, W_self1, W_neigh1, b1, W_self2, W_neigh2, b2):
    src = edge_index[0]
    dst = edge_index[1]
    n_nodes = x.shape[0]
    h = _sage_conv(x, src, dst, n_nodes, W_self1, W_neigh1, b1)
    h = jax.nn.relu(h)
    h = _sage_conv(h, src, dst, n_nodes, W_self2, W_neigh2, b2)
    return h

if __name__ == "__main__":
    import jax
    _d = setup_inputs()
    print(jax.jit(kernel)(*tuple(_d.values())))

</pallas_src>

<mosaic_0001>
#map = affine_map<(d0, d1) -> (0, 0)>
module attributes {stable_mosaic.version = 14 : i64} {
  func.func @body(%arg0: i32, %arg1: i32, %arg2: memref<10000x128xf32, #tpu.memory_space<hbm>>, %arg3: memref<5120x125xi32, #tpu.memory_space<hbm>>, %arg4: memref<640x128xf32, #tpu.memory_space<hbm>>, %arg5: memref<640x16xf32, #tpu.memory_space<hbm>>, %arg6: memref<125x16xf32, #tpu.memory_space<hbm>>, %arg7: memref<20000x128xf32, #tpu.memory_space<hbm>>, %arg8: memref<20000x16xf32, #tpu.memory_space<hbm>>, %arg9: memref<2x125xi32, #tpu.memory_space<vmem>>, %arg10: memref<2x125xi32, #tpu.memory_space<vmem>>, %arg11: memref<2x125xi32, #tpu.memory_space<vmem>>, %arg12: memref<2x125xi32, #tpu.memory_space<vmem>>, %arg13: memref<125x128xf32, #tpu.memory_space<vmem>>, %arg14: memref<125x128xf32, #tpu.memory_space<vmem>>, %arg15: memref<125x16xf32, #tpu.memory_space<vmem>>, %arg16: memref<10000x128xf32, #tpu.memory_space<vmem_shared>>, %arg17: memref<10000x16xf32, #tpu.memory_space<vmem_shared>>, %arg18: memref<!tpu.dma_semaphore, #tpu.memory_space<semaphore_mem>>, %arg19: memref<!tpu.dma_semaphore, #tpu.memory_space<semaphore_mem>>, %arg20: memref<!tpu.dma_semaphore, #tpu.memory_space<semaphore_mem>>, %arg21: memref<!tpu.dma_semaphore, #tpu.memory_space<semaphore_mem>>, %arg22: memref<!tpu.dma_semaphore, #tpu.memory_space<semaphore_mem>>, %arg23: memref<!tpu.dma_semaphore, #tpu.memory_space<semaphore_mem>>, %arg24: memref<!tpu.dma_semaphore, #tpu.memory_space<semaphore_mem>>, %arg25: memref<!tpu.dma_semaphore, #tpu.memory_space<semaphore_mem>>, %arg26: memref<!tpu.dma_semaphore, #tpu.memory_space<semaphore_mem>>) attributes {dimension_semantics = [#tpu.dimension_semantics<core_parallel>, #tpu.dimension_semantics<subcore_parallel>], iteration_bounds = array<i64: 2, 16>, scalar_prefetch = 0 : i64, scratch_operands = 18 : i64, tpu.core_type = #tpu.core_type<sc_vector_subcore>, window_params = [{transform_indices = #map}, {transform_indices = #map}, {transform_indices = #map}, {transform_indices = #map}, {transform_indices = #map}, {transform_indices = #map}, {transform_indices = #map}]} {
    %mul3A = arith.constant 2 : i32
    %mul3A_0 = arith.muli %arg1, %mul3A : i32
    %add3A = arith.addi %mul3A_0, %arg0 : i32
    %eq3A = arith.constant 15 : i32
    %eq3A_1 = arith.cmpi eq, %arg1, %eq3A : i32
    %not3A = arith.constant true
    %not3A_2 = arith.xori %eq3A_1, %not3A : i1
    %convert_element_type3A = arith.extui %not3A_2 : i1 to i32
    %cond3A = arith.constant 0 : i32
    %cond3A_3 = arith.cmpi ne, %convert_element_type3A, %cond3A : i32
    scf.if %cond3A_3 {
      %mul3A_437 = arith.constant 640 : i32
      %mul3A_438 = arith.muli %arg1, %mul3A_437 : i32
      %dma_start3A_439 = arith.constant 0 : i32
      %dma_start3A_440 = tpu.memref_slice %arg16[%mul3A_438, %dma_start3A_439] : memref<10000x128xf32, #tpu.memory_space<vmem_shared>> -> memref<640x128xf32, #tpu.memory_space<vmem_shared>>
      tpu.enqueue_dma source(%arg4 : memref<640x128xf32, #tpu.memory_space<hbm>>) target(%dma_start3A_440 : memref<640x128xf32, #tpu.memory_space<vmem_shared>>) target_semaphore(%arg26 : memref<!tpu.dma_semaphore, #tpu.memory_space<semaphore_mem>>)
      %mul3A_441 = arith.constant 640 : i32
      %mul3A_442 = arith.muli %arg1, %mul3A_441 : i32
      %dma_start3A_443 = arith.constant 0 : i32
      %dma_start3A_444 = tpu.memref_slice %arg17[%mul3A_442, %dma_start3A_443] : memref<10000x16xf32, #tpu.memory_space<vmem_shared>> -> memref<640x16xf32, #tpu.memory_space<vmem_shared>>
      tpu.enqueue_dma source(%arg5 : memref<640x16xf32, #tpu.memory_space<hbm>>) target(%dma_start3A_444 : memref<640x16xf32, #tpu.memory_space<vmem_shared>>) target_semaphore(%arg26 : memref<!tpu.dma_semaphore, #tpu.memory_space<semaphore_mem>>)
    } else {
    }
    %convert_element_type3A_4 = arith.extui %eq3A_1 : i1 to i32
    %cond3A_5 = arith.constant 0 : i32
    %cond3A_6 = arith.cmpi ne, %convert_element_type3A_4, %cond3A_5 : i32
    scf.if %cond3A_6 {
      %mul3A_437 = arith.constant 640 : i32
      %mul3A_438 = arith.muli %arg1, %mul3A_437 : i32
      %dma_start3A_439 = arith.constant 0 : i32
      %dma_start3A_440 = tpu.memref_slice %arg16[%mul3A_438, %dma_start3A_439] : memref<10000x128xf32, #tpu.memory_space<vmem_shared>> -> memref<400x128xf32, #tpu.memory_space<vmem_shared>>
      %dma_start3A_441 = arith.constant 0 : i32
      %dma_start3A_442 = arith.constant 0 : i32
      %dma_start3A_443 = tpu.memref_slice %arg4[%dma_start3A_441, %dma_start3A_442] : memref<640x128xf32, #tpu.memory_space<hbm>> -> memref<400x128xf32, #tpu.memory_space<hbm>>
      tpu.enqueue_dma source(%dma_start3A_443 : memref<400x128xf32, #tpu.memory_space<hbm>>) target(%dma_start3A_440 : memref<400x128xf32, #tpu.memory_space<vmem_shared>>) target_semaphore(%arg26 : memref<!tpu.dma_semaphore, #tpu.memory_space<semaphore_mem>>)
      %mul3A_444 = arith.constant 640 : i32
      %mul3A_445 = arith.muli %arg1, %mul3A_444 : i32
      %dma_start3A_446 = arith.constant 0 : i32
      %dma_start3A_447 = tpu.memref_slice %arg17[%mul3A_445, %dma_start3A_446] : memref<10000x16xf32, #tpu.memory_space<vmem_shared>> -> memref<400x16xf32, #tpu.memory_space<vmem_shared>>
      %dma_start3A_448 = arith.constant 0 : i32
      %dma_start3A_449 = arith.constant 0 : i32
      %dma_start3A_450 = tpu.memref_slice %arg5[%dma_start3A_448, %dma_start3A_449] : memref<640x16xf32, #tpu.memory_space<hbm>> -> memref<400x16xf32, #tpu.memory_space<hbm>>
      tpu.enqueue_dma source(%dma_start3A_450 : memref<400x16xf32, #tpu.memory_space<hbm>>) target(%dma_start3A_447 : memref<400x16xf32, #tpu.memory_space<vmem_shared>>) target_semaphore(%arg26 : memref<!tpu.dma_semaphore, #tpu.memory_space<semaphore_mem>>)
    } else {
    }
    tpu.enqueue_dma source(%arg6 : memref<125x16xf32, #tpu.memory_space<hbm>>) target(%arg15 : memref<125x16xf32, #tpu.memory_space<vmem>>) target_semaphore(%arg26 : memref<!tpu.dma_semaphore, #tpu.memory_space<semaphore_mem>>)
    %mul3A_7 = arith.constant 80 : i32
    %mul3A_8 = arith.muli %add3A, %mul3A_7 : i32
    %add3A_9 = arith.constant 0 : i32
    %add3A_10 = arith.addi %mul3A_8, %add3A_9 : i32
    %dma_start3A = arith.constant 0 : i32
    %dma_start3A_11 = arith.constant 0 : i32
    %dma_start3A_12 = tpu.memref_slice %arg9[%dma_start3A, %dma_start3A_11] : memref<2x125xi32, #tpu.memory_space<vmem>> -> memref<1x125xi32, #tpu.memory_space<vmem>>
    %dma_start3A_13 = tpu.memref_squeeze %dma_start3A_12 : memref<1x125xi32, #tpu.memory_space<vmem>> -> memref<125xi32, #tpu.memory_space<vmem>>
    %dma_start3A_14 = arith.constant 0 : i32
    %dma_start3A_15 = tpu.memref_slice %arg3[%add3A_10, %dma_start3A_14] : memref<5120x125xi32, #tpu.memory_space<hbm>> -> memref<1x125xi32, #tpu.memory_space<hbm>>
    %dma_start3A_16 = tpu.memref_squeeze %dma_start3A_15 : memref<1x125xi32, #tpu.memory_space<hbm>> -> memref<125xi32, #tpu.memory_space<hbm>>
    %dma_start3A_17 = arith.constant 0 : i32
    %dma_start3A_18 = tpu.memref_slice %arg9[%dma_start3A, %dma_start3A_17] : memref<2x125xi32, #tpu.memory_space<vmem>> -> memref<1x125xi32, #tpu.memory_space<vmem>>
    %dma_start3A_19 = tpu.memref_squeeze %dma_start3A_18 : memref<1x125xi32, #tpu.memory_space<vmem>> -> memref<125xi32, #tpu.memory_space<vmem>>
    %dma_start3A_20 = arith.constant 0 : i32
    %dma_start3A_21 = tpu.memref_slice %arg3[%add3A_10, %dma_start3A_20] : memref<5120x125xi32, #tpu.memory_space<hbm>> -> memref<1x125xi32, #tpu.memory_space<hbm>>
    %dma_start3A_22 = tpu.memref_squeeze %dma_start3A_21 : memref<1x125xi32, #tpu.memory_space<hbm>> -> memref<125xi32, #tpu.memory_space<hbm>>
    tpu.enqueue_dma source(%dma_start3A_22 : memref<125xi32, #tpu.memory_space<hbm>>) target(%dma_start3A_19 : memref<125xi32, #tpu.memory_space<vmem>>) target_semaphore(%arg18 : memref<!tpu.dma_semaphore, #tpu.memory_space<semaphore_mem>>)
    %add3A_23 = arith.constant 2560 : i32
    %add3A_24 = arith.addi %add3A_23, %mul3A_8 : i32
    %add3A_25 = arith.constant 0 : i32
    %add3A_26 = arith.addi %add3A_24, %add3A_25 : i32
    %dma_start3A_27 = arith.constant 1 : i32
    %dma_start3A_28 = arith.constant 0 : i32
    %dma_start3A_29 = tpu.memref_slice %arg9[%dma_start3A_27, %dma_start3A_28] : memref<2x125xi32, #tpu.memory_space<vmem>> -> memref<1x125xi32, #tpu.memory_space<vmem>>
    %dma_start3A_30 = tpu.memref_squeeze %dma_start3A_29 : memref<1x125xi32, #tpu.memory_space<vmem>> -> memref<125xi32, #tpu.memory_space<vmem>>
    %dma_start3A_31 = arith.constant 0 : i32
    %dma_start3A_32 = tpu.memref_slice %arg3[%add3A_26, %dma_start3A_31] : memref<5120x125xi32, #tpu.memory_space<hbm>> -> memref<1x125xi32, #tpu.memory_space<hbm>>
    %dma_start3A_33 = tpu.memref_squeeze %dma_start3A_32 : memref<1x125xi32, #tpu.memory_space<hbm>> -> memref<125xi32, #tpu.memory_space<hbm>>
    %dma_start3A_34 = arith.constant 0 : i32
    %dma_start3A_35 = tpu.memref_slice %arg9[%dma_start3A_27, %dma_start3A_34] : memref<2x125xi32, #tpu.memory_space<vmem>> -> memref<1x125xi32, #tpu.memory_space<vmem>>
    %dma_start3A_36 = tpu.memref_squeeze %dma_start3A_35 : memref<1x125xi32, #tpu.memory_space<vmem>> -> memref<125xi32, #tpu.memory_space<vmem>>
    %dma_start3A_37 = arith.constant 0 : i32
    %dma_start3A_38 = tpu.memref_slice %arg3[%add3A_26, %dma_start3A_37] : memref<5120x125xi32, #tpu.memory_space<hbm>> -> memref<1x125xi32, #tpu.memory_space<hbm>>
    %dma_start3A_39 = tpu.memref_squeeze %dma_start3A_38 : memref<1x125xi32, #tpu.memory_space<hbm>> -> memref<125xi32, #tpu.memory_space<hbm>>
    tpu.enqueue_dma source(%dma_start3A_39 : memref<125xi32, #tpu.memory_space<hbm>>) target(%dma_start3A_36 : memref<125xi32, #tpu.memory_space<vmem>>) target_semaphore(%arg18 : memref<!tpu.dma_semaphore, #tpu.memory_space<semaphore_mem>>)
    %add3A_40 = arith.constant 1 : i32
    %add3A_41 = arith.addi %mul3A_8, %add3A_40 : i32
    %dma_start3A_42 = arith.constant 0 : i32
    %dma_start3A_43 = arith.constant 0 : i32
    %dma_start3A_44 = tpu.memref_slice %arg10[%dma_start3A_42, %dma_start3A_43] : memref<2x125xi32, #tpu.memory_space<vmem>> -> memref<1x125xi32, #tpu.memory_space<vmem>>
    %dma_start3A_45 = tpu.memref_squeeze %dma_start3A_44 : memref<1x125xi32, #tpu.memory_space<vmem>> -> memref<125xi32, #tpu.memory_space<vmem>>
    %dma_start3A_46 = arith.constant 0 : i32
    %dma_start3A_47 = tpu.memref_slice %arg3[%add3A_41, %dma_start3A_46] : memref<5120x125xi32, #tpu.memory_space<hbm>> -> memref<1x125xi32, #tpu.memory_space<hbm>>
    %dma_start3A_48 = tpu.memref_squeeze %dma_start3A_47 : memref<1x125xi32, #tpu.memory_space<hbm>> -> memref<125xi32, #tpu.memory_space<hbm>>
    %dma_start3A_49 = arith.constant 0 : i32
    %dma_start3A_50 = tpu.memref_slice %arg10[%dma_start3A_42, %dma_start3A_49] : memref<2x125xi32, #tpu.memory_space<vmem>> -> memref<1x125xi32, #tpu.memory_space<vmem>>
    %dma_start3A_51 = tpu.memref_squeeze %dma_start3A_50 : memref<1x125xi32, #tpu.memory_space<vmem>> -> memref<125xi32, #tpu.memory_space<vmem>>
    %dma_start3A_52 = arith.constant 0 : i32
    %dma_start3A_53 = tpu.memref_slice %arg3[%add3A_41, %dma_start3A_52] : memref<5120x125xi32, #tpu.memory_space<hbm>> -> memref<1x125xi32, #tpu.memory_space<hbm>>
    %dma_start3A_54 = tpu.memref_squeeze %dma_start3A_53 : memref<1x125xi32, #tpu.memory_space<hbm>> -> memref<125xi32, #tpu.memory_space<hbm>>
    tpu.enqueue_dma source(%dma_start3A_54 : memref<125xi32, #tpu.memory_space<hbm>>) target(%dma_start3A_51 : memref<125xi32, #tpu.memory_space<vmem>>) target_semaphore(%arg19 : memref<!tpu.dma_semaphore, #tpu.memory_space<semaphore_mem>>)
    %add3A_55 = arith.constant 2560 : i32
    %add3A_56 = arith.addi %add3A_55, %mul3A_8 : i32
    %add3A_57 = arith.constant 1 : i32
    %add3A_58 = arith.addi %add3A_56, %add3A_57 : i32
    %dma_start3A_59 = arith.constant 1 : i32
    %dma_start3A_60 = arith.constant 0 : i32
    %dma_start3A_61 = tpu.memref_slice %arg10[%dma_start3A_59, %dma_start3A_60] : memref<2x125xi32, #tpu.memory_space<vmem>> -> memref<1x125xi32, #tpu.memory_space<vmem>>
    %dma_start3A_62 = tpu.memref_squeeze %dma_start3A_61 : memref<1x125xi32, #tpu.memory_space<vmem>> -> memref<125xi32, #tpu.memory_space<vmem>>
    %dma_start3A_63 = arith.constant 0 : i32
    %dma_start3A_64 = tpu.memref_slice %arg3[%add3A_58, %dma_start3A_63] : memref<5120x125xi32, #tpu.memory_space<hbm>> -> memref<1x125xi32, #tpu.memory_space<hbm>>
    %dma_start3A_65 = tpu.memref_squeeze %dma_start3A_64 : memref<1x125xi32, #tpu.memory_space<hbm>> -> memref<125xi32, #tpu.memory_space<hbm>>
    %dma_start3A_66 = arith.constant 0 : i32
    %dma_start3A_67 = tpu.memref_slice %arg10[%dma_start3A_59, %dma_start3A_66] : memref<2x125xi32, #tpu.memory_space<vmem>> -> memref<1x125xi32, #tpu.memory_space<vmem>>
    %dma_start3A_68 = tpu.memref_squeeze %dma_start3A_67 : memref<1x125xi32, #tpu.memory_space<vmem>> -> memref<125xi32, #tpu.memory_space<vmem>>
    %dma_start3A_69 = arith.constant 0 : i32
    %dma_start3A_70 = tpu.memref_slice %arg3[%add3A_58, %dma_start3A_69] : memref<5120x125xi32, #tpu.memory_space<hbm>> -> memref<1x125xi32, #tpu.memory_space<hbm>>
    %dma_start3A_71 = tpu.memref_squeeze %dma_start3A_70 : memref<1x125xi32, #tpu.memory_space<hbm>> -> memref<125xi32, #tpu.memory_space<hbm>>
    tpu.enqueue_dma source(%dma_start3A_71 : memref<125xi32, #tpu.memory_space<hbm>>) target(%dma_start3A_68 : memref<125xi32, #tpu.memory_space<vmem>>) target_semaphore(%arg19 : memref<!tpu.dma_semaphore, #tpu.memory_space<semaphore_mem>>)
    %add3A_72 = arith.constant 2 : i32
    %add3A_73 = arith.addi %mul3A_8, %add3A_72 : i32
    %dma_start3A_74 = arith.constant 0 : i32
    %dma_start3A_75 = arith.constant 0 : i32
    %dma_start3A_76 = tpu.memref_slice %arg11[%dma_start3A_74, %dma_start3A_75] : memref<2x125xi32, #tpu.memory_space<vmem>> -> memref<1x125xi32, #tpu.memory_space<vmem>>
    %dma_start3A_77 = tpu.memref_squeeze %dma_start3A_76 : memref<1x125xi32, #tpu.memory_space<vmem>> -> memref<125xi32, #tpu.memory_space<vmem>>
    %dma_start3A_78 = arith.constant 0 : i32
    %dma_start3A_79 = tpu.memref_slice %arg3[%add3A_73, %dma_start3A_78] : memref<5120x125xi32, #tpu.memory_space<hbm>> -> memref<1x125xi32, #tpu.memory_space<hbm>>
    %dma_start3A_80 = tpu.memref_squeeze %dma_start3A_79 : memref<1x125xi32, #tpu.memory_space<hbm>> -> memref<125xi32, #tpu.memory_space<hbm>>
    %dma_start3A_81 = arith.constant 0 : i32
    %dma_start3A_82 = tpu.memref_slice %arg11[%dma_start3A_74, %dma_start3A_81] : memref<2x125xi32, #tpu.memory_space<vmem>> -> memref<1x125xi32, #tpu.memory_space<vmem>>
    %dma_start3A_83 = tpu.memref_squeeze %dma_start3A_82 : memref<1x125xi32, #tpu.memory_space<vmem>> -> memref<125xi32, #tpu.memory_space<vmem>>
    %dma_start3A_84 = arith.constant 0 : i32
    %dma_start3A_85 = tpu.memref_slice %arg3[%add3A_73, %dma_start3A_84] : memref<5120x125xi32, #tpu.memory_space<hbm>> -> memref<1x125xi32, #tpu.memory_space<hbm>>
    %dma_start3A_86 = tpu.memref_squeeze %dma_start3A_85 : memref<1x125xi32, #tpu.memory_space<hbm>> -> memref<125xi32, #tpu.memory_space<hbm>>
    tpu.enqueue_dma source(%dma_start3A_86 : memref<125xi32, #tpu.memory_space<hbm>>) target(%dma_start3A_83 : memref<125xi32, #tpu.memory_space<vmem>>) target_semaphore(%arg20 : memref<!tpu.dma_semaphore, #tpu.memory_space<semaphore_mem>>)
    %add3A_87 = arith.constant 2560 : i32
    %add3A_88 = arith.addi %add3A_87, %mul3A_8 : i32
    %add3A_89 = arith.constant 2 : i32
    %add3A_90 = arith.addi %add3A_88, %add3A_89 : i32
    %dma_start3A_91 = arith.constant 1 : i32
    %dma_start3A_92 = arith.constant 0 : i32
    %dma_start3A_93 = tpu.memref_slice %arg11[%dma_start3A_91, %dma_start3A_92] : memref<2x125xi32, #tpu.memory_space<vmem>> -> memref<1x125xi32, #tpu.memory_space<vmem>>
    %dma_start3A_94 = tpu.memref_squeeze %dma_start3A_93 : memref<1x125xi32, #tpu.memory_space<vmem>> -> memref<125xi32, #tpu.memory_space<vmem>>
    %dma_start3A_95 = arith.constant 0 : i32
    %dma_start3A_96 = tpu.memref_slice %arg3[%add3A_90, %dma_start3A_95] : memref<5120x125xi32, #tpu.memory_space<hbm>> -> memref<1x125xi32, #tpu.memory_space<hbm>>
    %dma_start3A_97 = tpu.memref_squeeze %dma_start3A_96 : memref<1x125xi32, #tpu.memory_space<hbm>> -> memref<125xi32, #tpu.memory_space<hbm>>
    %dma_start3A_98 = arith.constant 0 : i32
    %dma_start3A_99 = tpu.memref_slice %arg11[%dma_start3A_91, %dma_start3A_98] : memref<2x125xi32, #tpu.memory_space<vmem>> -> memref<1x125xi32, #tpu.memory_space<vmem>>
    %dma_start3A_100 = tpu.memref_squeeze %dma_start3A_99 : memref<1x125xi32, #tpu.memory_space<vmem>> -> memref<125xi32, #tpu.memory_space<vmem>>
    %dma_start3A_101 = arith.constant 0 : i32
    %dma_start3A_102 = tpu.memref_slice %arg3[%add3A_90, %dma_start3A_101] : memref<5120x125xi32, #tpu.memory_space<hbm>> -> memref<1x125xi32, #tpu.memory_space<hbm>>
    %dma_start3A_103 = tpu.memref_squeeze %dma_start3A_102 : memref<1x125xi32, #tpu.memory_space<hbm>> -> memref<125xi32, #tpu.memory_space<hbm>>
    tpu.enqueue_dma source(%dma_start3A_103 : memref<125xi32, #tpu.memory_space<hbm>>) target(%dma_start3A_100 : memref<125xi32, #tpu.memory_space<vmem>>) target_semaphore(%arg20 : memref<!tpu.dma_semaphore, #tpu.memory_space<semaphore_mem>>)
    %add3A_104 = arith.constant 3 : i32
    %add3A_105 = arith.addi %mul3A_8, %add3A_104 : i32
    %dma_start3A_106 = arith.constant 0 : i32
    %dma_start3A_107 = arith.constant 0 : i32
    %dma_start3A_108 = tpu.memref_slice %arg12[%dma_start3A_106, %dma_start3A_107] : memref<2x125xi32, #tpu.memory_space<vmem>> -> memref<1x125xi32, #tpu.memory_space<vmem>>
    %dma_start3A_109 = tpu.memref_squeeze %dma_start3A_108 : memref<1x125xi32, #tpu.memory_space<vmem>> -> memref<125xi32, #tpu.memory_space<vmem>>
    %dma_start3A_110 = arith.constant 0 : i32
    %dma_start3A_111 = tpu.memref_slice %arg3[%add3A_105, %dma_start3A_110] : memref<5120x125xi32, #tpu.memory_space<hbm>> -> memref<1x125xi32, #tpu.memory_space<hbm>>
    %dma_start3A_112 = tpu.memref_squeeze %dma_start3A_111 : memref<1x125xi32, #tpu.memory_space<hbm>> -> memref<125xi32, #tpu.memory_space<hbm>>
    %dma_start3A_113 = arith.constant 0 : i32
    %dma_start3A_114 = tpu.memref_slice %arg12[%dma_start3A_106, %dma_start3A_113] : memref<2x125xi32, #tpu.memory_space<vmem>> -> memref<1x125xi32, #tpu.memory_space<vmem>>
    %dma_start3A_115 = tpu.memref_squeeze %dma_start3A_114 : memref<1x125xi32, #tpu.memory_space<vmem>> -> memref<125xi32, #tpu.memory_space<vmem>>
    %dma_start3A_116 = arith.constant 0 : i32
    %dma_start3A_117 = tpu.memref_slice %arg3[%add3A_105, %dma_start3A_116] : memref<5120x125xi32, #tpu.memory_space<hbm>> -> memref<1x125xi32, #tpu.memory_space<hbm>>
    %dma_start3A_118 = tpu.memref_squeeze %dma_start3A_117 : memref<1x125xi32, #tpu.memory_space<hbm>> -> memref<125xi32, #tpu.memory_space<hbm>>
    tpu.enqueue_dma source(%dma_start3A_118 : memref<125xi32, #tpu.memory_space<hbm>>) target(%dma_start3A_115 : memref<125xi32, #tpu.memory_space<vmem>>) target_semaphore(%arg21 : memref<!tpu.dma_semaphore, #tpu.memory_space<semaphore_mem>>)
    %add3A_119 = arith.constant 2560 : i32
    %add3A_120 = arith.addi %add3A_119, %mul3A_8 : i32
    %add3A_121 = arith.constant 3 : i32
    %add3A_122 = arith.addi %add3A_120, %add3A_121 : i32
    %dma_start3A_123 = arith.constant 1 : i32
    %dma_start3A_124 = arith.constant 0 : i32
    %dma_start3A_125 = tpu.memref_slice %arg12[%dma_start3A_123, %dma_start3A_124] : memref<2x125xi32, #tpu.memory_space<vmem>> -> memref<1x125xi32, #tpu.memory_space<vmem>>
    %dma_start3A_126 = tpu.memref_squeeze %dma_start3A_125 : memref<1x125xi32, #tpu.memory_space<vmem>> -> memref<125xi32, #tpu.memory_space<vmem>>
    %dma_start3A_127 = arith.constant 0 : i32
    %dma_start3A_128 = tpu.memref_slice %arg3[%add3A_122, %dma_start3A_127] : memref<5120x125xi32, #tpu.memory_space<hbm>> -> memref<1x125xi32, #tpu.memory_space<hbm>>
    %dma_start3A_129 = tpu.memref_squeeze %dma_start3A_128 : memref<1x125xi32, #tpu.memory_space<hbm>> -> memref<125xi32, #tpu.memory_space<hbm>>
    %dma_start3A_130 = arith.constant 0 : i32
    %dma_start3A_131 = tpu.memref_slice %arg12[%dma_start3A_123, %dma_start3A_130] : memref<2x125xi32, #tpu.memory_space<vmem>> -> memref<1x125xi32, #tpu.memory_space<vmem>>
    %dma_start3A_132 = tpu.memref_squeeze %dma_start3A_131 : memref<1x125xi32, #tpu.memory_space<vmem>> -> memref<125xi32, #tpu.memory_space<vmem>>
    %dma_start3A_133 = arith.constant 0 : i32
    %dma_start3A_134 = tpu.memref_slice %arg3[%add3A_122, %dma_start3A_133] : memref<5120x125xi32, #tpu.memory_space<hbm>> -> memref<1x125xi32, #tpu.memory_space<hbm>>
    %dma_start3A_135 = tpu.memref_squeeze %dma_start3A_134 : memref<1x125xi32, #tpu.memory_space<hbm>> -> memref<125xi32, #tpu.memory_space<hbm>>
    tpu.enqueue_dma source(%dma_start3A_135 : memref<125xi32, #tpu.memory_space<hbm>>) target(%dma_start3A_132 : memref<125xi32, #tpu.memory_space<vmem>>) target_semaphore(%arg21 : memref<!tpu.dma_semaphore, #tpu.memory_space<semaphore_mem>>)
    %dma_wait3A = arith.constant 0 : i32
    %dma_wait3A_136 = arith.constant 0 : i32
    %dma_wait3A_137 = arith.constant 0 : i32
    %dma_wait3A_138 = tpu.memref_slice %arg9[%dma_wait3A_136, %dma_wait3A_137] : memref<2x125xi32, #tpu.memory_space<vmem>> -> memref<1x125xi32, #tpu.memory_space<vmem>>
    %dma_wait3A_139 = tpu.memref_squeeze %dma_wait3A_138 : memref<1x125xi32, #tpu.memory_space<vmem>> -> memref<125xi32, #tpu.memory_space<vmem>>
    %dma_wait3A_140 = arith.constant 0 : i32
    %dma_wait3A_141 = tpu.memref_slice %arg3[%dma_wait3A, %dma_wait3A_140] : memref<5120x125xi32, #tpu.memory_space<hbm>> -> memref<1x125xi32, #tpu.memory_space<hbm>>
    %dma_wait3A_142 = tpu.memref_squeeze %dma_wait3A_141 : memref<1x125xi32, #tpu.memory_space<hbm>> -> memref<125xi32, #tpu.memory_space<hbm>>
    %dma_wait3A_143 = arith.constant 0 : i32
    %dma_wait3A_144 = tpu.memref_slice %arg9[%dma_wait3A_136, %dma_wait3A_143] : memref<2x125xi32, #tpu.memory_space<vmem>> -> memref<1x125xi32, #tpu.memory_space<vmem>>
    %dma_wait3A_145 = tpu.memref_squeeze %dma_wait3A_144 : memref<1x125xi32, #tpu.memory_space<vmem>> -> memref<125xi32, #tpu.memory_space<vmem>>
    %dma_wait3A_146 = arith.constant 0 : i32
    %dma_wait3A_147 = tpu.memref_slice %arg3[%dma_wait3A, %dma_wait3A_146] : memref<5120x125xi32, #tpu.memory_space<hbm>> -> memref<1x125xi32, #tpu.memory_space<hbm>>
    %dma_wait3A_148 = tpu.memref_squeeze %dma_wait3A_147 : memref<1x125xi32, #tpu.memory_space<hbm>> -> memref<125xi32, #tpu.memory_space<hbm>>
    tpu.wait_dma2 semaphore(%arg18 : memref<!tpu.dma_semaphore, #tpu.memory_space<semaphore_mem>>) src(%dma_wait3A_148 : memref<125xi32, #tpu.memory_space<hbm>>) dst(%dma_wait3A_145 : memref<125xi32, #tpu.memory_space<vmem>>)
    %dma_wait3A_149 = arith.constant 0 : i32
    %dma_wait3A_150 = arith.constant 1 : i32
    %dma_wait3A_151 = arith.constant 0 : i32
    %dma_wait3A_152 = tpu.memref_slice %arg9[%dma_wait3A_150, %dma_wait3A_151] : memref<2x125xi32, #tpu.memory_space<vmem>> -> memref<1x125xi32, #tpu.memory_space<vmem>>
    %dma_wait3A_153 = tpu.memref_squeeze %dma_wait3A_152 : memref<1x125xi32, #tpu.memory_space<vmem>> -> memref<125xi32, #tpu.memory_space<vmem>>
    %dma_wait3A_154 = arith.constant 0 : i32
    %dma_wait3A_155 = tpu.memref_slice %arg3[%dma_wait3A_149, %dma_wait3A_154] : memref<5120x125xi32, #tpu.memory_space<hbm>> -> memref<1x125xi32, #tpu.memory_space<hbm>>
    %dma_wait3A_156 = tpu.memref_squeeze %dma_wait3A_155 : memref<1x125xi32, #tpu.memory_space<hbm>> -> memref<125xi32, #tpu.memory_space<hbm>>
    %dma_wait3A_157 = arith.constant 0 : i32
    %dma_wait3A_158 = tpu.memref_slice %arg9[%dma_wait3A_150, %dma_wait3A_157] : memref<2x125xi32, #tpu.memory_space<vmem>> -> memref<1x125xi32, #tpu.memory_space<vmem>>
    %dma_wait3A_159 = tpu.memref_squeeze %dma_wait3A_158 : memref<1x125xi32, #tpu.memory_space<vmem>> -> memref<125xi32, #tpu.memory_space<vmem>>
    %dma_wait3A_160 = arith.constant 0 : i32
    %dma_wait3A_161 = tpu.memref_slice %arg3[%dma_wait3A_149, %dma_wait3A_160] : memref<5120x125xi32, #tpu.memory_space<hbm>> -> memref<1x125xi32, #tpu.memory_space<hbm>>
    %dma_wait3A_162 = tpu.memref_squeeze %dma_wait3A_161 : memref<1x125xi32, #tpu.memory_space<hbm>> -> memref<125xi32, #tpu.memory_space<hbm>>
    tpu.wait_dma2 semaphore(%arg18 : memref<!tpu.dma_semaphore, #tpu.memory_space<semaphore_mem>>) src(%dma_wait3A_162 : memref<125xi32, #tpu.memory_space<hbm>>) dst(%dma_wait3A_159 : memref<125xi32, #tpu.memory_space<vmem>>)
    %dma_start3A_163 = arith.constant 0 : i32
    %dma_start3A_164 = arith.constant 0 : i32
    %dma_start3A_165 = tpu.memref_slice %arg9[%dma_start3A_163, %dma_start3A_164] : memref<2x125xi32, #tpu.memory_space<vmem>> -> memref<1x125xi32, #tpu.memory_space<vmem>>
    %dma_start3A_166 = tpu.memref_squeeze %dma_start3A_165 : memref<1x125xi32, #tpu.memory_space<vmem>> -> memref<125xi32, #tpu.memory_space<vmem>>
    %dma_start3A_167 = arith.constant 0 : i32
    %dma_start3A_168 = arith.constant 0 : i32
    %dma_start3A_169 = tpu.memref_slice %arg2[%dma_start3A_167, %dma_start3A_168] : memref<10000x128xf32, #tpu.memory_space<hbm>> -> memref<10000x128xf32, #tpu.memory_space<hbm>>
    tpu.enqueue_indirect_dma source(%dma_start3A_169 : memref<10000x128xf32, #tpu.memory_space<hbm>>) target(%arg13 : memref<125x128xf32, #tpu.memory_space<vmem>>) offsets(%dma_start3A_166 : memref<125xi32, #tpu.memory_space<vmem>>) semaphore(%arg22 : memref<!tpu.dma_semaphore, #tpu.memory_space<semaphore_mem>>)
    %dma_wait3A_170 = arith.constant 0 : i32
    %dma_wait3A_171 = arith.constant 0 : i32
    %dma_wait3A_172 = arith.constant 0 : i32
    %dma_wait3A_173 = tpu.memref_slice %arg10[%dma_wait3A_171, %dma_wait3A_172] : memref<2x125xi32, #tpu.memory_space<vmem>> -> memref<1x125xi32, #tpu.memory_space<vmem>>
    %dma_wait3A_174 = tpu.memref_squeeze %dma_wait3A_173 : memref<1x125xi32, #tpu.memory_space<vmem>> -> memref<125xi32, #tpu.memory_space<vmem>>
    %dma_wait3A_175 = arith.constant 0 : i32
    %dma_wait3A_176 = tpu.memref_slice %arg3[%dma_wait3A_170, %dma_wait3A_175] : memref<5120x125xi32, #tpu.memory_space<hbm>> -> memref<1x125xi32, #tpu.memory_space<hbm>>
    %dma_wait3A_177 = tpu.memref_squeeze %dma_wait3A_176 : memref<1x125xi32, #tpu.memory_space<hbm>> -> memref<125xi32, #tpu.memory_space<hbm>>
    %dma_wait3A_178 = arith.constant 0 : i32
    %dma_wait3A_179 = tpu.memref_slice %arg10[%dma_wait3A_171, %dma_wait3A_178] : memref<2x125xi32, #tpu.memory_space<vmem>> -> memref<1x125xi32, #tpu.memory_space<vmem>>
    %dma_wait3A_180 = tpu.memref_squeeze %dma_wait3A_179 : memref<1x125xi32, #tpu.memory_space<vmem>> -> memref<125xi32, #tpu.memory_space<vmem>>
    %dma_wait3A_181 = arith.constant 0 : i32
    %dma_wait3A_182 = tpu.memref_slice %arg3[%dma_wait3A_170, %dma_wait3A_181] : memref<5120x125xi32, #tpu.memory_space<hbm>> -> memref<1x125xi32, #tpu.memory_space<hbm>>
    %dma_wait3A_183 = tpu.memref_squeeze %dma_wait3A_182 : memref<1x125xi32, #tpu.memory_space<hbm>> -> memref<125xi32, #tpu.memory_space<hbm>>
    tpu.wait_dma2 semaphore(%arg19 : memref<!tpu.dma_semaphore, #tpu.memory_space<semaphore_mem>>) src(%dma_wait3A_183 : memref<125xi32, #tpu.memory_space<hbm>>) dst(%dma_wait3A_180 : memref<125xi32, #tpu.memory_space<vmem>>)
    %dma_wait3A_184 = arith.constant 0 : i32
    %dma_wait3A_185 = arith.constant 1 : i32
    %dma_wait3A_186 = arith.constant 0 : i32
    %dma_wait3A_187 = tpu.memref_slice %arg10[%dma_wait3A_185, %dma_wait3A_186] : memref<2x125xi32, #tpu.memory_space<vmem>> -> memref<1x125xi32, #tpu.memory_space<vmem>>
    %dma_wait3A_188 = tpu.memref_squeeze %dma_wait3A_187 : memref<1x125xi32, #tpu.memory_space<vmem>> -> memref<125xi32, #tpu.memory_space<vmem>>
    %dma_wait3A_189 = arith.constant 0 : i32
    %dma_wait3A_190 = tpu.memref_slice %arg3[%dma_wait3A_184, %dma_wait3A_189] : memref<5120x125xi32, #tpu.memory_space<hbm>> -> memref<1x125xi32, #tpu.memory_space<hbm>>
    %dma_wait3A_191 = tpu.memref_squeeze %dma_wait3A_190 : memref<1x125xi32, #tpu.memory_space<hbm>> -> memref<125xi32, #tpu.memory_space<hbm>>
    %dma_wait3A_192 = arith.constant 0 : i32
    %dma_wait3A_193 = tpu.memref_slice %arg10[%dma_wait3A_185, %dma_wait3A_192] : memref<2x125xi32, #tpu.memory_space<vmem>> -> memref<1x125xi32, #tpu.memory_space<vmem>>
    %dma_wait3A_194 = tpu.memref_squeeze %dma_wait3A_193 : memref<1x125xi32, #tpu.memory_space<vmem>> -> memref<125xi32, #tpu.memory_space<vmem>>
    %dma_wait3A_195 = arith.constant 0 : i32
    %dma_wait3A_196 = tpu.memref_slice %arg3[%dma_wait3A_184, %dma_wait3A_195] : memref<5120x125xi32, #tpu.memory_space<hbm>> -> memref<1x125xi32, #tpu.memory_space<hbm>>
    %dma_wait3A_197 = tpu.memref_squeeze %dma_wait3A_196 : memref<1x125xi32, #tpu.memory_space<hbm>> -> memref<125xi32, #tpu.memory_space<hbm>>
    tpu.wait_dma2 semaphore(%arg19 : memref<!tpu.dma_semaphore, #tpu.memory_space<semaphore_mem>>) src(%dma_wait3A_197 : memref<125xi32, #tpu.memory_space<hbm>>) dst(%dma_wait3A_194 : memref<125xi32, #tpu.memory_space<vmem>>)
    %dma_start3A_198 = arith.constant 0 : i32
    %dma_start3A_199 = arith.constant 0 : i32
    %dma_start3A_200 = tpu.memref_slice %arg10[%dma_start3A_198, %dma_start3A_199] : memref<2x125xi32, #tpu.memory_space<vmem>> -> memref<1x125xi32, #tpu.memory_space<vmem>>
    %dma_start3A_201 = tpu.memref_squeeze %dma_start3A_200 : memref<1x125xi32, #tpu.memory_space<vmem>> -> memref<125xi32, #tpu.memory_space<vmem>>
    %dma_start3A_202 = arith.constant 0 : i32
    %dma_start3A_203 = arith.constant 0 : i32
    %dma_start3A_204 = tpu.memref_slice %arg2[%dma_start3A_202, %dma_start3A_203] : memref<10000x128xf32, #tpu.memory_space<hbm>> -> memref<10000x128xf32, #tpu.memory_space<hbm>>
    tpu.enqueue_indirect_dma source(%dma_start3A_204 : memref<10000x128xf32, #tpu.memory_space<hbm>>) target(%arg14 : memref<125x128xf32, #tpu.memory_space<vmem>>) offsets(%dma_start3A_201 : memref<125xi32, #tpu.memory_space<vmem>>) semaphore(%arg23 : memref<!tpu.dma_semaphore, #tpu.memory_space<semaphore_mem>>)
    %not3A_205 = arith.constant true
    %not3A_206 = arith.xori %eq3A_1, %not3A_205 : i1
    %convert_element_type3A_207 = arith.extui %not3A_206 : i1 to i32
    %cond3A_208 = arith.constant 0 : i32
    %cond3A_209 = arith.cmpi ne, %convert_element_type3A_207, %cond3A_208 : i32
    scf.if %cond3A_209 {
      %mul3A_437 = arith.constant 640 : i32
      %mul3A_438 = arith.muli %arg1, %mul3A_437 : i32
      %dma_wait3A_439 = arith.constant 0 : i32
      %dma_wait3A_440 = tpu.memref_slice %arg16[%mul3A_438, %dma_wait3A_439] : memref<10000x128xf32, #tpu.memory_space<vmem_shared>> -> memref<640x128xf32, #tpu.memory_space<vmem_shared>>
      tpu.wait_dma2 semaphore(%arg26 : memref<!tpu.dma_semaphore, #tpu.memory_space<semaphore_mem>>) src(%arg4 : memref<640x128xf32, #tpu.memory_space<hbm>>) dst(%dma_wait3A_440 : memref<640x128xf32, #tpu.memory_space<vmem_shared>>)
      %mul3A_441 = arith.constant 640 : i32
      %mul3A_442 = arith.muli %arg1, %mul3A_441 : i32
      %dma_wait3A_443 = arith.constant 0 : i32
      %dma_wait3A_444 = tpu.memref_slice %arg17[%mul3A_442, %dma_wait3A_443] : memref<10000x16xf32, #tpu.memory_space<vmem_shared>> -> memref<640x16xf32, #tpu.memory_space<vmem_shared>>
      tpu.wait_dma2 semaphore(%arg26 : memref<!tpu.dma_semaphore, #tpu.memory_space<semaphore_mem>>) src(%arg5 : memref<640x16xf32, #tpu.memory_space<hbm>>) dst(%dma_wait3A_444 : memref<640x16xf32, #tpu.memory_space<vmem_shared>>)
    } else {
    }
    %convert_element_type3A_210 = arith.extui %eq3A_1 : i1 to i32
    %cond3A_211 = arith.constant 0 : i32
    %cond3A_212 = arith.cmpi ne, %convert_element_type3A_210, %cond3A_211 : i32
    scf.if %cond3A_212 {
      %mul3A_437 = arith.constant 640 : i32
      %mul3A_438 = arith.muli %arg1, %mul3A_437 : i32
      %dma_wait3A_439 = arith.constant 0 : i32
      %dma_wait3A_440 = tpu.memref_slice %arg16[%mul3A_438, %dma_wait3A_439] : memref<10000x128xf32, #tpu.memory_space<vmem_shared>> -> memref<400x128xf32, #tpu.memory_space<vmem_shared>>
      %dma_wait3A_441 = arith.constant 0 : i32
      %dma_wait3A_442 = arith.constant 0 : i32
      %dma_wait3A_443 = tpu.memref_slice %arg4[%dma_wait3A_441, %dma_wait3A_442] : memref<640x128xf32, #tpu.memory_space<hbm>> -> memref<400x128xf32, #tpu.memory_space<hbm>>
      tpu.wait_dma2 semaphore(%arg26 : memref<!tpu.dma_semaphore, #tpu.memory_space<semaphore_mem>>) src(%dma_wait3A_443 : memref<400x128xf32, #tpu.memory_space<hbm>>) dst(%dma_wait3A_440 : memref<400x128xf32, #tpu.memory_space<vmem_shared>>)
      %mul3A_444 = arith.constant 640 : i32
      %mul3A_445 = arith.muli %arg1, %mul3A_444 : i32
      %dma_wait3A_446 = arith.constant 0 : i32
      %dma_wait3A_447 = tpu.memref_slice %arg17[%mul3A_445, %dma_wait3A_446] : memref<10000x16xf32, #tpu.memory_space<vmem_shared>> -> memref<400x16xf32, #tpu.memory_space<vmem_shared>>
      %dma_wait3A_448 = arith.constant 0 : i32
      %dma_wait3A_449 = arith.constant 0 : i32
      %dma_wait3A_450 = tpu.memref_slice %arg5[%dma_wait3A_448, %dma_wait3A_449] : memref<640x16xf32, #tpu.memory_space<hbm>> -> memref<400x16xf32, #tpu.memory_space<hbm>>
      tpu.wait_dma2 semaphore(%arg26 : memref<!tpu.dma_semaphore, #tpu.memory_space<semaphore_mem>>) src(%dma_wait3A_450 : memref<400x16xf32, #tpu.memory_space<hbm>>) dst(%dma_wait3A_447 : memref<400x16xf32, #tpu.memory_space<vmem_shared>>)
    } else {
    }
    tpu.wait_dma2 semaphore(%arg26 : memref<!tpu.dma_semaphore, #tpu.memory_space<semaphore_mem>>) src(%arg6 : memref<125x16xf32, #tpu.memory_space<hbm>>) dst(%arg15 : memref<125x16xf32, #tpu.memory_space<vmem>>)
    %barrier3A = arith.constant 0 : index
    tpu.barrier barrier_id(%barrier3A)
    %scan3A = arith.constant 0 : i32
    %scan3A_213 = arith.constant 0 : i32
    %scan3A_214 = arith.constant 19 : i32
    %scan3A_215 = arith.addi %scan3A_213, %scan3A_214 : i32
    %scan3A_216 = arith.constant 1 : i32
    scf.for %scan3A_437 = %scan3A_213 to %scan3A_215 step %scan3A_216  : i32 {
      %mul3A_438 = arith.constant 4 : i32
      %mul3A_439 = arith.muli %mul3A_438, %scan3A_437 : i32
      %add3A_440 = arith.constant 4 : i32
      %add3A_441 = arith.addi %mul3A_439, %add3A_440 : i32
      %dma_wait3A_442 = arith.constant 0 : i32
      %dma_wait3A_443 = arith.constant 0 : i32
      %dma_wait3A_444 = tpu.memref_slice %arg9[%dma_wait3A_442, %dma_wait3A_443] : memref<2x125xi32, #tpu.memory_space<vmem>> -> memref<1x125xi32, #tpu.memory_space<vmem>>
      %dma_wait3A_445 = tpu.memref_squeeze %dma_wait3A_444 : memref<1x125xi32, #tpu.memory_space<vmem>> -> memref<125xi32, #tpu.memory_space<vmem>>
      %dma_wait3A_446 = arith.constant 0 : i32
      %dma_wait3A_447 = arith.constant 0 : i32
      %dma_wait3A_448 = tpu.memref_slice %arg2[%dma_wait3A_446, %dma_wait3A_447] : memref<10000x128xf32, #tpu.memory_space<hbm>> -> memref<10000x128xf32, #tpu.memory_space<hbm>>
      tpu.wait_indirect_dma semaphore(%arg22 : memref<!tpu.dma_semaphore, #tpu.memory_space<semaphore_mem>>) src(%dma_wait3A_448 : memref<10000x128xf32, #tpu.memory_space<hbm>>) dst(%arg13 : memref<125x128xf32, #tpu.memory_space<vmem>>)
      %dma_start3A_449 = arith.constant 1 : i32
      %dma_start3A_450 = arith.constant 0 : i32
      %dma_start3A_451 = tpu.memref_slice %arg9[%dma_start3A_449, %dma_start3A_450] : memref<2x125xi32, #tpu.memory_space<vmem>> -> memref<1x125xi32, #tpu.memory_space<vmem>>
      %dma_start3A_452 = tpu.memref_squeeze %dma_start3A_451 : memref<1x125xi32, #tpu.memory_space<vmem>> -> memref<125xi32, #tpu.memory_space<vmem>>
      %dma_start3A_453 = arith.constant 0 : i32
      %dma_start3A_454 = arith.constant 0 : i32
      %dma_start3A_455 = tpu.memref_slice %arg16[%dma_start3A_453, %dma_start3A_454] : memref<10000x128xf32, #tpu.memory_space<vmem_shared>> -> memref<10000x128xf32, #tpu.memory_space<vmem_shared>>
      tpu.enqueue_indirect_dma source(%arg13 : memref<125x128xf32, #tpu.memory_space<vmem>>) target(%dma_start3A_455 : memref<10000x128xf32, #tpu.memory_space<vmem_shared>>) offsets(%dma_start3A_452 : memref<125xi32, #tpu.memory_space<vmem>>) semaphore(%arg24 : memref<!tpu.dma_semaphore, #tpu.memory_space<semaphore_mem>>) {add = true}
      %dma_start3A_456 = arith.constant 1 : i32
      %dma_start3A_457 = arith.constant 0 : i32
      %dma_start3A_458 = tpu.memref_slice %arg9[%dma_start3A_456, %dma_start3A_457] : memref<2x125xi32, #tpu.memory_space<vmem>> -> memref<1x125xi32, #tpu.memory_space<vmem>>
      %dma_start3A_459 = tpu.memref_squeeze %dma_start3A_458 : memref<1x125xi32, #tpu.memory_space<vmem>> -> memref<125xi32, #tpu.memory_space<vmem>>
      %dma_start3A_460 = arith.constant 0 : i32
      %dma_start3A_461 = arith.constant 0 : i32
      %dma_start3A_462 = tpu.memref_slice %arg17[%dma_start3A_460, %dma_start3A_461] : memref<10000x16xf32, #tpu.memory_space<vmem_shared>> -> memref<10000x16xf32, #tpu.memory_space<vmem_shared>>
      tpu.enqueue_indirect_dma source(%arg15 : memref<125x16xf32, #tpu.memory_space<vmem>>) target(%dma_start3A_462 : memref<10000x16xf32, #tpu.memory_space<vmem_shared>>) offsets(%dma_start3A_459 : memref<125xi32, #tpu.memory_space<vmem>>) semaphore(%arg24 : memref<!tpu.dma_semaphore, #tpu.memory_space<semaphore_mem>>) {add = true}
      %dma_wait3A_463 = arith.constant 1 : i32
      %dma_wait3A_464 = arith.constant 0 : i32
      %dma_wait3A_465 = tpu.memref_slice %arg9[%dma_wait3A_463, %dma_wait3A_464] : memref<2x125xi32, #tpu.memory_space<vmem>> -> memref<1x125xi32, #tpu.memory_space<vmem>>
      %dma_wait3A_466 = tpu.memref_squeeze %dma_wait3A_465 : memref<1x125xi32, #tpu.memory_space<vmem>> -> memref<125xi32, #tpu.memory_space<vmem>>
      %dma_wait3A_467 = arith.constant 0 : i32
      %dma_wait3A_468 = arith.constant 0 : i32
      %dma_wait3A_469 = tpu.memref_slice %arg16[%dma_wait3A_467, %dma_wait3A_468] : memref<10000x128xf32, #tpu.memory_space<vmem_shared>> -> memref<10000x128xf32, #tpu.memory_space<vmem_shared>>
      tpu.wait_indirect_dma semaphore(%arg24 : memref<!tpu.dma_semaphore, #tpu.memory_space<semaphore_mem>>) src(%arg13 : memref<125x128xf32, #tpu.memory_space<vmem>>) dst(%dma_wait3A_469 : memref<10000x128xf32, #tpu.memory_space<vmem_shared>>)
      %dma_wait3A_470 = arith.constant 1 : i32
      %dma_wait3A_471 = arith.constant 0 : i32
      %dma_wait3A_472 = tpu.memref_slice %arg9[%dma_wait3A_470, %dma_wait3A_471] : memref<2x125xi32, #tpu.memory_space<vmem>> -> memref<1x125xi32, #tpu.memory_space<vmem>>
      %dma_wait3A_473 = tpu.memref_squeeze %dma_wait3A_472 : memref<1x125xi32, #tpu.memory_space<vmem>> -> memref<125xi32, #tpu.memory_space<vmem>>
      %dma_wait3A_474 = arith.constant 0 : i32
      %dma_wait3A_475 = arith.constant 0 : i32
      %dma_wait3A_476 = tpu.memref_slice %arg17[%dma_wait3A_474, %dma_wait3A_475] : memref<10000x16xf32, #tpu.memory_space<vmem_shared>> -> memref<10000x16xf32, #tpu.memory_space<vmem_shared>>
      tpu.wait_indirect_dma semaphore(%arg24 : memref<!tpu.dma_semaphore, #tpu.memory_space<semaphore_mem>>) src(%arg15 : memref<125x16xf32, #tpu.memory_space<vmem>>) dst(%dma_wait3A_476 : memref<10000x16xf32, #tpu.memory_space<vmem_shared>>)
      %add3A_477 = arith.addi %mul3A_8, %add3A_441 : i32
      %dma_start3A_478 = arith.constant 0 : i32
      %dma_start3A_479 = arith.constant 0 : i32
      %dma_start3A_480 = tpu.memref_slice %arg9[%dma_start3A_478, %dma_start3A_479] : memref<2x125xi32, #tpu.memory_space<vmem>> -> memref<1x125xi32, #tpu.memory_space<vmem>>
      %dma_start3A_481 = tpu.memref_squeeze %dma_start3A_480 : memref<1x125xi32, #tpu.memory_space<vmem>> -> memref<125xi32, #tpu.memory_space<vmem>>
      %dma_start3A_482 = arith.constant 0 : i32
      %dma_start3A_483 = tpu.memref_slice %arg3[%add3A_477, %dma_start3A_482] : memref<5120x125xi32, #tpu.memory_space<hbm>> -> memref<1x125xi32, #tpu.memory_space<hbm>>
      %dma_start3A_484 = tpu.memref_squeeze %dma_start3A_483 : memref<1x125xi32, #tpu.memory_space<hbm>> -> memref<125xi32, #tpu.memory_space<hbm>>
      %dma_start3A_485 = arith.constant 0 : i32
      %dma_start3A_486 = tpu.memref_slice %arg9[%dma_start3A_478, %dma_start3A_485] : memref<2x125xi32, #tpu.memory_space<vmem>> -> memref<1x125xi32, #tpu.memory_space<vmem>>
      %dma_start3A_487 = tpu.memref_squeeze %dma_start3A_486 : memref<1x125xi32, #tpu.memory_space<vmem>> -> memref<125xi32, #tpu.memory_space<vmem>>
      %dma_start3A_488 = arith.constant 0 : i32
      %dma_start3A_489 = tpu.memref_slice %arg3[%add3A_477, %dma_start3A_488] : memref<5120x125xi32, #tpu.memory_space<hbm>> -> memref<1x125xi32, #tpu.memory_space<hbm>>
      %dma_start3A_490 = tpu.memref_squeeze %dma_start3A_489 : memref<1x125xi32, #tpu.memory_space<hbm>> -> memref<125xi32, #tpu.memory_space<hbm>>
      tpu.enqueue_dma source(%dma_start3A_490 : memref<125xi32, #tpu.memory_space<hbm>>) target(%dma_start3A_487 : memref<125xi32, #tpu.memory_space<vmem>>) target_semaphore(%arg18 : memref<!tpu.dma_semaphore, #tpu.memory_space<semaphore_mem>>)
      %add3A_491 = arith.constant 2560 : i32
      %add3A_492 = arith.addi %add3A_491, %mul3A_8 : i32
      %add3A_493 = arith.addi %add3A_492, %add3A_441 : i32
      %dma_start3A_494 = arith.constant 1 : i32
      %dma_start3A_495 = arith.constant 0 : i32
      %dma_start3A_496 = tpu.memref_slice %arg9[%dma_start3A_494, %dma_start3A_495] : memref<2x125xi32, #tpu.memory_space<vmem>> -> memref<1x125xi32, #tpu.memory_space<vmem>>
      %dma_start3A_497 = tpu.memref_squeeze %dma_start3A_496 : memref<1x125xi32, #tpu.memory_space<vmem>> -> memref<125xi32, #tpu.memory_space<vmem>>
      %dma_start3A_498 = arith.constant 0 : i32
      %dma_start3A_499 = tpu.memref_slice %arg3[%add3A_493, %dma_start3A_498] : memref<5120x125xi32, #tpu.memory_space<hbm>> -> memref<1x125xi32, #tpu.memory_space<hbm>>
      %dma_start3A_500 = tpu.memref_squeeze %dma_start3A_499 : memref<1x125xi32, #tpu.memory_space<hbm>> -> memref<125xi32, #tpu.memory_space<hbm>>
      %dma_start3A_501 = arith.constant 0 : i32
      %dma_start3A_502 = tpu.memref_slice %arg9[%dma_start3A_494, %dma_start3A_501] : memref<2x125xi32, #tpu.memory_space<vmem>> -> memref<1x125xi32, #tpu.memory_space<vmem>>
      %dma_start3A_503 = tpu.memref_squeeze %dma_start3A_502 : memref<1x125xi32, #tpu.memory_space<vmem>> -> memref<125xi32, #tpu.memory_space<vmem>>
      %dma_start3A_504 = arith.constant 0 : i32
      %dma_start3A_505 = tpu.memref_slice %arg3[%add3A_493, %dma_start3A_504] : memref<5120x125xi32, #tpu.memory_space<hbm>> -> memref<1x125xi32, #tpu.memory_space<hbm>>
      %dma_start3A_506 = tpu.memref_squeeze %dma_start3A_505 : memref<1x125xi32, #tpu.memory_space<hbm>> -> memref<125xi32, #tpu.memory_space<hbm>>
      tpu.enqueue_dma source(%dma_start3A_506 : memref<125xi32, #tpu.memory_space<hbm>>) target(%dma_start3A_503 : memref<125xi32, #tpu.memory_space<vmem>>) target_semaphore(%arg18 : memref<!tpu.dma_semaphore, #tpu.memory_space<semaphore_mem>>)
      %dma_wait3A_507 = arith.constant 0 : i32
      %dma_wait3A_508 = arith.constant 0 : i32
      %dma_wait3A_509 = arith.constant 0 : i32
      %dma_wait3A_510 = tpu.memref_slice %arg11[%dma_wait3A_508, %dma_wait3A_509] : memref<2x125xi32, #tpu.memory_space<vmem>> -> memref<1x125xi32, #tpu.memory_space<vmem>>
      %dma_wait3A_511 = tpu.memref_squeeze %dma_wait3A_510 : memref<1x125xi32, #tpu.memory_space<vmem>> -> memref<125xi32, #tpu.memory_space<vmem>>
      %dma_wait3A_512 = arith.constant 0 : i32
      %dma_wait3A_513 = tpu.memref_slice %arg3[%dma_wait3A_507, %dma_wait3A_512] : memref<5120x125xi32, #tpu.memory_space<hbm>> -> memref<1x125xi32, #tpu.memory_space<hbm>>
      %dma_wait3A_514 = tpu.memref_squeeze %dma_wait3A_513 : memref<1x125xi32, #tpu.memory_space<hbm>> -> memref<125xi32, #tpu.memory_space<hbm>>
      %dma_wait3A_515 = arith.constant 0 : i32
      %dma_wait3A_516 = tpu.memref_slice %arg11[%dma_wait3A_508, %dma_wait3A_515] : memref<2x125xi32, #tpu.memory_space<vmem>> -> memref<1x125xi32, #tpu.memory_space<vmem>>
      %dma_wait3A_517 = tpu.memref_squeeze %dma_wait3A_516 : memref<1x125xi32, #tpu.memory_space<vmem>> -> memref<125xi32, #tpu.memory_space<vmem>>
      %dma_wait3A_518 = arith.constant 0 : i32
      %dma_wait3A_519 = tpu.memref_slice %arg3[%dma_wait3A_507, %dma_wait3A_518] : memref<5120x125xi32, #tpu.memory_space<hbm>> -> memref<1x125xi32, #tpu.memory_space<hbm>>
      %dma_wait3A_520 = tpu.memref_squeeze %dma_wait3A_519 : memref<1x125xi32, #tpu.memory_space<hbm>> -> memref<125xi32, #tpu.memory_space<hbm>>
      tpu.wait_dma2 semaphore(%arg20 : memref<!tpu.dma_semaphore, #tpu.memory_space<semaphore_mem>>) src(%dma_wait3A_520 : memref<125xi32, #tpu.memory_space<hbm>>) dst(%dma_wait3A_517 : memref<125xi32, #tpu.memory_space<vmem>>)
      %dma_wait3A_521 = arith.constant 0 : i32
      %dma_wait3A_522 = arith.constant 1 : i32
      %dma_wait3A_523 = arith.constant 0 : i32
      %dma_wait3A_524 = tpu.memref_slice %arg11[%dma_wait3A_522, %dma_wait3A_523] : memref<2x125xi32, #tpu.memory_space<vmem>> -> memref<1x125xi32, #tpu.memory_space<vmem>>
      %dma_wait3A_525 = tpu.memref_squeeze %dma_wait3A_524 : memref<1x125xi32, #tpu.memory_space<vmem>> -> memref<125xi32, #tpu.memory_space<vmem>>
      %dma_wait3A_526 = arith.constant 0 : i32
      %dma_wait3A_527 = tpu.memref_slice %arg3[%dma_wait3A_521, %dma_wait3A_526] : memref<5120x125xi32, #tpu.memory_space<hbm>> -> memref<1x125xi32, #tpu.memory_space<hbm>>
      %dma_wait3A_528 = tpu.memref_squeeze %dma_wait3A_527 : memref<1x125xi32, #tpu.memory_space<hbm>> -> memref<125xi32, #tpu.memory_space<hbm>>
      %dma_wait3A_529 = arith.constant 0 : i32
      %dma_wait3A_530 = tpu.memref_slice %arg11[%dma_wait3A_522, %dma_wait3A_529] : memref<2x125xi32, #tpu.memory_space<vmem>> -> memref<1x125xi32, #tpu.memory_space<vmem>>
      %dma_wait3A_531 = tpu.memref_squeeze %dma_wait3A_530 : memref<1x125xi32, #tpu.memory_space<vmem>> -> memref<125xi32, #tpu.memory_space<vmem>>
      %dma_wait3A_532 = arith.constant 0 : i32
      %dma_wait3A_533 = tpu.memref_slice %arg3[%dma_wait3A_521, %dma_wait3A_532] : memref<5120x125xi32, #tpu.memory_space<hbm>> -> memref<1x125xi32, #tpu.memory_space<hbm>>
      %dma_wait3A_534 = tpu.memref_squeeze %dma_wait3A_533 : memref<1x125xi32, #tpu.memory_space<hbm>> -> memref<125xi32, #tpu.memory_space<hbm>>
      tpu.wait_dma2 semaphore(%arg20 : memref<!tpu.dma_semaphore, #tpu.memory_space<semaphore_mem>>) src(%dma_wait3A_534 : memref<125xi32, #tpu.memory_space<hbm>>) dst(%dma_wait3A_531 : memref<125xi32, #tpu.memory_space<vmem>>)
      %dma_start3A_535 = arith.constant 0 : i32
      %dma_start3A_536 = arith.constant 0 : i32
      %dma_start3A_537 = tpu.memref_slice %arg11[%dma_start3A_535, %dma_start3A_536] : memref<2x125xi32, #tpu.memory_space<vmem>> -> memref<1x125xi32, #tpu.memory_space<vmem>>
      %dma_start3A_538 = tpu.memref_squeeze %dma_start3A_537 : memref<1x125xi32, #tpu.memory_space<vmem>> -> memref<125xi32, #tpu.memory_space<vmem>>
      %dma_start3A_539 = arith.constant 0 : i32
      %dma_start3A_540 = arith.constant 0 : i32
      %dma_start3A_541 = tpu.memref_slice %arg2[%dma_start3A_539, %dma_start3A_540] : memref<10000x128xf32, #tpu.memory_space<hbm>> -> memref<10000x128xf32, #tpu.memory_space<hbm>>
      tpu.enqueue_indirect_dma source(%dma_start3A_541 : memref<10000x128xf32, #tpu.memory_space<hbm>>) target(%arg13 : memref<125x128xf32, #tpu.memory_space<vmem>>) offsets(%dma_start3A_538 : memref<125xi32, #tpu.memory_space<vmem>>) semaphore(%arg22 : memref<!tpu.dma_semaphore, #tpu.memory_space<semaphore_mem>>)
      %add3A_542 = arith.constant 5 : i32
      %add3A_543 = arith.addi %mul3A_439, %add3A_542 : i32
      %dma_wait3A_544 = arith.constant 0 : i32
      %dma_wait3A_545 = arith.constant 0 : i32
      %dma_wait3A_546 = tpu.memref_slice %arg9[%dma_wait3A_544, %dma_wait3A_545] : memref<2x125xi32, #tpu.memory_space<vmem>> -> memref<1x125xi32, #tpu.memory_space<vmem>>
      %dma_wait3A_547 = tpu.memref_squeeze %dma_wait3A_546 : memref<1x125xi32, #tpu.memory_space<vmem>> -> memref<125xi32, #tpu.memory_space<vmem>>
      %dma_wait3A_548 = arith.constant 0 : i32
      %dma_wait3A_549 = arith.constant 0 : i32
      %dma_wait3A_550 = tpu.memref_slice %arg2[%dma_wait3A_548, %dma_wait3A_549] : memref<10000x128xf32, #tpu.memory_space<hbm>> -> memref<10000x128xf32, #tpu.memory_space<hbm>>
      tpu.wait_indirect_dma semaphore(%arg23 : memref<!tpu.dma_semaphore, #tpu.memory_space<semaphore_mem>>) src(%dma_wait3A_550 : memref<10000x128xf32, #tpu.memory_space<hbm>>) dst(%arg14 : memref<125x128xf32, #tpu.memory_space<vmem>>)
      %dma_start3A_551 = arith.constant 1 : i32
      %dma_start3A_552 = arith.constant 0 : i32
      %dma_start3A_553 = tpu.memref_slice %arg10[%dma_start3A_551, %dma_start3A_552] : memref<2x125xi32, #tpu.memory_space<vmem>> -> memref<1x125xi32, #tpu.memory_space<vmem>>
      %dma_start3A_554 = tpu.memref_squeeze %dma_start3A_553 : memref<1x125xi32, #tpu.memory_space<vmem>> -> memref<125xi32, #tpu.memory_space<vmem>>
      %dma_start3A_555 = arith.constant 0 : i32
      %dma_start3A_556 = arith.constant 0 : i32
      %dma_start3A_557 = tpu.memref_slice %arg16[%dma_start3A_555, %dma_start3A_556] : memref<10000x128xf32, #tpu.memory_space<vmem_shared>> -> memref<10000x128xf32, #tpu.memory_space<vmem_shared>>
      tpu.enqueue_indirect_dma source(%arg14 : memref<125x128xf32, #tpu.memory_space<vmem>>) target(%dma_start3A_557 : memref<10000x128xf32, #tpu.memory_space<vmem_shared>>) offsets(%dma_start3A_554 : memref<125xi32, #tpu.memory_space<vmem>>) semaphore(%arg25 : memref<!tpu.dma_semaphore, #tpu.memory_space<semaphore_mem>>) {add = true}
      %dma_start3A_558 = arith.constant 1 : i32
      %dma_start3A_559 = arith.constant 0 : i32
      %dma_start3A_560 = tpu.memref_slice %arg10[%dma_start3A_558, %dma_start3A_559] : memref<2x125xi32, #tpu.memory_space<vmem>> -> memref<1x125xi32, #tpu.memory_space<vmem>>
      %dma_start3A_561 = tpu.memref_squeeze %dma_start3A_560 : memref<1x125xi32, #tpu.memory_space<vmem>> -> memref<125xi32, #tpu.memory_space<vmem>>
      %dma_start3A_562 = arith.constant 0 : i32
      %dma_start3A_563 = arith.constant 0 : i32
      %dma_start3A_564 = tpu.memref_slice %arg17[%dma_start3A_562, %dma_start3A_563] : memref<10000x16xf32, #tpu.memory_space<vmem_shared>> -> memref<10000x16xf32, #tpu.memory_space<vmem_shared>>
      tpu.enqueue_indirect_dma source(%arg15 : memref<125x16xf32, #tpu.memory_space<vmem>>) target(%dma_start3A_564 : memref<10000x16xf32, #tpu.memory_space<vmem_shared>>) offsets(%dma_start3A_561 : memref<125xi32, #tpu.memory_space<vmem>>) semaphore(%arg25 : memref<!tpu.dma_semaphore, #tpu.memory_space<semaphore_mem>>) {add = true}
      %dma_wait3A_565 = arith.constant 1 : i32
      %dma_wait3A_566 = arith.constant 0 : i32
      %dma_wait3A_567 = tpu.memref_slice %arg10[%dma_wait3A_565, %dma_wait3A_566] : memref<2x125xi32, #tpu.memory_space<vmem>> -> memref<1x125xi32, #tpu.memory_space<vmem>>
      %dma_wait3A_568 = tpu.memref_squeeze %dma_wait3A_567 : memref<1x125xi32, #tpu.memory_space<vmem>> -> memref<125xi32, #tpu.memory_space<vmem>>
      %dma_wait3A_569 = arith.constant 0 : i32
      %dma_wait3A_570 = arith.constant 0 : i32
      %dma_wait3A_571 = tpu.memref_slice %arg16[%dma_wait3A_569, %dma_wait3A_570] : memref<10000x128xf32, #tpu.memory_space<vmem_shared>> -> memref<10000x128xf32, #tpu.memory_space<vmem_shared>>
      tpu.wait_indirect_dma semaphore(%arg25 : memref<!tpu.dma_semaphore, #tpu.memory_space<semaphore_mem>>) src(%arg14 : memref<125x128xf32, #tpu.memory_space<vmem>>) dst(%dma_wait3A_571 : memref<10000x128xf32, #tpu.memory_space<vmem_shared>>)
      %dma_wait3A_572 = arith.constant 1 : i32
      %dma_wait3A_573 = arith.constant 0 : i32
      %dma_wait3A_574 = tpu.memref_slice %arg10[%dma_wait3A_572, %dma_wait3A_573] : memref<2x125xi32, #tpu.memory_space<vmem>> -> memref<1x125xi32, #tpu.memory_space<vmem>>
      %dma_wait3A_575 = tpu.memref_squeeze %dma_wait3A_574 : memref<1x125xi32, #tpu.memory_space<vmem>> -> memref<125xi32, #tpu.memory_space<vmem>>
      %dma_wait3A_576 = arith.constant 0 : i32
      %dma_wait3A_577 = arith.constant 0 : i32
      %dma_wait3A_578 = tpu.memref_slice %arg17[%dma_wait3A_576, %dma_wait3A_577] : memref<10000x16xf32, #tpu.memory_space<vmem_shared>> -> memref<10000x16xf32, #tpu.memory_space<vmem_shared>>
      tpu.wait_indirect_dma semaphore(%arg25 : memref<!tpu.dma_semaphore, #tpu.memory_space<semaphore_mem>>) src(%arg15 : memref<125x16xf32, #tpu.memory_space<vmem>>) dst(%dma_wait3A_578 : memref<10000x16xf32, #tpu.memory_space<vmem_shared>>)
      %add3A_579 = arith.addi %mul3A_8, %add3A_543 : i32
      %dma_start3A_580 = arith.constant 0 : i32
      %dma_start3A_581 = arith.constant 0 : i32
      %dma_start3A_582 = tpu.memref_slice %arg10[%dma_start3A_580, %dma_start3A_581] : memref<2x125xi32, #tpu.memory_space<vmem>> -> memref<1x125xi32, #tpu.memory_space<vmem>>
      %dma_start3A_583 = tpu.memref_squeeze %dma_start3A_582 : memref<1x125xi32, #tpu.memory_space<vmem>> -> memref<125xi32, #tpu.memory_space<vmem>>
      %dma_start3A_584 = arith.constant 0 : i32
      %dma_start3A_585 = tpu.memref_slice %arg3[%add3A_579, %dma_start3A_584] : memref<5120x125xi32, #tpu.memory_space<hbm>> -> memref<1x125xi32, #tpu.memory_space<hbm>>
      %dma_start3A_586 = tpu.memref_squeeze %dma_start3A_585 : memref<1x125xi32, #tpu.memory_space<hbm>> -> memref<125xi32, #tpu.memory_space<hbm>>
      %dma_start3A_587 = arith.constant 0 : i32
      %dma_start3A_588 = tpu.memref_slice %arg10[%dma_start3A_580, %dma_start3A_587] : memref<2x125xi32, #tpu.memory_space<vmem>> -> memref<1x125xi32, #tpu.memory_space<vmem>>
      %dma_start3A_589 = tpu.memref_squeeze %dma_start3A_588 : memref<1x125xi32, #tpu.memory_space<vmem>> -> memref<125xi32, #tpu.memory_space<vmem>>
      %dma_start3A_590 = arith.constant 0 : i32
      %dma_start3A_591 = tpu.memref_slice %arg3[%add3A_579, %dma_start3A_590] : memref<5120x125xi32, #tpu.memory_space<hbm>> -> memref<1x125xi32, #tpu.memory_space<hbm>>
      %dma_start3A_592 = tpu.memref_squeeze %dma_start3A_591 : memref<1x125xi32, #tpu.memory_space<hbm>> -> memref<125xi32, #tpu.memory_space<hbm>>
      tpu.enqueue_dma source(%dma_start3A_592 : memref<125xi32, #tpu.memory_space<hbm>>) target(%dma_start3A_589 : memref<125xi32, #tpu.memory_space<vmem>>) target_semaphore(%arg19 : memref<!tpu.dma_semaphore, #tpu.memory_space<semaphore_mem>>)
      %add3A_593 = arith.constant 2560 : i32
      %add3A_594 = arith.addi %add3A_593, %mul3A_8 : i32
      %add3A_595 = arith.addi %add3A_594, %add3A_543 : i32
      %dma_start3A_596 = arith.constant 1 : i32
      %dma_start3A_597 = arith.constant 0 : i32
      %dma_start3A_598 = tpu.memref_slice %arg10[%dma_start3A_596, %dma_start3A_597] : memref<2x125xi32, #tpu.memory_space<vmem>> -> memref<1x125xi32, #tpu.memory_space<vmem>>
      %dma_start3A_599 = tpu.memref_squeeze %dma_start3A_598 : memref<1x125xi32, #tpu.memory_space<vmem>> -> memref<125xi32, #tpu.memory_space<vmem>>
      %dma_start3A_600 = arith.constant 0 : i32
      %dma_start3A_601 = tpu.memref_slice %arg3[%add3A_595, %dma_start3A_600] : memref<5120x125xi32, #tpu.memory_space<hbm>> -> memref<1x125xi32, #tpu.memory_space<hbm>>
      %dma_start3A_602 = tpu.memref_squeeze %dma_start3A_601 : memref<1x125xi32, #tpu.memory_space<hbm>> -> memref<125xi32, #tpu.memory_space<hbm>>
      %dma_start3A_603 = arith.constant 0 : i32
      %dma_start3A_604 = tpu.memref_slice %arg10[%dma_start3A_596, %dma_start3A_603] : memref<2x125xi32, #tpu.memory_space<vmem>> -> memref<1x125xi32, #tpu.memory_space<vmem>>
      %dma_start3A_605 = tpu.memref_squeeze %dma_start3A_604 : memref<1x125xi32, #tpu.memory_space<vmem>> -> memref<125xi32, #tpu.memory_space<vmem>>
      %dma_start3A_606 = arith.constant 0 : i32
      %dma_start3A_607 = tpu.memref_slice %arg3[%add3A_595, %dma_start3A_606] : memref<5120x125xi32, #tpu.memory_space<hbm>> -> memref<1x125xi32, #tpu.memory_space<hbm>>
      %dma_start3A_608 = tpu.memref_squeeze %dma_start3A_607 : memref<1x125xi32, #tpu.memory_space<hbm>> -> memref<125xi32, #tpu.memory_space<hbm>>
      tpu.enqueue_dma source(%dma_start3A_608 : memref<125xi32, #tpu.memory_space<hbm>>) target(%dma_start3A_605 : memref<125xi32, #tpu.memory_space<vmem>>) target_semaphore(%arg19 : memref<!tpu.dma_semaphore, #tpu.memory_space<semaphore_mem>>)
      %dma_wait3A_609 = arith.constant 0 : i32
      %dma_wait3A_610 = arith.constant 0 : i32
      %dma_wait3A_611 = arith.constant 0 : i32
      %dma_wait3A_612 = tpu.memref_slice %arg12[%dma_wait3A_610, %dma_wait3A_611] : memref<2x125xi32, #tpu.memory_space<vmem>> -> memref<1x125xi32, #tpu.memory_space<vmem>>
      %dma_wait3A_613 = tpu.memref_squeeze %dma_wait3A_612 : memref<1x125xi32, #tpu.memory_space<vmem>> -> memref<125xi32, #tpu.memory_space<vmem>>
      %dma_wait3A_614 = arith.constant 0 : i32
      %dma_wait3A_615 = tpu.memref_slice %arg3[%dma_wait3A_609, %dma_wait3A_614] : memref<5120x125xi32, #tpu.memory_space<hbm>> -> memref<1x125xi32, #tpu.memory_space<hbm>>
      %dma_wait3A_616 = tpu.memref_squeeze %dma_wait3A_615 : memref<1x125xi32, #tpu.memory_space<hbm>> -> memref<125xi32, #tpu.memory_space<hbm>>
      %dma_wait3A_617 = arith.constant 0 : i32
      %dma_wait3A_618 = tpu.memref_slice %arg12[%dma_wait3A_610, %dma_wait3A_617] : memref<2x125xi32, #tpu.memory_space<vmem>> -> memref<1x125xi32, #tpu.memory_space<vmem>>
      %dma_wait3A_619 = tpu.memref_squeeze %dma_wait3A_618 : memref<1x125xi32, #tpu.memory_space<vmem>> -> memref<125xi32, #tpu.memory_space<vmem>>
      %dma_wait3A_620 = arith.constant 0 : i32
      %dma_wait3A_621 = tpu.memref_slice %arg3[%dma_wait3A_609, %dma_wait3A_620] : memref<5120x125xi32, #tpu.memory_space<hbm>> -> memref<1x125xi32, #tpu.memory_space<hbm>>
      %dma_wait3A_622 = tpu.memref_squeeze %dma_wait3A_621 : memref<1x125xi32, #tpu.memory_space<hbm>> -> memref<125xi32, #tpu.memory_space<hbm>>
      tpu.wait_dma2 semaphore(%arg21 : memref<!tpu.dma_semaphore, #tpu.memory_space<semaphore_mem>>) src(%dma_wait3A_622 : memref<125xi32, #tpu.memory_space<hbm>>) dst(%dma_wait3A_619 : memref<125xi32, #tpu.memory_space<vmem>>)
      %dma_wait3A_623 = arith.constant 0 : i32
      %dma_wait3A_624 = arith.constant 1 : i32
      %dma_wait3A_625 = arith.constant 0 : i32
      %dma_wait3A_626 = tpu.memref_slice %arg12[%dma_wait3A_624, %dma_wait3A_625] : memref<2x125xi32, #tpu.memory_space<vmem>> -> memref<1x125xi32, #tpu.memory_space<vmem>>
      %dma_wait3A_627 = tpu.memref_squeeze %dma_wait3A_626 : memref<1x125xi32, #tpu.memory_space<vmem>> -> memref<125xi32, #tpu.memory_space<vmem>>
      %dma_wait3A_628 = arith.constant 0 : i32
      %dma_wait3A_629 = tpu.memref_slice %arg3[%dma_wait3A_623, %dma_wait3A_628] : memref<5120x125xi32, #tpu.memory_space<hbm>> -> memref<1x125xi32, #tpu.memory_space<hbm>>
      %dma_wait3A_630 = tpu.memref_squeeze %dma_wait3A_629 : memref<1x125xi32, #tpu.memory_space<hbm>> -> memref<125xi32, #tpu.memory_space<hbm>>
      %dma_wait3A_631 = arith.constant 0 : i32
      %dma_wait3A_632 = tpu.memref_slice %arg12[%dma_wait3A_624, %dma_wait3A_631] : memref<2x125xi32, #tpu.memory_space<vmem>> -> memref<1x125xi32, #tpu.memory_space<vmem>>
      %dma_wait3A_633 = tpu.memref_squeeze %dma_wait3A_632 : memref<1x125xi32, #tpu.memory_space<vmem>> -> memref<125xi32, #tpu.memory_space<vmem>>
      %dma_wait3A_634 = arith.constant 0 : i32
      %dma_wait3A_635 = tpu.memref_slice %arg3[%dma_wait3A_623, %dma_wait3A_634] : memref<5120x125xi32, #tpu.memory_space<hbm>> -> memref<1x125xi32, #tpu.memory_space<hbm>>
      %dma_wait3A_636 = tpu.memref_squeeze %dma_wait3A_635 : memref<1x125xi32, #tpu.memory_space<hbm>> -> memref<125xi32, #tpu.memory_space<hbm>>
      tpu.wait_dma2 semaphore(%arg21 : memref<!tpu.dma_semaphore, #tpu.memory_space<semaphore_mem>>) src(%dma_wait3A_636 : memref<125xi32, #tpu.memory_space<hbm>>) dst(%dma_wait3A_633 : memref<125xi32, #tpu.memory_space<vmem>>)
      %dma_start3A_637 = arith.constant 0 : i32
      %dma_start3A_638 = arith.constant 0 : i32
      %dma_start3A_639 = tpu.memref_slice %arg12[%dma_start3A_637, %dma_start3A_638] : memref<2x125xi32, #tpu.memory_space<vmem>> -> memref<1x125xi32, #tpu.memory_space<vmem>>
      %dma_start3A_640 = tpu.memref_squeeze %dma_start3A_639 : memref<1x125xi32, #tpu.memory_space<vmem>> -> memref<125xi32, #tpu.memory_space<vmem>>
      %dma_start3A_641 = arith.constant 0 : i32
      %dma_start3A_642 = arith.constant 0 : i32
      %dma_start3A_643 = tpu.memref_slice %arg2[%dma_start3A_641, %dma_start3A_642] : memref<10000x128xf32, #tpu.memory_space<hbm>> -> memref<10000x128xf32, #tpu.memory_space<hbm>>
      tpu.enqueue_indirect_dma source(%dma_start3A_643 : memref<10000x128xf32, #tpu.memory_space<hbm>>) target(%arg14 : memref<125x128xf32, #tpu.memory_space<vmem>>) offsets(%dma_start3A_640 : memref<125xi32, #tpu.memory_space<vmem>>) semaphore(%arg23 : memref<!tpu.dma_semaphore, #tpu.memory_space<semaphore_mem>>)
      %add3A_644 = arith.constant 6 : i32
      %add3A_645 = arith.addi %mul3A_439, %add3A_644 : i32
      %dma_wait3A_646 = arith.constant 0 : i32
      %dma_wait3A_647 = arith.constant 0 : i32
      %dma_wait3A_648 = tpu.memref_slice %arg9[%dma_wait3A_646, %dma_wait3A_647] : memref<2x125xi32, #tpu.memory_space<vmem>> -> memref<1x125xi32, #tpu.memory_space<vmem>>
      %dma_wait3A_649 = tpu.memref_squeeze %dma_wait3A_648 : memref<1x125xi32, #tpu.memory_space<vmem>> -> memref<125xi32, #tpu.memory_space<vmem>>
      %dma_wait3A_650 = arith.constant 0 : i32
      %dma_wait3A_651 = arith.constant 0 : i32
      %dma_wait3A_652 = tpu.memref_slice %arg2[%dma_wait3A_650, %dma_wait3A_651] : memref<10000x128xf32, #tpu.memory_space<hbm>> -> memref<10000x128xf32, #tpu.memory_space<hbm>>
      tpu.wait_indirect_dma semaphore(%arg22 : memref<!tpu.dma_semaphore, #tpu.memory_space<semaphore_mem>>) src(%dma_wait3A_652 : memref<10000x128xf32, #tpu.memory_space<hbm>>) dst(%arg13 : memref<125x128xf32, #tpu.memory_space<vmem>>)
      %dma_start3A_653 = arith.constant 1 : i32
      %dma_start3A_654 = arith.constant 0 : i32
      %dma_start3A_655 = tpu.memref_slice %arg11[%dma_start3A_653, %dma_start3A_654] : memref<2x125xi32, #tpu.memory_space<vmem>> -> memref<1x125xi32, #tpu.memory_space<vmem>>
      %dma_start3A_656 = tpu.memref_squeeze %dma_start3A_655 : memref<1x125xi32, #tpu.memory_space<vmem>> -> memref<125xi32, #tpu.memory_space<vmem>>
      %dma_start3A_657 = arith.constant 0 : i32
      %dma_start3A_658 = arith.constant 0 : i32
      %dma_start3A_659 = tpu.memref_slice %arg16[%dma_start3A_657, %dma_start3A_658] : memref<10000x128xf32, #tpu.memory_space<vmem_shared>> -> memref<10000x128xf32, #tpu.memory_space<vmem_shared>>
      tpu.enqueue_indirect_dma source(%arg13 : memref<125x128xf32, #tpu.memory_space<vmem>>) target(%dma_start3A_659 : memref<10000x128xf32, #tpu.memory_space<vmem_shared>>) offsets(%dma_start3A_656 : memref<125xi32, #tpu.memory_space<vmem>>) semaphore(%arg24 : memref<!tpu.dma_semaphore, #tpu.memory_space<semaphore_mem>>) {add = true}
      %dma_start3A_660 = arith.constant 1 : i32
      %dma_start3A_661 = arith.constant 0 : i32
      %dma_start3A_662 = tpu.memref_slice %arg11[%dma_start3A_660, %dma_start3A_661] : memref<2x125xi32, #tpu.memory_space<vmem>> -> memref<1x125xi32, #tpu.memory_space<vmem>>
      %dma_start3A_663 = tpu.memref_squeeze %dma_start3A_662 : memref<1x125xi32, #tpu.memory_space<vmem>> -> memref<125xi32, #tpu.memory_space<vmem>>
      %dma_start3A_664 = arith.constant 0 : i32
      %dma_start3A_665 = arith.constant 0 : i32
      %dma_start3A_666 = tpu.memref_slice %arg17[%dma_start3A_664, %dma_start3A_665] : memref<10000x16xf32, #tpu.memory_space<vmem_shared>> -> memref<10000x16xf32, #tpu.memory_space<vmem_shared>>
      tpu.enqueue_indirect_dma source(%arg15 : memref<125x16xf32, #tpu.memory_space<vmem>>) target(%dma_start3A_666 : memref<10000x16xf32, #tpu.memory_space<vmem_shared>>) offsets(%dma_start3A_663 : memref<125xi32, #tpu.memory_space<vmem>>) semaphore(%arg24 : memref<!tpu.dma_semaphore, #tpu.memory_space<semaphore_mem>>) {add = true}
      %dma_wait3A_667 = arith.constant 1 : i32
      %dma_wait3A_668 = arith.constant 0 : i32
      %dma_wait3A_669 = tpu.memref_slice %arg11[%dma_wait3A_667, %dma_wait3A_668] : memref<2x125xi32, #tpu.memory_space<vmem>> -> memref<1x125xi32, #tpu.memory_space<vmem>>
      %dma_wait3A_670 = tpu.memref_squeeze %dma_wait3A_669 : memref<1x125xi32, #tpu.memory_space<vmem>> -> memref<125xi32, #tpu.memory_space<vmem>>
      %dma_wait3A_671 = arith.constant 0 : i32
      %dma_wait3A_672 = arith.constant 0 : i32
      %dma_wait3A_673 = tpu.memref_slice %arg16[%dma_wait3A_671, %dma_wait3A_672] : memref<10000x128xf32, #tpu.memory_space<vmem_shared>> -> memref<10000x128xf32, #tpu.memory_space<vmem_shared>>
      tpu.wait_indirect_dma semaphore(%arg24 : memref<!tpu.dma_semaphore, #tpu.memory_space<semaphore_mem>>) src(%arg13 : memref<125x128xf32, #tpu.memory_space<vmem>>) dst(%dma_wait3A_673 : memref<10000x128xf32, #tpu.memory_space<vmem_shared>>)
      %dma_wait3A_674 = arith.constant 1 : i32
      %dma_wait3A_675 = arith.constant 0 : i32
      %dma_wait3A_676 = tpu.memref_slice %arg11[%dma_wait3A_674, %dma_wait3A_675] : memref<2x125xi32, #tpu.memory_space<vmem>> -> memref<1x125xi32, #tpu.memory_space<vmem>>
      %dma_wait3A_677 = tpu.memref_squeeze %dma_wait3A_676 : memref<1x125xi32, #tpu.memory_space<vmem>> -> memref<125xi32, #tpu.memory_space<vmem>>
      %dma_wait3A_678 = arith.constant 0 : i32
      %dma_wait3A_679 = arith.constant 0 : i32
      %dma_wait3A_680 = tpu.memref_slice %arg17[%dma_wait3A_678, %dma_wait3A_679] : memref<10000x16xf32, #tpu.memory_space<vmem_shared>> -> memref<10000x16xf32, #tpu.memory_space<vmem_shared>>
      tpu.wait_indirect_dma semaphore(%arg24 : memref<!tpu.dma_semaphore, #tpu.memory_space<semaphore_mem>>) src(%arg15 : memref<125x16xf32, #tpu.memory_space<vmem>>) dst(%dma_wait3A_680 : memref<10000x16xf32, #tpu.memory_space<vmem_shared>>)
      %add3A_681 = arith.addi %mul3A_8, %add3A_645 : i32
      %dma_start3A_682 = arith.constant 0 : i32
      %dma_start3A_683 = arith.constant 0 : i32
      %dma_start3A_684 = tpu.memref_slice %arg11[%dma_start3A_682, %dma_start3A_683] : memref<2x125xi32, #tpu.memory_space<vmem>> -> memref<1x125xi32, #tpu.memory_space<vmem>>
      %dma_start3A_685 = tpu.memref_squeeze %dma_start3A_684 : memref<1x125xi32, #tpu.memory_space<vmem>> -> memref<125xi32, #tpu.memory_space<vmem>>
      %dma_start3A_686 = arith.constant 0 : i32
      %dma_start3A_687 = tpu.memref_slice %arg3[%add3A_681, %dma_start3A_686] : memref<5120x125xi32, #tpu.memory_space<hbm>> -> memref<1x125xi32, #tpu.memory_space<hbm>>
      %dma_start3A_688 = tpu.memref_squeeze %dma_start3A_687 : memref<1x125xi32, #tpu.memory_space<hbm>> -> memref<125xi32, #tpu.memory_space<hbm>>
      %dma_start3A_689 = arith.constant 0 : i32
      %dma_start3A_690 = tpu.memref_slice %arg11[%dma_start3A_682, %dma_start3A_689] : memref<2x125xi32, #tpu.memory_space<vmem>> -> memref<1x125xi32, #tpu.memory_space<vmem>>
      %dma_start3A_691 = tpu.memref_squeeze %dma_start3A_690 : memref<1x125xi32, #tpu.memory_space<vmem>> -> memref<125xi32, #tpu.memory_space<vmem>>
      %dma_start3A_692 = arith.constant 0 : i32
      %dma_start3A_693 = tpu.memref_slice %arg3[%add3A_681, %dma_start3A_692] : memref<5120x125xi32, #tpu.memory_space<hbm>> -> memref<1x125xi32, #tpu.memory_space<hbm>>
      %dma_start3A_694 = tpu.memref_squeeze %dma_start3A_693 : memref<1x125xi32, #tpu.memory_space<hbm>> -> memref<125xi32, #tpu.memory_space<hbm>>
      tpu.enqueue_dma source(%dma_start3A_694 : memref<125xi32, #tpu.memory_space<hbm>>) target(%dma_start3A_691 : memref<125xi32, #tpu.memory_space<vmem>>) target_semaphore(%arg20 : memref<!tpu.dma_semaphore, #tpu.memory_space<semaphore_mem>>)
      %add3A_695 = arith.constant 2560 : i32
      %add3A_696 = arith.addi %add3A_695, %mul3A_8 : i32
      %add3A_697 = arith.addi %add3A_696, %add3A_645 : i32
      %dma_start3A_698 = arith.constant 1 : i32
      %dma_start3A_699 = arith.constant 0 : i32
      %dma_start3A_700 = tpu.memref_slice %arg11[%dma_start3A_698, %dma_start3A_699] : memref<2x125xi32, #tpu.memory_space<vmem>> -> memref<1x125xi32, #tpu.memory_space<vmem>>
      %dma_start3A_701 = tpu.memref_squeeze %dma_start3A_700 : memref<1x125xi32, #tpu.memory_space<vmem>> -> memref<125xi32, #tpu.memory_space<vmem>>
      %dma_start3A_702 = arith.constant 0 : i32
      %dma_start3A_703 = tpu.memref_slice %arg3[%add3A_697, %dma_start3A_702] : memref<5120x125xi32, #tpu.memory_space<hbm>> -> memref<1x125xi32, #tpu.memory_space<hbm>>
      %dma_start3A_704 = tpu.memref_squeeze %dma_start3A_703 : memref<1x125xi32, #tpu.memory_space<hbm>> -> memref<125xi32, #tpu.memory_space<hbm>>
      %dma_start3A_705 = arith.constant 0 : i32
      %dma_start3A_706 = tpu.memref_slice %arg11[%dma_start3A_698, %dma_start3A_705] : memref<2x125xi32, #tpu.memory_space<vmem>> -> memref<1x125xi32, #tpu.memory_space<vmem>>
      %dma_start3A_707 = tpu.memref_squeeze %dma_start3A_706 : memref<1x125xi32, #tpu.memory_space<vmem>> -> memref<125xi32, #tpu.memory_space<vmem>>
      %dma_start3A_708 = arith.constant 0 : i32
      %dma_start3A_709 = tpu.memref_slice %arg3[%add3A_697, %dma_start3A_708] : memref<5120x125xi32, #tpu.memory_space<hbm>> -> memref<1x125xi32, #tpu.memory_space<hbm>>
      %dma_start3A_710 = tpu.memref_squeeze %dma_start3A_709 : memref<1x125xi32, #tpu.memory_space<hbm>> -> memref<125xi32, #tpu.memory_space<hbm>>
      tpu.enqueue_dma source(%dma_start3A_710 : memref<125xi32, #tpu.memory_space<hbm>>) target(%dma_start3A_707 : memref<125xi32, #tpu.memory_space<vmem>>) target_semaphore(%arg20 : memref<!tpu.dma_semaphore, #tpu.memory_space<semaphore_mem>>)
      %dma_wait3A_711 = arith.constant 0 : i32
      %dma_wait3A_712 = arith.constant 0 : i32
      %dma_wait3A_713 = arith.constant 0 : i32
      %dma_wait3A_714 = tpu.memref_slice %arg9[%dma_wait3A_712, %dma_wait3A_713] : memref<2x125xi32, #tpu.memory_space<vmem>> -> memref<1x125xi32, #tpu.memory_space<vmem>>
      %dma_wait3A_715 = tpu.memref_squeeze %dma_wait3A_714 : memref<1x125xi32, #tpu.memory_space<vmem>> -> memref<125xi32, #tpu.memory_space<vmem>>
      %dma_wait3A_716 = arith.constant 0 : i32
      %dma_wait3A_717 = tpu.memref_slice %arg3[%dma_wait3A_711, %dma_wait3A_716] : memref<5120x125xi32, #tpu.memory_space<hbm>> -> memref<1x125xi32, #tpu.memory_space<hbm>>
      %dma_wait3A_718 = tpu.memref_squeeze %dma_wait3A_717 : memref<1x125xi32, #tpu.memory_space<hbm>> -> memref<125xi32, #tpu.memory_space<hbm>>
      %dma_wait3A_719 = arith.constant 0 : i32
      %dma_wait3A_720 = tpu.memref_slice %arg9[%dma_wait3A_712, %dma_wait3A_719] : memref<2x125xi32, #tpu.memory_space<vmem>> -> memref<1x125xi32, #tpu.memory_space<vmem>>
      %dma_wait3A_721 = tpu.memref_squeeze %dma_wait3A_720 : memref<1x125xi32, #tpu.memory_space<vmem>> -> memref<125xi32, #tpu.memory_space<vmem>>
      %dma_wait3A_722 = arith.constant 0 : i32
      %dma_wait3A_723 = tpu.memref_slice %arg3[%dma_wait3A_711, %dma_wait3A_722] : memref<5120x125xi32, #tpu.memory_space<hbm>> -> memref<1x125xi32, #tpu.memory_space<hbm>>
      %dma_wait3A_724 = tpu.memref_squeeze %dma_wait3A_723 : memref<1x125xi32, #tpu.memory_space<hbm>> -> memref<125xi32, #tpu.memory_space<hbm>>
      tpu.wait_dma2 semaphore(%arg18 : memref<!tpu.dma_semaphore, #tpu.memory_space<semaphore_mem>>) src(%dma_wait3A_724 : memref<125xi32, #tpu.memory_space<hbm>>) dst(%dma_wait3A_721 : memref<125xi32, #tpu.memory_space<vmem>>)
      %dma_wait3A_725 = arith.constant 0 : i32
      %dma_wait3A_726 = arith.constant 1 : i32
      %dma_wait3A_727 = arith.constant 0 : i32
      %dma_wait3A_728 = tpu.memref_slice %arg9[%dma_wait3A_726, %dma_wait3A_727] : memref<2x125xi32, #tpu.memory_space<vmem>> -> memref<1x125xi32, #tpu.memory_space<vmem>>
      %dma_wait3A_729 = tpu.memref_squeeze %dma_wait3A_728 : memref<1x125xi32, #tpu.memory_space<vmem>> -> memref<125xi32, #tpu.memory_space<vmem>>
      %dma_wait3A_730 = arith.constant 0 : i32
      %dma_wait3A_731 = tpu.memref_slice %arg3[%dma_wait3A_725, %dma_wait3A_730] : memref<5120x125xi32, #tpu.memory_space<hbm>> -> memref<1x125xi32, #tpu.memory_space<hbm>>
      %dma_wait3A_732 = tpu.memref_squeeze %dma_wait3A_731 : memref<1x125xi32, #tpu.memory_space<hbm>> -> memref<125xi32, #tpu.memory_space<hbm>>
      %dma_wait3A_733 = arith.constant 0 : i32
      %dma_wait3A_734 = tpu.memref_slice %arg9[%dma_wait3A_726, %dma_wait3A_733] : memref<2x125xi32, #tpu.memory_space<vmem>> -> memref<1x125xi32, #tpu.memory_space<vmem>>
      %dma_wait3A_735 = tpu.memref_squeeze %dma_wait3A_734 : memref<1x125xi32, #tpu.memory_space<vmem>> -> memref<125xi32, #tpu.memory_space<vmem>>
      %dma_wait3A_736 = arith.constant 0 : i32
      %dma_wait3A_737 = tpu.memref_slice %arg3[%dma_wait3A_725, %dma_wait3A_736] : memref<5120x125xi32, #tpu.memory_space<hbm>> -> memref<1x125xi32, #tpu.memory_space<hbm>>
      %dma_wait3A_738 = tpu.memref_squeeze %dma_wait3A_737 : memref<1x125xi32, #tpu.memory_space<hbm>> -> memref<125xi32, #tpu.memory_space<hbm>>
      tpu.wait_dma2 semaphore(%arg18 : memref<!tpu.dma_semaphore, #tpu.memory_space<semaphore_mem>>) src(%dma_wait3A_738 : memref<125xi32, #tpu.memory_space<hbm>>) dst(%dma_wait3A_735 : memref<125xi32, #tpu.memory_space<vmem>>)
      %dma_start3A_739 = arith.constant 0 : i32
      %dma_start3A_740 = arith.constant 0 : i32
      %dma_start3A_741 = tpu.memref_slice %arg9[%dma_start3A_739, %dma_start3A_740] : memref<2x125xi32, #tpu.memory_space<vmem>> -> memref<1x125xi32, #tpu.memory_space<vmem>>
      %dma_start3A_742 = tpu.memref_squeeze %dma_start3A_741 : memref<1x125xi32, #tpu.memory_space<vmem>> -> memref<125xi32, #tpu.memory_space<vmem>>
      %dma_start3A_743 = arith.constant 0 : i32
      %dma_start3A_744 = arith.constant 0 : i32
      %dma_start3A_745 = tpu.memref_slice %arg2[%dma_start3A_743, %dma_start3A_744] : memref<10000x128xf32, #tpu.memory_space<hbm>> -> memref<10000x128xf32, #tpu.memory_space<hbm>>
      tpu.enqueue_indirect_dma source(%dma_start3A_745 : memref<10000x128xf32, #tpu.memory_space<hbm>>) target(%arg13 : memref<125x128xf32, #tpu.memory_space<vmem>>) offsets(%dma_start3A_742 : memref<125xi32, #tpu.memory_space<vmem>>) semaphore(%arg22 : memref<!tpu.dma_semaphore, #tpu.memory_space<semaphore_mem>>)
      %add3A_746 = arith.constant 7 : i32
      %add3A_747 = arith.addi %mul3A_439, %add3A_746 : i32
      %dma_wait3A_748 = arith.constant 0 : i32
      %dma_wait3A_749 = arith.constant 0 : i32
      %dma_wait3A_750 = tpu.memref_slice %arg9[%dma_wait3A_748, %dma_wait3A_749] : memref<2x125xi32, #tpu.memory_space<vmem>> -> memref<1x125xi32, #tpu.memory_space<vmem>>
      %dma_wait3A_751 = tpu.memref_squeeze %dma_wait3A_750 : memref<1x125xi32, #tpu.memory_space<vmem>> -> memref<125xi32, #tpu.memory_space<vmem>>
      %dma_wait3A_752 = arith.constant 0 : i32
      %dma_wait3A_753 = arith.constant 0 : i32
      %dma_wait3A_754 = tpu.memref_slice %arg2[%dma_wait3A_752, %dma_wait3A_753] : memref<10000x128xf32, #tpu.memory_space<hbm>> -> memref<10000x128xf32, #tpu.memory_space<hbm>>
      tpu.wait_indirect_dma semaphore(%arg23 : memref<!tpu.dma_semaphore, #tpu.memory_space<semaphore_mem>>) src(%dma_wait3A_754 : memref<10000x128xf32, #tpu.memory_space<hbm>>) dst(%arg14 : memref<125x128xf32, #tpu.memory_space<vmem>>)
      %dma_start3A_755 = arith.constant 1 : i32
      %dma_start3A_756 = arith.constant 0 : i32
      %dma_start3A_757 = tpu.memref_slice %arg12[%dma_start3A_755, %dma_start3A_756] : memref<2x125xi32, #tpu.memory_space<vmem>> -> memref<1x125xi32, #tpu.memory_space<vmem>>
      %dma_start3A_758 = tpu.memref_squeeze %dma_start3A_757 : memref<1x125xi32, #tpu.memory_space<vmem>> -> memref<125xi32, #tpu.memory_space<vmem>>
      %dma_start3A_759 = arith.constant 0 : i32
      %dma_start3A_760 = arith.constant 0 : i32
      %dma_start3A_761 = tpu.memref_slice %arg16[%dma_start3A_759, %dma_start3A_760] : memref<10000x128xf32, #tpu.memory_space<vmem_shared>> -> memref<10000x128xf32, #tpu.memory_space<vmem_shared>>
      tpu.enqueue_indirect_dma source(%arg14 : memref<125x128xf32, #tpu.memory_space<vmem>>) target(%dma_start3A_761 : memref<10000x128xf32, #tpu.memory_space<vmem_shared>>) offsets(%dma_start3A_758 : memref<125xi32, #tpu.memory_space<vmem>>) semaphore(%arg25 : memref<!tpu.dma_semaphore, #tpu.memory_space<semaphore_mem>>) {add = true}
      %dma_start3A_762 = arith.constant 1 : i32
      %dma_start3A_763 = arith.constant 0 : i32
      %dma_start3A_764 = tpu.memref_slice %arg12[%dma_start3A_762, %dma_start3A_763] : memref<2x125xi32, #tpu.memory_space<vmem>> -> memref<1x125xi32, #tpu.memory_space<vmem>>
      %dma_start3A_765 = tpu.memref_squeeze %dma_start3A_764 : memref<1x125xi32, #tpu.memory_space<vmem>> -> memref<125xi32, #tpu.memory_space<vmem>>
      %dma_start3A_766 = arith.constant 0 : i32
      %dma_start3A_767 = arith.constant 0 : i32
      %dma_start3A_768 = tpu.memref_slice %arg17[%dma_start3A_766, %dma_start3A_767] : memref<10000x16xf32, #tpu.memory_space<vmem_shared>> -> memref<10000x16xf32, #tpu.memory_space<vmem_shared>>
      tpu.enqueue_indirect_dma source(%arg15 : memref<125x16xf32, #tpu.memory_space<vmem>>) target(%dma_start3A_768 : memref<10000x16xf32, #tpu.memory_space<vmem_shared>>) offsets(%dma_start3A_765 : memref<125xi32, #tpu.memory_space<vmem>>) semaphore(%arg25 : memref<!tpu.dma_semaphore, #tpu.memory_space<semaphore_mem>>) {add = true}
      %dma_wait3A_769 = arith.constant 1 : i32
      %dma_wait3A_770 = arith.constant 0 : i32
      %dma_wait3A_771 = tpu.memref_slice %arg12[%dma_wait3A_769, %dma_wait3A_770] : memref<2x125xi32, #tpu.memory_space<vmem>> -> memref<1x125xi32, #tpu.memory_space<vmem>>
      %dma_wait3A_772 = tpu.memref_squeeze %dma_wait3A_771 : memref<1x125xi32, #tpu.memory_space<vmem>> -> memref<125xi32, #tpu.memory_space<vmem>>
      %dma_wait3A_773 = arith.constant 0 : i32
      %dma_wait3A_774 = arith.constant 0 : i32
      %dma_wait3A_775 = tpu.memref_slice %arg16[%dma_wait3A_773, %dma_wait3A_774] : memref<10000x128xf32, #tpu.memory_space<vmem_shared>> -> memref<10000x128xf32, #tpu.memory_space<vmem_shared>>
      tpu.wait_indirect_dma semaphore(%arg25 : memref<!tpu.dma_semaphore, #tpu.memory_space<semaphore_mem>>) src(%arg14 : memref<125x128xf32, #tpu.memory_space<vmem>>) dst(%dma_wait3A_775 : memref<10000x128xf32, #tpu.memory_space<vmem_shared>>)
      %dma_wait3A_776 = arith.constant 1 : i32
      %dma_wait3A_777 = arith.constant 0 : i32
      %dma_wait3A_778 = tpu.memref_slice %arg12[%dma_wait3A_776, %dma_wait3A_777] : memref<2x125xi32, #tpu.memory_space<vmem>> -> memref<1x125xi32, #tpu.memory_space<vmem>>
      %dma_wait3A_779 = tpu.memref_squeeze %dma_wait3A_778 : memref<1x125xi32, #tpu.memory_space<vmem>> -> memref<125xi32, #tpu.memory_space<vmem>>
      %dma_wait3A_780 = arith.constant 0 : i32
      %dma_wait3A_781 = arith.constant 0 : i32
      %dma_wait3A_782 = tpu.memref_slice %arg17[%dma_wait3A_780, %dma_wait3A_781] : memref<10000x16xf32, #tpu.memory_space<vmem_shared>> -> memref<10000x16xf32, #tpu.memory_space<vmem_shared>>
      tpu.wait_indirect_dma semaphore(%arg25 : memref<!tpu.dma_semaphore, #tpu.memory_space<semaphore_mem>>) src(%arg15 : memref<125x16xf32, #tpu.memory_space<vmem>>) dst(%dma_wait3A_782 : memref<10000x16xf32, #tpu.memory_space<vmem_shared>>)
      %add3A_783 = arith.addi %mul3A_8, %add3A_747 : i32
      %dma_start3A_784 = arith.constant 0 : i32
      %dma_start3A_785 = arith.constant 0 : i32
      %dma_start3A_786 = tpu.memref_slice %arg12[%dma_start3A_784, %dma_start3A_785] : memref<2x125xi32, #tpu.memory_space<vmem>> -> memref<1x125xi32, #tpu.memory_space<vmem>>
      %dma_start3A_787 = tpu.memref_squeeze %dma_start3A_786 : memref<1x125xi32, #tpu.memory_space<vmem>> -> memref<125xi32, #tpu.memory_space<vmem>>
      %dma_start3A_788 = arith.constant 0 : i32
      %dma_start3A_789 = tpu.memref_slice %arg3[%add3A_783, %dma_start3A_788] : memref<5120x125xi32, #tpu.memory_space<hbm>> -> memref<1x125xi32, #tpu.memory_space<hbm>>
      %dma_start3A_790 = tpu.memref_squeeze %dma_start3A_789 : memref<1x125xi32, #tpu.memory_space<hbm>> -> memref<125xi32, #tpu.memory_space<hbm>>
      %dma_start3A_791 = arith.constant 0 : i32
      %dma_start3A_792 = tpu.memref_slice %arg12[%dma_start3A_784, %dma_start3A_791] : memref<2x125xi32, #tpu.memory_space<vmem>> -> memref<1x125xi32, #tpu.memory_space<vmem>>
      %dma_start3A_793 = tpu.memref_squeeze %dma_start3A_792 : memref<1x125xi32, #tpu.memory_space<vmem>> -> memref<125xi32, #tpu.memory_space<vmem>>
      %dma_start3A_794 = arith.constant 0 : i32
      %dma_start3A_795 = tpu.memref_slice %arg3[%add3A_783, %dma_start3A_794] : memref<5120x125xi32, #tpu.memory_space<hbm>> -> memref<1x125xi32, #tpu.memory_space<hbm>>
      %dma_start3A_796 = tpu.memref_squeeze %dma_start3A_795 : memref<1x125xi32, #tpu.memory_space<hbm>> -> memref<125xi32, #tpu.memory_space<hbm>>
      tpu.enqueue_dma source(%dma_start3A_796 : memref<125xi32, #tpu.memory_space<hbm>>) target(%dma_start3A_793 : memref<125xi32, #tpu.memory_space<vmem>>) target_semaphore(%arg21 : memref<!tpu.dma_semaphore, #tpu.memory_space<semaphore_mem>>)
      %add3A_797 = arith.constant 2560 : i32
      %add3A_798 = arith.addi %add3A_797, %mul3A_8 : i32
      %add3A_799 = arith.addi %add3A_798, %add3A_747 : i32
      %dma_start3A_800 = arith.constant 1 : i32
      %dma_start3A_801 = arith.constant 0 : i32
      %dma_start3A_802 = tpu.memref_slice %arg12[%dma_start3A_800, %dma_start3A_801] : memref<2x125xi32, #tpu.memory_space<vmem>> -> memref<1x125xi32, #tpu.memory_space<vmem>>
      %dma_start3A_803 = tpu.memref_squeeze %dma_start3A_802 : memref<1x125xi32, #tpu.memory_space<vmem>> -> memref<125xi32, #tpu.memory_space<vmem>>
      %dma_start3A_804 = arith.constant 0 : i32
      %dma_start3A_805 = tpu.memref_slice %arg3[%add3A_799, %dma_start3A_804] : memref<5120x125xi32, #tpu.memory_space<hbm>> -> memref<1x125xi32, #tpu.memory_space<hbm>>
      %dma_start3A_806 = tpu.memref_squeeze %dma_start3A_805 : memref<1x125xi32, #tpu.memory_space<hbm>> -> memref<125xi32, #tpu.memory_space<hbm>>
      %dma_start3A_807 = arith.constant 0 : i32
      %dma_start3A_808 = tpu.memref_slice %arg12[%dma_start3A_800, %dma_start3A_807] : memref<2x125xi32, #tpu.memory_space<vmem>> -> memref<1x125xi32, #tpu.memory_space<vmem>>
      %dma_start3A_809 = tpu.memref_squeeze %dma_start3A_808 : memref<1x125xi32, #tpu.memory_space<vmem>> -> memref<125xi32, #tpu.memory_space<vmem>>
      %dma_start3A_810 = arith.constant 0 : i32
      %dma_start3A_811 = tpu.memref_slice %arg3[%add3A_799, %dma_start3A_810] : memref<5120x125xi32, #tpu.memory_space<hbm>> -> memref<1x125xi32, #tpu.memory_space<hbm>>
      %dma_start3A_812 = tpu.memref_squeeze %dma_start3A_811 : memref<1x125xi32, #tpu.memory_space<hbm>> -> memref<125xi32, #tpu.memory_space<hbm>>
      tpu.enqueue_dma source(%dma_start3A_812 : memref<125xi32, #tpu.memory_space<hbm>>) target(%dma_start3A_809 : memref<125xi32, #tpu.memory_space<vmem>>) target_semaphore(%arg21 : memref<!tpu.dma_semaphore, #tpu.memory_space<semaphore_mem>>)
      %dma_wait3A_813 = arith.constant 0 : i32
      %dma_wait3A_814 = arith.constant 0 : i32
      %dma_wait3A_815 = arith.constant 0 : i32
      %dma_wait3A_816 = tpu.memref_slice %arg10[%dma_wait3A_814, %dma_wait3A_815] : memref<2x125xi32, #tpu.memory_space<vmem>> -> memref<1x125xi32, #tpu.memory_space<vmem>>
      %dma_wait3A_817 = tpu.memref_squeeze %dma_wait3A_816 : memref<1x125xi32, #tpu.memory_space<vmem>> -> memref<125xi32, #tpu.memory_space<vmem>>
      %dma_wait3A_818 = arith.constant 0 : i32
      %dma_wait3A_819 = tpu.memref_slice %arg3[%dma_wait3A_813, %dma_wait3A_818] : memref<5120x125xi32, #tpu.memory_space<hbm>> -> memref<1x125xi32, #tpu.memory_space<hbm>>
      %dma_wait3A_820 = tpu.memref_squeeze %dma_wait3A_819 : memref<1x125xi32, #tpu.memory_space<hbm>> -> memref<125xi32, #tpu.memory_space<hbm>>
      %dma_wait3A_821 = arith.constant 0 : i32
      %dma_wait3A_822 = tpu.memref_slice %arg10[%dma_wait3A_814, %dma_wait3A_821] : memref<2x125xi32, #tpu.memory_space<vmem>> -> memref<1x125xi32, #tpu.memory_space<vmem>>
      %dma_wait3A_823 = tpu.memref_squeeze %dma_wait3A_822 : memref<1x125xi32, #tpu.memory_space<vmem>> -> memref<125xi32, #tpu.memory_space<vmem>>
      %dma_wait3A_824 = arith.constant 0 : i32
      %dma_wait3A_825 = tpu.memref_slice %arg3[%dma_wait3A_813, %dma_wait3A_824] : memref<5120x125xi32, #tpu.memory_space<hbm>> -> memref<1x125xi32, #tpu.memory_space<hbm>>
      %dma_wait3A_826 = tpu.memref_squeeze %dma_wait3A_825 : memref<1x125xi32, #tpu.memory_space<hbm>> -> memref<125xi32, #tpu.memory_space<hbm>>
      tpu.wait_dma2 semaphore(%arg19 : memref<!tpu.dma_semaphore, #tpu.memory_space<semaphore_mem>>) src(%dma_wait3A_826 : memref<125xi32, #tpu.memory_space<hbm>>) dst(%dma_wait3A_823 : memref<125xi32, #tpu.memory_space<vmem>>)
      %dma_wait3A_827 = arith.constant 0 : i32
      %dma_wait3A_828 = arith.constant 1 : i32
      %dma_wait3A_829 = arith.constant 0 : i32
      %dma_wait3A_830 = tpu.memref_slice %arg10[%dma_wait3A_828, %dma_wait3A_829] : memref<2x125xi32, #tpu.memory_space<vmem>> -> memref<1x125xi32, #tpu.memory_space<vmem>>
      %dma_wait3A_831 = tpu.memref_squeeze %dma_wait3A_830 : memref<1x125xi32, #tpu.memory_space<vmem>> -> memref<125xi32, #tpu.memory_space<vmem>>
      %dma_wait3A_832 = arith.constant 0 : i32
      %dma_wait3A_833 = tpu.memref_slice %arg3[%dma_wait3A_827, %dma_wait3A_832] : memref<5120x125xi32, #tpu.memory_space<hbm>> -> memref<1x125xi32, #tpu.memory_space<hbm>>
      %dma_wait3A_834 = tpu.memref_squeeze %dma_wait3A_833 : memref<1x125xi32, #tpu.memory_space<hbm>> -> memref<125xi32, #tpu.memory_space<hbm>>
      %dma_wait3A_835 = arith.constant 0 : i32
      %dma_wait3A_836 = tpu.memref_slice %arg10[%dma_wait3A_828, %dma_wait3A_835] : memref<2x125xi32, #tpu.memory_space<vmem>> -> memref<1x125xi32, #tpu.memory_space<vmem>>
      %dma_wait3A_837 = tpu.memref_squeeze %dma_wait3A_836 : memref<1x125xi32, #tpu.memory_space<vmem>> -> memref<125xi32, #tpu.memory_space<vmem>>
      %dma_wait3A_838 = arith.constant 0 : i32
      %dma_wait3A_839 = tpu.memref_slice %arg3[%dma_wait3A_827, %dma_wait3A_838] : memref<5120x125xi32, #tpu.memory_space<hbm>> -> memref<1x125xi32, #tpu.memory_space<hbm>>
      %dma_wait3A_840 = tpu.memref_squeeze %dma_wait3A_839 : memref<1x125xi32, #tpu.memory_space<hbm>> -> memref<125xi32, #tpu.memory_space<hbm>>
      tpu.wait_dma2 semaphore(%arg19 : memref<!tpu.dma_semaphore, #tpu.memory_space<semaphore_mem>>) src(%dma_wait3A_840 : memref<125xi32, #tpu.memory_space<hbm>>) dst(%dma_wait3A_837 : memref<125xi32, #tpu.memory_space<vmem>>)
      %dma_start3A_841 = arith.constant 0 : i32
      %dma_start3A_842 = arith.constant 0 : i32
      %dma_start3A_843 = tpu.memref_slice %arg10[%dma_start3A_841, %dma_start3A_842] : memref<2x125xi32, #tpu.memory_space<vmem>> -> memref<1x125xi32, #tpu.memory_space<vmem>>
      %dma_start3A_844 = tpu.memref_squeeze %dma_start3A_843 : memref<1x125xi32, #tpu.memory_space<vmem>> -> memref<125xi32, #tpu.memory_space<vmem>>
      %dma_start3A_845 = arith.constant 0 : i32
      %dma_start3A_846 = arith.constant 0 : i32
      %dma_start3A_847 = tpu.memref_slice %arg2[%dma_start3A_845, %dma_start3A_846] : memref<10000x128xf32, #tpu.memory_space<hbm>> -> memref<10000x128xf32, #tpu.memory_space<hbm>>
      tpu.enqueue_indirect_dma source(%dma_start3A_847 : memref<10000x128xf32, #tpu.memory_space<hbm>>) target(%arg14 : memref<125x128xf32, #tpu.memory_space<vmem>>) offsets(%dma_start3A_844 : memref<125xi32, #tpu.memory_space<vmem>>) semaphore(%arg23 : memref<!tpu.dma_semaphore, #tpu.memory_space<semaphore_mem>>)
    }
    %scan3A_217 = arith.constant 19 : i32
    %dma_wait3A_218 = arith.constant 0 : i32
    %dma_wait3A_219 = arith.constant 0 : i32
    %dma_wait3A_220 = tpu.memref_slice %arg9[%dma_wait3A_218, %dma_wait3A_219] : memref<2x125xi32, #tpu.memory_space<vmem>> -> memref<1x125xi32, #tpu.memory_space<vmem>>
    %dma_wait3A_221 = tpu.memref_squeeze %dma_wait3A_220 : memref<1x125xi32, #tpu.memory_space<vmem>> -> memref<125xi32, #tpu.memory_space<vmem>>
    %dma_wait3A_222 = arith.constant 0 : i32
    %dma_wait3A_223 = arith.constant 0 : i32
    %dma_wait3A_224 = tpu.memref_slice %arg2[%dma_wait3A_222, %dma_wait3A_223] : memref<10000x128xf32, #tpu.memory_space<hbm>> -> memref<10000x128xf32, #tpu.memory_space<hbm>>
    tpu.wait_indirect_dma semaphore(%arg22 : memref<!tpu.dma_semaphore, #tpu.memory_space<semaphore_mem>>) src(%dma_wait3A_224 : memref<10000x128xf32, #tpu.memory_space<hbm>>) dst(%arg13 : memref<125x128xf32, #tpu.memory_space<vmem>>)
    %dma_start3A_225 = arith.constant 1 : i32
    %dma_start3A_226 = arith.constant 0 : i32
    %dma_start3A_227 = tpu.memref_slice %arg9[%dma_start3A_225, %dma_start3A_226] : memref<2x125xi32, #tpu.memory_space<vmem>> -> memref<1x125xi32, #tpu.memory_space<vmem>>
    %dma_start3A_228 = tpu.memref_squeeze %dma_start3A_227 : memref<1x125xi32, #tpu.memory_space<vmem>> -> memref<125xi32, #tpu.memory_space<vmem>>
    %dma_start3A_229 = arith.constant 0 : i32
    %dma_start3A_230 = arith.constant 0 : i32
    %dma_start3A_231 = tpu.memref_slice %arg16[%dma_start3A_229, %dma_start3A_230] : memref<10000x128xf32, #tpu.memory_space<vmem_shared>> -> memref<10000x128xf32, #tpu.memory_space<vmem_shared>>
    tpu.enqueue_indirect_dma source(%arg13 : memref<125x128xf32, #tpu.memory_space<vmem>>) target(%dma_start3A_231 : memref<10000x128xf32, #tpu.memory_space<vmem_shared>>) offsets(%dma_start3A_228 : memref<125xi32, #tpu.memory_space<vmem>>) semaphore(%arg24 : memref<!tpu.dma_semaphore, #tpu.memory_space<semaphore_mem>>) {add = true}
    %dma_start3A_232 = arith.constant 1 : i32
    %dma_start3A_233 = arith.constant 0 : i32
    %dma_start3A_234 = tpu.memref_slice %arg9[%dma_start3A_232, %dma_start3A_233] : memref<2x125xi32, #tpu.memory_space<vmem>> -> memref<1x125xi32, #tpu.memory_space<vmem>>
    %dma_start3A_235 = tpu.memref_squeeze %dma_start3A_234 : memref<1x125xi32, #tpu.memory_space<vmem>> -> memref<125xi32, #tpu.memory_space<vmem>>
    %dma_start3A_236 = arith.constant 0 : i32
    %dma_start3A_237 = arith.constant 0 : i32
    %dma_start3A_238 = tpu.memref_slice %arg17[%dma_start3A_236, %dma_start3A_237] : memref<10000x16xf32, #tpu.memory_space<vmem_shared>> -> memref<10000x16xf32, #tpu.memory_space<vmem_shared>>
    tpu.enqueue_indirect_dma source(%arg15 : memref<125x16xf32, #tpu.memory_space<vmem>>) target(%dma_start3A_238 : memref<10000x16xf32, #tpu.memory_space<vmem_shared>>) offsets(%dma_start3A_235 : memref<125xi32, #tpu.memory_space<vmem>>) semaphore(%arg24 : memref<!tpu.dma_semaphore, #tpu.memory_space<semaphore_mem>>) {add = true}
    %dma_wait3A_239 = arith.constant 1 : i32
    %dma_wait3A_240 = arith.constant 0 : i32
    %dma_wait3A_241 = tpu.memref_slice %arg9[%dma_wait3A_239, %dma_wait3A_240] : memref<2x125xi32, #tpu.memory_space<vmem>> -> memref<1x125xi32, #tpu.memory_space<vmem>>
    %dma_wait3A_242 = tpu.memref_squeeze %dma_wait3A_241 : memref<1x125xi32, #tpu.memory_space<vmem>> -> memref<125xi32, #tpu.memory_space<vmem>>
    %dma_wait3A_243 = arith.constant 0 : i32
    %dma_wait3A_244 = arith.constant 0 : i32
    %dma_wait3A_245 = tpu.memref_slice %arg16[%dma_wait3A_243, %dma_wait3A_244] : memref<10000x128xf32, #tpu.memory_space<vmem_shared>> -> memref<10000x128xf32, #tpu.memory_space<vmem_shared>>
    tpu.wait_indirect_dma semaphore(%arg24 : memref<!tpu.dma_semaphore, #tpu.memory_space<semaphore_mem>>) src(%arg13 : memref<125x128xf32, #tpu.memory_space<vmem>>) dst(%dma_wait3A_245 : memref<10000x128xf32, #tpu.memory_space<vmem_shared>>)
    %dma_wait3A_246 = arith.constant 1 : i32
    %dma_wait3A_247 = arith.constant 0 : i32
    %dma_wait3A_248 = tpu.memref_slice %arg9[%dma_wait3A_246, %dma_wait3A_247] : memref<2x125xi32, #tpu.memory_space<vmem>> -> memref<1x125xi32, #tpu.memory_space<vmem>>
    %dma_wait3A_249 = tpu.memref_squeeze %dma_wait3A_248 : memref<1x125xi32, #tpu.memory_space<vmem>> -> memref<125xi32, #tpu.memory_space<vmem>>
    %dma_wait3A_250 = arith.constant 0 : i32
    %dma_wait3A_251 = arith.constant 0 : i32
    %dma_wait3A_252 = tpu.memref_slice %arg17[%dma_wait3A_250, %dma_wait3A_251] : memref<10000x16xf32, #tpu.memory_space<vmem_shared>> -> memref<10000x16xf32, #tpu.memory_space<vmem_shared>>
    tpu.wait_indirect_dma semaphore(%arg24 : memref<!tpu.dma_semaphore, #tpu.memory_space<semaphore_mem>>) src(%arg15 : memref<125x16xf32, #tpu.memory_space<vmem>>) dst(%dma_wait3A_252 : memref<10000x16xf32, #tpu.memory_space<vmem_shared>>)
    %dma_wait3A_253 = arith.constant 0 : i32
    %dma_wait3A_254 = arith.constant 0 : i32
    %dma_wait3A_255 = arith.constant 0 : i32
    %dma_wait3A_256 = tpu.memref_slice %arg11[%dma_wait3A_254, %dma_wait3A_255] : memref<2x125xi32, #tpu.memory_space<vmem>> -> memref<1x125xi32, #tpu.memory_space<vmem>>
    %dma_wait3A_257 = tpu.memref_squeeze %dma_wait3A_256 : memref<1x125xi32, #tpu.memory_space<vmem>> -> memref<125xi32, #tpu.memory_space<vmem>>
    %dma_wait3A_258 = arith.constant 0 : i32
    %dma_wait3A_259 = tpu.memref_slice %arg3[%dma_wait3A_253, %dma_wait3A_258] : memref<5120x125xi32, #tpu.memory_space<hbm>> -> memref<1x125xi32, #tpu.memory_space<hbm>>
    %dma_wait3A_260 = tpu.memref_squeeze %dma_wait3A_259 : memref<1x125xi32, #tpu.memory_space<hbm>> -> memref<125xi32, #tpu.memory_space<hbm>>
    %dma_wait3A_261 = arith.constant 0 : i32
    %dma_wait3A_262 = tpu.memref_slice %arg11[%dma_wait3A_254, %dma_wait3A_261] : memref<2x125xi32, #tpu.memory_space<vmem>> -> memref<1x125xi32, #tpu.memory_space<vmem>>
    %dma_wait3A_263 = tpu.memref_squeeze %dma_wait3A_262 : memref<1x125xi32, #tpu.memory_space<vmem>> -> memref<125xi32, #tpu.memory_space<vmem>>
    %dma_wait3A_264 = arith.constant 0 : i32
    %dma_wait3A_265 = tpu.memref_slice %arg3[%dma_wait3A_253, %dma_wait3A_264] : memref<5120x125xi32, #tpu.memory_space<hbm>> -> memref<1x125xi32, #tpu.memory_space<hbm>>
    %dma_wait3A_266 = tpu.memref_squeeze %dma_wait3A_265 : memref<1x125xi32, #tpu.memory_space<hbm>> -> memref<125xi32, #tpu.memory_space<hbm>>
    tpu.wait_dma2 semaphore(%arg20 : memref<!tpu.dma_semaphore, #tpu.memory_space<semaphore_mem>>) src(%dma_wait3A_266 : memref<125xi32, #tpu.memory_space<hbm>>) dst(%dma_wait3A_263 : memref<125xi32, #tpu.memory_space<vmem>>)
    %dma_wait3A_267 = arith.constant 0 : i32
    %dma_wait3A_268 = arith.constant 1 : i32
    %dma_wait3A_269 = arith.constant 0 : i32
    %dma_wait3A_270 = tpu.memref_slice %arg11[%dma_wait3A_268, %dma_wait3A_269] : memref<2x125xi32, #tpu.memory_space<vmem>> -> memref<1x125xi32, #tpu.memory_space<vmem>>
    %dma_wait3A_271 = tpu.memref_squeeze %dma_wait3A_270 : memref<1x125xi32, #tpu.memory_space<vmem>> -> memref<125xi32, #tpu.memory_space<vmem>>
    %dma_wait3A_272 = arith.constant 0 : i32
    %dma_wait3A_273 = tpu.memref_slice %arg3[%dma_wait3A_267, %dma_wait3A_272] : memref<5120x125xi32, #tpu.memory_space<hbm>> -> memref<1x125xi32, #tpu.memory_space<hbm>>
    %dma_wait3A_274 = tpu.memref_squeeze %dma_wait3A_273 : memref<1x125xi32, #tpu.memory_space<hbm>> -> memref<125xi32, #tpu.memory_space<hbm>>
    %dma_wait3A_275 = arith.constant 0 : i32
    %dma_wait3A_276 = tpu.memref_slice %arg11[%dma_wait3A_268, %dma_wait3A_275] : memref<2x125xi32, #tpu.memory_space<vmem>> -> memref<1x125xi32, #tpu.memory_space<vmem>>
    %dma_wait3A_277 = tpu.memref_squeeze %dma_wait3A_276 : memref<1x125xi32, #tpu.memory_space<vmem>> -> memref<125xi32, #tpu.memory_space<vmem>>
    %dma_wait3A_278 = arith.constant 0 : i32
    %dma_wait3A_279 = tpu.memref_slice %arg3[%dma_wait3A_267, %dma_wait3A_278] : memref<5120x125xi32, #tpu.memory_space<hbm>> -> memref<1x125xi32, #tpu.memory_space<hbm>>
    %dma_wait3A_280 = tpu.memref_squeeze %dma_wait3A_279 : memref<1x125xi32, #tpu.memory_space<hbm>> -> memref<125xi32, #tpu.memory_space<hbm>>
    tpu.wait_dma2 semaphore(%arg20 : memref<!tpu.dma_semaphore, #tpu.memory_space<semaphore_mem>>) src(%dma_wait3A_280 : memref<125xi32, #tpu.memory_space<hbm>>) dst(%dma_wait3A_277 : memref<125xi32, #tpu.memory_space<vmem>>)
    %dma_start3A_281 = arith.constant 0 : i32
    %dma_start3A_282 = arith.constant 0 : i32
    %dma_start3A_283 = tpu.memref_slice %arg11[%dma_start3A_281, %dma_start3A_282] : memref<2x125xi32, #tpu.memory_space<vmem>> -> memref<1x125xi32, #tpu.memory_space<vmem>>
    %dma_start3A_284 = tpu.memref_squeeze %dma_start3A_283 : memref<1x125xi32, #tpu.memory_space<vmem>> -> memref<125xi32, #tpu.memory_space<vmem>>
    %dma_start3A_285 = arith.constant 0 : i32
    %dma_start3A_286 = arith.constant 0 : i32
    %dma_start3A_287 = tpu.memref_slice %arg2[%dma_start3A_285, %dma_start3A_286] : memref<10000x128xf32, #tpu.memory_space<hbm>> -> memref<10000x128xf32, #tpu.memory_space<hbm>>
    tpu.enqueue_indirect_dma source(%dma_start3A_287 : memref<10000x128xf32, #tpu.memory_space<hbm>>) target(%arg13 : memref<125x128xf32, #tpu.memory_space<vmem>>) offsets(%dma_start3A_284 : memref<125xi32, #tpu.memory_space<vmem>>) semaphore(%arg22 : memref<!tpu.dma_semaphore, #tpu.memory_space<semaphore_mem>>)
    %dma_wait3A_288 = arith.constant 0 : i32
    %dma_wait3A_289 = arith.constant 0 : i32
    %dma_wait3A_290 = tpu.memref_slice %arg9[%dma_wait3A_288, %dma_wait3A_289] : memref<2x125xi32, #tpu.memory_space<vmem>> -> memref<1x125xi32, #tpu.memory_space<vmem>>
    %dma_wait3A_291 = tpu.memref_squeeze %dma_wait3A_290 : memref<1x125xi32, #tpu.memory_space<vmem>> -> memref<125xi32, #tpu.memory_space<vmem>>
    %dma_wait3A_292 = arith.constant 0 : i32
    %dma_wait3A_293 = arith.constant 0 : i32
    %dma_wait3A_294 = tpu.memref_slice %arg2[%dma_wait3A_292, %dma_wait3A_293] : memref<10000x128xf32, #tpu.memory_space<hbm>> -> memref<10000x128xf32, #tpu.memory_space<hbm>>
    tpu.wait_indirect_dma semaphore(%arg23 : memref<!tpu.dma_semaphore, #tpu.memory_space<semaphore_mem>>) src(%dma_wait3A_294 : memref<10000x128xf32, #tpu.memory_space<hbm>>) dst(%arg14 : memref<125x128xf32, #tpu.memory_space<vmem>>)
    %dma_start3A_295 = arith.constant 1 : i32
    %dma_start3A_296 = arith.constant 0 : i32
    %dma_start3A_297 = tpu.memref_slice %arg10[%dma_start3A_295, %dma_start3A_296] : memref<2x125xi32, #tpu.memory_space<vmem>> -> memref<1x125xi32, #tpu.memory_space<vmem>>
    %dma_start3A_298 = tpu.memref_squeeze %dma_start3A_297 : memref<1x125xi32, #tpu.memory_space<vmem>> -> memref<125xi32, #tpu.memory_space<vmem>>
    %dma_start3A_299 = arith.constant 0 : i32
    %dma_start3A_300 = arith.constant 0 : i32
    %dma_start3A_301 = tpu.memref_slice %arg16[%dma_start3A_299, %dma_start3A_300] : memref<10000x128xf32, #tpu.memory_space<vmem_shared>> -> memref<10000x128xf32, #tpu.memory_space<vmem_shared>>
    tpu.enqueue_indirect_dma source(%arg14 : memref<125x128xf32, #tpu.memory_space<vmem>>) target(%dma_start3A_301 : memref<10000x128xf32, #tpu.memory_space<vmem_shared>>) offsets(%dma_start3A_298 : memref<125xi32, #tpu.memory_space<vmem>>) semaphore(%arg25 : memref<!tpu.dma_semaphore, #tpu.memory_space<semaphore_mem>>) {add = true}
    %dma_start3A_302 = arith.constant 1 : i32
    %dma_start3A_303 = arith.constant 0 : i32
    %dma_start3A_304 = tpu.memref_slice %arg10[%dma_start3A_302, %dma_start3A_303] : memref<2x125xi32, #tpu.memory_space<vmem>> -> memref<1x125xi32, #tpu.memory_space<vmem>>
    %dma_start3A_305 = tpu.memref_squeeze %dma_start3A_304 : memref<1x125xi32, #tpu.memory_space<vmem>> -> memref<125xi32, #tpu.memory_space<vmem>>
    %dma_start3A_306 = arith.constant 0 : i32
    %dma_start3A_307 = arith.constant 0 : i32
    %dma_start3A_308 = tpu.memref_slice %arg17[%dma_start3A_306, %dma_start3A_307] : memref<10000x16xf32, #tpu.memory_space<vmem_shared>> -> memref<10000x16xf32, #tpu.memory_space<vmem_shared>>
    tpu.enqueue_indirect_dma source(%arg15 : memref<125x16xf32, #tpu.memory_space<vmem>>) target(%dma_start3A_308 : memref<10000x16xf32, #tpu.memory_space<vmem_shared>>) offsets(%dma_start3A_305 : memref<125xi32, #tpu.memory_space<vmem>>) semaphore(%arg25 : memref<!tpu.dma_semaphore, #tpu.memory_space<semaphore_mem>>) {add = true}
    %dma_wait3A_309 = arith.constant 1 : i32
    %dma_wait3A_310 = arith.constant 0 : i32
    %dma_wait3A_311 = tpu.memref_slice %arg10[%dma_wait3A_309, %dma_wait3A_310] : memref<2x125xi32, #tpu.memory_space<vmem>> -> memref<1x125xi32, #tpu.memory_space<vmem>>
    %dma_wait3A_312 = tpu.memref_squeeze %dma_wait3A_311 : memref<1x125xi32, #tpu.memory_space<vmem>> -> memref<125xi32, #tpu.memory_space<vmem>>
    %dma_wait3A_313 = arith.constant 0 : i32
    %dma_wait3A_314 = arith.constant 0 : i32
    %dma_wait3A_315 = tpu.memref_slice %arg16[%dma_wait3A_313, %dma_wait3A_314] : memref<10000x128xf32, #tpu.memory_space<vmem_shared>> -> memref<10000x128xf32, #tpu.memory_space<vmem_shared>>
    tpu.wait_indirect_dma semaphore(%arg25 : memref<!tpu.dma_semaphore, #tpu.memory_space<semaphore_mem>>) src(%arg14 : memref<125x128xf32, #tpu.memory_space<vmem>>) dst(%dma_wait3A_315 : memref<10000x128xf32, #tpu.memory_space<vmem_shared>>)
    %dma_wait3A_316 = arith.constant 1 : i32
    %dma_wait3A_317 = arith.constant 0 : i32
    %dma_wait3A_318 = tpu.memref_slice %arg10[%dma_wait3A_316, %dma_wait3A_317] : memref<2x125xi32, #tpu.memory_space<vmem>> -> memref<1x125xi32, #tpu.memory_space<vmem>>
    %dma_wait3A_319 = tpu.memref_squeeze %dma_wait3A_318 : memref<1x125xi32, #tpu.memory_space<vmem>> -> memref<125xi32, #tpu.memory_space<vmem>>
    %dma_wait3A_320 = arith.constant 0 : i32
    %dma_wait3A_321 = arith.constant 0 : i32
    %dma_wait3A_322 = tpu.memref_slice %arg17[%dma_wait3A_320, %dma_wait3A_321] : memref<10000x16xf32, #tpu.memory_space<vmem_shared>> -> memref<10000x16xf32, #tpu.memory_space<vmem_shared>>
    tpu.wait_indirect_dma semaphore(%arg25 : memref<!tpu.dma_semaphore, #tpu.memory_space<semaphore_mem>>) src(%arg15 : memref<125x16xf32, #tpu.memory_space<vmem>>) dst(%dma_wait3A_322 : memref<10000x16xf32, #tpu.memory_space<vmem_shared>>)
    %dma_wait3A_323 = arith.constant 0 : i32
    %dma_wait3A_324 = arith.constant 0 : i32
    %dma_wait3A_325 = arith.constant 0 : i32
    %dma_wait3A_326 = tpu.memref_slice %arg12[%dma_wait3A_324, %dma_wait3A_325] : memref<2x125xi32, #tpu.memory_space<vmem>> -> memref<1x125xi32, #tpu.memory_space<vmem>>
    %dma_wait3A_327 = tpu.memref_squeeze %dma_wait3A_326 : memref<1x125xi32, #tpu.memory_space<vmem>> -> memref<125xi32, #tpu.memory_space<vmem>>
    %dma_wait3A_328 = arith.constant 0 : i32
    %dma_wait3A_329 = tpu.memref_slice %arg3[%dma_wait3A_323, %dma_wait3A_328] : memref<5120x125xi32, #tpu.memory_space<hbm>> -> memref<1x125xi32, #tpu.memory_space<hbm>>
    %dma_wait3A_330 = tpu.memref_squeeze %dma_wait3A_329 : memref<1x125xi32, #tpu.memory_space<hbm>> -> memref<125xi32, #tpu.memory_space<hbm>>
    %dma_wait3A_331 = arith.constant 0 : i32
    %dma_wait3A_332 = tpu.memref_slice %arg12[%dma_wait3A_324, %dma_wait3A_331] : memref<2x125xi32, #tpu.memory_space<vmem>> -> memref<1x125xi32, #tpu.memory_space<vmem>>
    %dma_wait3A_333 = tpu.memref_squeeze %dma_wait3A_332 : memref<1x125xi32, #tpu.memory_space<vmem>> -> memref<125xi32, #tpu.memory_space<vmem>>
    %dma_wait3A_334 = arith.constant 0 : i32
    %dma_wait3A_335 = tpu.memref_slice %arg3[%dma_wait3A_323, %dma_wait3A_334] : memref<5120x125xi32, #tpu.memory_space<hbm>> -> memref<1x125xi32, #tpu.memory_space<hbm>>
    %dma_wait3A_336 = tpu.memref_squeeze %dma_wait3A_335 : memref<1x125xi32, #tpu.memory_space<hbm>> -> memref<125xi32, #tpu.memory_space<hbm>>
    tpu.wait_dma2 semaphore(%arg21 : memref<!tpu.dma_semaphore, #tpu.memory_space<semaphore_mem>>) src(%dma_wait3A_336 : memref<125xi32, #tpu.memory_space<hbm>>) dst(%dma_wait3A_333 : memref<125xi32, #tpu.memory_space<vmem>>)
    %dma_wait3A_337 = arith.constant 0 : i32
    %dma_wait3A_338 = arith.constant 1 : i32
    %dma_wait3A_339 = arith.constant 0 : i32
    %dma_wait3A_340 = tpu.memref_slice %arg12[%dma_wait3A_338, %dma_wait3A_339] : memref<2x125xi32, #tpu.memory_space<vmem>> -> memref<1x125xi32, #tpu.memory_space<vmem>>
    %dma_wait3A_341 = tpu.memref_squeeze %dma_wait3A_340 : memref<1x125xi32, #tpu.memory_space<vmem>> -> memref<125xi32, #tpu.memory_space<vmem>>
    %dma_wait3A_342 = arith.constant 0 : i32
    %dma_wait3A_343 = tpu.memref_slice %arg3[%dma_wait3A_337, %dma_wait3A_342] : memref<5120x125xi32, #tpu.memory_space<hbm>> -> memref<1x125xi32, #tpu.memory_space<hbm>>
    %dma_wait3A_344 = tpu.memref_squeeze %dma_wait3A_343 : memref<1x125xi32, #tpu.memory_space<hbm>> -> memref<125xi32, #tpu.memory_space<hbm>>
    %dma_wait3A_345 = arith.constant 0 : i32
    %dma_wait3A_346 = tpu.memref_slice %arg12[%dma_wait3A_338, %dma_wait3A_345] : memref<2x125xi32, #tpu.memory_space<vmem>> -> memref<1x125xi32, #tpu.memory_space<vmem>>
    %dma_wait3A_347 = tpu.memref_squeeze %dma_wait3A_346 : memref<1x125xi32, #tpu.memory_space<vmem>> -> memref<125xi32, #tpu.memory_space<vmem>>
    %dma_wait3A_348 = arith.constant 0 : i32
    %dma_wait3A_349 = tpu.memref_slice %arg3[%dma_wait3A_337, %dma_wait3A_348] : memref<5120x125xi32, #tpu.memory_space<hbm>> -> memref<1x125xi32, #tpu.memory_space<hbm>>
    %dma_wait3A_350 = tpu.memref_squeeze %dma_wait3A_349 : memref<1x125xi32, #tpu.memory_space<hbm>> -> memref<125xi32, #tpu.memory_space<hbm>>
    tpu.wait_dma2 semaphore(%arg21 : memref<!tpu.dma_semaphore, #tpu.memory_space<semaphore_mem>>) src(%dma_wait3A_350 : memref<125xi32, #tpu.memory_space<hbm>>) dst(%dma_wait3A_347 : memref<125xi32, #tpu.memory_space<vmem>>)
    %dma_start3A_351 = arith.constant 0 : i32
    %dma_start3A_352 = arith.constant 0 : i32
    %dma_start3A_353 = tpu.memref_slice %arg12[%dma_start3A_351, %dma_start3A_352] : memref<2x125xi32, #tpu.memory_space<vmem>> -> memref<1x125xi32, #tpu.memory_space<vmem>>
    %dma_start3A_354 = tpu.memref_squeeze %dma_start3A_353 : memref<1x125xi32, #tpu.memory_space<vmem>> -> memref<125xi32, #tpu.memory_space<vmem>>
    %dma_start3A_355 = arith.constant 0 : i32
    %dma_start3A_356 = arith.constant 0 : i32
    %dma_start3A_357 = tpu.memref_slice %arg2[%dma_start3A_355, %dma_start3A_356] : memref<10000x128xf32, #tpu.memory_space<hbm>> -> memref<10000x128xf32, #tpu.memory_space<hbm>>
    tpu.enqueue_indirect_dma source(%dma_start3A_357 : memref<10000x128xf32, #tpu.memory_space<hbm>>) target(%arg14 : memref<125x128xf32, #tpu.memory_space<vmem>>) offsets(%dma_start3A_354 : memref<125xi32, #tpu.memory_space<vmem>>) semaphore(%arg23 : memref<!tpu.dma_semaphore, #tpu.memory_space<semaphore_mem>>)
    %dma_wait3A_358 = arith.constant 0 : i32
    %dma_wait3A_359 = arith.constant 0 : i32
    %dma_wait3A_360 = tpu.memref_slice %arg9[%dma_wait3A_358, %dma_wait3A_359] : memref<2x125xi32, #tpu.memory_space<vmem>> -> memref<1x125xi32, #tpu.memory_space<vmem>>
    %dma_wait3A_361 = tpu.memref_squeeze %dma_wait3A_360 : memref<1x125xi32, #tpu.memory_space<vmem>> -> memref<125xi32, #tpu.memory_space<vmem>>
    %dma_wait3A_362 = arith.constant 0 : i32
    %dma_wait3A_363 = arith.constant 0 : i32
    %dma_wait3A_364 = tpu.memref_slice %arg2[%dma_wait3A_362, %dma_wait3A_363] : memref<10000x128xf32, #tpu.memory_space<hbm>> -> memref<10000x128xf32, #tpu.memory_space<hbm>>
    tpu.wait_indirect_dma semaphore(%arg22 : memref<!tpu.dma_semaphore, #tpu.memory_space<semaphore_mem>>) src(%dma_wait3A_364 : memref<10000x128xf32, #tpu.memory_space<hbm>>) dst(%arg13 : memref<125x128xf32, #tpu.memory_space<vmem>>)
    %dma_start3A_365 = arith.constant 1 : i32
    %dma_start3A_366 = arith.constant 0 : i32
    %dma_start3A_367 = tpu.memref_slice %arg11[%dma_start3A_365, %dma_start3A_366] : memref<2x125xi32, #tpu.memory_space<vmem>> -> memref<1x125xi32, #tpu.memory_space<vmem>>
    %dma_start3A_368 = tpu.memref_squeeze %dma_start3A_367 : memref<1x125xi32, #tpu.memory_space<vmem>> -> memref<125xi32, #tpu.memory_space<vmem>>
    %dma_start3A_369 = arith.constant 0 : i32
    %dma_start3A_370 = arith.constant 0 : i32
    %dma_start3A_371 = tpu.memref_slice %arg16[%dma_start3A_369, %dma_start3A_370] : memref<10000x128xf32, #tpu.memory_space<vmem_shared>> -> memref<10000x128xf32, #tpu.memory_space<vmem_shared>>
    tpu.enqueue_indirect_dma source(%arg13 : memref<125x128xf32, #tpu.memory_space<vmem>>) target(%dma_start3A_371 : memref<10000x128xf32, #tpu.memory_space<vmem_shared>>) offsets(%dma_start3A_368 : memref<125xi32, #tpu.memory_space<vmem>>) semaphore(%arg24 : memref<!tpu.dma_semaphore, #tpu.memory_space<semaphore_mem>>) {add = true}
    %dma_start3A_372 = arith.constant 1 : i32
    %dma_start3A_373 = arith.constant 0 : i32
    %dma_start3A_374 = tpu.memref_slice %arg11[%dma_start3A_372, %dma_start3A_373] : memref<2x125xi32, #tpu.memory_space<vmem>> -> memref<1x125xi32, #tpu.memory_space<vmem>>
    %dma_start3A_375 = tpu.memref_squeeze %dma_start3A_374 : memref<1x125xi32, #tpu.memory_space<vmem>> -> memref<125xi32, #tpu.memory_space<vmem>>
    %dma_start3A_376 = arith.constant 0 : i32
    %dma_start3A_377 = arith.constant 0 : i32
    %dma_start3A_378 = tpu.memref_slice %arg17[%dma_start3A_376, %dma_start3A_377] : memref<10000x16xf32, #tpu.memory_space<vmem_shared>> -> memref<10000x16xf32, #tpu.memory_space<vmem_shared>>
    tpu.enqueue_indirect_dma source(%arg15 : memref<125x16xf32, #tpu.memory_space<vmem>>) target(%dma_start3A_378 : memref<10000x16xf32, #tpu.memory_space<vmem_shared>>) offsets(%dma_start3A_375 : memref<125xi32, #tpu.memory_space<vmem>>) semaphore(%arg24 : memref<!tpu.dma_semaphore, #tpu.memory_space<semaphore_mem>>) {add = true}
    %dma_wait3A_379 = arith.constant 1 : i32
    %dma_wait3A_380 = arith.constant 0 : i32
    %dma_wait3A_381 = tpu.memref_slice %arg11[%dma_wait3A_379, %dma_wait3A_380] : memref<2x125xi32, #tpu.memory_space<vmem>> -> memref<1x125xi32, #tpu.memory_space<vmem>>
    %dma_wait3A_382 = tpu.memref_squeeze %dma_wait3A_381 : memref<1x125xi32, #tpu.memory_space<vmem>> -> memref<125xi32, #tpu.memory_space<vmem>>
    %dma_wait3A_383 = arith.constant 0 : i32
    %dma_wait3A_384 = arith.constant 0 : i32
    %dma_wait3A_385 = tpu.memref_slice %arg16[%dma_wait3A_383, %dma_wait3A_384] : memref<10000x128xf32, #tpu.memory_space<vmem_shared>> -> memref<10000x128xf32, #tpu.memory_space<vmem_shared>>
    tpu.wait_indirect_dma semaphore(%arg24 : memref<!tpu.dma_semaphore, #tpu.memory_space<semaphore_mem>>) src(%arg13 : memref<125x128xf32, #tpu.memory_space<vmem>>) dst(%dma_wait3A_385 : memref<10000x128xf32, #tpu.memory_space<vmem_shared>>)
    %dma_wait3A_386 = arith.constant 1 : i32
    %dma_wait3A_387 = arith.constant 0 : i32
    %dma_wait3A_388 = tpu.memref_slice %arg11[%dma_wait3A_386, %dma_wait3A_387] : memref<2x125xi32, #tpu.memory_space<vmem>> -> memref<1x125xi32, #tpu.memory_space<vmem>>
    %dma_wait3A_389 = tpu.memref_squeeze %dma_wait3A_388 : memref<1x125xi32, #tpu.memory_space<vmem>> -> memref<125xi32, #tpu.memory_space<vmem>>
    %dma_wait3A_390 = arith.constant 0 : i32
    %dma_wait3A_391 = arith.constant 0 : i32
    %dma_wait3A_392 = tpu.memref_slice %arg17[%dma_wait3A_390, %dma_wait3A_391] : memref<10000x16xf32, #tpu.memory_space<vmem_shared>> -> memref<10000x16xf32, #tpu.memory_space<vmem_shared>>
    tpu.wait_indirect_dma semaphore(%arg24 : memref<!tpu.dma_semaphore, #tpu.memory_space<semaphore_mem>>) src(%arg15 : memref<125x16xf32, #tpu.memory_space<vmem>>) dst(%dma_wait3A_392 : memref<10000x16xf32, #tpu.memory_space<vmem_shared>>)
    %dma_wait3A_393 = arith.constant 0 : i32
    %dma_wait3A_394 = arith.constant 0 : i32
    %dma_wait3A_395 = tpu.memref_slice %arg9[%dma_wait3A_393, %dma_wait3A_394] : memref<2x125xi32, #tpu.memory_space<vmem>> -> memref<1x125xi32, #tpu.memory_space<vmem>>
    %dma_wait3A_396 = tpu.memref_squeeze %dma_wait3A_395 : memref<1x125xi32, #tpu.memory_space<vmem>> -> memref<125xi32, #tpu.memory_space<vmem>>
    %dma_wait3A_397 = arith.constant 0 : i32
    %dma_wait3A_398 = arith.constant 0 : i32
    %dma_wait3A_399 = tpu.memref_slice %arg2[%dma_wait3A_397, %dma_wait3A_398] : memref<10000x128xf32, #tpu.memory_space<hbm>> -> memref<10000x128xf32, #tpu.memory_space<hbm>>
    tpu.wait_indirect_dma semaphore(%arg23 : memref<!tpu.dma_semaphore, #tpu.memory_space<semaphore_mem>>) src(%dma_wait3A_399 : memref<10000x128xf32, #tpu.memory_space<hbm>>) dst(%arg14 : memref<125x128xf32, #tpu.memory_space<vmem>>)
    %dma_start3A_400 = arith.constant 1 : i32
    %dma_start3A_401 = arith.constant 0 : i32
    %dma_start3A_402 = tpu.memref_slice %arg12[%dma_start3A_400, %dma_start3A_401] : memref<2x125xi32, #tpu.memory_space<vmem>> -> memref<1x125xi32, #tpu.memory_space<vmem>>
    %dma_start3A_403 = tpu.memref_squeeze %dma_start3A_402 : memref<1x125xi32, #tpu.memory_space<vmem>> -> memref<125xi32, #tpu.memory_space<vmem>>
    %dma_start3A_404 = arith.constant 0 : i32
    %dma_start3A_405 = arith.constant 0 : i32
    %dma_start3A_406 = tpu.memref_slice %arg16[%dma_start3A_404, %dma_start3A_405] : memref<10000x128xf32, #tpu.memory_space<vmem_shared>> -> memref<10000x128xf32, #tpu.memory_space<vmem_shared>>
    tpu.enqueue_indirect_dma source(%arg14 : memref<125x128xf32, #tpu.memory_space<vmem>>) target(%dma_start3A_406 : memref<10000x128xf32, #tpu.memory_space<vmem_shared>>) offsets(%dma_start3A_403 : memref<125xi32, #tpu.memory_space<vmem>>) semaphore(%arg25 : memref<!tpu.dma_semaphore, #tpu.memory_space<semaphore_mem>>) {add = true}
    %dma_start3A_407 = arith.constant 1 : i32
    %dma_start3A_408 = arith.constant 0 : i32
    %dma_start3A_409 = tpu.memref_slice %arg12[%dma_start3A_407, %dma_start3A_408] : memref<2x125xi32, #tpu.memory_space<vmem>> -> memref<1x125xi32, #tpu.memory_space<vmem>>
    %dma_start3A_410 = tpu.memref_squeeze %dma_start3A_409 : memref<1x125xi32, #tpu.memory_space<vmem>> -> memref<125xi32, #tpu.memory_space<vmem>>
    %dma_start3A_411 = arith.constant 0 : i32
    %dma_start3A_412 = arith.constant 0 : i32
    %dma_start3A_413 = tpu.memref_slice %arg17[%dma_start3A_411, %dma_start3A_412] : memref<10000x16xf32, #tpu.memory_space<vmem_shared>> -> memref<10000x16xf32, #tpu.memory_space<vmem_shared>>
    tpu.enqueue_indirect_dma source(%arg15 : memref<125x16xf32, #tpu.memory_space<vmem>>) target(%dma_start3A_413 : memref<10000x16xf32, #tpu.memory_space<vmem_shared>>) offsets(%dma_start3A_410 : memref<125xi32, #tpu.memory_space<vmem>>) semaphore(%arg25 : memref<!tpu.dma_semaphore, #tpu.memory_space<semaphore_mem>>) {add = true}
    %dma_wait3A_414 = arith.constant 1 : i32
    %dma_wait3A_415 = arith.constant 0 : i32
    %dma_wait3A_416 = tpu.memref_slice %arg12[%dma_wait3A_414, %dma_wait3A_415] : memref<2x125xi32, #tpu.memory_space<vmem>> -> memref<1x125xi32, #tpu.memory_space<vmem>>
    %dma_wait3A_417 = tpu.memref_squeeze %dma_wait3A_416 : memref<1x125xi32, #tpu.memory_space<vmem>> -> memref<125xi32, #tpu.memory_space<vmem>>
    %dma_wait3A_418 = arith.constant 0 : i32
    %dma_wait3A_419 = arith.constant 0 : i32
    %dma_wait3A_420 = tpu.memref_slice %arg16[%dma_wait3A_418, %dma_wait3A_419] : memref<10000x128xf32, #tpu.memory_space<vmem_shared>> -> memref<10000x128xf32, #tpu.memory_space<vmem_shared>>
    tpu.wait_indirect_dma semaphore(%arg25 : memref<!tpu.dma_semaphore, #tpu.memory_space<semaphore_mem>>) src(%arg14 : memref<125x128xf32, #tpu.memory_space<vmem>>) dst(%dma_wait3A_420 : memref<10000x128xf32, #tpu.memory_space<vmem_shared>>)
    %dma_wait3A_421 = arith.constant 1 : i32
    %dma_wait3A_422 = arith.constant 0 : i32
    %dma_wait3A_423 = tpu.memref_slice %arg12[%dma_wait3A_421, %dma_wait3A_422] : memref<2x125xi32, #tpu.memory_space<vmem>> -> memref<1x125xi32, #tpu.memory_space<vmem>>
    %dma_wait3A_424 = tpu.memref_squeeze %dma_wait3A_423 : memref<1x125xi32, #tpu.memory_space<vmem>> -> memref<125xi32, #tpu.memory_space<vmem>>
    %dma_wait3A_425 = arith.constant 0 : i32
    %dma_wait3A_426 = arith.constant 0 : i32
    %dma_wait3A_427 = tpu.memref_slice %arg17[%dma_wait3A_425, %dma_wait3A_426] : memref<10000x16xf32, #tpu.memory_space<vmem_shared>> -> memref<10000x16xf32, #tpu.memory_space<vmem_shared>>
    tpu.wait_indirect_dma semaphore(%arg25 : memref<!tpu.dma_semaphore, #tpu.memory_space<semaphore_mem>>) src(%arg15 : memref<125x16xf32, #tpu.memory_space<vmem>>) dst(%dma_wait3A_427 : memref<10000x16xf32, #tpu.memory_space<vmem_shared>>)
    %barrier3A_428 = arith.constant 0 : index
    tpu.barrier barrier_id(%barrier3A_428)
    %not3A_429 = arith.constant true
    %not3A_430 = arith.xori %eq3A_1, %not3A_429 : i1
    %convert_element_type3A_431 = arith.extui %not3A_430 : i1 to i32
    %cond3A_432 = arith.constant 0 : i32
    %cond3A_433 = arith.cmpi ne, %convert_element_type3A_431, %cond3A_432 : i32
    scf.if %cond3A_433 {
      %mul3A_437 = arith.constant 640 : i32
      %mul3A_438 = arith.muli %arg1, %mul3A_437 : i32
      %mul3A_439 = arith.constant 10000 : i32
      %mul3A_440 = arith.muli %arg0, %mul3A_439 : i32
      %mul3A_441 = arith.constant 640 : i32
      %mul3A_442 = arith.muli %arg1, %mul3A_441 : i32
      %add3A_443 = arith.addi %mul3A_440, %mul3A_442 : i32
      "tpu.region"() ({
        %run_scoped3A = tpu.sem_alloc : memref<!tpu.dma_semaphore, #tpu.memory_space<semaphore_mem>>
        %dma_start3A_451 = arith.constant 0 : i32
        %dma_start3A_452 = tpu.memref_slice %arg7[%add3A_443, %dma_start3A_451] : memref<20000x128xf32, #tpu.memory_space<hbm>> -> memref<640x128xf32, #tpu.memory_space<hbm>>
        %dma_start3A_453 = arith.constant 0 : i32
        %dma_start3A_454 = tpu.memref_slice %arg16[%mul3A_438, %dma_start3A_453] : memref<10000x128xf32, #tpu.memory_space<vmem_shared>> -> memref<640x128xf32, #tpu.memory_space<vmem_shared>>
        tpu.enqueue_dma source(%dma_start3A_454 : memref<640x128xf32, #tpu.memory_space<vmem_shared>>) target(%dma_start3A_452 : memref<640x128xf32, #tpu.memory_space<hbm>>) target_semaphore(%run_scoped3A : memref<!tpu.dma_semaphore, #tpu.memory_space<semaphore_mem>>)
        %dma_wait3A_455 = arith.constant 0 : i32
        %dma_wait3A_456 = tpu.memref_slice %arg7[%add3A_443, %dma_wait3A_455] : memref<20000x128xf32, #tpu.memory_space<hbm>> -> memref<640x128xf32, #tpu.memory_space<hbm>>
        %dma_wait3A_457 = arith.constant 0 : i32
        %dma_wait3A_458 = tpu.memref_slice %arg16[%mul3A_438, %dma_wait3A_457] : memref<10000x128xf32, #tpu.memory_space<vmem_shared>> -> memref<640x128xf32, #tpu.memory_space<vmem_shared>>
        tpu.wait_dma2 semaphore(%run_scoped3A : memref<!tpu.dma_semaphore, #tpu.memory_space<semaphore_mem>>) src(%dma_wait3A_458 : memref<640x128xf32, #tpu.memory_space<vmem_shared>>) dst(%dma_wait3A_456 : memref<640x128xf32, #tpu.memory_space<hbm>>)
        tpu.yield
      }) : () -> ()
      %mul3A_444 = arith.constant 640 : i32
      %mul3A_445 = arith.muli %arg1, %mul3A_444 : i32
      %mul3A_446 = arith.constant 10000 : i32
      %mul3A_447 = arith.muli %arg0, %mul3A_446 : i32
      %mul3A_448 = arith.constant 640 : i32
      %mul3A_449 = arith.muli %arg1, %mul3A_448 : i32
      %add3A_450 = arith.addi %mul3A_447, %mul3A_449 : i32
      "tpu.region"() ({
        %run_scoped3A = tpu.sem_alloc : memref<!tpu.dma_semaphore, #tpu.memory_space<semaphore_mem>>
        %dma_start3A_451 = arith.constant 0 : i32
        %dma_start3A_452 = tpu.memref_slice %arg8[%add3A_450, %dma_start3A_451] : memref<20000x16xf32, #tpu.memory_space<hbm>> -> memref<640x16xf32, #tpu.memory_space<hbm>>
        %dma_start3A_453 = arith.constant 0 : i32
        %dma_start3A_454 = tpu.memref_slice %arg17[%mul3A_445, %dma_start3A_453] : memref<10000x16xf32, #tpu.memory_space<vmem_shared>> -> memref<640x16xf32, #tpu.memory_space<vmem_shared>>
        tpu.enqueue_dma source(%dma_start3A_454 : memref<640x16xf32, #tpu.memory_space<vmem_shared>>) target(%dma_start3A_452 : memref<640x16xf32, #tpu.memory_space<hbm>>) target_semaphore(%run_scoped3A : memref<!tpu.dma_semaphore, #tpu.memory_space<semaphore_mem>>)
        %dma_wait3A_455 = arith.constant 0 : i32
        %dma_wait3A_456 = tpu.memref_slice %arg8[%add3A_450, %dma_wait3A_455] : memref<20000x16xf32, #tpu.memory_space<hbm>> -> memref<640x16xf32, #tpu.memory_space<hbm>>
        %dma_wait3A_457 = arith.constant 0 : i32
        %dma_wait3A_458 = tpu.memref_slice %arg17[%mul3A_445, %dma_wait3A_457] : memref<10000x16xf32, #tpu.memory_space<vmem_shared>> -> memref<640x16xf32, #tpu.memory_space<vmem_shared>>
        tpu.wait_dma2 semaphore(%run_scoped3A : memref<!tpu.dma_semaphore, #tpu.memory_space<semaphore_mem>>) src(%dma_wait3A_458 : memref<640x16xf32, #tpu.memory_space<vmem_shared>>) dst(%dma_wait3A_456 : memref<640x16xf32, #tpu.memory_space<hbm>>)
        tpu.yield
      }) : () -> ()
    } else {
    }
    %convert_element_type3A_434 = arith.extui %eq3A_1 : i1 to i32
    %cond3A_435 = arith.constant 0 : i32
    %cond3A_436 = arith.cmpi ne, %convert_element_type3A_434, %cond3A_435 : i32
    scf.if %cond3A_436 {
      %mul3A_437 = arith.constant 640 : i32
      %mul3A_438 = arith.muli %arg1, %mul3A_437 : i32
      %mul3A_439 = arith.constant 10000 : i32
      %mul3A_440 = arith.muli %arg0, %mul3A_439 : i32
      %mul3A_441 = arith.constant 640 : i32
      %mul3A_442 = arith.muli %arg1, %mul3A_441 : i32
      %add3A_443 = arith.addi %mul3A_440, %mul3A_442 : i32
      "tpu.region"() ({
        %run_scoped3A = tpu.sem_alloc : memref<!tpu.dma_semaphore, #tpu.memory_space<semaphore_mem>>
        %dma_start3A_451 = arith.constant 0 : i32
        %dma_start3A_452 = tpu.memref_slice %arg7[%add3A_443, %dma_start3A_451] : memref<20000x128xf32, #tpu.memory_space<hbm>> -> memref<400x128xf32, #tpu.memory_space<hbm>>
        %dma_start3A_453 = arith.constant 0 : i32
        %dma_start3A_454 = tpu.memref_slice %arg16[%mul3A_438, %dma_start3A_453] : memref<10000x128xf32, #tpu.memory_space<vmem_shared>> -> memref<400x128xf32, #tpu.memory_space<vmem_shared>>
        tpu.enqueue_dma source(%dma_start3A_454 : memref<400x128xf32, #tpu.memory_space<vmem_shared>>) target(%dma_start3A_452 : memref<400x128xf32, #tpu.memory_space<hbm>>) target_semaphore(%run_scoped3A : memref<!tpu.dma_semaphore, #tpu.memory_space<semaphore_mem>>)
        %dma_wait3A_455 = arith.constant 0 : i32
        %dma_wait3A_456 = tpu.memref_slice %arg7[%add3A_443, %dma_wait3A_455] : memref<20000x128xf32, #tpu.memory_space<hbm>> -> memref<400x128xf32, #tpu.memory_space<hbm>>
        %dma_wait3A_457 = arith.constant 0 : i32
        %dma_wait3A_458 = tpu.memref_slice %arg16[%mul3A_438, %dma_wait3A_457] : memref<10000x128xf32, #tpu.memory_space<vmem_shared>> -> memref<400x128xf32, #tpu.memory_space<vmem_shared>>
        tpu.wait_dma2 semaphore(%run_scoped3A : memref<!tpu.dma_semaphore, #tpu.memory_space<semaphore_mem>>) src(%dma_wait3A_458 : memref<400x128xf32, #tpu.memory_space<vmem_shared>>) dst(%dma_wait3A_456 : memref<400x128xf32, #tpu.memory_space<hbm>>)
        tpu.yield
      }) : () -> ()
      %mul3A_444 = arith.constant 640 : i32
      %mul3A_445 = arith.muli %arg1, %mul3A_444 : i32
      %mul3A_446 = arith.constant 10000 : i32
      %mul3A_447 = arith.muli %arg0, %mul3A_446 : i32
      %mul3A_448 = arith.constant 640 : i32
      %mul3A_449 = arith.muli %arg1, %mul3A_448 : i32
      %add3A_450 = arith.addi %mul3A_447, %mul3A_449 : i32
      "tpu.region"() ({
        %run_scoped3A = tpu.sem_alloc : memref<!tpu.dma_semaphore, #tpu.memory_space<semaphore_mem>>
        %dma_start3A_451 = arith.constant 0 : i32
        %dma_start3A_452 = tpu.memref_slice %arg8[%add3A_450, %dma_start3A_451] : memref<20000x16xf32, #tpu.memory_space<hbm>> -> memref<400x16xf32, #tpu.memory_space<hbm>>
        %dma_start3A_453 = arith.constant 0 : i32
        %dma_start3A_454 = tpu.memref_slice %arg17[%mul3A_445, %dma_start3A_453] : memref<10000x16xf32, #tpu.memory_space<vmem_shared>> -> memref<400x16xf32, #tpu.memory_space<vmem_shared>>
        tpu.enqueue_dma source(%dma_start3A_454 : memref<400x16xf32, #tpu.memory_space<vmem_shared>>) target(%dma_start3A_452 : memref<400x16xf32, #tpu.memory_space<hbm>>) target_semaphore(%run_scoped3A : memref<!tpu.dma_semaphore, #tpu.memory_space<semaphore_mem>>)
        %dma_wait3A_455 = arith.constant 0 : i32
        %dma_wait3A_456 = tpu.memref_slice %arg8[%add3A_450, %dma_wait3A_455] : memref<20000x16xf32, #tpu.memory_space<hbm>> -> memref<400x16xf32, #tpu.memory_space<hbm>>
        %dma_wait3A_457 = arith.constant 0 : i32
        %dma_wait3A_458 = tpu.memref_slice %arg17[%mul3A_445, %dma_wait3A_457] : memref<10000x16xf32, #tpu.memory_space<vmem_shared>> -> memref<400x16xf32, #tpu.memory_space<vmem_shared>>
        tpu.wait_dma2 semaphore(%run_scoped3A : memref<!tpu.dma_semaphore, #tpu.memory_space<semaphore_mem>>) src(%dma_wait3A_458 : memref<400x16xf32, #tpu.memory_space<vmem_shared>>) dst(%dma_wait3A_456 : memref<400x16xf32, #tpu.memory_space<hbm>>)
        tpu.yield
      }) : () -> ()
    } else {
    }
    return
  }
}

#map = affine_map<(d0, d1) -> (0, 0)>
module attributes {stable_mosaic.version = 14 : i64} {
  func.func @body(%arg0: i32, %arg1: i32, %arg2: memref<10000x128xf32, #tpu.memory_space<hbm>>, %arg3: memref<5120x125xi32, #tpu.memory_space<hbm>>, %arg4: memref<640x128xf32, #tpu.memory_space<hbm>>, %arg5: memref<20000x128xf32, #tpu.memory_space<hbm>>, %arg6: memref<2x125xi32, #tpu.memory_space<vmem>>, %arg7: memref<2x125xi32, #tpu.memory_space<vmem>>, %arg8: memref<2x125xi32, #tpu.memory_space<vmem>>, %arg9: memref<2x125xi32, #tpu.memory_space<vmem>>, %arg10: memref<125x128xf32, #tpu.memory_space<vmem>>, %arg11: memref<125x128xf32, #tpu.memory_space<vmem>>, %arg12: memref<10000x128xf32, #tpu.memory_space<vmem_shared>>, %arg13: memref<!tpu.dma_semaphore, #tpu.memory_space<semaphore_mem>>, %arg14: memref<!tpu.dma_semaphore, #tpu.memory_space<semaphore_mem>>, %arg15: memref<!tpu.dma_semaphore, #tpu.memory_space<semaphore_mem>>, %arg16: memref<!tpu.dma_semaphore, #tpu.memory_space<semaphore_mem>>, %arg17: memref<!tpu.dma_semaphore, #tpu.memory_space<semaphore_mem>>, %arg18: memref<!tpu.dma_semaphore, #tpu.memory_space<semaphore_mem>>, %arg19: memref<!tpu.dma_semaphore, #tpu.memory_space<semaphore_mem>>, %arg20: memref<!tpu.dma_semaphore, #tpu.memory_space<semaphore_mem>>, %arg21: memref<!tpu.dma_semaphore, #tpu.memory_space<semaphore_mem>>) attributes {dimension_semantics = [#tpu.dimension_semantics<core_parallel>, #tpu.dimension_semantics<subcore_parallel>], iteration_bounds = array<i64: 2, 16>, scalar_prefetch = 0 : i64, scratch_operands = 16 : i64, tpu.core_type = #tpu.core_type<sc_vector_subcore>, window_params = [{transform_indices = #map}, {transform_indices = #map}, {transform_indices = #map}, {transform_indices = #map}]} {
    %mul3A = arith.constant 2 : i32
    %mul3A_0 = arith.muli %arg1, %mul3A : i32
    %add3A = arith.addi %mul3A_0, %arg0 : i32
    %eq3A = arith.constant 15 : i32
    %eq3A_1 = arith.cmpi eq, %arg1, %eq3A : i32
    %not3A = arith.constant true
    %not3A_2 = arith.xori %eq3A_1, %not3A : i1
    %convert_element_type3A = arith.extui %not3A_2 : i1 to i32
    %cond3A = arith.constant 0 : i32
    %cond3A_3 = arith.cmpi ne, %convert_element_type3A, %cond3A : i32
    scf.if %cond3A_3 {
      %mul3A_381 = arith.constant 640 : i32
      %mul3A_382 = arith.muli %arg1, %mul3A_381 : i32
      %dma_start3A_383 = arith.constant 0 : i32
      %dma_start3A_384 = tpu.memref_slice %arg12[%mul3A_382, %dma_start3A_383] : memref<10000x128xf32, #tpu.memory_space<vmem_shared>> -> memref<640x128xf32, #tpu.memory_space<vmem_shared>>
      tpu.enqueue_dma source(%arg4 : memref<640x128xf32, #tpu.memory_space<hbm>>) target(%dma_start3A_384 : memref<640x128xf32, #tpu.memory_space<vmem_shared>>) target_semaphore(%arg21 : memref<!tpu.dma_semaphore, #tpu.memory_space<semaphore_mem>>)
    } else {
    }
    %convert_element_type3A_4 = arith.extui %eq3A_1 : i1 to i32
    %cond3A_5 = arith.constant 0 : i32
    %cond3A_6 = arith.cmpi ne, %convert_element_type3A_4, %cond3A_5 : i32
    scf.if %cond3A_6 {
      %mul3A_381 = arith.constant 640 : i32
      %mul3A_382 = arith.muli %arg1, %mul3A_381 : i32
      %dma_start3A_383 = arith.constant 0 : i32
      %dma_start3A_384 = tpu.memref_slice %arg12[%mul3A_382, %dma_start3A_383] : memref<10000x128xf32, #tpu.memory_space<vmem_shared>> -> memref<400x128xf32, #tpu.memory_space<vmem_shared>>
      %dma_start3A_385 = arith.constant 0 : i32
      %dma_start3A_386 = arith.constant 0 : i32
      %dma_start3A_387 = tpu.memref_slice %arg4[%dma_start3A_385, %dma_start3A_386] : memref<640x128xf32, #tpu.memory_space<hbm>> -> memref<400x128xf32, #tpu.memory_space<hbm>>
      tpu.enqueue_dma source(%dma_start3A_387 : memref<400x128xf32, #tpu.memory_space<hbm>>) target(%dma_start3A_384 : memref<400x128xf32, #tpu.memory_space<vmem_shared>>) target_semaphore(%arg21 : memref<!tpu.dma_semaphore, #tpu.memory_space<semaphore_mem>>)
    } else {
    }
    %mul3A_7 = arith.constant 80 : i32
    %mul3A_8 = arith.muli %add3A, %mul3A_7 : i32
    %add3A_9 = arith.constant 0 : i32
    %add3A_10 = arith.addi %mul3A_8, %add3A_9 : i32
    %dma_start3A = arith.constant 0 : i32
    %dma_start3A_11 = arith.constant 0 : i32
    %dma_start3A_12 = tpu.memref_slice %arg6[%dma_start3A, %dma_start3A_11] : memref<2x125xi32, #tpu.memory_space<vmem>> -> memref<1x125xi32, #tpu.memory_space<vmem>>
    %dma_start3A_13 = tpu.memref_squeeze %dma_start3A_12 : memref<1x125xi32, #tpu.memory_space<vmem>> -> memref<125xi32, #tpu.memory_space<vmem>>
    %dma_start3A_14 = arith.constant 0 : i32
    %dma_start3A_15 = tpu.memref_slice %arg3[%add3A_10, %dma_start3A_14] : memref<5120x125xi32, #tpu.memory_space<hbm>> -> memref<1x125xi32, #tpu.memory_space<hbm>>
    %dma_start3A_16 = tpu.memref_squeeze %dma_start3A_15 : memref<1x125xi32, #tpu.memory_space<hbm>> -> memref<125xi32, #tpu.memory_space<hbm>>
    %dma_start3A_17 = arith.constant 0 : i32
    %dma_start3A_18 = tpu.memref_slice %arg6[%dma_start3A, %dma_start3A_17] : memref<2x125xi32, #tpu.memory_space<vmem>> -> memref<1x125xi32, #tpu.memory_space<vmem>>
    %dma_start3A_19 = tpu.memref_squeeze %dma_start3A_18 : memref<1x125xi32, #tpu.memory_space<vmem>> -> memref<125xi32, #tpu.memory_space<vmem>>
    %dma_start3A_20 = arith.constant 0 : i32
    %dma_start3A_21 = tpu.memref_slice %arg3[%add3A_10, %dma_start3A_20] : memref<5120x125xi32, #tpu.memory_space<hbm>> -> memref<1x125xi32, #tpu.memory_space<hbm>>
    %dma_start3A_22 = tpu.memref_squeeze %dma_start3A_21 : memref<1x125xi32, #tpu.memory_space<hbm>> -> memref<125xi32, #tpu.memory_space<hbm>>
    tpu.enqueue_dma source(%dma_start3A_22 : memref<125xi32, #tpu.memory_space<hbm>>) target(%dma_start3A_19 : memref<125xi32, #tpu.memory_space<vmem>>) target_semaphore(%arg13 : memref<!tpu.dma_semaphore, #tpu.memory_space<semaphore_mem>>)
    %add3A_23 = arith.constant 2560 : i32
    %add3A_24 = arith.addi %add3A_23, %mul3A_8 : i32
    %add3A_25 = arith.constant 0 : i32
    %add3A_26 = arith.addi %add3A_24, %add3A_25 : i32
    %dma_start3A_27 = arith.constant 1 : i32
    %dma_start3A_28 = arith.constant 0 : i32
    %dma_start3A_29 = tpu.memref_slice %arg6[%dma_start3A_27, %dma_start3A_28] : memref<2x125xi32, #tpu.memory_space<vmem>> -> memref<1x125xi32, #tpu.memory_space<vmem>>
    %dma_start3A_30 = tpu.memref_squeeze %dma_start3A_29 : memref<1x125xi32, #tpu.memory_space<vmem>> -> memref<125xi32, #tpu.memory_space<vmem>>
    %dma_start3A_31 = arith.constant 0 : i32
    %dma_start3A_32 = tpu.memref_slice %arg3[%add3A_26, %dma_start3A_31] : memref<5120x125xi32, #tpu.memory_space<hbm>> -> memref<1x125xi32, #tpu.memory_space<hbm>>
    %dma_start3A_33 = tpu.memref_squeeze %dma_start3A_32 : memref<1x125xi32, #tpu.memory_space<hbm>> -> memref<125xi32, #tpu.memory_space<hbm>>
    %dma_start3A_34 = arith.constant 0 : i32
    %dma_start3A_35 = tpu.memref_slice %arg6[%dma_start3A_27, %dma_start3A_34] : memref<2x125xi32, #tpu.memory_space<vmem>> -> memref<1x125xi32, #tpu.memory_space<vmem>>
    %dma_start3A_36 = tpu.memref_squeeze %dma_start3A_35 : memref<1x125xi32, #tpu.memory_space<vmem>> -> memref<125xi32, #tpu.memory_space<vmem>>
    %dma_start3A_37 = arith.constant 0 : i32
    %dma_start3A_38 = tpu.memref_slice %arg3[%add3A_26, %dma_start3A_37] : memref<5120x125xi32, #tpu.memory_space<hbm>> -> memref<1x125xi32, #tpu.memory_space<hbm>>
    %dma_start3A_39 = tpu.memref_squeeze %dma_start3A_38 : memref<1x125xi32, #tpu.memory_space<hbm>> -> memref<125xi32, #tpu.memory_space<hbm>>
    tpu.enqueue_dma source(%dma_start3A_39 : memref<125xi32, #tpu.memory_space<hbm>>) target(%dma_start3A_36 : memref<125xi32, #tpu.memory_space<vmem>>) target_semaphore(%arg13 : memref<!tpu.dma_semaphore, #tpu.memory_space<semaphore_mem>>)
    %add3A_40 = arith.constant 1 : i32
    %add3A_41 = arith.addi %mul3A_8, %add3A_40 : i32
    %dma_start3A_42 = arith.constant 0 : i32
    %dma_start3A_43 = arith.constant 0 : i32
    %dma_start3A_44 = tpu.memref_slice %arg7[%dma_start3A_42, %dma_start3A_43] : memref<2x125xi32, #tpu.memory_space<vmem>> -> memref<1x125xi32, #tpu.memory_space<vmem>>
    %dma_start3A_45 = tpu.memref_squeeze %dma_start3A_44 : memref<1x125xi32, #tpu.memory_space<vmem>> -> memref<125xi32, #tpu.memory_space<vmem>>
    %dma_start3A_46 = arith.constant 0 : i32
    %dma_start3A_47 = tpu.memref_slice %arg3[%add3A_41, %dma_start3A_46] : memref<5120x125xi32, #tpu.memory_space<hbm>> -> memref<1x125xi32, #tpu.memory_space<hbm>>
    %dma_start3A_48 = tpu.memref_squeeze %dma_start3A_47 : memref<1x125xi32, #tpu.memory_space<hbm>> -> memref<125xi32, #tpu.memory_space<hbm>>
    %dma_start3A_49 = arith.constant 0 : i32
    %dma_start3A_50 = tpu.memref_slice %arg7[%dma_start3A_42, %dma_start3A_49] : memref<2x125xi32, #tpu.memory_space<vmem>> -> memref<1x125xi32, #tpu.memory_space<vmem>>
    %dma_start3A_51 = tpu.memref_squeeze %dma_start3A_50 : memref<1x125xi32, #tpu.memory_space<vmem>> -> memref<125xi32, #tpu.memory_space<vmem>>
    %dma_start3A_52 = arith.constant 0 : i32
    %dma_start3A_53 = tpu.memref_slice %arg3[%add3A_41, %dma_start3A_52] : memref<5120x125xi32, #tpu.memory_space<hbm>> -> memref<1x125xi32, #tpu.memory_space<hbm>>
    %dma_start3A_54 = tpu.memref_squeeze %dma_start3A_53 : memref<1x125xi32, #tpu.memory_space<hbm>> -> memref<125xi32, #tpu.memory_space<hbm>>
    tpu.enqueue_dma source(%dma_start3A_54 : memref<125xi32, #tpu.memory_space<hbm>>) target(%dma_start3A_51 : memref<125xi32, #tpu.memory_space<vmem>>) target_semaphore(%arg14 : memref<!tpu.dma_semaphore, #tpu.memory_space<semaphore_mem>>)
    %add3A_55 = arith.constant 2560 : i32
    %add3A_56 = arith.addi %add3A_55, %mul3A_8 : i32
    %add3A_57 = arith.constant 1 : i32
    %add3A_58 = arith.addi %add3A_56, %add3A_57 : i32
    %dma_start3A_59 = arith.constant 1 : i32
    %dma_start3A_60 = arith.constant 0 : i32
    %dma_start3A_61 = tpu.memref_slice %arg7[%dma_start3A_59, %dma_start3A_60] : memref<2x125xi32, #tpu.memory_space<vmem>> -> memref<1x125xi32, #tpu.memory_space<vmem>>
    %dma_start3A_62 = tpu.memref_squeeze %dma_start3A_61 : memref<1x125xi32, #tpu.memory_space<vmem>> -> memref<125xi32, #tpu.memory_space<vmem>>
    %dma_start3A_63 = arith.constant 0 : i32
    %dma_start3A_64 = tpu.memref_slice %arg3[%add3A_58, %dma_start3A_63] : memref<5120x125xi32, #tpu.memory_space<hbm>> -> memref<1x125xi32, #tpu.memory_space<hbm>>
    %dma_start3A_65 = tpu.memref_squeeze %dma_start3A_64 : memref<1x125xi32, #tpu.memory_space<hbm>> -> memref<125xi32, #tpu.memory_space<hbm>>
    %dma_start3A_66 = arith.constant 0 : i32
    %dma_start3A_67 = tpu.memref_slice %arg7[%dma_start3A_59, %dma_start3A_66] : memref<2x125xi32, #tpu.memory_space<vmem>> -> memref<1x125xi32, #tpu.memory_space<vmem>>
    %dma_start3A_68 = tpu.memref_squeeze %dma_start3A_67 : memref<1x125xi32, #tpu.memory_space<vmem>> -> memref<125xi32, #tpu.memory_space<vmem>>
    %dma_start3A_69 = arith.constant 0 : i32
    %dma_start3A_70 = tpu.memref_slice %arg3[%add3A_58, %dma_start3A_69] : memref<5120x125xi32, #tpu.memory_space<hbm>> -> memref<1x125xi32, #tpu.memory_space<hbm>>
    %dma_start3A_71 = tpu.memref_squeeze %dma_start3A_70 : memref<1x125xi32, #tpu.memory_space<hbm>> -> memref<125xi32, #tpu.memory_space<hbm>>
    tpu.enqueue_dma source(%dma_start3A_71 : memref<125xi32, #tpu.memory_space<hbm>>) target(%dma_start3A_68 : memref<125xi32, #tpu.memory_space<vmem>>) target_semaphore(%arg14 : memref<!tpu.dma_semaphore, #tpu.memory_space<semaphore_mem>>)
    %add3A_72 = arith.constant 2 : i32
    %add3A_73 = arith.addi %mul3A_8, %add3A_72 : i32
    %dma_start3A_74 = arith.constant 0 : i32
    %dma_start3A_75 = arith.constant 0 : i32
    %dma_start3A_76 = tpu.memref_slice %arg8[%dma_start3A_74, %dma_start3A_75] : memref<2x125xi32, #tpu.memory_space<vmem>> -> memref<1x125xi32, #tpu.memory_space<vmem>>
    %dma_start3A_77 = tpu.memref_squeeze %dma_start3A_76 : memref<1x125xi32, #tpu.memory_space<vmem>> -> memref<125xi32, #tpu.memory_space<vmem>>
    %dma_start3A_78 = arith.constant 0 : i32
    %dma_start3A_79 = tpu.memref_slice %arg3[%add3A_73, %dma_start3A_78] : memref<5120x125xi32, #tpu.memory_space<hbm>> -> memref<1x125xi32, #tpu.memory_space<hbm>>
    %dma_start3A_80 = tpu.memref_squeeze %dma_start3A_79 : memref<1x125xi32, #tpu.memory_space<hbm>> -> memref<125xi32, #tpu.memory_space<hbm>>
    %dma_start3A_81 = arith.constant 0 : i32
    %dma_start3A_82 = tpu.memref_slice %arg8[%dma_start3A_74, %dma_start3A_81] : memref<2x125xi32, #tpu.memory_space<vmem>> -> memref<1x125xi32, #tpu.memory_space<vmem>>
    %dma_start3A_83 = tpu.memref_squeeze %dma_start3A_82 : memref<1x125xi32, #tpu.memory_space<vmem>> -> memref<125xi32, #tpu.memory_space<vmem>>
    %dma_start3A_84 = arith.constant 0 : i32
    %dma_start3A_85 = tpu.memref_slice %arg3[%add3A_73, %dma_start3A_84] : memref<5120x125xi32, #tpu.memory_space<hbm>> -> memref<1x125xi32, #tpu.memory_space<hbm>>
    %dma_start3A_86 = tpu.memref_squeeze %dma_start3A_85 : memref<1x125xi32, #tpu.memory_space<hbm>> -> memref<125xi32, #tpu.memory_space<hbm>>
    tpu.enqueue_dma source(%dma_start3A_86 : memref<125xi32, #tpu.memory_space<hbm>>) target(%dma_start3A_83 : memref<125xi32, #tpu.memory_space<vmem>>) target_semaphore(%arg15 : memref<!tpu.dma_semaphore, #tpu.memory_space<semaphore_mem>>)
    %add3A_87 = arith.constant 2560 : i32
    %add3A_88 = arith.addi %add3A_87, %mul3A_8 : i32
    %add3A_89 = arith.constant 2 : i32
    %add3A_90 = arith.addi %add3A_88, %add3A_89 : i32
    %dma_start3A_91 = arith.constant 1 : i32
    %dma_start3A_92 = arith.constant 0 : i32
    %dma_start3A_93 = tpu.memref_slice %arg8[%dma_start3A_91, %dma_start3A_92] : memref<2x125xi32, #tpu.memory_space<vmem>> -> memref<1x125xi32, #tpu.memory_space<vmem>>
    %dma_start3A_94 = tpu.memref_squeeze %dma_start3A_93 : memref<1x125xi32, #tpu.memory_space<vmem>> -> memref<125xi32, #tpu.memory_space<vmem>>
    %dma_start3A_95 = arith.constant 0 : i32
    %dma_start3A_96 = tpu.memref_slice %arg3[%add3A_90, %dma_start3A_95] : memref<5120x125xi32, #tpu.memory_space<hbm>> -> memref<1x125xi32, #tpu.memory_space<hbm>>
    %dma_start3A_97 = tpu.memref_squeeze %dma_start3A_96 : memref<1x125xi32, #tpu.memory_space<hbm>> -> memref<125xi32, #tpu.memory_space<hbm>>
    %dma_start3A_98 = arith.constant 0 : i32
    %dma_start3A_99 = tpu.memref_slice %arg8[%dma_start3A_91, %dma_start3A_98] : memref<2x125xi32, #tpu.memory_space<vmem>> -> memref<1x125xi32, #tpu.memory_space<vmem>>
    %dma_start3A_100 = tpu.memref_squeeze %dma_start3A_99 : memref<1x125xi32, #tpu.memory_space<vmem>> -> memref<125xi32, #tpu.memory_space<vmem>>
    %dma_start3A_101 = arith.constant 0 : i32
    %dma_start3A_102 = tpu.memref_slice %arg3[%add3A_90, %dma_start3A_101] : memref<5120x125xi32, #tpu.memory_space<hbm>> -> memref<1x125xi32, #tpu.memory_space<hbm>>
    %dma_start3A_103 = tpu.memref_squeeze %dma_start3A_102 : memref<1x125xi32, #tpu.memory_space<hbm>> -> memref<125xi32, #tpu.memory_space<hbm>>
    tpu.enqueue_dma source(%dma_start3A_103 : memref<125xi32, #tpu.memory_space<hbm>>) target(%dma_start3A_100 : memref<125xi32, #tpu.memory_space<vmem>>) target_semaphore(%arg15 : memref<!tpu.dma_semaphore, #tpu.memory_space<semaphore_mem>>)
    %add3A_104 = arith.constant 3 : i32
    %add3A_105 = arith.addi %mul3A_8, %add3A_104 : i32
    %dma_start3A_106 = arith.constant 0 : i32
    %dma_start3A_107 = arith.constant 0 : i32
    %dma_start3A_108 = tpu.memref_slice %arg9[%dma_start3A_106, %dma_start3A_107] : memref<2x125xi32, #tpu.memory_space<vmem>> -> memref<1x125xi32, #tpu.memory_space<vmem>>
    %dma_start3A_109 = tpu.memref_squeeze %dma_start3A_108 : memref<1x125xi32, #tpu.memory_space<vmem>> -> memref<125xi32, #tpu.memory_space<vmem>>
    %dma_start3A_110 = arith.constant 0 : i32
    %dma_start3A_111 = tpu.memref_slice %arg3[%add3A_105, %dma_start3A_110] : memref<5120x125xi32, #tpu.memory_space<hbm>> -> memref<1x125xi32, #tpu.memory_space<hbm>>
    %dma_start3A_112 = tpu.memref_squeeze %dma_start3A_111 : memref<1x125xi32, #tpu.memory_space<hbm>> -> memref<125xi32, #tpu.memory_space<hbm>>
    %dma_start3A_113 = arith.constant 0 : i32
    %dma_start3A_114 = tpu.memref_slice %arg9[%dma_start3A_106, %dma_start3A_113] : memref<2x125xi32, #tpu.memory_space<vmem>> -> memref<1x125xi32, #tpu.memory_space<vmem>>
    %dma_start3A_115 = tpu.memref_squeeze %dma_start3A_114 : memref<1x125xi32, #tpu.memory_space<vmem>> -> memref<125xi32, #tpu.memory_space<vmem>>
    %dma_start3A_116 = arith.constant 0 : i32
    %dma_start3A_117 = tpu.memref_slice %arg3[%add3A_105, %dma_start3A_116] : memref<5120x125xi32, #tpu.memory_space<hbm>> -> memref<1x125xi32, #tpu.memory_space<hbm>>
    %dma_start3A_118 = tpu.memref_squeeze %dma_start3A_117 : memref<1x125xi32, #tpu.memory_space<hbm>> -> memref<125xi32, #tpu.memory_space<hbm>>
    tpu.enqueue_dma source(%dma_start3A_118 : memref<125xi32, #tpu.memory_space<hbm>>) target(%dma_start3A_115 : memref<125xi32, #tpu.memory_space<vmem>>) target_semaphore(%arg16 : memref<!tpu.dma_semaphore, #tpu.memory_space<semaphore_mem>>)
    %add3A_119 = arith.constant 2560 : i32
    %add3A_120 = arith.addi %add3A_119, %mul3A_8 : i32
    %add3A_121 = arith.constant 3 : i32
    %add3A_122 = arith.addi %add3A_120, %add3A_121 : i32
    %dma_start3A_123 = arith.constant 1 : i32
    %dma_start3A_124 = arith.constant 0 : i32
    %dma_start3A_125 = tpu.memref_slice %arg9[%dma_start3A_123, %dma_start3A_124] : memref<2x125xi32, #tpu.memory_space<vmem>> -> memref<1x125xi32, #tpu.memory_space<vmem>>
    %dma_start3A_126 = tpu.memref_squeeze %dma_start3A_125 : memref<1x125xi32, #tpu.memory_space<vmem>> -> memref<125xi32, #tpu.memory_space<vmem>>
    %dma_start3A_127 = arith.constant 0 : i32
    %dma_start3A_128 = tpu.memref_slice %arg3[%add3A_122, %dma_start3A_127] : memref<5120x125xi32, #tpu.memory_space<hbm>> -> memref<1x125xi32, #tpu.memory_space<hbm>>
    %dma_start3A_129 = tpu.memref_squeeze %dma_start3A_128 : memref<1x125xi32, #tpu.memory_space<hbm>> -> memref<125xi32, #tpu.memory_space<hbm>>
    %dma_start3A_130 = arith.constant 0 : i32
    %dma_start3A_131 = tpu.memref_slice %arg9[%dma_start3A_123, %dma_start3A_130] : memref<2x125xi32, #tpu.memory_space<vmem>> -> memref<1x125xi32, #tpu.memory_space<vmem>>
    %dma_start3A_132 = tpu.memref_squeeze %dma_start3A_131 : memref<1x125xi32, #tpu.memory_space<vmem>> -> memref<125xi32, #tpu.memory_space<vmem>>
    %dma_start3A_133 = arith.constant 0 : i32
    %dma_start3A_134 = tpu.memref_slice %arg3[%add3A_122, %dma_start3A_133] : memref<5120x125xi32, #tpu.memory_space<hbm>> -> memref<1x125xi32, #tpu.memory_space<hbm>>
    %dma_start3A_135 = tpu.memref_squeeze %dma_start3A_134 : memref<1x125xi32, #tpu.memory_space<hbm>> -> memref<125xi32, #tpu.memory_space<hbm>>
    tpu.enqueue_dma source(%dma_start3A_135 : memref<125xi32, #tpu.memory_space<hbm>>) target(%dma_start3A_132 : memref<125xi32, #tpu.memory_space<vmem>>) target_semaphore(%arg16 : memref<!tpu.dma_semaphore, #tpu.memory_space<semaphore_mem>>)
    %dma_wait3A = arith.constant 0 : i32
    %dma_wait3A_136 = arith.constant 0 : i32
    %dma_wait3A_137 = arith.constant 0 : i32
    %dma_wait3A_138 = tpu.memref_slice %arg6[%dma_wait3A_136, %dma_wait3A_137] : memref<2x125xi32, #tpu.memory_space<vmem>> -> memref<1x125xi32, #tpu.memory_space<vmem>>
    %dma_wait3A_139 = tpu.memref_squeeze %dma_wait3A_138 : memref<1x125xi32, #tpu.memory_space<vmem>> -> memref<125xi32, #tpu.memory_space<vmem>>
    %dma_wait3A_140 = arith.constant 0 : i32
    %dma_wait3A_141 = tpu.memref_slice %arg3[%dma_wait3A, %dma_wait3A_140] : memref<5120x125xi32, #tpu.memory_space<hbm>> -> memref<1x125xi32, #tpu.memory_space<hbm>>
    %dma_wait3A_142 = tpu.memref_squeeze %dma_wait3A_141 : memref<1x125xi32, #tpu.memory_space<hbm>> -> memref<125xi32, #tpu.memory_space<hbm>>
    %dma_wait3A_143 = arith.constant 0 : i32
    %dma_wait3A_144 = tpu.memref_slice %arg6[%dma_wait3A_136, %dma_wait3A_143] : memref<2x125xi32, #tpu.memory_space<vmem>> -> memref<1x125xi32, #tpu.memory_space<vmem>>
    %dma_wait3A_145 = tpu.memref_squeeze %dma_wait3A_144 : memref<1x125xi32, #tpu.memory_space<vmem>> -> memref<125xi32, #tpu.memory_space<vmem>>
    %dma_wait3A_146 = arith.constant 0 : i32
    %dma_wait3A_147 = tpu.memref_slice %arg3[%dma_wait3A, %dma_wait3A_146] : memref<5120x125xi32, #tpu.memory_space<hbm>> -> memref<1x125xi32, #tpu.memory_space<hbm>>
    %dma_wait3A_148 = tpu.memref_squeeze %dma_wait3A_147 : memref<1x125xi32, #tpu.memory_space<hbm>> -> memref<125xi32, #tpu.memory_space<hbm>>
    tpu.wait_dma2 semaphore(%arg13 : memref<!tpu.dma_semaphore, #tpu.memory_space<semaphore_mem>>) src(%dma_wait3A_148 : memref<125xi32, #tpu.memory_space<hbm>>) dst(%dma_wait3A_145 : memref<125xi32, #tpu.memory_space<vmem>>)
    %dma_wait3A_149 = arith.constant 0 : i32
    %dma_wait3A_150 = arith.constant 1 : i32
    %dma_wait3A_151 = arith.constant 0 : i32
    %dma_wait3A_152 = tpu.memref_slice %arg6[%dma_wait3A_150, %dma_wait3A_151] : memref<2x125xi32, #tpu.memory_space<vmem>> -> memref<1x125xi32, #tpu.memory_space<vmem>>
    %dma_wait3A_153 = tpu.memref_squeeze %dma_wait3A_152 : memref<1x125xi32, #tpu.memory_space<vmem>> -> memref<125xi32, #tpu.memory_space<vmem>>
    %dma_wait3A_154 = arith.constant 0 : i32
    %dma_wait3A_155 = tpu.memref_slice %arg3[%dma_wait3A_149, %dma_wait3A_154] : memref<5120x125xi32, #tpu.memory_space<hbm>> -> memref<1x125xi32, #tpu.memory_space<hbm>>
    %dma_wait3A_156 = tpu.memref_squeeze %dma_wait3A_155 : memref<1x125xi32, #tpu.memory_space<hbm>> -> memref<125xi32, #tpu.memory_space<hbm>>
    %dma_wait3A_157 = arith.constant 0 : i32
    %dma_wait3A_158 = tpu.memref_slice %arg6[%dma_wait3A_150, %dma_wait3A_157] : memref<2x125xi32, #tpu.memory_space<vmem>> -> memref<1x125xi32, #tpu.memory_space<vmem>>
    %dma_wait3A_159 = tpu.memref_squeeze %dma_wait3A_158 : memref<1x125xi32, #tpu.memory_space<vmem>> -> memref<125xi32, #tpu.memory_space<vmem>>
    %dma_wait3A_160 = arith.constant 0 : i32
    %dma_wait3A_161 = tpu.memref_slice %arg3[%dma_wait3A_149, %dma_wait3A_160] : memref<5120x125xi32, #tpu.memory_space<hbm>> -> memref<1x125xi32, #tpu.memory_space<hbm>>
    %dma_wait3A_162 = tpu.memref_squeeze %dma_wait3A_161 : memref<1x125xi32, #tpu.memory_space<hbm>> -> memref<125xi32, #tpu.memory_space<hbm>>
    tpu.wait_dma2 semaphore(%arg13 : memref<!tpu.dma_semaphore, #tpu.memory_space<semaphore_mem>>) src(%dma_wait3A_162 : memref<125xi32, #tpu.memory_space<hbm>>) dst(%dma_wait3A_159 : memref<125xi32, #tpu.memory_space<vmem>>)
    %dma_start3A_163 = arith.constant 0 : i32
    %dma_start3A_164 = arith.constant 0 : i32
    %dma_start3A_165 = tpu.memref_slice %arg6[%dma_start3A_163, %dma_start3A_164] : memref<2x125xi32, #tpu.memory_space<vmem>> -> memref<1x125xi32, #tpu.memory_space<vmem>>
    %dma_start3A_166 = tpu.memref_squeeze %dma_start3A_165 : memref<1x125xi32, #tpu.memory_space<vmem>> -> memref<125xi32, #tpu.memory_space<vmem>>
    %dma_start3A_167 = arith.constant 0 : i32
    %dma_start3A_168 = arith.constant 0 : i32
    %dma_start3A_169 = tpu.memref_slice %arg2[%dma_start3A_167, %dma_start3A_168] : memref<10000x128xf32, #tpu.memory_space<hbm>> -> memref<10000x128xf32, #tpu.memory_space<hbm>>
    tpu.enqueue_indirect_dma source(%dma_start3A_169 : memref<10000x128xf32, #tpu.memory_space<hbm>>) target(%arg10 : memref<125x128xf32, #tpu.memory_space<vmem>>) offsets(%dma_start3A_166 : memref<125xi32, #tpu.memory_space<vmem>>) semaphore(%arg17 : memref<!tpu.dma_semaphore, #tpu.memory_space<semaphore_mem>>)
    %dma_wait3A_170 = arith.constant 0 : i32
    %dma_wait3A_171 = arith.constant 0 : i32
    %dma_wait3A_172 = arith.constant 0 : i32
    %dma_wait3A_173 = tpu.memref_slice %arg7[%dma_wait3A_171, %dma_wait3A_172] : memref<2x125xi32, #tpu.memory_space<vmem>> -> memref<1x125xi32, #tpu.memory_space<vmem>>
    %dma_wait3A_174 = tpu.memref_squeeze %dma_wait3A_173 : memref<1x125xi32, #tpu.memory_space<vmem>> -> memref<125xi32, #tpu.memory_space<vmem>>
    %dma_wait3A_175 = arith.constant 0 : i32
    %dma_wait3A_176 = tpu.memref_slice %arg3[%dma_wait3A_170, %dma_wait3A_175] : memref<5120x125xi32, #tpu.memory_space<hbm>> -> memref<1x125xi32, #tpu.memory_space<hbm>>
    %dma_wait3A_177 = tpu.memref_squeeze %dma_wait3A_176 : memref<1x125xi32, #tpu.memory_space<hbm>> -> memref<125xi32, #tpu.memory_space<hbm>>
    %dma_wait3A_178 = arith.constant 0 : i32
    %dma_wait3A_179 = tpu.memref_slice %arg7[%dma_wait3A_171, %dma_wait3A_178] : memref<2x125xi32, #tpu.memory_space<vmem>> -> memref<1x125xi32, #tpu.memory_space<vmem>>
    %dma_wait3A_180 = tpu.memref_squeeze %dma_wait3A_179 : memref<1x125xi32, #tpu.memory_space<vmem>> -> memref<125xi32, #tpu.memory_space<vmem>>
    %dma_wait3A_181 = arith.constant 0 : i32
    %dma_wait3A_182 = tpu.memref_slice %arg3[%dma_wait3A_170, %dma_wait3A_181] : memref<5120x125xi32, #tpu.memory_space<hbm>> -> memref<1x125xi32, #tpu.memory_space<hbm>>
    %dma_wait3A_183 = tpu.memref_squeeze %dma_wait3A_182 : memref<1x125xi32, #tpu.memory_space<hbm>> -> memref<125xi32, #tpu.memory_space<hbm>>
    tpu.wait_dma2 semaphore(%arg14 : memref<!tpu.dma_semaphore, #tpu.memory_space<semaphore_mem>>) src(%dma_wait3A_183 : memref<125xi32, #tpu.memory_space<hbm>>) dst(%dma_wait3A_180 : memref<125xi32, #tpu.memory_space<vmem>>)
    %dma_wait3A_184 = arith.constant 0 : i32
    %dma_wait3A_185 = arith.constant 1 : i32
    %dma_wait3A_186 = arith.constant 0 : i32
    %dma_wait3A_187 = tpu.memref_slice %arg7[%dma_wait3A_185, %dma_wait3A_186] : memref<2x125xi32, #tpu.memory_space<vmem>> -> memref<1x125xi32, #tpu.memory_space<vmem>>
    %dma_wait3A_188 = tpu.memref_squeeze %dma_wait3A_187 : memref<1x125xi32, #tpu.memory_space<vmem>> -> memref<125xi32, #tpu.memory_space<vmem>>
    %dma_wait3A_189 = arith.constant 0 : i32
    %dma_wait3A_190 = tpu.memref_slice %arg3[%dma_wait3A_184, %dma_wait3A_189] : memref<5120x125xi32, #tpu.memory_space<hbm>> -> memref<1x125xi32, #tpu.memory_space<hbm>>
    %dma_wait3A_191 = tpu.memref_squeeze %dma_wait3A_190 : memref<1x125xi32, #tpu.memory_space<hbm>> -> memref<125xi32, #tpu.memory_space<hbm>>
    %dma_wait3A_192 = arith.constant 0 : i32
    %dma_wait3A_193 = tpu.memref_slice %arg7[%dma_wait3A_185, %dma_wait3A_192] : memref<2x125xi32, #tpu.memory_space<vmem>> -> memref<1x125xi32, #tpu.memory_space<vmem>>
    %dma_wait3A_194 = tpu.memref_squeeze %dma_wait3A_193 : memref<1x125xi32, #tpu.memory_space<vmem>> -> memref<125xi32, #tpu.memory_space<vmem>>
    %dma_wait3A_195 = arith.constant 0 : i32
    %dma_wait3A_196 = tpu.memref_slice %arg3[%dma_wait3A_184, %dma_wait3A_195] : memref<5120x125xi32, #tpu.memory_space<hbm>> -> memref<1x125xi32, #tpu.memory_space<hbm>>
    %dma_wait3A_197 = tpu.memref_squeeze %dma_wait3A_196 : memref<1x125xi32, #tpu.memory_space<hbm>> -> memref<125xi32, #tpu.memory_space<hbm>>
    tpu.wait_dma2 semaphore(%arg14 : memref<!tpu.dma_semaphore, #tpu.memory_space<semaphore_mem>>) src(%dma_wait3A_197 : memref<125xi32, #tpu.memory_space<hbm>>) dst(%dma_wait3A_194 : memref<125xi32, #tpu.memory_space<vmem>>)
    %dma_start3A_198 = arith.constant 0 : i32
    %dma_start3A_199 = arith.constant 0 : i32
    %dma_start3A_200 = tpu.memref_slice %arg7[%dma_start3A_198, %dma_start3A_199] : memref<2x125xi32, #tpu.memory_space<vmem>> -> memref<1x125xi32, #tpu.memory_space<vmem>>
    %dma_start3A_201 = tpu.memref_squeeze %dma_start3A_200 : memref<1x125xi32, #tpu.memory_space<vmem>> -> memref<125xi32, #tpu.memory_space<vmem>>
    %dma_start3A_202 = arith.constant 0 : i32
    %dma_start3A_203 = arith.constant 0 : i32
    %dma_start3A_204 = tpu.memref_slice %arg2[%dma_start3A_202, %dma_start3A_203] : memref<10000x128xf32, #tpu.memory_space<hbm>> -> memref<10000x128xf32, #tpu.memory_space<hbm>>
    tpu.enqueue_indirect_dma source(%dma_start3A_204 : memref<10000x128xf32, #tpu.memory_space<hbm>>) target(%arg11 : memref<125x128xf32, #tpu.memory_space<vmem>>) offsets(%dma_start3A_201 : memref<125xi32, #tpu.memory_space<vmem>>) semaphore(%arg18 : memref<!tpu.dma_semaphore, #tpu.memory_space<semaphore_mem>>)
    %not3A_205 = arith.constant true
    %not3A_206 = arith.xori %eq3A_1, %not3A_205 : i1
    %convert_element_type3A_207 = arith.extui %not3A_206 : i1 to i32
    %cond3A_208 = arith.constant 0 : i32
    %cond3A_209 = arith.cmpi ne, %convert_element_type3A_207, %cond3A_208 : i32
    scf.if %cond3A_209 {
      %mul3A_381 = arith.constant 640 : i32
      %mul3A_382 = arith.muli %arg1, %mul3A_381 : i32
      %dma_wait3A_383 = arith.constant 0 : i32
      %dma_wait3A_384 = tpu.memref_slice %arg12[%mul3A_382, %dma_wait3A_383] : memref<10000x128xf32, #tpu.memory_space<vmem_shared>> -> memref<640x128xf32, #tpu.memory_space<vmem_shared>>
      tpu.wait_dma2 semaphore(%arg21 : memref<!tpu.dma_semaphore, #tpu.memory_space<semaphore_mem>>) src(%arg4 : memref<640x128xf32, #tpu.memory_space<hbm>>) dst(%dma_wait3A_384 : memref<640x128xf32, #tpu.memory_space<vmem_shared>>)
    } else {
    }
    %convert_element_type3A_210 = arith.extui %eq3A_1 : i1 to i32
    %cond3A_211 = arith.constant 0 : i32
    %cond3A_212 = arith.cmpi ne, %convert_element_type3A_210, %cond3A_211 : i32
    scf.if %cond3A_212 {
      %mul3A_381 = arith.constant 640 : i32
      %mul3A_382 = arith.muli %arg1, %mul3A_381 : i32
      %dma_wait3A_383 = arith.constant 0 : i32
      %dma_wait3A_384 = tpu.memref_slice %arg12[%mul3A_382, %dma_wait3A_383] : memref<10000x128xf32, #tpu.memory_space<vmem_shared>> -> memref<400x128xf32, #tpu.memory_space<vmem_shared>>
      %dma_wait3A_385 = arith.constant 0 : i32
      %dma_wait3A_386 = arith.constant 0 : i32
      %dma_wait3A_387 = tpu.memref_slice %arg4[%dma_wait3A_385, %dma_wait3A_386] : memref<640x128xf32, #tpu.memory_space<hbm>> -> memref<400x128xf32, #tpu.memory_space<hbm>>
      tpu.wait_dma2 semaphore(%arg21 : memref<!tpu.dma_semaphore, #tpu.memory_space<semaphore_mem>>) src(%dma_wait3A_387 : memref<400x128xf32, #tpu.memory_space<hbm>>) dst(%dma_wait3A_384 : memref<400x128xf32, #tpu.memory_space<vmem_shared>>)
    } else {
    }
    %barrier3A = arith.constant 0 : index
    tpu.barrier barrier_id(%barrier3A)
    %scan3A = arith.constant 0 : i32
    %scan3A_213 = arith.constant 0 : i32
    %scan3A_214 = arith.constant 19 : i32
    %scan3A_215 = arith.addi %scan3A_213, %scan3A_214 : i32
    %scan3A_216 = arith.constant 1 : i32
    scf.for %scan3A_381 = %scan3A_213 to %scan3A_215 step %scan3A_216  : i32 {
      %mul3A_382 = arith.constant 4 : i32
      %mul3A_383 = arith.muli %mul3A_382, %scan3A_381 : i32
      %add3A_384 = arith.constant 4 : i32
      %add3A_385 = arith.addi %mul3A_383, %add3A_384 : i32
      %dma_wait3A_386 = arith.constant 0 : i32
      %dma_wait3A_387 = arith.constant 0 : i32
      %dma_wait3A_388 = tpu.memref_slice %arg6[%dma_wait3A_386, %dma_wait3A_387] : memref<2x125xi32, #tpu.memory_space<vmem>> -> memref<1x125xi32, #tpu.memory_space<vmem>>
      %dma_wait3A_389 = tpu.memref_squeeze %dma_wait3A_388 : memref<1x125xi32, #tpu.memory_space<vmem>> -> memref<125xi32, #tpu.memory_space<vmem>>
      %dma_wait3A_390 = arith.constant 0 : i32
      %dma_wait3A_391 = arith.constant 0 : i32
      %dma_wait3A_392 = tpu.memref_slice %arg2[%dma_wait3A_390, %dma_wait3A_391] : memref<10000x128xf32, #tpu.memory_space<hbm>> -> memref<10000x128xf32, #tpu.memory_space<hbm>>
      tpu.wait_indirect_dma semaphore(%arg17 : memref<!tpu.dma_semaphore, #tpu.memory_space<semaphore_mem>>) src(%dma_wait3A_392 : memref<10000x128xf32, #tpu.memory_space<hbm>>) dst(%arg10 : memref<125x128xf32, #tpu.memory_space<vmem>>)
      %dma_start3A_393 = arith.constant 1 : i32
      %dma_start3A_394 = arith.constant 0 : i32
      %dma_start3A_395 = tpu.memref_slice %arg6[%dma_start3A_393, %dma_start3A_394] : memref<2x125xi32, #tpu.memory_space<vmem>> -> memref<1x125xi32, #tpu.memory_space<vmem>>
      %dma_start3A_396 = tpu.memref_squeeze %dma_start3A_395 : memref<1x125xi32, #tpu.memory_space<vmem>> -> memref<125xi32, #tpu.memory_space<vmem>>
      %dma_start3A_397 = arith.constant 0 : i32
      %dma_start3A_398 = arith.constant 0 : i32
      %dma_start3A_399 = tpu.memref_slice %arg12[%dma_start3A_397, %dma_start3A_398] : memref<10000x128xf32, #tpu.memory_space<vmem_shared>> -> memref<10000x128xf32, #tpu.memory_space<vmem_shared>>
      tpu.enqueue_indirect_dma source(%arg10 : memref<125x128xf32, #tpu.memory_space<vmem>>) target(%dma_start3A_399 : memref<10000x128xf32, #tpu.memory_space<vmem_shared>>) offsets(%dma_start3A_396 : memref<125xi32, #tpu.memory_space<vmem>>) semaphore(%arg19 : memref<!tpu.dma_semaphore, #tpu.memory_space<semaphore_mem>>) {add = true}
      %dma_wait3A_400 = arith.constant 1 : i32
      %dma_wait3A_401 = arith.constant 0 : i32
      %dma_wait3A_402 = tpu.memref_slice %arg6[%dma_wait3A_400, %dma_wait3A_401] : memref<2x125xi32, #tpu.memory_space<vmem>> -> memref<1x125xi32, #tpu.memory_space<vmem>>
      %dma_wait3A_403 = tpu.memref_squeeze %dma_wait3A_402 : memref<1x125xi32, #tpu.memory_space<vmem>> -> memref<125xi32, #tpu.memory_space<vmem>>
      %dma_wait3A_404 = arith.constant 0 : i32
      %dma_wait3A_405 = arith.constant 0 : i32
      %dma_wait3A_406 = tpu.memref_slice %arg12[%dma_wait3A_404, %dma_wait3A_405] : memref<10000x128xf32, #tpu.memory_space<vmem_shared>> -> memref<10000x128xf32, #tpu.memory_space<vmem_shared>>
      tpu.wait_indirect_dma semaphore(%arg19 : memref<!tpu.dma_semaphore, #tpu.memory_space<semaphore_mem>>) src(%arg10 : memref<125x128xf32, #tpu.memory_space<vmem>>) dst(%dma_wait3A_406 : memref<10000x128xf32, #tpu.memory_space<vmem_shared>>)
      %add3A_407 = arith.addi %mul3A_8, %add3A_385 : i32
      %dma_start3A_408 = arith.constant 0 : i32
      %dma_start3A_409 = arith.constant 0 : i32
      %dma_start3A_410 = tpu.memref_slice %arg6[%dma_start3A_408, %dma_start3A_409] : memref<2x125xi32, #tpu.memory_space<vmem>> -> memref<1x125xi32, #tpu.memory_space<vmem>>
      %dma_start3A_411 = tpu.memref_squeeze %dma_start3A_410 : memref<1x125xi32, #tpu.memory_space<vmem>> -> memref<125xi32, #tpu.memory_space<vmem>>
      %dma_start3A_412 = arith.constant 0 : i32
      %dma_start3A_413 = tpu.memref_slice %arg3[%add3A_407, %dma_start3A_412] : memref<5120x125xi32, #tpu.memory_space<hbm>> -> memref<1x125xi32, #tpu.memory_space<hbm>>
      %dma_start3A_414 = tpu.memref_squeeze %dma_start3A_413 : memref<1x125xi32, #tpu.memory_space<hbm>> -> memref<125xi32, #tpu.memory_space<hbm>>
      %dma_start3A_415 = arith.constant 0 : i32
      %dma_start3A_416 = tpu.memref_slice %arg6[%dma_start3A_408, %dma_start3A_415] : memref<2x125xi32, #tpu.memory_space<vmem>> -> memref<1x125xi32, #tpu.memory_space<vmem>>
      %dma_start3A_417 = tpu.memref_squeeze %dma_start3A_416 : memref<1x125xi32, #tpu.memory_space<vmem>> -> memref<125xi32, #tpu.memory_space<vmem>>
      %dma_start3A_418 = arith.constant 0 : i32
      %dma_start3A_419 = tpu.memref_slice %arg3[%add3A_407, %dma_start3A_418] : memref<5120x125xi32, #tpu.memory_space<hbm>> -> memref<1x125xi32, #tpu.memory_space<hbm>>
      %dma_start3A_420 = tpu.memref_squeeze %dma_start3A_419 : memref<1x125xi32, #tpu.memory_space<hbm>> -> memref<125xi32, #tpu.memory_space<hbm>>
      tpu.enqueue_dma source(%dma_start3A_420 : memref<125xi32, #tpu.memory_space<hbm>>) target(%dma_start3A_417 : memref<125xi32, #tpu.memory_space<vmem>>) target_semaphore(%arg13 : memref<!tpu.dma_semaphore, #tpu.memory_space<semaphore_mem>>)
      %add3A_421 = arith.constant 2560 : i32
      %add3A_422 = arith.addi %add3A_421, %mul3A_8 : i32
      %add3A_423 = arith.addi %add3A_422, %add3A_385 : i32
      %dma_start3A_424 = arith.constant 1 : i32
      %dma_start3A_425 = arith.constant 0 : i32
      %dma_start3A_426 = tpu.memref_slice %arg6[%dma_start3A_424, %dma_start3A_425] : memref<2x125xi32, #tpu.memory_space<vmem>> -> memref<1x125xi32, #tpu.memory_space<vmem>>
      %dma_start3A_427 = tpu.memref_squeeze %dma_start3A_426 : memref<1x125xi32, #tpu.memory_space<vmem>> -> memref<125xi32, #tpu.memory_space<vmem>>
      %dma_start3A_428 = arith.constant 0 : i32
      %dma_start3A_429 = tpu.memref_slice %arg3[%add3A_423, %dma_start3A_428] : memref<5120x125xi32, #tpu.memory_space<hbm>> -> memref<1x125xi32, #tpu.memory_space<hbm>>
      %dma_start3A_430 = tpu.memref_squeeze %dma_start3A_429 : memref<1x125xi32, #tpu.memory_space<hbm>> -> memref<125xi32, #tpu.memory_space<hbm>>
      %dma_start3A_431 = arith.constant 0 : i32
      %dma_start3A_432 = tpu.memref_slice %arg6[%dma_start3A_424, %dma_start3A_431] : memref<2x125xi32, #tpu.memory_space<vmem>> -> memref<1x125xi32, #tpu.memory_space<vmem>>
      %dma_start3A_433 = tpu.memref_squeeze %dma_start3A_432 : memref<1x125xi32, #tpu.memory_space<vmem>> -> memref<125xi32, #tpu.memory_space<vmem>>
      %dma_start3A_434 = arith.constant 0 : i32
      %dma_start3A_435 = tpu.memref_slice %arg3[%add3A_423, %dma_start3A_434] : memref<5120x125xi32, #tpu.memory_space<hbm>> -> memref<1x125xi32, #tpu.memory_space<hbm>>
      %dma_start3A_436 = tpu.memref_squeeze %dma_start3A_435 : memref<1x125xi32, #tpu.memory_space<hbm>> -> memref<125xi32, #tpu.memory_space<hbm>>
      tpu.enqueue_dma source(%dma_start3A_436 : memref<125xi32, #tpu.memory_space<hbm>>) target(%dma_start3A_433 : memref<125xi32, #tpu.memory_space<vmem>>) target_semaphore(%arg13 : memref<!tpu.dma_semaphore, #tpu.memory_space<semaphore_mem>>)
      %dma_wait3A_437 = arith.constant 0 : i32
      %dma_wait3A_438 = arith.constant 0 : i32
      %dma_wait3A_439 = arith.constant 0 : i32
      %dma_wait3A_440 = tpu.memref_slice %arg8[%dma_wait3A_438, %dma_wait3A_439] : memref<2x125xi32, #tpu.memory_space<vmem>> -> memref<1x125xi32, #tpu.memory_space<vmem>>
      %dma_wait3A_441 = tpu.memref_squeeze %dma_wait3A_440 : memref<1x125xi32, #tpu.memory_space<vmem>> -> memref<125xi32, #tpu.memory_space<vmem>>
      %dma_wait3A_442 = arith.constant 0 : i32
      %dma_wait3A_443 = tpu.memref_slice %arg3[%dma_wait3A_437, %dma_wait3A_442] : memref<5120x125xi32, #tpu.memory_space<hbm>> -> memref<1x125xi32, #tpu.memory_space<hbm>>
      %dma_wait3A_444 = tpu.memref_squeeze %dma_wait3A_443 : memref<1x125xi32, #tpu.memory_space<hbm>> -> memref<125xi32, #tpu.memory_space<hbm>>
      %dma_wait3A_445 = arith.constant 0 : i32
      %dma_wait3A_446 = tpu.memref_slice %arg8[%dma_wait3A_438, %dma_wait3A_445] : memref<2x125xi32, #tpu.memory_space<vmem>> -> memref<1x125xi32, #tpu.memory_space<vmem>>
      %dma_wait3A_447 = tpu.memref_squeeze %dma_wait3A_446 : memref<1x125xi32, #tpu.memory_space<vmem>> -> memref<125xi32, #tpu.memory_space<vmem>>
      %dma_wait3A_448 = arith.constant 0 : i32
      %dma_wait3A_449 = tpu.memref_slice %arg3[%dma_wait3A_437, %dma_wait3A_448] : memref<5120x125xi32, #tpu.memory_space<hbm>> -> memref<1x125xi32, #tpu.memory_space<hbm>>
      %dma_wait3A_450 = tpu.memref_squeeze %dma_wait3A_449 : memref<1x125xi32, #tpu.memory_space<hbm>> -> memref<125xi32, #tpu.memory_space<hbm>>
      tpu.wait_dma2 semaphore(%arg15 : memref<!tpu.dma_semaphore, #tpu.memory_space<semaphore_mem>>) src(%dma_wait3A_450 : memref<125xi32, #tpu.memory_space<hbm>>) dst(%dma_wait3A_447 : memref<125xi32, #tpu.memory_space<vmem>>)
      %dma_wait3A_451 = arith.constant 0 : i32
      %dma_wait3A_452 = arith.constant 1 : i32
      %dma_wait3A_453 = arith.constant 0 : i32
      %dma_wait3A_454 = tpu.memref_slice %arg8[%dma_wait3A_452, %dma_wait3A_453] : memref<2x125xi32, #tpu.memory_space<vmem>> -> memref<1x125xi32, #tpu.memory_space<vmem>>
      %dma_wait3A_455 = tpu.memref_squeeze %dma_wait3A_454 : memref<1x125xi32, #tpu.memory_space<vmem>> -> memref<125xi32, #tpu.memory_space<vmem>>
      %dma_wait3A_456 = arith.constant 0 : i32
      %dma_wait3A_457 = tpu.memref_slice %arg3[%dma_wait3A_451, %dma_wait3A_456] : memref<5120x125xi32, #tpu.memory_space<hbm>> -> memref<1x125xi32, #tpu.memory_space<hbm>>
      %dma_wait3A_458 = tpu.memref_squeeze %dma_wait3A_457 : memref<1x125xi32, #tpu.memory_space<hbm>> -> memref<125xi32, #tpu.memory_space<hbm>>
      %dma_wait3A_459 = arith.constant 0 : i32
      %dma_wait3A_460 = tpu.memref_slice %arg8[%dma_wait3A_452, %dma_wait3A_459] : memref<2x125xi32, #tpu.memory_space<vmem>> -> memref<1x125xi32, #tpu.memory_space<vmem>>
      %dma_wait3A_461 = tpu.memref_squeeze %dma_wait3A_460 : memref<1x125xi32, #tpu.memory_space<vmem>> -> memref<125xi32, #tpu.memory_space<vmem>>
      %dma_wait3A_462 = arith.constant 0 : i32
      %dma_wait3A_463 = tpu.memref_slice %arg3[%dma_wait3A_451, %dma_wait3A_462] : memref<5120x125xi32, #tpu.memory_space<hbm>> -> memref<1x125xi32, #tpu.memory_space<hbm>>
      %dma_wait3A_464 = tpu.memref_squeeze %dma_wait3A_463 : memref<1x125xi32, #tpu.memory_space<hbm>> -> memref<125xi32, #tpu.memory_space<hbm>>
      tpu.wait_dma2 semaphore(%arg15 : memref<!tpu.dma_semaphore, #tpu.memory_space<semaphore_mem>>) src(%dma_wait3A_464 : memref<125xi32, #tpu.memory_space<hbm>>) dst(%dma_wait3A_461 : memref<125xi32, #tpu.memory_space<vmem>>)
      %dma_start3A_465 = arith.constant 0 : i32
      %dma_start3A_466 = arith.constant 0 : i32
      %dma_start3A_467 = tpu.memref_slice %arg8[%dma_start3A_465, %dma_start3A_466] : memref<2x125xi32, #tpu.memory_space<vmem>> -> memref<1x125xi32, #tpu.memory_space<vmem>>
      %dma_start3A_468 = tpu.memref_squeeze %dma_start3A_467 : memref<1x125xi32, #tpu.memory_space<vmem>> -> memref<125xi32, #tpu.memory_space<vmem>>
      %dma_start3A_469 = arith.constant 0 : i32
      %dma_start3A_470 = arith.constant 0 : i32
      %dma_start3A_471 = tpu.memref_slice %arg2[%dma_start3A_469, %dma_start3A_470] : memref<10000x128xf32, #tpu.memory_space<hbm>> -> memref<10000x128xf32, #tpu.memory_space<hbm>>
      tpu.enqueue_indirect_dma source(%dma_start3A_471 : memref<10000x128xf32, #tpu.memory_space<hbm>>) target(%arg10 : memref<125x128xf32, #tpu.memory_space<vmem>>) offsets(%dma_start3A_468 : memref<125xi32, #tpu.memory_space<vmem>>) semaphore(%arg17 : memref<!tpu.dma_semaphore, #tpu.memory_space<semaphore_mem>>)
      %add3A_472 = arith.constant 5 : i32
      %add3A_473 = arith.addi %mul3A_383, %add3A_472 : i32
      %dma_wait3A_474 = arith.constant 0 : i32
      %dma_wait3A_475 = arith.constant 0 : i32
      %dma_wait3A_476 = tpu.memref_slice %arg6[%dma_wait3A_474, %dma_wait3A_475] : memref<2x125xi32, #tpu.memory_space<vmem>> -> memref<1x125xi32, #tpu.memory_space<vmem>>
      %dma_wait3A_477 = tpu.memref_squeeze %dma_wait3A_476 : memref<1x125xi32, #tpu.memory_space<vmem>> -> memref<125xi32, #tpu.memory_space<vmem>>
      %dma_wait3A_478 = arith.constant 0 : i32
      %dma_wait3A_479 = arith.constant 0 : i32
      %dma_wait3A_480 = tpu.memref_slice %arg2[%dma_wait3A_478, %dma_wait3A_479] : memref<10000x128xf32, #tpu.memory_space<hbm>> -> memref<10000x128xf32, #tpu.memory_space<hbm>>
      tpu.wait_indirect_dma semaphore(%arg18 : memref<!tpu.dma_semaphore, #tpu.memory_space<semaphore_mem>>) src(%dma_wait3A_480 : memref<10000x128xf32, #tpu.memory_space<hbm>>) dst(%arg11 : memref<125x128xf32, #tpu.memory_space<vmem>>)
      %dma_start3A_481 = arith.constant 1 : i32
      %dma_start3A_482 = arith.constant 0 : i32
      %dma_start3A_483 = tpu.memref_slice %arg7[%dma_start3A_481, %dma_start3A_482] : memref<2x125xi32, #tpu.memory_space<vmem>> -> memref<1x125xi32, #tpu.memory_space<vmem>>
      %dma_start3A_484 = tpu.memref_squeeze %dma_start3A_483 : memref<1x125xi32, #tpu.memory_space<vmem>> -> memref<125xi32, #tpu.memory_space<vmem>>
      %dma_start3A_485 = arith.constant 0 : i32
      %dma_start3A_486 = arith.constant 0 : i32
      %dma_start3A_487 = tpu.memref_slice %arg12[%dma_start3A_485, %dma_start3A_486] : memref<10000x128xf32, #tpu.memory_space<vmem_shared>> -> memref<10000x128xf32, #tpu.memory_space<vmem_shared>>
      tpu.enqueue_indirect_dma source(%arg11 : memref<125x128xf32, #tpu.memory_space<vmem>>) target(%dma_start3A_487 : memref<10000x128xf32, #tpu.memory_space<vmem_shared>>) offsets(%dma_start3A_484 : memref<125xi32, #tpu.memory_space<vmem>>) semaphore(%arg20 : memref<!tpu.dma_semaphore, #tpu.memory_space<semaphore_mem>>) {add = true}
      %dma_wait3A_488 = arith.constant 1 : i32
      %dma_wait3A_489 = arith.constant 0 : i32
      %dma_wait3A_490 = tpu.memref_slice %arg7[%dma_wait3A_488, %dma_wait3A_489] : memref<2x125xi32, #tpu.memory_space<vmem>> -> memref<1x125xi32, #tpu.memory_space<vmem>>
      %dma_wait3A_491 = tpu.memref_squeeze %dma_wait3A_490 : memref<1x125xi32, #tpu.memory_space<vmem>> -> memref<125xi32, #tpu.memory_space<vmem>>
      %dma_wait3A_492 = arith.constant 0 : i32
      %dma_wait3A_493 = arith.constant 0 : i32
      %dma_wait3A_494 = tpu.memref_slice %arg12[%dma_wait3A_492, %dma_wait3A_493] : memref<10000x128xf32, #tpu.memory_space<vmem_shared>> -> memref<10000x128xf32, #tpu.memory_space<vmem_shared>>
      tpu.wait_indirect_dma semaphore(%arg20 : memref<!tpu.dma_semaphore, #tpu.memory_space<semaphore_mem>>) src(%arg11 : memref<125x128xf32, #tpu.memory_space<vmem>>) dst(%dma_wait3A_494 : memref<10000x128xf32, #tpu.memory_space<vmem_shared>>)
      %add3A_495 = arith.addi %mul3A_8, %add3A_473 : i32
      %dma_start3A_496 = arith.constant 0 : i32
      %dma_start3A_497 = arith.constant 0 : i32
      %dma_start3A_498 = tpu.memref_slice %arg7[%dma_start3A_496, %dma_start3A_497] : memref<2x125xi32, #tpu.memory_space<vmem>> -> memref<1x125xi32, #tpu.memory_space<vmem>>
      %dma_start3A_499 = tpu.memref_squeeze %dma_start3A_498 : memref<1x125xi32, #tpu.memory_space<vmem>> -> memref<125xi32, #tpu.memory_space<vmem>>
      %dma_start3A_500 = arith.constant 0 : i32
      %dma_start3A_501 = tpu.memref_slice %arg3[%add3A_495, %dma_start3A_500] : memref<5120x125xi32, #tpu.memory_space<hbm>> -> memref<1x125xi32, #tpu.memory_space<hbm>>
      %dma_start3A_502 = tpu.memref_squeeze %dma_start3A_501 : memref<1x125xi32, #tpu.memory_space<hbm>> -> memref<125xi32, #tpu.memory_space<hbm>>
      %dma_start3A_503 = arith.constant 0 : i32
      %dma_start3A_504 = tpu.memref_slice %arg7[%dma_start3A_496, %dma_start3A_503] : memref<2x125xi32, #tpu.memory_space<vmem>> -> memref<1x125xi32, #tpu.memory_space<vmem>>
      %dma_start3A_505 = tpu.memref_squeeze %dma_start3A_504 : memref<1x125xi32, #tpu.memory_space<vmem>> -> memref<125xi32, #tpu.memory_space<vmem>>
      %dma_start3A_506 = arith.constant 0 : i32
      %dma_start3A_507 = tpu.memref_slice %arg3[%add3A_495, %dma_start3A_506] : memref<5120x125xi32, #tpu.memory_space<hbm>> -> memref<1x125xi32, #tpu.memory_space<hbm>>
      %dma_start3A_508 = tpu.memref_squeeze %dma_start3A_507 : memref<1x125xi32, #tpu.memory_space<hbm>> -> memref<125xi32, #tpu.memory_space<hbm>>
      tpu.enqueue_dma source(%dma_start3A_508 : memref<125xi32, #tpu.memory_space<hbm>>) target(%dma_start3A_505 : memref<125xi32, #tpu.memory_space<vmem>>) target_semaphore(%arg14 : memref<!tpu.dma_semaphore, #tpu.memory_space<semaphore_mem>>)
      %add3A_509 = arith.constant 2560 : i32
      %add3A_510 = arith.addi %add3A_509, %mul3A_8 : i32
      %add3A_511 = arith.addi %add3A_510, %add3A_473 : i32
      %dma_start3A_512 = arith.constant 1 : i32
      %dma_start3A_513 = arith.constant 0 : i32
      %dma_start3A_514 = tpu.memref_slice %arg7[%dma_start3A_512, %dma_start3A_513] : memref<2x125xi32, #tpu.memory_space<vmem>> -> memref<1x125xi32, #tpu.memory_space<vmem>>
      %dma_start3A_515 = tpu.memref_squeeze %dma_start3A_514 : memref<1x125xi32, #tpu.memory_space<vmem>> -> memref<125xi32, #tpu.memory_space<vmem>>
      %dma_start3A_516 = arith.constant 0 : i32
      %dma_start3A_517 = tpu.memref_slice %arg3[%add3A_511, %dma_start3A_516] : memref<5120x125xi32, #tpu.memory_space<hbm>> -> memref<1x125xi32, #tpu.memory_space<hbm>>
      %dma_start3A_518 = tpu.memref_squeeze %dma_start3A_517 : memref<1x125xi32, #tpu.memory_space<hbm>> -> memref<125xi32, #tpu.memory_space<hbm>>
      %dma_start3A_519 = arith.constant 0 : i32
      %dma_start3A_520 = tpu.memref_slice %arg7[%dma_start3A_512, %dma_start3A_519] : memref<2x125xi32, #tpu.memory_space<vmem>> -> memref<1x125xi32, #tpu.memory_space<vmem>>
      %dma_start3A_521 = tpu.memref_squeeze %dma_start3A_520 : memref<1x125xi32, #tpu.memory_space<vmem>> -> memref<125xi32, #tpu.memory_space<vmem>>
      %dma_start3A_522 = arith.constant 0 : i32
      %dma_start3A_523 = tpu.memref_slice %arg3[%add3A_511, %dma_start3A_522] : memref<5120x125xi32, #tpu.memory_space<hbm>> -> memref<1x125xi32, #tpu.memory_space<hbm>>
      %dma_start3A_524 = tpu.memref_squeeze %dma_start3A_523 : memref<1x125xi32, #tpu.memory_space<hbm>> -> memref<125xi32, #tpu.memory_space<hbm>>
      tpu.enqueue_dma source(%dma_start3A_524 : memref<125xi32, #tpu.memory_space<hbm>>) target(%dma_start3A_521 : memref<125xi32, #tpu.memory_space<vmem>>) target_semaphore(%arg14 : memref<!tpu.dma_semaphore, #tpu.memory_space<semaphore_mem>>)
      %dma_wait3A_525 = arith.constant 0 : i32
      %dma_wait3A_526 = arith.constant 0 : i32
      %dma_wait3A_527 = arith.constant 0 : i32
      %dma_wait3A_528 = tpu.memref_slice %arg9[%dma_wait3A_526, %dma_wait3A_527] : memref<2x125xi32, #tpu.memory_space<vmem>> -> memref<1x125xi32, #tpu.memory_space<vmem>>
      %dma_wait3A_529 = tpu.memref_squeeze %dma_wait3A_528 : memref<1x125xi32, #tpu.memory_space<vmem>> -> memref<125xi32, #tpu.memory_space<vmem>>
      %dma_wait3A_530 = arith.constant 0 : i32
      %dma_wait3A_531 = tpu.memref_slice %arg3[%dma_wait3A_525, %dma_wait3A_530] : memref<5120x125xi32, #tpu.memory_space<hbm>> -> memref<1x125xi32, #tpu.memory_space<hbm>>
      %dma_wait3A_532 = tpu.memref_squeeze %dma_wait3A_531 : memref<1x125xi32, #tpu.memory_space<hbm>> -> memref<125xi32, #tpu.memory_space<hbm>>
      %dma_wait3A_533 = arith.constant 0 : i32
      %dma_wait3A_534 = tpu.memref_slice %arg9[%dma_wait3A_526, %dma_wait3A_533] : memref<2x125xi32, #tpu.memory_space<vmem>> -> memref<1x125xi32, #tpu.memory_space<vmem>>
      %dma_wait3A_535 = tpu.memref_squeeze %dma_wait3A_534 : memref<1x125xi32, #tpu.memory_space<vmem>> -> memref<125xi32, #tpu.memory_space<vmem>>
      %dma_wait3A_536 = arith.constant 0 : i32
      %dma_wait3A_537 = tpu.memref_slice %arg3[%dma_wait3A_525, %dma_wait3A_536] : memref<5120x125xi32, #tpu.memory_space<hbm>> -> memref<1x125xi32, #tpu.memory_space<hbm>>
      %dma_wait3A_538 = tpu.memref_squeeze %dma_wait3A_537 : memref<1x125xi32, #tpu.memory_space<hbm>> -> memref<125xi32, #tpu.memory_space<hbm>>
      tpu.wait_dma2 semaphore(%arg16 : memref<!tpu.dma_semaphore, #tpu.memory_space<semaphore_mem>>) src(%dma_wait3A_538 : memref<125xi32, #tpu.memory_space<hbm>>) dst(%dma_wait3A_535 : memref<125xi32, #tpu.memory_space<vmem>>)
      %dma_wait3A_539 = arith.constant 0 : i32
      %dma_wait3A_540 = arith.constant 1 : i32
      %dma_wait3A_541 = arith.constant 0 : i32
      %dma_wait3A_542 = tpu.memref_slice %arg9[%dma_wait3A_540, %dma_wait3A_541] : memref<2x125xi32, #tpu.memory_space<vmem>> -> memref<1x125xi32, #tpu.memory_space<vmem>>
      %dma_wait3A_543 = tpu.memref_squeeze %dma_wait3A_542 : memref<1x125xi32, #tpu.memory_space<vmem>> -> memref<125xi32, #tpu.memory_space<vmem>>
      %dma_wait3A_544 = arith.constant 0 : i32
      %dma_wait3A_545 = tpu.memref_slice %arg3[%dma_wait3A_539, %dma_wait3A_544] : memref<5120x125xi32, #tpu.memory_space<hbm>> -> memref<1x125xi32, #tpu.memory_space<hbm>>
      %dma_wait3A_546 = tpu.memref_squeeze %dma_wait3A_545 : memref<1x125xi32, #tpu.memory_space<hbm>> -> memref<125xi32, #tpu.memory_space<hbm>>
      %dma_wait3A_547 = arith.constant 0 : i32
      %dma_wait3A_548 = tpu.memref_slice %arg9[%dma_wait3A_540, %dma_wait3A_547] : memref<2x125xi32, #tpu.memory_space<vmem>> -> memref<1x125xi32, #tpu.memory_space<vmem>>
      %dma_wait3A_549 = tpu.memref_squeeze %dma_wait3A_548 : memref<1x125xi32, #tpu.memory_space<vmem>> -> memref<125xi32, #tpu.memory_space<vmem>>
      %dma_wait3A_550 = arith.constant 0 : i32
      %dma_wait3A_551 = tpu.memref_slice %arg3[%dma_wait3A_539, %dma_wait3A_550] : memref<5120x125xi32, #tpu.memory_space<hbm>> -> memref<1x125xi32, #tpu.memory_space<hbm>>
      %dma_wait3A_552 = tpu.memref_squeeze %dma_wait3A_551 : memref<1x125xi32, #tpu.memory_space<hbm>> -> memref<125xi32, #tpu.memory_space<hbm>>
      tpu.wait_dma2 semaphore(%arg16 : memref<!tpu.dma_semaphore, #tpu.memory_space<semaphore_mem>>) src(%dma_wait3A_552 : memref<125xi32, #tpu.memory_space<hbm>>) dst(%dma_wait3A_549 : memref<125xi32, #tpu.memory_space<vmem>>)
      %dma_start3A_553 = arith.constant 0 : i32
      %dma_start3A_554 = arith.constant 0 : i32
      %dma_start3A_555 = tpu.memref_slice %arg9[%dma_start3A_553, %dma_start3A_554] : memref<2x125xi32, #tpu.memory_space<vmem>> -> memref<1x125xi32, #tpu.memory_space<vmem>>
      %dma_start3A_556 = tpu.memref_squeeze %dma_start3A_555 : memref<1x125xi32, #tpu.memory_space<vmem>> -> memref<125xi32, #tpu.memory_space<vmem>>
      %dma_start3A_557 = arith.constant 0 : i32
      %dma_start3A_558 = arith.constant 0 : i32
      %dma_start3A_559 = tpu.memref_slice %arg2[%dma_start3A_557, %dma_start3A_558] : memref<10000x128xf32, #tpu.memory_space<hbm>> -> memref<10000x128xf32, #tpu.memory_space<hbm>>
      tpu.enqueue_indirect_dma source(%dma_start3A_559 : memref<10000x128xf32, #tpu.memory_space<hbm>>) target(%arg11 : memref<125x128xf32, #tpu.memory_space<vmem>>) offsets(%dma_start3A_556 : memref<125xi32, #tpu.memory_space<vmem>>) semaphore(%arg18 : memref<!tpu.dma_semaphore, #tpu.memory_space<semaphore_mem>>)
      %add3A_560 = arith.constant 6 : i32
      %add3A_561 = arith.addi %mul3A_383, %add3A_560 : i32
      %dma_wait3A_562 = arith.constant 0 : i32
      %dma_wait3A_563 = arith.constant 0 : i32
      %dma_wait3A_564 = tpu.memref_slice %arg6[%dma_wait3A_562, %dma_wait3A_563] : memref<2x125xi32, #tpu.memory_space<vmem>> -> memref<1x125xi32, #tpu.memory_space<vmem>>
      %dma_wait3A_565 = tpu.memref_squeeze %dma_wait3A_564 : memref<1x125xi32, #tpu.memory_space<vmem>> -> memref<125xi32, #tpu.memory_space<vmem>>
      %dma_wait3A_566 = arith.constant 0 : i32
      %dma_wait3A_567 = arith.constant 0 : i32
      %dma_wait3A_568 = tpu.memref_slice %arg2[%dma_wait3A_566, %dma_wait3A_567] : memref<10000x128xf32, #tpu.memory_space<hbm>> -> memref<10000x128xf32, #tpu.memory_space<hbm>>
      tpu.wait_indirect_dma semaphore(%arg17 : memref<!tpu.dma_semaphore, #tpu.memory_space<semaphore_mem>>) src(%dma_wait3A_568 : memref<10000x128xf32, #tpu.memory_space<hbm>>) dst(%arg10 : memref<125x128xf32, #tpu.memory_space<vmem>>)
      %dma_start3A_569 = arith.constant 1 : i32
      %dma_start3A_570 = arith.constant 0 : i32
      %dma_start3A_571 = tpu.memref_slice %arg8[%dma_start3A_569, %dma_start3A_570] : memref<2x125xi32, #tpu.memory_space<vmem>> -> memref<1x125xi32, #tpu.memory_space<vmem>>
      %dma_start3A_572 = tpu.memref_squeeze %dma_start3A_571 : memref<1x125xi32, #tpu.memory_space<vmem>> -> memref<125xi32, #tpu.memory_space<vmem>>
      %dma_start3A_573 = arith.constant 0 : i32
      %dma_start3A_574 = arith.constant 0 : i32
      %dma_start3A_575 = tpu.memref_slice %arg12[%dma_start3A_573, %dma_start3A_574] : memref<10000x128xf32, #tpu.memory_space<vmem_shared>> -> memref<10000x128xf32, #tpu.memory_space<vmem_shared>>
      tpu.enqueue_indirect_dma source(%arg10 : memref<125x128xf32, #tpu.memory_space<vmem>>) target(%dma_start3A_575 : memref<10000x128xf32, #tpu.memory_space<vmem_shared>>) offsets(%dma_start3A_572 : memref<125xi32, #tpu.memory_space<vmem>>) semaphore(%arg19 : memref<!tpu.dma_semaphore, #tpu.memory_space<semaphore_mem>>) {add = true}
      %dma_wait3A_576 = arith.constant 1 : i32
      %dma_wait3A_577 = arith.constant 0 : i32
      %dma_wait3A_578 = tpu.memref_slice %arg8[%dma_wait3A_576, %dma_wait3A_577] : memref<2x125xi32, #tpu.memory_space<vmem>> -> memref<1x125xi32, #tpu.memory_space<vmem>>
      %dma_wait3A_579 = tpu.memref_squeeze %dma_wait3A_578 : memref<1x125xi32, #tpu.memory_space<vmem>> -> memref<125xi32, #tpu.memory_space<vmem>>
      %dma_wait3A_580 = arith.constant 0 : i32
      %dma_wait3A_581 = arith.constant 0 : i32
      %dma_wait3A_582 = tpu.memref_slice %arg12[%dma_wait3A_580, %dma_wait3A_581] : memref<10000x128xf32, #tpu.memory_space<vmem_shared>> -> memref<10000x128xf32, #tpu.memory_space<vmem_shared>>
      tpu.wait_indirect_dma semaphore(%arg19 : memref<!tpu.dma_semaphore, #tpu.memory_space<semaphore_mem>>) src(%arg10 : memref<125x128xf32, #tpu.memory_space<vmem>>) dst(%dma_wait3A_582 : memref<10000x128xf32, #tpu.memory_space<vmem_shared>>)
      %add3A_583 = arith.addi %mul3A_8, %add3A_561 : i32
      %dma_start3A_584 = arith.constant 0 : i32
      %dma_start3A_585 = arith.constant 0 : i32
      %dma_start3A_586 = tpu.memref_slice %arg8[%dma_start3A_584, %dma_start3A_585] : memref<2x125xi32, #tpu.memory_space<vmem>> -> memref<1x125xi32, #tpu.memory_space<vmem>>
      %dma_start3A_587 = tpu.memref_squeeze %dma_start3A_586 : memref<1x125xi32, #tpu.memory_space<vmem>> -> memref<125xi32, #tpu.memory_space<vmem>>
      %dma_start3A_588 = arith.constant 0 : i32
      %dma_start3A_589 = tpu.memref_slice %arg3[%add3A_583, %dma_start3A_588] : memref<5120x125xi32, #tpu.memory_space<hbm>> -> memref<1x125xi32, #tpu.memory_space<hbm>>
      %dma_start3A_590 = tpu.memref_squeeze %dma_start3A_589 : memref<1x125xi32, #tpu.memory_space<hbm>> -> memref<125xi32, #tpu.memory_space<hbm>>
      %dma_start3A_591 = arith.constant 0 : i32
      %dma_start3A_592 = tpu.memref_slice %arg8[%dma_start3A_584, %dma_start3A_591] : memref<2x125xi32, #tpu.memory_space<vmem>> -> memref<1x125xi32, #tpu.memory_space<vmem>>
      %dma_start3A_593 = tpu.memref_squeeze %dma_start3A_592 : memref<1x125xi32, #tpu.memory_space<vmem>> -> memref<125xi32, #tpu.memory_space<vmem>>
      %dma_start3A_594 = arith.constant 0 : i32
      %dma_start3A_595 = tpu.memref_slice %arg3[%add3A_583, %dma_start3A_594] : memref<5120x125xi32, #tpu.memory_space<hbm>> -> memref<1x125xi32, #tpu.memory_space<hbm>>
      %dma_start3A_596 = tpu.memref_squeeze %dma_start3A_595 : memref<1x125xi32, #tpu.memory_space<hbm>> -> memref<125xi32, #tpu.memory_space<hbm>>
      tpu.enqueue_dma source(%dma_start3A_596 : memref<125xi32, #tpu.memory_space<hbm>>) target(%dma_start3A_593 : memref<125xi32, #tpu.memory_space<vmem>>) target_semaphore(%arg15 : memref<!tpu.dma_semaphore, #tpu.memory_space<semaphore_mem>>)
      %add3A_597 = arith.constant 2560 : i32
      %add3A_598 = arith.addi %add3A_597, %mul3A_8 : i32
      %add3A_599 = arith.addi %add3A_598, %add3A_561 : i32
      %dma_start3A_600 = arith.constant 1 : i32
      %dma_start3A_601 = arith.constant 0 : i32
      %dma_start3A_602 = tpu.memref_slice %arg8[%dma_start3A_600, %dma_start3A_601] : memref<2x125xi32, #tpu.memory_space<vmem>> -> memref<1x125xi32, #tpu.memory_space<vmem>>
      %dma_start3A_603 = tpu.memref_squeeze %dma_start3A_602 : memref<1x125xi32, #tpu.memory_space<vmem>> -> memref<125xi32, #tpu.memory_space<vmem>>
      %dma_start3A_604 = arith.constant 0 : i32
      %dma_start3A_605 = tpu.memref_slice %arg3[%add3A_599, %dma_start3A_604] : memref<5120x125xi32, #tpu.memory_space<hbm>> -> memref<1x125xi32, #tpu.memory_space<hbm>>
      %dma_start3A_606 = tpu.memref_squeeze %dma_start3A_605 : memref<1x125xi32, #tpu.memory_space<hbm>> -> memref<125xi32, #tpu.memory_space<hbm>>
      %dma_start3A_607 = arith.constant 0 : i32
      %dma_start3A_608 = tpu.memref_slice %arg8[%dma_start3A_600, %dma_start3A_607] : memref<2x125xi32, #tpu.memory_space<vmem>> -> memref<1x125xi32, #tpu.memory_space<vmem>>
      %dma_start3A_609 = tpu.memref_squeeze %dma_start3A_608 : memref<1x125xi32, #tpu.memory_space<vmem>> -> memref<125xi32, #tpu.memory_space<vmem>>
      %dma_start3A_610 = arith.constant 0 : i32
      %dma_start3A_611 = tpu.memref_slice %arg3[%add3A_599, %dma_start3A_610] : memref<5120x125xi32, #tpu.memory_space<hbm>> -> memref<1x125xi32, #tpu.memory_space<hbm>>
      %dma_start3A_612 = tpu.memref_squeeze %dma_start3A_611 : memref<1x125xi32, #tpu.memory_space<hbm>> -> memref<125xi32, #tpu.memory_space<hbm>>
      tpu.enqueue_dma source(%dma_start3A_612 : memref<125xi32, #tpu.memory_space<hbm>>) target(%dma_start3A_609 : memref<125xi32, #tpu.memory_space<vmem>>) target_semaphore(%arg15 : memref<!tpu.dma_semaphore, #tpu.memory_space<semaphore_mem>>)
      %dma_wait3A_613 = arith.constant 0 : i32
      %dma_wait3A_614 = arith.constant 0 : i32
      %dma_wait3A_615 = arith.constant 0 : i32
      %dma_wait3A_616 = tpu.memref_slice %arg6[%dma_wait3A_614, %dma_wait3A_615] : memref<2x125xi32, #tpu.memory_space<vmem>> -> memref<1x125xi32, #tpu.memory_space<vmem>>
      %dma_wait3A_617 = tpu.memref_squeeze %dma_wait3A_616 : memref<1x125xi32, #tpu.memory_space<vmem>> -> memref<125xi32, #tpu.memory_space<vmem>>
      %dma_wait3A_618 = arith.constant 0 : i32
      %dma_wait3A_619 = tpu.memref_slice %arg3[%dma_wait3A_613, %dma_wait3A_618] : memref<5120x125xi32, #tpu.memory_space<hbm>> -> memref<1x125xi32, #tpu.memory_space<hbm>>
      %dma_wait3A_620 = tpu.memref_squeeze %dma_wait3A_619 : memref<1x125xi32, #tpu.memory_space<hbm>> -> memref<125xi32, #tpu.memory_space<hbm>>
      %dma_wait3A_621 = arith.constant 0 : i32
      %dma_wait3A_622 = tpu.memref_slice %arg6[%dma_wait3A_614, %dma_wait3A_621] : memref<2x125xi32, #tpu.memory_space<vmem>> -> memref<1x125xi32, #tpu.memory_space<vmem>>
      %dma_wait3A_623 = tpu.memref_squeeze %dma_wait3A_622 : memref<1x125xi32, #tpu.memory_space<vmem>> -> memref<125xi32, #tpu.memory_space<vmem>>
      %dma_wait3A_624 = arith.constant 0 : i32
      %dma_wait3A_625 = tpu.memref_slice %arg3[%dma_wait3A_613, %dma_wait3A_624] : memref<5120x125xi32, #tpu.memory_space<hbm>> -> memref<1x125xi32, #tpu.memory_space<hbm>>
      %dma_wait3A_626 = tpu.memref_squeeze %dma_wait3A_625 : memref<1x125xi32, #tpu.memory_space<hbm>> -> memref<125xi32, #tpu.memory_space<hbm>>
      tpu.wait_dma2 semaphore(%arg13 : memref<!tpu.dma_semaphore, #tpu.memory_space<semaphore_mem>>) src(%dma_wait3A_626 : memref<125xi32, #tpu.memory_space<hbm>>) dst(%dma_wait3A_623 : memref<125xi32, #tpu.memory_space<vmem>>)
      %dma_wait3A_627 = arith.constant 0 : i32
      %dma_wait3A_628 = arith.constant 1 : i32
      %dma_wait3A_629 = arith.constant 0 : i32
      %dma_wait3A_630 = tpu.memref_slice %arg6[%dma_wait3A_628, %dma_wait3A_629] : memref<2x125xi32, #tpu.memory_space<vmem>> -> memref<1x125xi32, #tpu.memory_space<vmem>>
      %dma_wait3A_631 = tpu.memref_squeeze %dma_wait3A_630 : memref<1x125xi32, #tpu.memory_space<vmem>> -> memref<125xi32, #tpu.memory_space<vmem>>
      %dma_wait3A_632 = arith.constant 0 : i32
      %dma_wait3A_633 = tpu.memref_slice %arg3[%dma_wait3A_627, %dma_wait3A_632] : memref<5120x125xi32, #tpu.memory_space<hbm>> -> memref<1x125xi32, #tpu.memory_space<hbm>>
      %dma_wait3A_634 = tpu.memref_squeeze %dma_wait3A_633 : memref<1x125xi32, #tpu.memory_space<hbm>> -> memref<125xi32, #tpu.memory_space<hbm>>
      %dma_wait3A_635 = arith.constant 0 : i32
      %dma_wait3A_636 = tpu.memref_slice %arg6[%dma_wait3A_628, %dma_wait3A_635] : memref<2x125xi32, #tpu.memory_space<vmem>> -> memref<1x125xi32, #tpu.memory_space<vmem>>
      %dma_wait3A_637 = tpu.memref_squeeze %dma_wait3A_636 : memref<1x125xi32, #tpu.memory_space<vmem>> -> memref<125xi32, #tpu.memory_space<vmem>>
      %dma_wait3A_638 = arith.constant 0 : i32
      %dma_wait3A_639 = tpu.memref_slice %arg3[%dma_wait3A_627, %dma_wait3A_638] : memref<5120x125xi32, #tpu.memory_space<hbm>> -> memref<1x125xi32, #tpu.memory_space<hbm>>
      %dma_wait3A_640 = tpu.memref_squeeze %dma_wait3A_639 : memref<1x125xi32, #tpu.memory_space<hbm>> -> memref<125xi32, #tpu.memory_space<hbm>>
      tpu.wait_dma2 semaphore(%arg13 : memref<!tpu.dma_semaphore, #tpu.memory_space<semaphore_mem>>) src(%dma_wait3A_640 : memref<125xi32, #tpu.memory_space<hbm>>) dst(%dma_wait3A_637 : memref<125xi32, #tpu.memory_space<vmem>>)
      %dma_start3A_641 = arith.constant 0 : i32
      %dma_start3A_642 = arith.constant 0 : i32
      %dma_start3A_643 = tpu.memref_slice %arg6[%dma_start3A_641, %dma_start3A_642] : memref<2x125xi32, #tpu.memory_space<vmem>> -> memref<1x125xi32, #tpu.memory_space<vmem>>
      %dma_start3A_644 = tpu.memref_squeeze %dma_start3A_643 : memref<1x125xi32, #tpu.memory_space<vmem>> -> memref<125xi32, #tpu.memory_space<vmem>>
      %dma_start3A_645 = arith.constant 0 : i32
      %dma_start3A_646 = arith.constant 0 : i32
      %dma_start3A_647 = tpu.memref_slice %arg2[%dma_start3A_645, %dma_start3A_646] : memref<10000x128xf32, #tpu.memory_space<hbm>> -> memref<10000x128xf32, #tpu.memory_space<hbm>>
      tpu.enqueue_indirect_dma source(%dma_start3A_647 : memref<10000x128xf32, #tpu.memory_space<hbm>>) target(%arg10 : memref<125x128xf32, #tpu.memory_space<vmem>>) offsets(%dma_start3A_644 : memref<125xi32, #tpu.memory_space<vmem>>) semaphore(%arg17 : memref<!tpu.dma_semaphore, #tpu.memory_space<semaphore_mem>>)
      %add3A_648 = arith.constant 7 : i32
      %add3A_649 = arith.addi %mul3A_383, %add3A_648 : i32
      %dma_wait3A_650 = arith.constant 0 : i32
      %dma_wait3A_651 = arith.constant 0 : i32
      %dma_wait3A_652 = tpu.memref_slice %arg6[%dma_wait3A_650, %dma_wait3A_651] : memref<2x125xi32, #tpu.memory_space<vmem>> -> memref<1x125xi32, #tpu.memory_space<vmem>>
      %dma_wait3A_653 = tpu.memref_squeeze %dma_wait3A_652 : memref<1x125xi32, #tpu.memory_space<vmem>> -> memref<125xi32, #tpu.memory_space<vmem>>
      %dma_wait3A_654 = arith.constant 0 : i32
      %dma_wait3A_655 = arith.constant 0 : i32
      %dma_wait3A_656 = tpu.memref_slice %arg2[%dma_wait3A_654, %dma_wait3A_655] : memref<10000x128xf32, #tpu.memory_space<hbm>> -> memref<10000x128xf32, #tpu.memory_space<hbm>>
      tpu.wait_indirect_dma semaphore(%arg18 : memref<!tpu.dma_semaphore, #tpu.memory_space<semaphore_mem>>) src(%dma_wait3A_656 : memref<10000x128xf32, #tpu.memory_space<hbm>>) dst(%arg11 : memref<125x128xf32, #tpu.memory_space<vmem>>)
      %dma_start3A_657 = arith.constant 1 : i32
      %dma_start3A_658 = arith.constant 0 : i32
      %dma_start3A_659 = tpu.memref_slice %arg9[%dma_start3A_657, %dma_start3A_658] : memref<2x125xi32, #tpu.memory_space<vmem>> -> memref<1x125xi32, #tpu.memory_space<vmem>>
      %dma_start3A_660 = tpu.memref_squeeze %dma_start3A_659 : memref<1x125xi32, #tpu.memory_space<vmem>> -> memref<125xi32, #tpu.memory_space<vmem>>
      %dma_start3A_661 = arith.constant 0 : i32
      %dma_start3A_662 = arith.constant 0 : i32
      %dma_start3A_663 = tpu.memref_slice %arg12[%dma_start3A_661, %dma_start3A_662] : memref<10000x128xf32, #tpu.memory_space<vmem_shared>> -> memref<10000x128xf32, #tpu.memory_space<vmem_shared>>
      tpu.enqueue_indirect_dma source(%arg11 : memref<125x128xf32, #tpu.memory_space<vmem>>) target(%dma_start3A_663 : memref<10000x128xf32, #tpu.memory_space<vmem_shared>>) offsets(%dma_start3A_660 : memref<125xi32, #tpu.memory_space<vmem>>) semaphore(%arg20 : memref<!tpu.dma_semaphore, #tpu.memory_space<semaphore_mem>>) {add = true}
      %dma_wait3A_664 = arith.constant 1 : i32
      %dma_wait3A_665 = arith.constant 0 : i32
      %dma_wait3A_666 = tpu.memref_slice %arg9[%dma_wait3A_664, %dma_wait3A_665] : memref<2x125xi32, #tpu.memory_space<vmem>> -> memref<1x125xi32, #tpu.memory_space<vmem>>
      %dma_wait3A_667 = tpu.memref_squeeze %dma_wait3A_666 : memref<1x125xi32, #tpu.memory_space<vmem>> -> memref<125xi32, #tpu.memory_space<vmem>>
      %dma_wait3A_668 = arith.constant 0 : i32
      %dma_wait3A_669 = arith.constant 0 : i32
      %dma_wait3A_670 = tpu.memref_slice %arg12[%dma_wait3A_668, %dma_wait3A_669] : memref<10000x128xf32, #tpu.memory_space<vmem_shared>> -> memref<10000x128xf32, #tpu.memory_space<vmem_shared>>
      tpu.wait_indirect_dma semaphore(%arg20 : memref<!tpu.dma_semaphore, #tpu.memory_space<semaphore_mem>>) src(%arg11 : memref<125x128xf32, #tpu.memory_space<vmem>>) dst(%dma_wait3A_670 : memref<10000x128xf32, #tpu.memory_space<vmem_shared>>)
      %add3A_671 = arith.addi %mul3A_8, %add3A_649 : i32
      %dma_start3A_672 = arith.constant 0 : i32
      %dma_start3A_673 = arith.constant 0 : i32
      %dma_start3A_674 = tpu.memref_slice %arg9[%dma_start3A_672, %dma_start3A_673] : memref<2x125xi32, #tpu.memory_space<vmem>> -> memref<1x125xi32, #tpu.memory_space<vmem>>
      %dma_start3A_675 = tpu.memref_squeeze %dma_start3A_674 : memref<1x125xi32, #tpu.memory_space<vmem>> -> memref<125xi32, #tpu.memory_space<vmem>>
      %dma_start3A_676 = arith.constant 0 : i32
      %dma_start3A_677 = tpu.memref_slice %arg3[%add3A_671, %dma_start3A_676] : memref<5120x125xi32, #tpu.memory_space<hbm>> -> memref<1x125xi32, #tpu.memory_space<hbm>>
      %dma_start3A_678 = tpu.memref_squeeze %dma_start3A_677 : memref<1x125xi32, #tpu.memory_space<hbm>> -> memref<125xi32, #tpu.memory_space<hbm>>
      %dma_start3A_679 = arith.constant 0 : i32
      %dma_start3A_680 = tpu.memref_slice %arg9[%dma_start3A_672, %dma_start3A_679] : memref<2x125xi32, #tpu.memory_space<vmem>> -> memref<1x125xi32, #tpu.memory_space<vmem>>
      %dma_start3A_681 = tpu.memref_squeeze %dma_start3A_680 : memref<1x125xi32, #tpu.memory_space<vmem>> -> memref<125xi32, #tpu.memory_space<vmem>>
      %dma_start3A_682 = arith.constant 0 : i32
      %dma_start3A_683 = tpu.memref_slice %arg3[%add3A_671, %dma_start3A_682] : memref<5120x125xi32, #tpu.memory_space<hbm>> -> memref<1x125xi32, #tpu.memory_space<hbm>>
      %dma_start3A_684 = tpu.memref_squeeze %dma_start3A_683 : memref<1x125xi32, #tpu.memory_space<hbm>> -> memref<125xi32, #tpu.memory_space<hbm>>
      tpu.enqueue_dma source(%dma_start3A_684 : memref<125xi32, #tpu.memory_space<hbm>>) target(%dma_start3A_681 : memref<125xi32, #tpu.memory_space<vmem>>) target_semaphore(%arg16 : memref<!tpu.dma_semaphore, #tpu.memory_space<semaphore_mem>>)
      %add3A_685 = arith.constant 2560 : i32
      %add3A_686 = arith.addi %add3A_685, %mul3A_8 : i32
      %add3A_687 = arith.addi %add3A_686, %add3A_649 : i32
      %dma_start3A_688 = arith.constant 1 : i32
      %dma_start3A_689 = arith.constant 0 : i32
      %dma_start3A_690 = tpu.memref_slice %arg9[%dma_start3A_688, %dma_start3A_689] : memref<2x125xi32, #tpu.memory_space<vmem>> -> memref<1x125xi32, #tpu.memory_space<vmem>>
      %dma_start3A_691 = tpu.memref_squeeze %dma_start3A_690 : memref<1x125xi32, #tpu.memory_space<vmem>> -> memref<125xi32, #tpu.memory_space<vmem>>
      %dma_start3A_692 = arith.constant 0 : i32
      %dma_start3A_693 = tpu.memref_slice %arg3[%add3A_687, %dma_start3A_692] : memref<5120x125xi32, #tpu.memory_space<hbm>> -> memref<1x125xi32, #tpu.memory_space<hbm>>
      %dma_start3A_694 = tpu.memref_squeeze %dma_start3A_693 : memref<1x125xi32, #tpu.memory_space<hbm>> -> memref<125xi32, #tpu.memory_space<hbm>>
      %dma_start3A_695 = arith.constant 0 : i32
      %dma_start3A_696 = tpu.memref_slice %arg9[%dma_start3A_688, %dma_start3A_695] : memref<2x125xi32, #tpu.memory_space<vmem>> -> memref<1x125xi32, #tpu.memory_space<vmem>>
      %dma_start3A_697 = tpu.memref_squeeze %dma_start3A_696 : memref<1x125xi32, #tpu.memory_space<vmem>> -> memref<125xi32, #tpu.memory_space<vmem>>
      %dma_start3A_698 = arith.constant 0 : i32
      %dma_start3A_699 = tpu.memref_slice %arg3[%add3A_687, %dma_start3A_698] : memref<5120x125xi32, #tpu.memory_space<hbm>> -> memref<1x125xi32, #tpu.memory_space<hbm>>
      %dma_start3A_700 = tpu.memref_squeeze %dma_start3A_699 : memref<1x125xi32, #tpu.memory_space<hbm>> -> memref<125xi32, #tpu.memory_space<hbm>>
      tpu.enqueue_dma source(%dma_start3A_700 : memref<125xi32, #tpu.memory_space<hbm>>) target(%dma_start3A_697 : memref<125xi32, #tpu.memory_space<vmem>>) target_semaphore(%arg16 : memref<!tpu.dma_semaphore, #tpu.memory_space<semaphore_mem>>)
      %dma_wait3A_701 = arith.constant 0 : i32
      %dma_wait3A_702 = arith.constant 0 : i32
      %dma_wait3A_703 = arith.constant 0 : i32
      %dma_wait3A_704 = tpu.memref_slice %arg7[%dma_wait3A_702, %dma_wait3A_703] : memref<2x125xi32, #tpu.memory_space<vmem>> -> memref<1x125xi32, #tpu.memory_space<vmem>>
      %dma_wait3A_705 = tpu.memref_squeeze %dma_wait3A_704 : memref<1x125xi32, #tpu.memory_space<vmem>> -> memref<125xi32, #tpu.memory_space<vmem>>
      %dma_wait3A_706 = arith.constant 0 : i32
      %dma_wait3A_707 = tpu.memref_slice %arg3[%dma_wait3A_701, %dma_wait3A_706] : memref<5120x125xi32, #tpu.memory_space<hbm>> -> memref<1x125xi32, #tpu.memory_space<hbm>>
      %dma_wait3A_708 = tpu.memref_squeeze %dma_wait3A_707 : memref<1x125xi32, #tpu.memory_space<hbm>> -> memref<125xi32, #tpu.memory_space<hbm>>
      %dma_wait3A_709 = arith.constant 0 : i32
      %dma_wait3A_710 = tpu.memref_slice %arg7[%dma_wait3A_702, %dma_wait3A_709] : memref<2x125xi32, #tpu.memory_space<vmem>> -> memref<1x125xi32, #tpu.memory_space<vmem>>
      %dma_wait3A_711 = tpu.memref_squeeze %dma_wait3A_710 : memref<1x125xi32, #tpu.memory_space<vmem>> -> memref<125xi32, #tpu.memory_space<vmem>>
      %dma_wait3A_712 = arith.constant 0 : i32
      %dma_wait3A_713 = tpu.memref_slice %arg3[%dma_wait3A_701, %dma_wait3A_712] : memref<5120x125xi32, #tpu.memory_space<hbm>> -> memref<1x125xi32, #tpu.memory_space<hbm>>
      %dma_wait3A_714 = tpu.memref_squeeze %dma_wait3A_713 : memref<1x125xi32, #tpu.memory_space<hbm>> -> memref<125xi32, #tpu.memory_space<hbm>>
      tpu.wait_dma2 semaphore(%arg14 : memref<!tpu.dma_semaphore, #tpu.memory_space<semaphore_mem>>) src(%dma_wait3A_714 : memref<125xi32, #tpu.memory_space<hbm>>) dst(%dma_wait3A_711 : memref<125xi32, #tpu.memory_space<vmem>>)
      %dma_wait3A_715 = arith.constant 0 : i32
      %dma_wait3A_716 = arith.constant 1 : i32
      %dma_wait3A_717 = arith.constant 0 : i32
      %dma_wait3A_718 = tpu.memref_slice %arg7[%dma_wait3A_716, %dma_wait3A_717] : memref<2x125xi32, #tpu.memory_space<vmem>> -> memref<1x125xi32, #tpu.memory_space<vmem>>
      %dma_wait3A_719 = tpu.memref_squeeze %dma_wait3A_718 : memref<1x125xi32, #tpu.memory_space<vmem>> -> memref<125xi32, #tpu.memory_space<vmem>>
      %dma_wait3A_720 = arith.constant 0 : i32
      %dma_wait3A_721 = tpu.memref_slice %arg3[%dma_wait3A_715, %dma_wait3A_720] : memref<5120x125xi32, #tpu.memory_space<hbm>> -> memref<1x125xi32, #tpu.memory_space<hbm>>
      %dma_wait3A_722 = tpu.memref_squeeze %dma_wait3A_721 : memref<1x125xi32, #tpu.memory_space<hbm>> -> memref<125xi32, #tpu.memory_space<hbm>>
      %dma_wait3A_723 = arith.constant 0 : i32
      %dma_wait3A_724 = tpu.memref_slice %arg7[%dma_wait3A_716, %dma_wait3A_723] : memref<2x125xi32, #tpu.memory_space<vmem>> -> memref<1x125xi32, #tpu.memory_space<vmem>>
      %dma_wait3A_725 = tpu.memref_squeeze %dma_wait3A_724 : memref<1x125xi32, #tpu.memory_space<vmem>> -> memref<125xi32, #tpu.memory_space<vmem>>
      %dma_wait3A_726 = arith.constant 0 : i32
      %dma_wait3A_727 = tpu.memref_slice %arg3[%dma_wait3A_715, %dma_wait3A_726] : memref<5120x125xi32, #tpu.memory_space<hbm>> -> memref<1x125xi32, #tpu.memory_space<hbm>>
      %dma_wait3A_728 = tpu.memref_squeeze %dma_wait3A_727 : memref<1x125xi32, #tpu.memory_space<hbm>> -> memref<125xi32, #tpu.memory_space<hbm>>
      tpu.wait_dma2 semaphore(%arg14 : memref<!tpu.dma_semaphore, #tpu.memory_space<semaphore_mem>>) src(%dma_wait3A_728 : memref<125xi32, #tpu.memory_space<hbm>>) dst(%dma_wait3A_725 : memref<125xi32, #tpu.memory_space<vmem>>)
      %dma_start3A_729 = arith.constant 0 : i32
      %dma_start3A_730 = arith.constant 0 : i32
      %dma_start3A_731 = tpu.memref_slice %arg7[%dma_start3A_729, %dma_start3A_730] : memref<2x125xi32, #tpu.memory_space<vmem>> -> memref<1x125xi32, #tpu.memory_space<vmem>>
      %dma_start3A_732 = tpu.memref_squeeze %dma_start3A_731 : memref<1x125xi32, #tpu.memory_space<vmem>> -> memref<125xi32, #tpu.memory_space<vmem>>
      %dma_start3A_733 = arith.constant 0 : i32
      %dma_start3A_734 = arith.constant 0 : i32
      %dma_start3A_735 = tpu.memref_slice %arg2[%dma_start3A_733, %dma_start3A_734] : memref<10000x128xf32, #tpu.memory_space<hbm>> -> memref<10000x128xf32, #tpu.memory_space<hbm>>
      tpu.enqueue_indirect_dma source(%dma_start3A_735 : memref<10000x128xf32, #tpu.memory_space<hbm>>) target(%arg11 : memref<125x128xf32, #tpu.memory_space<vmem>>) offsets(%dma_start3A_732 : memref<125xi32, #tpu.memory_space<vmem>>) semaphore(%arg18 : memref<!tpu.dma_semaphore, #tpu.memory_space<semaphore_mem>>)
    }
    %scan3A_217 = arith.constant 19 : i32
    %dma_wait3A_218 = arith.constant 0 : i32
    %dma_wait3A_219 = arith.constant 0 : i32
    %dma_wait3A_220 = tpu.memref_slice %arg6[%dma_wait3A_218, %dma_wait3A_219] : memref<2x125xi32, #tpu.memory_space<vmem>> -> memref<1x125xi32, #tpu.memory_space<vmem>>
    %dma_wait3A_221 = tpu.memref_squeeze %dma_wait3A_220 : memref<1x125xi32, #tpu.memory_space<vmem>> -> memref<125xi32, #tpu.memory_space<vmem>>
    %dma_wait3A_222 = arith.constant 0 : i32
    %dma_wait3A_223 = arith.constant 0 : i32
    %dma_wait3A_224 = tpu.memref_slice %arg2[%dma_wait3A_222, %dma_wait3A_223] : memref<10000x128xf32, #tpu.memory_space<hbm>> -> memref<10000x128xf32, #tpu.memory_space<hbm>>
    tpu.wait_indirect_dma semaphore(%arg17 : memref<!tpu.dma_semaphore, #tpu.memory_space<semaphore_mem>>) src(%dma_wait3A_224 : memref<10000x128xf32, #tpu.memory_space<hbm>>) dst(%arg10 : memref<125x128xf32, #tpu.memory_space<vmem>>)
    %dma_start3A_225 = arith.constant 1 : i32
    %dma_start3A_226 = arith.constant 0 : i32
    %dma_start3A_227 = tpu.memref_slice %arg6[%dma_start3A_225, %dma_start3A_226] : memref<2x125xi32, #tpu.memory_space<vmem>> -> memref<1x125xi32, #tpu.memory_space<vmem>>
    %dma_start3A_228 = tpu.memref_squeeze %dma_start3A_227 : memref<1x125xi32, #tpu.memory_space<vmem>> -> memref<125xi32, #tpu.memory_space<vmem>>
    %dma_start3A_229 = arith.constant 0 : i32
    %dma_start3A_230 = arith.constant 0 : i32
    %dma_start3A_231 = tpu.memref_slice %arg12[%dma_start3A_229, %dma_start3A_230] : memref<10000x128xf32, #tpu.memory_space<vmem_shared>> -> memref<10000x128xf32, #tpu.memory_space<vmem_shared>>
    tpu.enqueue_indirect_dma source(%arg10 : memref<125x128xf32, #tpu.memory_space<vmem>>) target(%dma_start3A_231 : memref<10000x128xf32, #tpu.memory_space<vmem_shared>>) offsets(%dma_start3A_228 : memref<125xi32, #tpu.memory_space<vmem>>) semaphore(%arg19 : memref<!tpu.dma_semaphore, #tpu.memory_space<semaphore_mem>>) {add = true}
    %dma_wait3A_232 = arith.constant 1 : i32
    %dma_wait3A_233 = arith.constant 0 : i32
    %dma_wait3A_234 = tpu.memref_slice %arg6[%dma_wait3A_232, %dma_wait3A_233] : memref<2x125xi32, #tpu.memory_space<vmem>> -> memref<1x125xi32, #tpu.memory_space<vmem>>
    %dma_wait3A_235 = tpu.memref_squeeze %dma_wait3A_234 : memref<1x125xi32, #tpu.memory_space<vmem>> -> memref<125xi32, #tpu.memory_space<vmem>>
    %dma_wait3A_236 = arith.constant 0 : i32
    %dma_wait3A_237 = arith.constant 0 : i32
    %dma_wait3A_238 = tpu.memref_slice %arg12[%dma_wait3A_236, %dma_wait3A_237] : memref<10000x128xf32, #tpu.memory_space<vmem_shared>> -> memref<10000x128xf32, #tpu.memory_space<vmem_shared>>
    tpu.wait_indirect_dma semaphore(%arg19 : memref<!tpu.dma_semaphore, #tpu.memory_space<semaphore_mem>>) src(%arg10 : memref<125x128xf32, #tpu.memory_space<vmem>>) dst(%dma_wait3A_238 : memref<10000x128xf32, #tpu.memory_space<vmem_shared>>)
    %dma_wait3A_239 = arith.constant 0 : i32
    %dma_wait3A_240 = arith.constant 0 : i32
    %dma_wait3A_241 = arith.constant 0 : i32
    %dma_wait3A_242 = tpu.memref_slice %arg8[%dma_wait3A_240, %dma_wait3A_241] : memref<2x125xi32, #tpu.memory_space<vmem>> -> memref<1x125xi32, #tpu.memory_space<vmem>>
    %dma_wait3A_243 = tpu.memref_squeeze %dma_wait3A_242 : memref<1x125xi32, #tpu.memory_space<vmem>> -> memref<125xi32, #tpu.memory_space<vmem>>
    %dma_wait3A_244 = arith.constant 0 : i32
    %dma_wait3A_245 = tpu.memref_slice %arg3[%dma_wait3A_239, %dma_wait3A_244] : memref<5120x125xi32, #tpu.memory_space<hbm>> -> memref<1x125xi32, #tpu.memory_space<hbm>>
    %dma_wait3A_246 = tpu.memref_squeeze %dma_wait3A_245 : memref<1x125xi32, #tpu.memory_space<hbm>> -> memref<125xi32, #tpu.memory_space<hbm>>
    %dma_wait3A_247 = arith.constant 0 : i32
    %dma_wait3A_248 = tpu.memref_slice %arg8[%dma_wait3A_240, %dma_wait3A_247] : memref<2x125xi32, #tpu.memory_space<vmem>> -> memref<1x125xi32, #tpu.memory_space<vmem>>
    %dma_wait3A_249 = tpu.memref_squeeze %dma_wait3A_248 : memref<1x125xi32, #tpu.memory_space<vmem>> -> memref<125xi32, #tpu.memory_space<vmem>>
    %dma_wait3A_250 = arith.constant 0 : i32
    %dma_wait3A_251 = tpu.memref_slice %arg3[%dma_wait3A_239, %dma_wait3A_250] : memref<5120x125xi32, #tpu.memory_space<hbm>> -> memref<1x125xi32, #tpu.memory_space<hbm>>
    %dma_wait3A_252 = tpu.memref_squeeze %dma_wait3A_251 : memref<1x125xi32, #tpu.memory_space<hbm>> -> memref<125xi32, #tpu.memory_space<hbm>>
    tpu.wait_dma2 semaphore(%arg15 : memref<!tpu.dma_semaphore, #tpu.memory_space<semaphore_mem>>) src(%dma_wait3A_252 : memref<125xi32, #tpu.memory_space<hbm>>) dst(%dma_wait3A_249 : memref<125xi32, #tpu.memory_space<vmem>>)
    %dma_wait3A_253 = arith.constant 0 : i32
    %dma_wait3A_254 = arith.constant 1 : i32
    %dma_wait3A_255 = arith.constant 0 : i32
    %dma_wait3A_256 = tpu.memref_slice %arg8[%dma_wait3A_254, %dma_wait3A_255] : memref<2x125xi32, #tpu.memory_space<vmem>> -> memref<1x125xi32, #tpu.memory_space<vmem>>
    %dma_wait3A_257 = tpu.memref_squeeze %dma_wait3A_256 : memref<1x125xi32, #tpu.memory_space<vmem>> -> memref<125xi32, #tpu.memory_space<vmem>>
    %dma_wait3A_258 = arith.constant 0 : i32
    %dma_wait3A_259 = tpu.memref_slice %arg3[%dma_wait3A_253, %dma_wait3A_258] : memref<5120x125xi32, #tpu.memory_space<hbm>> -> memref<1x125xi32, #tpu.memory_space<hbm>>
    %dma_wait3A_260 = tpu.memref_squeeze %dma_wait3A_259 : memref<1x125xi32, #tpu.memory_space<hbm>> -> memref<125xi32, #tpu.memory_space<hbm>>
    %dma_wait3A_261 = arith.constant 0 : i32
    %dma_wait3A_262 = tpu.memref_slice %arg8[%dma_wait3A_254, %dma_wait3A_261] : memref<2x125xi32, #tpu.memory_space<vmem>> -> memref<1x125xi32, #tpu.memory_space<vmem>>
    %dma_wait3A_263 = tpu.memref_squeeze %dma_wait3A_262 : memref<1x125xi32, #tpu.memory_space<vmem>> -> memref<125xi32, #tpu.memory_space<vmem>>
    %dma_wait3A_264 = arith.constant 0 : i32
    %dma_wait3A_265 = tpu.memref_slice %arg3[%dma_wait3A_253, %dma_wait3A_264] : memref<5120x125xi32, #tpu.memory_space<hbm>> -> memref<1x125xi32, #tpu.memory_space<hbm>>
    %dma_wait3A_266 = tpu.memref_squeeze %dma_wait3A_265 : memref<1x125xi32, #tpu.memory_space<hbm>> -> memref<125xi32, #tpu.memory_space<hbm>>
    tpu.wait_dma2 semaphore(%arg15 : memref<!tpu.dma_semaphore, #tpu.memory_space<semaphore_mem>>) src(%dma_wait3A_266 : memref<125xi32, #tpu.memory_space<hbm>>) dst(%dma_wait3A_263 : memref<125xi32, #tpu.memory_space<vmem>>)
    %dma_start3A_267 = arith.constant 0 : i32
    %dma_start3A_268 = arith.constant 0 : i32
    %dma_start3A_269 = tpu.memref_slice %arg8[%dma_start3A_267, %dma_start3A_268] : memref<2x125xi32, #tpu.memory_space<vmem>> -> memref<1x125xi32, #tpu.memory_space<vmem>>
    %dma_start3A_270 = tpu.memref_squeeze %dma_start3A_269 : memref<1x125xi32, #tpu.memory_space<vmem>> -> memref<125xi32, #tpu.memory_space<vmem>>
    %dma_start3A_271 = arith.constant 0 : i32
    %dma_start3A_272 = arith.constant 0 : i32
    %dma_start3A_273 = tpu.memref_slice %arg2[%dma_start3A_271, %dma_start3A_272] : memref<10000x128xf32, #tpu.memory_space<hbm>> -> memref<10000x128xf32, #tpu.memory_space<hbm>>
    tpu.enqueue_indirect_dma source(%dma_start3A_273 : memref<10000x128xf32, #tpu.memory_space<hbm>>) target(%arg10 : memref<125x128xf32, #tpu.memory_space<vmem>>) offsets(%dma_start3A_270 : memref<125xi32, #tpu.memory_space<vmem>>) semaphore(%arg17 : memref<!tpu.dma_semaphore, #tpu.memory_space<semaphore_mem>>)
    %dma_wait3A_274 = arith.constant 0 : i32
    %dma_wait3A_275 = arith.constant 0 : i32
    %dma_wait3A_276 = tpu.memref_slice %arg6[%dma_wait3A_274, %dma_wait3A_275] : memref<2x125xi32, #tpu.memory_space<vmem>> -> memref<1x125xi32, #tpu.memory_space<vmem>>
    %dma_wait3A_277 = tpu.memref_squeeze %dma_wait3A_276 : memref<1x125xi32, #tpu.memory_space<vmem>> -> memref<125xi32, #tpu.memory_space<vmem>>
    %dma_wait3A_278 = arith.constant 0 : i32
    %dma_wait3A_279 = arith.constant 0 : i32
    %dma_wait3A_280 = tpu.memref_slice %arg2[%dma_wait3A_278, %dma_wait3A_279] : memref<10000x128xf32, #tpu.memory_space<hbm>> -> memref<10000x128xf32, #tpu.memory_space<hbm>>
    tpu.wait_indirect_dma semaphore(%arg18 : memref<!tpu.dma_semaphore, #tpu.memory_space<semaphore_mem>>) src(%dma_wait3A_280 : memref<10000x128xf32, #tpu.memory_space<hbm>>) dst(%arg11 : memref<125x128xf32, #tpu.memory_space<vmem>>)
    %dma_start3A_281 = arith.constant 1 : i32
    %dma_start3A_282 = arith.constant 0 : i32
    %dma_start3A_283 = tpu.memref_slice %arg7[%dma_start3A_281, %dma_start3A_282] : memref<2x125xi32, #tpu.memory_space<vmem>> -> memref<1x125xi32, #tpu.memory_space<vmem>>
    %dma_start3A_284 = tpu.memref_squeeze %dma_start3A_283 : memref<1x125xi32, #tpu.memory_space<vmem>> -> memref<125xi32, #tpu.memory_space<vmem>>
    %dma_start3A_285 = arith.constant 0 : i32
    %dma_start3A_286 = arith.constant 0 : i32
    %dma_start3A_287 = tpu.memref_slice %arg12[%dma_start3A_285, %dma_start3A_286] : memref<10000x128xf32, #tpu.memory_space<vmem_shared>> -> memref<10000x128xf32, #tpu.memory_space<vmem_shared>>
    tpu.enqueue_indirect_dma source(%arg11 : memref<125x128xf32, #tpu.memory_space<vmem>>) target(%dma_start3A_287 : memref<10000x128xf32, #tpu.memory_space<vmem_shared>>) offsets(%dma_start3A_284 : memref<125xi32, #tpu.memory_space<vmem>>) semaphore(%arg20 : memref<!tpu.dma_semaphore, #tpu.memory_space<semaphore_mem>>) {add = true}
    %dma_wait3A_288 = arith.constant 1 : i32
    %dma_wait3A_289 = arith.constant 0 : i32
    %dma_wait3A_290 = tpu.memref_slice %arg7[%dma_wait3A_288, %dma_wait3A_289] : memref<2x125xi32, #tpu.memory_space<vmem>> -> memref<1x125xi32, #tpu.memory_space<vmem>>
    %dma_wait3A_291 = tpu.memref_squeeze %dma_wait3A_290 : memref<1x125xi32, #tpu.memory_space<vmem>> -> memref<125xi32, #tpu.memory_space<vmem>>
    %dma_wait3A_292 = arith.constant 0 : i32
    %dma_wait3A_293 = arith.constant 0 : i32
    %dma_wait3A_294 = tpu.memref_slice %arg12[%dma_wait3A_292, %dma_wait3A_293] : memref<10000x128xf32, #tpu.memory_space<vmem_shared>> -> memref<10000x128xf32, #tpu.memory_space<vmem_shared>>
    tpu.wait_indirect_dma semaphore(%arg20 : memref<!tpu.dma_semaphore, #tpu.memory_space<semaphore_mem>>) src(%arg11 : memref<125x128xf32, #tpu.memory_space<vmem>>) dst(%dma_wait3A_294 : memref<10000x128xf32, #tpu.memory_space<vmem_shared>>)
    %dma_wait3A_295 = arith.constant 0 : i32
    %dma_wait3A_296 = arith.constant 0 : i32
    %dma_wait3A_297 = arith.constant 0 : i32
    %dma_wait3A_298 = tpu.memref_slice %arg9[%dma_wait3A_296, %dma_wait3A_297] : memref<2x125xi32, #tpu.memory_space<vmem>> -> memref<1x125xi32, #tpu.memory_space<vmem>>
    %dma_wait3A_299 = tpu.memref_squeeze %dma_wait3A_298 : memref<1x125xi32, #tpu.memory_space<vmem>> -> memref<125xi32, #tpu.memory_space<vmem>>
    %dma_wait3A_300 = arith.constant 0 : i32
    %dma_wait3A_301 = tpu.memref_slice %arg3[%dma_wait3A_295, %dma_wait3A_300] : memref<5120x125xi32, #tpu.memory_space<hbm>> -> memref<1x125xi32, #tpu.memory_space<hbm>>
    %dma_wait3A_302 = tpu.memref_squeeze %dma_wait3A_301 : memref<1x125xi32, #tpu.memory_space<hbm>> -> memref<125xi32, #tpu.memory_space<hbm>>
    %dma_wait3A_303 = arith.constant 0 : i32
    %dma_wait3A_304 = tpu.memref_slice %arg9[%dma_wait3A_296, %dma_wait3A_303] : memref<2x125xi32, #tpu.memory_space<vmem>> -> memref<1x125xi32, #tpu.memory_space<vmem>>
    %dma_wait3A_305 = tpu.memref_squeeze %dma_wait3A_304 : memref<1x125xi32, #tpu.memory_space<vmem>> -> memref<125xi32, #tpu.memory_space<vmem>>
    %dma_wait3A_306 = arith.constant 0 : i32
    %dma_wait3A_307 = tpu.memref_slice %arg3[%dma_wait3A_295, %dma_wait3A_306] : memref<5120x125xi32, #tpu.memory_space<hbm>> -> memref<1x125xi32, #tpu.memory_space<hbm>>
    %dma_wait3A_308 = tpu.memref_squeeze %dma_wait3A_307 : memref<1x125xi32, #tpu.memory_space<hbm>> -> memref<125xi32, #tpu.memory_space<hbm>>
    tpu.wait_dma2 semaphore(%arg16 : memref<!tpu.dma_semaphore, #tpu.memory_space<semaphore_mem>>) src(%dma_wait3A_308 : memref<125xi32, #tpu.memory_space<hbm>>) dst(%dma_wait3A_305 : memref<125xi32, #tpu.memory_space<vmem>>)
    %dma_wait3A_309 = arith.constant 0 : i32
    %dma_wait3A_310 = arith.constant 1 : i32
    %dma_wait3A_311 = arith.constant 0 : i32
    %dma_wait3A_312 = tpu.memref_slice %arg9[%dma_wait3A_310, %dma_wait3A_311] : memref<2x125xi32, #tpu.memory_space<vmem>> -> memref<1x125xi32, #tpu.memory_space<vmem>>
    %dma_wait3A_313 = tpu.memref_squeeze %dma_wait3A_312 : memref<1x125xi32, #tpu.memory_space<vmem>> -> memref<125xi32, #tpu.memory_space<vmem>>
    %dma_wait3A_314 = arith.constant 0 : i32
    %dma_wait3A_315 = tpu.memref_slice %arg3[%dma_wait3A_309, %dma_wait3A_314] : memref<5120x125xi32, #tpu.memory_space<hbm>> -> memref<1x125xi32, #tpu.memory_space<hbm>>
    %dma_wait3A_316 = tpu.memref_squeeze %dma_wait3A_315 : memref<1x125xi32, #tpu.memory_space<hbm>> -> memref<125xi32, #tpu.memory_space<hbm>>
    %dma_wait3A_317 = arith.constant 0 : i32
    %dma_wait3A_318 = tpu.memref_slice %arg9[%dma_wait3A_310, %dma_wait3A_317] : memref<2x125xi32, #tpu.memory_space<vmem>> -> memref<1x125xi32, #tpu.memory_space<vmem>>
    %dma_wait3A_319 = tpu.memref_squeeze %dma_wait3A_318 : memref<1x125xi32, #tpu.memory_space<vmem>> -> memref<125xi32, #tpu.memory_space<vmem>>
    %dma_wait3A_320 = arith.constant 0 : i32
    %dma_wait3A_321 = tpu.memref_slice %arg3[%dma_wait3A_309, %dma_wait3A_320] : memref<5120x125xi32, #tpu.memory_space<hbm>> -> memref<1x125xi32, #tpu.memory_space<hbm>>
    %dma_wait3A_322 = tpu.memref_squeeze %dma_wait3A_321 : memref<1x125xi32, #tpu.memory_space<hbm>> -> memref<125xi32, #tpu.memory_space<hbm>>
    tpu.wait_dma2 semaphore(%arg16 : memref<!tpu.dma_semaphore, #tpu.memory_space<semaphore_mem>>) src(%dma_wait3A_322 : memref<125xi32, #tpu.memory_space<hbm>>) dst(%dma_wait3A_319 : memref<125xi32, #tpu.memory_space<vmem>>)
    %dma_start3A_323 = arith.constant 0 : i32
    %dma_start3A_324 = arith.constant 0 : i32
    %dma_start3A_325 = tpu.memref_slice %arg9[%dma_start3A_323, %dma_start3A_324] : memref<2x125xi32, #tpu.memory_space<vmem>> -> memref<1x125xi32, #tpu.memory_space<vmem>>
    %dma_start3A_326 = tpu.memref_squeeze %dma_start3A_325 : memref<1x125xi32, #tpu.memory_space<vmem>> -> memref<125xi32, #tpu.memory_space<vmem>>
    %dma_start3A_327 = arith.constant 0 : i32
    %dma_start3A_328 = arith.constant 0 : i32
    %dma_start3A_329 = tpu.memref_slice %arg2[%dma_start3A_327, %dma_start3A_328] : memref<10000x128xf32, #tpu.memory_space<hbm>> -> memref<10000x128xf32, #tpu.memory_space<hbm>>
    tpu.enqueue_indirect_dma source(%dma_start3A_329 : memref<10000x128xf32, #tpu.memory_space<hbm>>) target(%arg11 : memref<125x128xf32, #tpu.memory_space<vmem>>) offsets(%dma_start3A_326 : memref<125xi32, #tpu.memory_space<vmem>>) semaphore(%arg18 : memref<!tpu.dma_semaphore, #tpu.memory_space<semaphore_mem>>)
    %dma_wait3A_330 = arith.constant 0 : i32
    %dma_wait3A_331 = arith.constant 0 : i32
    %dma_wait3A_332 = tpu.memref_slice %arg6[%dma_wait3A_330, %dma_wait3A_331] : memref<2x125xi32, #tpu.memory_space<vmem>> -> memref<1x125xi32, #tpu.memory_space<vmem>>
    %dma_wait3A_333 = tpu.memref_squeeze %dma_wait3A_332 : memref<1x125xi32, #tpu.memory_space<vmem>> -> memref<125xi32, #tpu.memory_space<vmem>>
    %dma_wait3A_334 = arith.constant 0 : i32
    %dma_wait3A_335 = arith.constant 0 : i32
    %dma_wait3A_336 = tpu.memref_slice %arg2[%dma_wait3A_334, %dma_wait3A_335] : memref<10000x128xf32, #tpu.memory_space<hbm>> -> memref<10000x128xf32, #tpu.memory_space<hbm>>
    tpu.wait_indirect_dma semaphore(%arg17 : memref<!tpu.dma_semaphore, #tpu.memory_space<semaphore_mem>>) src(%dma_wait3A_336 : memref<10000x128xf32, #tpu.memory_space<hbm>>) dst(%arg10 : memref<125x128xf32, #tpu.memory_space<vmem>>)
    %dma_start3A_337 = arith.constant 1 : i32
    %dma_start3A_338 = arith.constant 0 : i32
    %dma_start3A_339 = tpu.memref_slice %arg8[%dma_start3A_337, %dma_start3A_338] : memref<2x125xi32, #tpu.memory_space<vmem>> -> memref<1x125xi32, #tpu.memory_space<vmem>>
    %dma_start3A_340 = tpu.memref_squeeze %dma_start3A_339 : memref<1x125xi32, #tpu.memory_space<vmem>> -> memref<125xi32, #tpu.memory_space<vmem>>
    %dma_start3A_341 = arith.constant 0 : i32
    %dma_start3A_342 = arith.constant 0 : i32
    %dma_start3A_343 = tpu.memref_slice %arg12[%dma_start3A_341, %dma_start3A_342] : memref<10000x128xf32, #tpu.memory_space<vmem_shared>> -> memref<10000x128xf32, #tpu.memory_space<vmem_shared>>
    tpu.enqueue_indirect_dma source(%arg10 : memref<125x128xf32, #tpu.memory_space<vmem>>) target(%dma_start3A_343 : memref<10000x128xf32, #tpu.memory_space<vmem_shared>>) offsets(%dma_start3A_340 : memref<125xi32, #tpu.memory_space<vmem>>) semaphore(%arg19 : memref<!tpu.dma_semaphore, #tpu.memory_space<semaphore_mem>>) {add = true}
    %dma_wait3A_344 = arith.constant 1 : i32
    %dma_wait3A_345 = arith.constant 0 : i32
    %dma_wait3A_346 = tpu.memref_slice %arg8[%dma_wait3A_344, %dma_wait3A_345] : memref<2x125xi32, #tpu.memory_space<vmem>> -> memref<1x125xi32, #tpu.memory_space<vmem>>
    %dma_wait3A_347 = tpu.memref_squeeze %dma_wait3A_346 : memref<1x125xi32, #tpu.memory_space<vmem>> -> memref<125xi32, #tpu.memory_space<vmem>>
    %dma_wait3A_348 = arith.constant 0 : i32
    %dma_wait3A_349 = arith.constant 0 : i32
    %dma_wait3A_350 = tpu.memref_slice %arg12[%dma_wait3A_348, %dma_wait3A_349] : memref<10000x128xf32, #tpu.memory_space<vmem_shared>> -> memref<10000x128xf32, #tpu.memory_space<vmem_shared>>
    tpu.wait_indirect_dma semaphore(%arg19 : memref<!tpu.dma_semaphore, #tpu.memory_space<semaphore_mem>>) src(%arg10 : memref<125x128xf32, #tpu.memory_space<vmem>>) dst(%dma_wait3A_350 : memref<10000x128xf32, #tpu.memory_space<vmem_shared>>)
    %dma_wait3A_351 = arith.constant 0 : i32
    %dma_wait3A_352 = arith.constant 0 : i32
    %dma_wait3A_353 = tpu.memref_slice %arg6[%dma_wait3A_351, %dma_wait3A_352] : memref<2x125xi32, #tpu.memory_space<vmem>> -> memref<1x125xi32, #tpu.memory_space<vmem>>
    %dma_wait3A_354 = tpu.memref_squeeze %dma_wait3A_353 : memref<1x125xi32, #tpu.memory_space<vmem>> -> memref<125xi32, #tpu.memory_space<vmem>>
    %dma_wait3A_355 = arith.constant 0 : i32
    %dma_wait3A_356 = arith.constant 0 : i32
    %dma_wait3A_357 = tpu.memref_slice %arg2[%dma_wait3A_355, %dma_wait3A_356] : memref<10000x128xf32, #tpu.memory_space<hbm>> -> memref<10000x128xf32, #tpu.memory_space<hbm>>
    tpu.wait_indirect_dma semaphore(%arg18 : memref<!tpu.dma_semaphore, #tpu.memory_space<semaphore_mem>>) src(%dma_wait3A_357 : memref<10000x128xf32, #tpu.memory_space<hbm>>) dst(%arg11 : memref<125x128xf32, #tpu.memory_space<vmem>>)
    %dma_start3A_358 = arith.constant 1 : i32
    %dma_start3A_359 = arith.constant 0 : i32
    %dma_start3A_360 = tpu.memref_slice %arg9[%dma_start3A_358, %dma_start3A_359] : memref<2x125xi32, #tpu.memory_space<vmem>> -> memref<1x125xi32, #tpu.memory_space<vmem>>
    %dma_start3A_361 = tpu.memref_squeeze %dma_start3A_360 : memref<1x125xi32, #tpu.memory_space<vmem>> -> memref<125xi32, #tpu.memory_space<vmem>>
    %dma_start3A_362 = arith.constant 0 : i32
    %dma_start3A_363 = arith.constant 0 : i32
    %dma_start3A_364 = tpu.memref_slice %arg12[%dma_start3A_362, %dma_start3A_363] : memref<10000x128xf32, #tpu.memory_space<vmem_shared>> -> memref<10000x128xf32, #tpu.memory_space<vmem_shared>>
    tpu.enqueue_indirect_dma source(%arg11 : memref<125x128xf32, #tpu.memory_space<vmem>>) target(%dma_start3A_364 : memref<10000x128xf32, #tpu.memory_space<vmem_shared>>) offsets(%dma_start3A_361 : memref<125xi32, #tpu.memory_space<vmem>>) semaphore(%arg20 : memref<!tpu.dma_semaphore, #tpu.memory_space<semaphore_mem>>) {add = true}
    %dma_wait3A_365 = arith.constant 1 : i32
    %dma_wait3A_366 = arith.constant 0 : i32
    %dma_wait3A_367 = tpu.memref_slice %arg9[%dma_wait3A_365, %dma_wait3A_366] : memref<2x125xi32, #tpu.memory_space<vmem>> -> memref<1x125xi32, #tpu.memory_space<vmem>>
    %dma_wait3A_368 = tpu.memref_squeeze %dma_wait3A_367 : memref<1x125xi32, #tpu.memory_space<vmem>> -> memref<125xi32, #tpu.memory_space<vmem>>
    %dma_wait3A_369 = arith.constant 0 : i32
    %dma_wait3A_370 = arith.constant 0 : i32
    %dma_wait3A_371 = tpu.memref_slice %arg12[%dma_wait3A_369, %dma_wait3A_370] : memref<10000x128xf32, #tpu.memory_space<vmem_shared>> -> memref<10000x128xf32, #tpu.memory_space<vmem_shared>>
    tpu.wait_indirect_dma semaphore(%arg20 : memref<!tpu.dma_semaphore, #tpu.memory_space<semaphore_mem>>) src(%arg11 : memref<125x128xf32, #tpu.memory_space<vmem>>) dst(%dma_wait3A_371 : memref<10000x128xf32, #tpu.memory_space<vmem_shared>>)
    %barrier3A_372 = arith.constant 0 : index
    tpu.barrier barrier_id(%barrier3A_372)
    %not3A_373 = arith.constant true
    %not3A_374 = arith.xori %eq3A_1, %not3A_373 : i1
    %convert_element_type3A_375 = arith.extui %not3A_374 : i1 to i32
    %cond3A_376 = arith.constant 0 : i32
    %cond3A_377 = arith.cmpi ne, %convert_element_type3A_375, %cond3A_376 : i32
    scf.if %cond3A_377 {
      %mul3A_381 = arith.constant 640 : i32
      %mul3A_382 = arith.muli %arg1, %mul3A_381 : i32
      %mul3A_383 = arith.constant 10000 : i32
      %mul3A_384 = arith.muli %arg0, %mul3A_383 : i32
      %mul3A_385 = arith.constant 640 : i32
      %mul3A_386 = arith.muli %arg1, %mul3A_385 : i32
      %add3A_387 = arith.addi %mul3A_384, %mul3A_386 : i32
      "tpu.region"() ({
        %run_scoped3A = tpu.sem_alloc : memref<!tpu.dma_semaphore, #tpu.memory_space<semaphore_mem>>
        %dma_start3A_388 = arith.constant 0 : i32
        %dma_start3A_389 = tpu.memref_slice %arg5[%add3A_387, %dma_start3A_388] : memref<20000x128xf32, #tpu.memory_space<hbm>> -> memref<640x128xf32, #tpu.memory_space<hbm>>
        %dma_start3A_390 = arith.constant 0 : i32
        %dma_start3A_391 = tpu.memref_slice %arg12[%mul3A_382, %dma_start3A_390] : memref<10000x128xf32, #tpu.memory_space<vmem_shared>> -> memref<640x128xf32, #tpu.memory_space<vmem_shared>>
        tpu.enqueue_dma source(%dma_start3A_391 : memref<640x128xf32, #tpu.memory_space<vmem_shared>>) target(%dma_start3A_389 : memref<640x128xf32, #tpu.memory_space<hbm>>) target_semaphore(%run_scoped3A : memref<!tpu.dma_semaphore, #tpu.memory_space<semaphore_mem>>)
        %dma_wait3A_392 = arith.constant 0 : i32
        %dma_wait3A_393 = tpu.memref_slice %arg5[%add3A_387, %dma_wait3A_392] : memref<20000x128xf32, #tpu.memory_space<hbm>> -> memref<640x128xf32, #tpu.memory_space<hbm>>
        %dma_wait3A_394 = arith.constant 0 : i32
        %dma_wait3A_395 = tpu.memref_slice %arg12[%mul3A_382, %dma_wait3A_394] : memref<10000x128xf32, #tpu.memory_space<vmem_shared>> -> memref<640x128xf32, #tpu.memory_space<vmem_shared>>
        tpu.wait_dma2 semaphore(%run_scoped3A : memref<!tpu.dma_semaphore, #tpu.memory_space<semaphore_mem>>) src(%dma_wait3A_395 : memref<640x128xf32, #tpu.memory_space<vmem_shared>>) dst(%dma_wait3A_393 : memref<640x128xf32, #tpu.memory_space<hbm>>)
        tpu.yield
      }) : () -> ()
    } else {
    }
    %convert_element_type3A_378 = arith.extui %eq3A_1 : i1 to i32
    %cond3A_379 = arith.constant 0 : i32
    %cond3A_380 = arith.cmpi ne, %convert_element_type3A_378, %cond3A_379 : i32
    scf.if %cond3A_380 {
      %mul3A_381 = arith.constant 640 : i32
      %mul3A_382 = arith.muli %arg1, %mul3A_381 : i32
      %mul3A_383 = arith.constant 10000 : i32
      %mul3A_384 = arith.muli %arg0, %mul3A_383 : i32
      %mul3A_385 = arith.constant 640 : i32
      %mul3A_386 = arith.muli %arg1, %mul3A_385 : i32
      %add3A_387 = arith.addi %mul3A_384, %mul3A_386 : i32
      "tpu.region"() ({
        %run_scoped3A = tpu.sem_alloc : memref<!tpu.dma_semaphore, #tpu.memory_space<semaphore_mem>>
        %dma_start3A_388 = arith.constant 0 : i32
        %dma_start3A_389 = tpu.memref_slice %arg5[%add3A_387, %dma_start3A_388] : memref<20000x128xf32, #tpu.memory_space<hbm>> -> memref<400x128xf32, #tpu.memory_space<hbm>>
        %dma_start3A_390 = arith.constant 0 : i32
        %dma_start3A_391 = tpu.memref_slice %arg12[%mul3A_382, %dma_start3A_390] : memref<10000x128xf32, #tpu.memory_space<vmem_shared>> -> memref<400x128xf32, #tpu.memory_space<vmem_shared>>
        tpu.enqueue_dma source(%dma_start3A_391 : memref<400x128xf32, #tpu.memory_space<vmem_shared>>) target(%dma_start3A_389 : memref<400x128xf32, #tpu.memory_space<hbm>>) target_semaphore(%run_scoped3A : memref<!tpu.dma_semaphore, #tpu.memory_space<semaphore_mem>>)
        %dma_wait3A_392 = arith.constant 0 : i32
        %dma_wait3A_393 = tpu.memref_slice %arg5[%add3A_387, %dma_wait3A_392] : memref<20000x128xf32, #tpu.memory_space<hbm>> -> memref<400x128xf32, #tpu.memory_space<hbm>>
        %dma_wait3A_394 = arith.constant 0 : i32
        %dma_wait3A_395 = tpu.memref_slice %arg12[%mul3A_382, %dma_wait3A_394] : memref<10000x128xf32, #tpu.memory_space<vmem_shared>> -> memref<400x128xf32, #tpu.memory_space<vmem_shared>>
        tpu.wait_dma2 semaphore(%run_scoped3A : memref<!tpu.dma_semaphore, #tpu.memory_space<semaphore_mem>>) src(%dma_wait3A_395 : memref<400x128xf32, #tpu.memory_space<vmem_shared>>) dst(%dma_wait3A_393 : memref<400x128xf32, #tpu.memory_space<hbm>>)
        tpu.yield
      }) : () -> ()
    } else {
    }
    return
  }
}

module attributes {stable_mosaic.version = 14 : i64} {
  func.func @_layer_body(%arg0: i32, %arg1: memref<1000x128xf32, #tpu.memory_space<vmem>>, %arg2: memref<1000x128xf32, #tpu.memory_space<vmem>>, %arg3: memref<1000x128xf32, #tpu.memory_space<vmem>>, %arg4: memref<1000x16xf32, #tpu.memory_space<vmem>>, %arg5: memref<1000x16xf32, #tpu.memory_space<vmem>>, %arg6: memref<128x128xf32, #tpu.memory_space<vmem>>, %arg7: memref<128x128xf32, #tpu.memory_space<vmem>>, %arg8: memref<1x128xf32, #tpu.memory_space<vmem>>, %arg9: memref<1000x128xf32, #tpu.memory_space<vmem>>) attributes {dimension_semantics = [#tpu.dimension_semantics<arbitrary>], iteration_bounds = array<i64: 10>, scalar_prefetch = 0 : i64, scratch_operands = 0 : i64, tpu.core_type = #tpu.core_type<tc>, window_params = [{transform_indices = @transform_0, window_bounds = array<i64: 1000, 128>}, {transform_indices = @transform_1, window_bounds = array<i64: 1000, 128>}, {transform_indices = @transform_2, window_bounds = array<i64: 1000, 128>}, {transform_indices = @transform_3, window_bounds = array<i64: 1000, 16>}, {transform_indices = @transform_4, window_bounds = array<i64: 1000, 16>}, {pipeline_mode = #tpu.pipeline_mode<synchronous>, transform_indices = @transform_5, window_bounds = array<i64: 128, 128>}, {pipeline_mode = #tpu.pipeline_mode<synchronous>, transform_indices = @transform_6, window_bounds = array<i64: 128, 128>}, {pipeline_mode = #tpu.pipeline_mode<synchronous>, transform_indices = @transform_7, window_bounds = array<i64: 1, 128>}, {transform_indices = @transform_8, window_bounds = array<i64: 1000, 128>}]} {
    %get3A = arith.constant 0 : index
    %get3A_0 = arith.constant 0 : index
    %get3A_1 = vector.load %arg4[%get3A, %get3A_0] : memref<1000x16xf32, #tpu.memory_space<vmem>>, vector<1000x1xf32>
    %get3A_2 = arith.constant 0 : index
    %get3A_3 = arith.constant 0 : index
    %get3A_4 = vector.load %arg5[%get3A_2, %get3A_3] : memref<1000x16xf32, #tpu.memory_space<vmem>>, vector<1000x1xf32>
    %add3A = arith.addf %get3A_1, %get3A_4 : vector<1000x1xf32>
    %max3A = arith.constant 1.000000e+00 : f32
    %max3A_5 = vector.broadcast %max3A : f32 to vector<1000x1xf32>
    %max3A_6 = arith.maximumf %add3A, %max3A_5 : vector<1000x1xf32>
    %div3A = arith.constant 1.000000e+00 : f32
    %div3A_7 = vector.broadcast %div3A : f32 to vector<1000x1xf32>
    %div3A_8 = arith.divf %div3A_7, %max3A_6 : vector<1000x1xf32>
    %get3A_9 = arith.constant 0 : index
    %get3A_10 = arith.constant 0 : index
    %get3A_11 = vector.load %arg2[%get3A_9, %get3A_10] : memref<1000x128xf32, #tpu.memory_space<vmem>>, vector<1000x128xf32>
    %get3A_12 = arith.constant 0 : index
    %get3A_13 = arith.constant 0 : index
    %get3A_14 = vector.load %arg3[%get3A_12, %get3A_13] : memref<1000x128xf32, #tpu.memory_space<vmem>>, vector<1000x128xf32>
    %add3A_15 = arith.addf %get3A_11, %get3A_14 : vector<1000x128xf32>
    %mul3A = vector.broadcast %div3A_8 : vector<1000x1xf32> to vector<1000x128xf32>
    %mul3A_16 = arith.mulf %add3A_15, %mul3A : vector<1000x128xf32>
    %get3A_17 = arith.constant 0 : index
    %get3A_18 = arith.constant 0 : index
    %get3A_19 = vector.load %arg1[%get3A_17, %get3A_18] : memref<1000x128xf32, #tpu.memory_space<vmem>>, vector<1000x128xf32>
    %get3A_20 = arith.constant 0 : index
    %get3A_21 = arith.constant 0 : index
    %get3A_22 = vector.load %arg6[%get3A_20, %get3A_21] : memref<128x128xf32, #tpu.memory_space<vmem>>, vector<128x128xf32>
    %dot_general3A = arith.constant dense<0.000000e+00> : vector<1000x128xf32>
    %dot_general3A_23 = tpu.matmul %get3A_19, %get3A_22, %dot_general3A {dimension_numbers = #tpu.dot_dimension_numbers<[1], [0], [0], [1], [0, 0, 1, 1], [], []>, transpose_lhs_hint = false} : vector<1000x128xf32>, vector<128x128xf32>, vector<1000x128xf32> -> vector<1000x128xf32>
    %get3A_24 = arith.constant 0 : index
    %get3A_25 = arith.constant 0 : index
    %get3A_26 = vector.load %arg7[%get3A_24, %get3A_25] : memref<128x128xf32, #tpu.memory_space<vmem>>, vector<128x128xf32>
    %dot_general3A_27 = arith.constant dense<0.000000e+00> : vector<1000x128xf32>
    %dot_general3A_28 = tpu.matmul %mul3A_16, %get3A_26, %dot_general3A_27 {dimension_numbers = #tpu.dot_dimension_numbers<[1], [0], [0], [1], [0, 0, 1, 1], [], []>, transpose_lhs_hint = false} : vector<1000x128xf32>, vector<128x128xf32>, vector<1000x128xf32> -> vector<1000x128xf32>
    %add3A_29 = arith.addf %dot_general3A_23, %dot_general3A_28 : vector<1000x128xf32>
    %get3A_30 = arith.constant 0 : index
    %get3A_31 = arith.constant 0 : index
    %get3A_32 = vector.load %arg8[%get3A_30, %get3A_31] : memref<1x128xf32, #tpu.memory_space<vmem>>, vector<1x128xf32>
    %add3A_33 = vector.broadcast %get3A_32 : vector<1x128xf32> to vector<1000x128xf32>
    %add3A_34 = arith.addf %add3A_29, %add3A_33 : vector<1000x128xf32>
    %max3A_35 = arith.constant 0.000000e+00 : f32
    %max3A_36 = vector.broadcast %max3A_35 : f32 to vector<1000x128xf32>
    %max3A_37 = arith.maximumf %add3A_34, %max3A_36 : vector<1000x128xf32>
    %swap3A = arith.constant 0 : index
    %swap3A_38 = arith.constant 0 : index
    %swap3A_39 = vector.load %arg9[%swap3A, %swap3A_38] : memref<1000x128xf32, #tpu.memory_space<vmem>>, vector<1000x128xf32>
    tpu.vector_store %arg9[%swap3A, %swap3A_38], %max3A_37 {strides = array<i32>} : memref<1000x128xf32, #tpu.memory_space<vmem>>, vector<1000x128xf32>,
    return
  }
  func.func @transform_0(%arg0: i32) -> (i32, i32) {
    %c0_i32 = arith.constant 0 : i32
    %c0_i32_0 = arith.constant 0 : i32
    return %arg0, %c0_i32 : i32, i32
  }
  func.func @transform_1(%arg0: i32) -> (i32, i32) {
    %c0_i32 = arith.constant 0 : i32
    %c0_i32_0 = arith.constant 0 : i32
    return %arg0, %c0_i32 : i32, i32
  }
  func.func @transform_2(%arg0: i32) -> (i32, i32) {
    %add3A = arith.constant 10 : i32
    %add3A_0 = arith.addi %arg0, %add3A : i32
    %c0_i32 = arith.constant 0 : i32
    %c0_i32_1 = arith.constant 0 : i32
    return %add3A_0, %c0_i32 : i32, i32
  }
  func.func @transform_3(%arg0: i32) -> (i32, i32) {
    %c0_i32 = arith.constant 0 : i32
    %c0_i32_0 = arith.constant 0 : i32
    return %arg0, %c0_i32 : i32, i32
  }
  func.func @transform_4(%arg0: i32) -> (i32, i32) {
    %add3A = arith.constant 10 : i32
    %add3A_0 = arith.addi %arg0, %add3A : i32
    %c0_i32 = arith.constant 0 : i32
    %c0_i32_1 = arith.constant 0 : i32
    return %add3A_0, %c0_i32 : i32, i32
  }
  func.func @transform_5(%arg0: i32) -> (i32, i32) {
    %c0_i32 = arith.constant 0 : i32
    %c0_i32_0 = arith.constant 0 : i32
    %c0_i32_1 = arith.constant 0 : i32
    return %c0_i32, %c0_i32_0 : i32, i32
  }
  func.func @transform_6(%arg0: i32) -> (i32, i32) {
    %c0_i32 = arith.constant 0 : i32
    %c0_i32_0 = arith.constant 0 : i32
    %c0_i32_1 = arith.constant 0 : i32
    return %c0_i32, %c0_i32_0 : i32, i32
  }
  func.func @transform_7(%arg0: i32) -> (i32, i32) {
    %c0_i32 = arith.constant 0 : i32
    %c0_i32_0 = arith.constant 0 : i32
    %c0_i32_1 = arith.constant 0 : i32
    return %c0_i32, %c0_i32_0 : i32, i32
  }
  func.func @transform_8(%arg0: i32) -> (i32, i32) {
    %c0_i32 = arith.constant 0 : i32
    %c0_i32_0 = arith.constant 0 : i32
    return %arg0, %c0_i32 : i32, i32
  }
}

module attributes {stable_mosaic.version = 14 : i64} {
  func.func @_layer_body(%arg0: i32, %arg1: memref<1000x128xf32, #tpu.memory_space<vmem>>, %arg2: memref<1000x128xf32, #tpu.memory_space<vmem>>, %arg3: memref<1000x128xf32, #tpu.memory_space<vmem>>, %arg4: memref<1000x16xf32, #tpu.memory_space<vmem>>, %arg5: memref<1000x16xf32, #tpu.memory_space<vmem>>, %arg6: memref<128x128xf32, #tpu.memory_space<vmem>>, %arg7: memref<128x128xf32, #tpu.memory_space<vmem>>, %arg8: memref<1x128xf32, #tpu.memory_space<vmem>>, %arg9: memref<1000x128xf32, #tpu.memory_space<vmem>>) attributes {dimension_semantics = [#tpu.dimension_semantics<arbitrary>], iteration_bounds = array<i64: 10>, scalar_prefetch = 0 : i64, scratch_operands = 0 : i64, tpu.core_type = #tpu.core_type<tc>, window_params = [{transform_indices = @transform_0, window_bounds = array<i64: 1000, 128>}, {transform_indices = @transform_1, window_bounds = array<i64: 1000, 128>}, {transform_indices = @transform_2, window_bounds = array<i64: 1000, 128>}, {transform_indices = @transform_3, window_bounds = array<i64: 1000, 16>}, {transform_indices = @transform_4, window_bounds = array<i64: 1000, 16>}, {pipeline_mode = #tpu.pipeline_mode<synchronous>, transform_indices = @transform_5, window_bounds = array<i64: 128, 128>}, {pipeline_mode = #tpu.pipeline_mode<synchronous>, transform_indices = @transform_6, window_bounds = array<i64: 128, 128>}, {pipeline_mode = #tpu.pipeline_mode<synchronous>, transform_indices = @transform_7, window_bounds = array<i64: 1, 128>}, {transform_indices = @transform_8, window_bounds = array<i64: 1000, 128>}]} {
    %get3A = arith.constant 0 : index
    %get3A_0 = arith.constant 0 : index
    %get3A_1 = vector.load %arg4[%get3A, %get3A_0] : memref<1000x16xf32, #tpu.memory_space<vmem>>, vector<1000x1xf32>
    %get3A_2 = arith.constant 0 : index
    %get3A_3 = arith.constant 0 : index
    %get3A_4 = vector.load %arg5[%get3A_2, %get3A_3] : memref<1000x16xf32, #tpu.memory_space<vmem>>, vector<1000x1xf32>
    %add3A = arith.addf %get3A_1, %get3A_4 : vector<1000x1xf32>
    %max3A = arith.constant 1.000000e+00 : f32
    %max3A_5 = vector.broadcast %max3A : f32 to vector<1000x1xf32>
    %max3A_6 = arith.maximumf %add3A, %max3A_5 : vector<1000x1xf32>
    %div3A = arith.constant 1.000000e+00 : f32
    %div3A_7 = vector.broadcast %div3A : f32 to vector<1000x1xf32>
    %div3A_8 = arith.divf %div3A_7, %max3A_6 : vector<1000x1xf32>
    %get3A_9 = arith.constant 0 : index
    %get3A_10 = arith.constant 0 : index
    %get3A_11 = vector.load %arg2[%get3A_9, %get3A_10] : memref<1000x128xf32, #tpu.memory_space<vmem>>, vector<1000x128xf32>
    %get3A_12 = arith.constant 0 : index
    %get3A_13 = arith.constant 0 : index
    %get3A_14 = vector.load %arg3[%get3A_12, %get3A_13] : memref<1000x128xf32, #tpu.memory_space<vmem>>, vector<1000x128xf32>
    %add3A_15 = arith.addf %get3A_11, %get3A_14 : vector<1000x128xf32>
    %mul3A = vector.broadcast %div3A_8 : vector<1000x1xf32> to vector<1000x128xf32>
    %mul3A_16 = arith.mulf %add3A_15, %mul3A : vector<1000x128xf32>
    %get3A_17 = arith.constant 0 : index
    %get3A_18 = arith.constant 0 : index
    %get3A_19 = vector.load %arg1[%get3A_17, %get3A_18] : memref<1000x128xf32, #tpu.memory_space<vmem>>, vector<1000x128xf32>
    %get3A_20 = arith.constant 0 : index
    %get3A_21 = arith.constant 0 : index
    %get3A_22 = vector.load %arg6[%get3A_20, %get3A_21] : memref<128x128xf32, #tpu.memory_space<vmem>>, vector<128x128xf32>
    %dot_general3A = arith.constant dense<0.000000e+00> : vector<1000x128xf32>
    %dot_general3A_23 = tpu.matmul %get3A_19, %get3A_22, %dot_general3A {dimension_numbers = #tpu.dot_dimension_numbers<[1], [0], [0], [1], [0, 0, 1, 1], [], []>, transpose_lhs_hint = false} : vector<1000x128xf32>, vector<128x128xf32>, vector<1000x128xf32> -> vector<1000x128xf32>
    %get3A_24 = arith.constant 0 : index
    %get3A_25 = arith.constant 0 : index
    %get3A_26 = vector.load %arg7[%get3A_24, %get3A_25] : memref<128x128xf32, #tpu.memory_space<vmem>>, vector<128x128xf32>
    %dot_general3A_27 = arith.constant dense<0.000000e+00> : vector<1000x128xf32>
    %dot_general3A_28 = tpu.matmul %mul3A_16, %get3A_26, %dot_general3A_27 {dimension_numbers = #tpu.dot_dimension_numbers<[1], [0], [0], [1], [0, 0, 1, 1], [], []>, transpose_lhs_hint = false} : vector<1000x128xf32>, vector<128x128xf32>, vector<1000x128xf32> -> vector<1000x128xf32>
    %add3A_29 = arith.addf %dot_general3A_23, %dot_general3A_28 : vector<1000x128xf32>
    %get3A_30 = arith.constant 0 : index
    %get3A_31 = arith.constant 0 : index
    %get3A_32 = vector.load %arg8[%get3A_30, %get3A_31] : memref<1x128xf32, #tpu.memory_space<vmem>>, vector<1x128xf32>
    %add3A_33 = vector.broadcast %get3A_32 : vector<1x128xf32> to vector<1000x128xf32>
    %add3A_34 = arith.addf %add3A_29, %add3A_33 : vector<1000x128xf32>
    %swap3A = arith.constant 0 : index
    %swap3A_35 = arith.constant 0 : index
    %swap3A_36 = vector.load %arg9[%swap3A, %swap3A_35] : memref<1000x128xf32, #tpu.memory_space<vmem>>, vector<1000x128xf32>
    tpu.vector_store %arg9[%swap3A, %swap3A_35], %add3A_34 {strides = array<i32>} : memref<1000x128xf32, #tpu.memory_space<vmem>>, vector<1000x128xf32>,
    return
  }
  func.func @transform_0(%arg0: i32) -> (i32, i32) {
    %c0_i32 = arith.constant 0 : i32
    %c0_i32_0 = arith.constant 0 : i32
    return %arg0, %c0_i32 : i32, i32
  }
  func.func @transform_1(%arg0: i32) -> (i32, i32) {
    %c0_i32 = arith.constant 0 : i32
    %c0_i32_0 = arith.constant 0 : i32
    return %arg0, %c0_i32 : i32, i32
  }
  func.func @transform_2(%arg0: i32) -> (i32, i32) {
    %add3A = arith.constant 10 : i32
    %add3A_0 = arith.addi %arg0, %add3A : i32
    %c0_i32 = arith.constant 0 : i32
    %c0_i32_1 = arith.constant 0 : i32
    return %add3A_0, %c0_i32 : i32, i32
  }
  func.func @transform_3(%arg0: i32) -> (i32, i32) {
    %c0_i32 = arith.constant 0 : i32
    %c0_i32_0 = arith.constant 0 : i32
    return %arg0, %c0_i32 : i32, i32
  }
  func.func @transform_4(%arg0: i32) -> (i32, i32) {
    %add3A = arith.constant 10 : i32
    %add3A_0 = arith.addi %arg0, %add3A : i32
    %c0_i32 = arith.constant 0 : i32
    %c0_i32_1 = arith.constant 0 : i32
    return %add3A_0, %c0_i32 : i32, i32
  }
  func.func @transform_5(%arg0: i32) -> (i32, i32) {
    %c0_i32 = arith.constant 0 : i32
    %c0_i32_0 = arith.constant 0 : i32
    %c0_i32_1 = arith.constant 0 : i32
    return %c0_i32, %c0_i32_0 : i32, i32
  }
  func.func @transform_6(%arg0: i32) -> (i32, i32) {
    %c0_i32 = arith.constant 0 : i32
    %c0_i32_0 = arith.constant 0 : i32
    %c0_i32_1 = arith.constant 0 : i32
    return %c0_i32, %c0_i32_0 : i32, i32
  }
  func.func @transform_7(%arg0: i32) -> (i32, i32) {
    %c0_i32 = arith.constant 0 : i32
    %c0_i32_0 = arith.constant 0 : i32
    %c0_i32_1 = arith.constant 0 : i32
    return %c0_i32, %c0_i32_0 : i32, i32
  }
  func.func @transform_8(%arg0: i32) -> (i32, i32) {
    %c0_i32 = arith.constant 0 : i32
    %c0_i32_0 = arith.constant 0 : i32
    return %arg0, %c0_i32 : i32, i32
  }
}

</mosaic_0001>

<sc_bundles>
// kernel: kernel.6.cloned.1.call-start
scs
__scs_entry_jumppad:
0x0: {  	(pc) =	sbr.rel $0x88, $3  }
0x1: {  	(tag) =	ssettag $0x0;
	lr =	simm.s32 $0x1  }
0x2: {  	[smem:$0x3F99] =	sst lr;
	_ =	strace $0xD0000000  }
0x3: {  	_ = 	snop  }
0x4: {  	_ = 	snop  }
0x5: {  	_ = 	snop  }
0x6: {  	_ = 	snop  }
0x7: {  	_ = 	snop  }
__scs_overlays_trampoline_lowered:
0x8: {  	[smem:$0x3FA8] =	sst s0  }
0x9: {  	[smem:$0x3FA9] =	sst s1  }
0xa: {  	[smem:$0x3FAA] =	sst s2  }
0xb: {  	[smem:$0x3FAB] =	sst s3  }
0xc: {  	[smem:$0x3FAC] =	sst s4  }
0xd: {  	[smem:$0x3FAD] =	sst s5  }
0xe: {  	[smem:$0x3FAE] =	sst s6  }
0xf: {  	[smem:$0x3FAF] =	sst s7  }
0x10: {  	[smem:$0x3FB0] =	sst s8  }
0x11: {  	[smem:$0x3FB1] =	sst s9;
	s0 =	simm.s32 @!p0 $0x0  }
0x12: {  	s1 =	sld [smem:$0x3F97];
	s0 =	simm.s32 @p0 $0x1  }
0x13: {  	[smem:$0x3FB2] =	sst s0;
	s0 =	simm.s32 @!p1 $0x0  }
0x14: {  	s2 =	sld [smem:$0x3F96];
	s0 =	simm.s32 @p1 $0x1  }
0x15: {  	[smem:$0x3FB3] =	sst s0;
	s0 =	simm.s32 @!p2 $0x0  }
0x16: {  	s3 =	sld [smem:$0x3FDB];
	s0 =	simm.s32 @p2 $0x1  }
0x17: {  	s4 =	simm.s32 $0x1BF5;
	[smem:$0x3FB5] =	sst s0  }
0x18: {  	s0 =	sld [smem:$0x3F98];
	_ =	swait.ge [sflag:s4], $0x0  }
0x19: {  	s7 =	sld [smem:$0x3F99]  }
0x1a: {  	s8 =	sadd.s32 $0xFFFFE003, lr  }
0x1b: {  	s9 =	sadd.s32 $0xFFFFFEF7, lr;
	s5 =	simm.s32 $0xFFFFFFFF;
	p2 =	slt.u32 s8, $0xFFFFF086  }
0x1c: {  	p1 =	slt.u32 s9, $0xF7A;
	s5 =	simm.s32 @!p2 $0x0  }
0x1d: {  	s5 =	simm.s32 @p1 $0x1;
	p0 =	seq.s32 s7, s2  }
0x1e: {  	s7 =	smul.u32 @!p0 $0xF7A, s2;
	p2 =	seq.s32 @!p0 s5, $0x0  }
0x1f: {  	s9 =	smul.u32 $0xF7A, s1;
	s8 =	simm.s32 @!p0 $0x1BF5;
	p2 =	por !p2, p0  }
0x20: {  	[sflag:s8] =	ssyncset.s32 @!p0 $0xFFFFF086;
	s6 =	sadd.s32 @!p0 s3, s7;
	s7 =	simm.s32 @!p0 $0x108  }
0x21: {  	s3 =	sadd.s32 s3, s9;
	s6 =	sadd.s32 @!p0 $0x88, s6;
	s7 =	simm.s32 @p2 $0x1082  }
0x22: {  	[simem:s7], [sflag:s8] =	dma.local @!p0 [hbm:s6], $0xF7A  }
0x23: {  	s9 =	sor.u32 $0xD0000000, s2;
	s6 =	simm.s32 $0x108;
	_ =	swait.ge @!p0 [sflag:s8], $0x0  }
0x24: {  	s3 =	sadd.s32 $0x88, s3;
	s6 =	simm.s32 @!p1 $0x1082;
	[sflag:s4] =	ssyncset.s32 $0xFFFFF086  }
0x25: {  	[simem:s6], [sflag:s4] =	dma.local [hbm:s3], $0xF7A  }
0x26: {  	[smem:$0x3F99] =	sst s1;
	(tag) =	ssettag s2;
	_ =	strace s9  }
0x27: {  	s1 =	sld [smem:$0x3FA9]  }
0x28: {  	s2 =	sld [smem:$0x3FAA]  }
0x29: {  	s4 =	sld [smem:$0x3FAC]  }
0x2a: {  	p0 =	seq.s32 s5, $0x0;
	s5 =	sld [smem:$0x3FAD]  }
0x2b: {  	s6 =	sld [smem:$0x3FAE]  }
0x2c: {  	s7 =	sld [smem:$0x3FAF]  }
0x2d: {  	s3 =	simm.s32 $0x108;
	s8 =	sld [smem:$0x3FB0]  }
0x2e: {  	s3 =	simm.s32 @!p0 $0x1082;
	s9 =	sld [smem:$0x3FB1]  }
0x2f: {  	lr =	sadd.s32 s0, s3;
	s0 =	sld [smem:$0x3FA8]  }
0x30: {  	s3 =	sld [smem:$0x3FAB]  }
0x31: {  	[smem:$0x3FB4] =	sst s10  }
0x32: {  	s10 =	sld [smem:$0x3FB2];
	_ =	sdelay $0x3  }
0x33: {  	p0 =	seq.s32 s10, $0x1;
	s10 =	sld [smem:$0x3FB4];
	_ =	sdelay $0x3  }
0x34: {  	[smem:$0x3FB4] =	sst s10  }
0x35: {  	s10 =	sld [smem:$0x3FB3];
	_ =	sdelay $0x3  }
0x36: {  	p1 =	seq.s32 s10, $0x1;
	s10 =	sld [smem:$0x3FB4];
	_ =	sdelay $0x3  }
0x37: {  	[smem:$0x3FB4] =	sst s10  }
0x38: {  	s10 =	sld [smem:$0x3FB5]  }
0x39: {  	_ = 	snop;
	(pc) =	sbr.ind lr, $3  }
0x3a: {  	_ = 	snop  }
0x3b: {  	_ = 	snop  }
0x3c: {  	p2 =	seq.s32 s10, $0x1;
	s10 =	sld [smem:$0x3FB4]  }
0x3d: {  	_ =	shalt  }
0x3e: {  	_ =	shalt  }
0x3f: {  	_ =	shalt  }
0x40: {  	_ =	shalt  }
0x41: {  	_ =	shalt  }
0x42: {  	_ =	shalt  }
0x43: {  	_ =	shalt  }
0x44: {  	_ =	shalt  }
0x45: {  	_ =	shalt  }
0x46: {  	_ =	shalt  }
0x47: {  	_ =	shalt  }
0x48: {  	_ =	shalt  }
0x49: {  	_ =	shalt  }
0x4a: {  	_ =	shalt  }
0x4b: {  	_ =	shalt  }
0x4c: {  	_ =	shalt  }
0x4d: {  	_ =	shalt  }
0x4e: {  	_ =	shalt  }
0x4f: {  	_ =	shalt  }
0x50: {  	_ =	shalt  }
0x51: {  	_ =	shalt  }
0x52: {  	_ =	shalt  }
0x53: {  	_ =	shalt  }
0x54: {  	_ =	shalt  }
0x55: {  	_ =	shalt  }
0x56: {  	_ =	shalt  }
0x57: {  	_ =	shalt  }
0x58: {  	_ =	shalt  }
0x59: {  	_ =	shalt  }
0x5a: {  	_ =	shalt  }
0x5b: {  	_ =	shalt  }
0x5c: {  	_ =	shalt  }
0x5d: {  	_ =	shalt  }
0x5e: {  	_ =	shalt  }
0x5f: {  	_ =	shalt  }
0x60: {  	_ =	shalt  }
0x61: {  	_ =	shalt  }
0x62: {  	_ =	shalt  }
0x63: {  	_ =	shalt  }
0x64: {  	_ =	shalt  }
0x65: {  	_ =	shalt  }
0x66: {  	_ =	shalt  }
0x67: {  	_ =	shalt  }
0x68: {  	_ =	shalt  }
0x69: {  	_ =	shalt  }
0x6a: {  	_ =	shalt  }
0x6b: {  	_ =	shalt  }
0x6c: {  	_ =	shalt  }
0x6d: {  	_ =	shalt  }
0x6e: {  	_ =	shalt  }
0x6f: {  	_ =	shalt  }
0x70: {  	_ =	shalt  }
0x71: {  	_ =	shalt  }
0x72: {  	_ =	shalt  }
0x73: {  	_ =	shalt  }
0x74: {  	_ =	shalt  }
0x75: {  	_ =	shalt  }
0x76: {  	_ =	shalt  }
0x77: {  	_ =	shalt  }
0x78: {  	_ =	shalt  }
0x79: {  	_ =	shalt  }
0x7a: {  	_ =	shalt  }
0x7b: {  	_ =	shalt  }
0x7c: {  	_ =	shalt  }
0x7d: {  	_ =	shalt  }
0x7e: {  	_ =	shalt  }
0x7f: {  	_ =	shalt  }
0x80: {  	_ =	shalt  }
0x81: {  	_ =	shalt  }
0x82: {  	_ =	shalt  }
0x83: {  	_ =	shalt  }
0x84: {  	_ =	shalt  }
0x85: {  	_ =	shalt  }
0x86: {  	_ =	shalt  }
0x87: {  	_ =	shalt  }
.Lfunc_end0:
.L_simem_size_0:
called_computation_lowered:
.L_overlay_start_0:
0x88: {  	s2 =	sld [smem:$0x3FD9]  }
0x89: {  	s3 =	sld [smem:$0x3FFE];
	_ =	sdelay $0x1  }
0x8a: {  	s1 =	srdreg.scid  }
0x8b: {  	s0 =	sand.u32 $0x1, s1  }
0x8c: {  	s17 =	sshll.u32 s0, $0xA;
	s2 =	sadd.s32 s3, s2  }
0x8d: {  	s2 =	sadd.s32 s2, s17  }
0x8e: {  	[smem:$0x3FC0] =	sst s2  }
0x8f: {  	_ = 	snop  }
0x90: {  	s2 =	sld [smem:$0x3FC9]  }
0x91: {  	s18 =	sld [smem:$0x3FD0];
	(tm) =	ssettm $0x1  }
0x92: {  	s4 =	sld [smem:$0x3FFB];
	_ =	sdelay $0x3  }
0x93: {  	_ =	strace s4  }
0x94: {  	s4 =	sld [smem:$0x3FFC];
	_ =	sdelay $0x3  }
0x95: {  	_ =	strace s4  }
0x96: {  	s4 =	sld [smem:$0x3FFD];
	_ =	sdelay $0x3  }
0x97: {  	_ =	strace s4  }
0x98: {  	_ =	strace $0x8FFFFFFF  }
0x99: {  	s19 =	sld [smem:$0x3FDB];
	_ =	sdelay $0x1  }
0x9a: {  	s5 =	simm.s32 $_scs_section_size  }
0x9b: {  	s6 =	simm.s32 $_size__tile_overlayer_lowered;
	s7 =	simm.s32 $_tile_overlayer_lowered  }
0x9c: {  	s22 =	simm.s32 $0x1BFF;
	s21 =	sshll.u32 s7, $0x1;
	s4 =	sadd.s32 s5, s19  }
0x9d: {  	s8 =	simm.s32 $0x0;
	s20 =	sshll.u32 s6, $0x1;
	s6 =	sadd.s32 s21, s4  }
0x9e: {  	[timem:s8], [sflag:s22] =	dma.local [hbm:s6], s20  }
0x9f: {  	_ =	swait.ge [sflag:s22], s20  }
0xa0: {  	s5 =	ssub.s32 $0x0, s20;
	[sflag:s22] =	ssyncset.done $0x0  }
0xa1: {  	[sflag:s22] =	ssyncadd.s32 s5;
	_ =	sdelay $0x1  }
0xa2: {  	s23 =	simm.s32 $0x1B8B  }
0xa3: {  	_ =	swait.ge [sflag:s23], $0x1  }
0xa4: {  	[sflag:s23] =	ssyncset.done $0x0  }
0xa5: {  	s25 =	simm.s32 $0x1B8E;
	s24 =	sld [smem:$0x3FFE];
	[sflag:s23] =	ssyncadd.s32 $0xFFFFFFFF  }
0xa6: {  	s26 =	simm.s32 $execute0_lowered;
	[smem:$0x3FD2] =	sst s25  }
0xa7: {  	s6 =	sshll.u32 s26, $0x1;
	_ =	strace $0x80000046;
	[dreg:$0x1] =	wrdreg $0xFFFFFFFF  }
0xa8: {  	s28 =	simm.s32 $_size_execute0_lowered;
	s4 =	sadd.s32 s4, s6;
	[dreg:$0x0] =	wrdreg $0x0  }
0xa9: {  	s6 =	sshll.u32 s28, $0x1;
	[dreg:$0x2] =	wrdreg s4  }
0xaa: {  	[dreg:$0x3] =	wrdreg s6  }
0xab: {  	[dreg:$0x4] =	wrdreg $0xC0  }
0xac: {  	_ =	task [dreg:s8], $0x5FFFF  }
0xad: {  	[dreg:$0x1] =	wrdreg $0xFFFFFFFF  }
0xae: {  	[dreg:$0x0] =	wrdreg $0x60  }
0xaf: {  	[dreg:$0x2] =	wrdreg s2  }
0xb0: {  	[dreg:$0x3] =	wrdreg s24  }
0xb1: {  	[dreg:$0x4] =	wrdreg s18  }
0xb2: {  	[dreg:$0x5] =	wrdreg $0x88D00  }
0xb3: {  	[dreg:$0x6] =	wrdreg $0x1C1500  }
0xb4: {  	[dreg:$0x7] =	wrdreg $0x9  }
0xb5: {  	_ =	task.clear_ibuf [dreg:s8], $0x8FFFF;
	_ =	strace $0x90000046  }
0xb6: {  	s29 =	simm.s32 $0x9;
	_ =	strace $0x80000048  }
0xb7: {  	_ =	swait.ge [sflag:s29], $0x1  }
0xb8: {  	[sflag:s29] =	ssyncadd.s32 $0xFFFFFFFF  }
0xb9: {  	_ =	strace $0x90000048  }
0xba: {  	_ =	sfence  }
0xbb: {  	s30 =	sld [smem:$0x0];
	_ =	sdelay $0x2  }
0xbc: {  	s31 =	sshll.u32 s1, $0xD;
	s1 =	sshrl.u32 s1, $0x2  }
0xbd: {  	s3 =	sand.u32 $0x4000, s31;
	s1 =	sadd.s32 s1, s30  }
0xbe: {  	s0 =	sor.u32 s3, s0;
	s1 =	sshll.u32 s1, $0x11  }
0xbf: {  	s0 =	sor.u32 s1, s0  }
0xc0: {  	s0 =	sadd.s32 $0x8F2B, s0  }
0xc1: {  	[sflag:s0] =	ssyncadd.remote.s32 $0x1  }
0xc2: {  	_ =	sfence.sel $0xFFFF  }
0xc3: {  	[dreg:$0x0] =	wrdreg $0xFFFFFFFF;
	(pc) =	sbr.abs _section_cstart, $3  }
0xc4: {  	[dreg:$0x1] =	wrdreg $0xFFFFFFFF  }
0xc5: {  	_ =	task.clear_ibuf [dreg:s8], $0x2FFFF;
	_ =	strace $0x9FFFFFFF  }
0xc6: {  	(tm) =	ssettm $0x7FFFFFFF  }
0xc7: {  	_ =	shalt  }
tec
execute0_lowered:
.L_overlay_start_1:
0x0: {  	(tag) =	ssettag $0x1  }
0x1: {  	s1 =	rddreg [dreg:$0x0]  }
0x2: {  	s0 =	rddreg [dreg:$0x1]  }
0x3: {  	s5 =	rddreg [dreg:$0x2]  }
0x4: {  	s2 =	rddreg [dreg:$0x3]  }
0x5: {  	s3 =	rddreg [dreg:$0x4]  }
0x6: {  	s4 =	simm.s32 $0x0;
	s16 =	srdreg.scid;
	s14 =	stileid.u32  }
0x7: {  	s28 =	simm.s32 $0x8100;
	s29 =	simm.s32 $0x80;
	s30 =	simm.s32 $0x100  }
0x8: {  	s31 =	simm.s32 $0x180;
	[smem:$0x7FF] =	sst s4;
	s6 =	sadd.s32 $0x2800, s0  }
0x9: {  	s7 =	sadd.s32 $0x17000, s0;
	s15 =	sadd.s32 $0x16A00, s0;
	s9 =	smul.u32 $0x50000, s14  }
0xa: {  	s8 =	sshll.u32 s14, $0x1;
	s11 =	smul.u32 $0xA000, s14;
	s12 =	sadd.s32 $0x16800, s0  }
0xb: {  	s0 =	sadd.s32 $0x19800, s0;
	_ =	strace $0x80000047;
	[dreg:$0xb] =	wrdreg s7  }
0xc: {  	s18 =	smul.u32 $0x280, s14;
	s21 =	sadd.s32 $0x12C000, s2;
	[dreg:$0xc] =	wrdreg s15  }
0xd: {  	s22 =	sadd.s32 $0x25800, s3;
	s23 =	smul.u32 $0xA0, s14;
	[dreg:$0xd] =	wrdreg s12  }
0xe: {  	p0 =	seq.s32 s14, $0xF;
	s7 =	sand.u32 $0x1, s16;
	[dreg:$0x10] =	wrdreg s21  }
0xf: {  	s14 =	simm.s32 $0x2;
	[dreg:$0x11] =	wrdreg s22;
	s10 =	ssub.s32 $0x2, s7  }
0x10: {  	s8 =	sor.u32 s7, s8;
	s9 =	sshrl.u32 s9, $0x2;
	s20 =	smul.u32 $0x2710, s7  }
0x11: {  	s11 =	sshrl.u32 s11, $0x2;
	s7 =	smul.u32 $0x50, s7;
	s9 =	sadd.s32 s9, s2  }
0x12: {  	s13 =	smul.u32 $0x500, s8;
	s19 =	sadd.s32 s11, s3;
	[dreg:$0xe] =	wrdreg s9  }
0x13: {  	s8 =	smul.u32 $0x2800, s8;
	[dreg:$0xf] =	wrdreg s19;
	s12 =	sadd.s32 s18, s20  }
0x14: {  	s7 =	sadd.s32 s7, s23;
	s9 =	sadd.s32 $0x2580, s20;
	s13 =	sadd.s32 s6, s13  }
0x15: {  	s8 =	sshrl.u32 s8, $0x3;
	s15 =	sadd.s32 $0xA000, s13;
	[dreg:$0x12] =	wrdreg s13  }
0x16: {  	s26 =	sshll.u32 s12, $0x4;
	s24 =	sadd.s32 $0x10, s13;
	[dreg:$0x13] =	wrdreg s15  }
0x17: {  	s7 =	sshll.u32 s7, $0x4;
	s11 =	sadd.s32 s0, s26;
	[dreg:$0x14] =	wrdreg s24  }
0x18: {  	s8 =	sadd.s32 s6, s8;
	s21 =	sadd.s32 $0x20, s13;
	[dreg:$0x16] =	wrdreg s11  }
0x19: {  	s18 =	sadd.s32 s7, s6;
	s26 =	sadd.s32 $0x30, s13;
	[dreg:$0x1a] =	wrdreg s21  }
0x1a: {  	s7 =	sshll.u32 s9, $0x4;
	s25 =	sadd.s32 $0xA010, s8;
	[dreg:$0x1e] =	wrdreg s26  }
0x1b: {  	s17 =	sshrl.u32 s10, $0x1;
	s0 =	sadd.s32 s0, s7;
	[dreg:$0x15] =	wrdreg s25  }
0x1c: {  	s11 =	sshll.u32 s12, $0x1;
	s12 =	sadd.s32 $0xA040, s18;
	[dreg:$0x17] =	wrdreg s0  }
0x1d: {  	s10 =	ssub.s32 s10, s17;
	s16 =	sadd.s32 $0x40, s18;
	[dreg:$0x6] =	wrdreg s12  }
0x1e: {  	s17 =	sshll.u32 s9, $0x1;
	s19 =	sadd.s32 $0xA000, s18;
	[dreg:$0x7] =	wrdreg s16  }
0x1f: {  	s9 =	simm.s32 $0x380;
	s20 =	sadd.s32 $0xA060, s18;
	[dreg:$0x8] =	wrdreg s19  }
0x20: {  	s22 =	sadd.s32 $0x60, s18;
	s23 =	sadd.s32 $0xA020, s8;
	[dreg:$0x9] =	wrdreg s20  }
0x21: {  	s24 =	sadd.s32 $0xA030, s8;
	s8 =	simm.s32 $0x300;
	[dreg:$0xa] =	wrdreg s22  }
0x22: {  	s21 =	simm.s32 $0x6;
	s15 =	sadd.s32 s5, s11;
	[dreg:$0x1b] =	wrdreg s23  }
0x23: {  	s5 =	sadd.s32 s5, s17;
	[dreg:$0x1c] =	wrdreg s24;
	s25 =	smax.u32 s10, $0x1  }
0x24: {  	s0 =	simm.s32 $0x200;
	s10 =	simm.s32 $0x1;
	s11 =	simm.s32 $0x7D  }
0x25: {  	s12 =	simm.s32 $0x400;
	s17 =	simm.s32 $0x5;
	s19 =	simm.s32 $0x7  }
0x26: {  	s20 =	simm.s32 $0x3;
	s22 =	simm.s32 $0x8;
	[dreg:$0x18] =	wrdreg s15  }
0x27: {  	s23 =	simm.s32 $0x4;
	s24 =	simm.s32 $0x0;
	[dreg:$0x19] =	wrdreg s5  }
0x28: {  	[dreg:$0x1d] =	wrdreg s25;
	s5 =	simm.s32 $0x280;
	s15 =	simm.s32 $0x4280  }
.LBB2_1:
0x29: {  	s6 =	rddreg [dreg:$0x10]  }
0x2a: {  	s13 =	rddreg [dreg:$0xb];
	s6 =	sshrl.u32 @p0 s6, $0x3  }
0x2b: {  	s7 =	simm.s32 @p0 $0x1FC9;
	[smem:$0x7FA] =	sst s6  }
0x2c: {  	[spmem:s6], [sflag:s7] =	dma.local @p0 [hbm:s13], $0x1900  }
0x2d: {  	s6 =	rddreg [dreg:$0x11]  }
0x2e: {  	s16 =	rddreg [dreg:$0xc];
	s6 =	sshrl.u32 @p0 s6, $0x3  }
0x2f: {  	[smem:$0x7FB] =	sst s6  }
0x30: {  	[spmem:s6], [sflag:s7] =	dma.local @p0 [hbm:s16], $0x320  }
0x31: {  	s6 =	stileid.u32  }
0x32: {  	s6 =	sshll.u32 @!p0 s6, $0x6  }
0x33: {  	[smem:$0x7FC] =	sst s6  }
0x34: {  	s7 =	sor.u32 @!p0 $0x1C09, s6;
	s6 =	rddreg [dreg:$0xe]  }
0x35: {  	s6 =	sshrl.u32 @!p0 s6, $0x3  }
0x36: {  	[smem:$0x7FD] =	sst s6  }
0x37: {  	[spmem:s6], [sflag:s7] =	dma.local @!p0 [hbm:s13], $0x2800  }
0x38: {  	s6 =	rddreg [dreg:$0xf]  }
0x39: {  	s6 =	sshrl.u32 @!p0 s6, $0x3  }
0x3a: {  	[dreg:$0x1f] =	wrdreg s6  }
0x3b: {  	[spmem:s6], [sflag:s7] =	dma.local @!p0 [hbm:s16], $0x500  }
0x3c: {  	s6 =	rddreg [dreg:$0xd]  }
0x3d: {  	[tilespmem:s28], [sflag:$0x9] =	stream.linear.gather [hbm4b:s6+s4], $0x7D0, $0x38;
	[tilespmem:$0x1E860] =	vst v63  }
0x3e: {  	s7 =	rddreg [dreg:$0x12]  }
0x3f: {  	[tilespmem:s4], [sflag:$0x1] =	stream.linear.gather [hbm4b:s7+s4], $0x80, $0x38;
	[tilespmem:$0x1E860] =	vst v63  }
0x40: {  	s13 =	rddreg [dreg:$0x13]  }
0x41: {  	[tilespmem:s29], [sflag:$0x1] =	stream.linear.gather [hbm4b:s13+s4], $0x80, $0x38;
	[tilespmem:$0x1E860] =	vst v63  }
0x42: {  	s16 =	rddreg [dreg:$0x14]  }
0x43: {  	[tilespmem:s30], [sflag:$0x2] =	stream.linear.gather [hbm4b:s16+s4], $0x80, $0x38;
	[tilespmem:$0x1E860] =	vst v63  }
0x44: {  	s25 =	rddreg [dreg:$0x15]  }
0x45: {  	[tilespmem:s31], [sflag:$0x2] =	stream.linear.gather [hbm4b:s25+s4], $0x80, $0x38;
	[tilespmem:$0x1E860] =	vst v63  }
0x46: {  	s26 =	rddreg [dreg:$0x1a]  }
0x47: {  	[tilespmem:s0], [sflag:$0x3] =	stream.linear.gather [hbm4b:s26+s4], $0x80, $0x38;
	[tilespmem:$0x1E860] =	vst v63  }
0x48: {  	s7 =	rddreg [dreg:$0x1b]  }
0x49: {  	[tilespmem:s5], [sflag:$0x3] =	stream.linear.gather [hbm4b:s7+s4], $0x80, $0x38;
	[tilespmem:$0x1E860] =	vst v63  }
0x4a: {  	s13 =	rddreg [dreg:$0x1e]  }
0x4b: {  	[tilespmem:s8], [sflag:$0x4] =	stream.linear.gather [hbm4b:s13+s4], $0x80, $0x38;
	[tilespmem:$0x1E860] =	vst v63  }
0x4c: {  	s16 =	rddreg [dreg:$0x1c]  }
0x4d: {  	[tilespmem:s9], [sflag:$0x4] =	stream.linear.gather [hbm4b:s16+s4], $0x80, $0x38;
	[tilespmem:$0x1E860] =	vst v63  }
0x4e: {  	_ =	swait.ge [sflag:s10], $0x80  }
0x4f: {  	[sflag:s10] =	ssyncset.done $0x0  }
0x50: {  	[sflag:s10] =	ssyncadd.s32 $0xFFFFFF80  }
0x51: {  	_ =	swait.ge [sflag:s10], $0x80  }
0x52: {  	[sflag:s10] =	ssyncset.done $0x0  }
0x53: {  	[sflag:s10] =	ssyncadd.s32 $0xFFFFFF80  }
0x54: {  	[tilespmem:s12], [sflag:$0x5] =	stream.indirect.gather [hbm4b:s1+s11], $0x80, s4, s11, $0xb8;
	[tilespmem:$0x1E860] =	vst v63  }
0x55: {  	_ =	swait.ge [sflag:s14], $0x80  }
0x56: {  	[sflag:s14] =	ssyncset.done $0x0  }
0x57: {  	[sflag:s14] =	ssyncadd.s32 $0xFFFFFF80  }
0x58: {  	_ =	swait.ge [sflag:s14], $0x80  }
0x59: {  	[sflag:s14] =	ssyncset.done $0x0  }
0x5a: {  	s7 =	simm.s32 @p0 $0x9;
	[sflag:s14] =	ssyncadd.s32 $0xFFFFFF80  }
0x5b: {  	[tilespmem:s15], [sflag:$0x6] =	stream.indirect.gather [hbm4b:s1+s11], $0x80, s30, s11, $0xb8;
	[tilespmem:$0x1E860] =	vst v63  }
0x5c: {  	_ =	swait.ge @p0 [sflag:s7], $0x1900  }
0x5d: {  	[sflag:s7] =	ssyncset.done @p0 $0x0  }
0x5e: {  	[sflag:s7] =	ssyncadd.s32 @p0 $0xFFFFE700  }
0x5f: {  	_ =	swait.ge @p0 [sflag:s7], $0x320  }
0x60: {  	[sflag:s7] =	ssyncset.done @p0 $0x0  }
0x61: {  	[sflag:s7] =	ssyncadd.s32 @p0 $0xFFFFFCE0;
	s7 =	simm.s32 @!p0 $0x9  }
0x62: {  	_ =	swait.ge @!p0 [sflag:s7], $0x2800  }
0x63: {  	[sflag:s7] =	ssyncset.done @!p0 $0x0  }
0x64: {  	[sflag:s7] =	ssyncadd.s32 @!p0 $0xFFFFD800  }
0x65: {  	_ =	swait.ge @!p0 [sflag:s7], $0x500  }
0x66: {  	[sflag:s7] =	ssyncset.done @!p0 $0x0  }
0x67: {  	s25 =	simm.s32 $0x9;
	[sflag:s7] =	ssyncadd.s32 @!p0 $0xFFFFFB00  }
0x68: {  	_ =	swait.ge [sflag:s25], $0x7D0  }
0x69: {  	[sflag:s25] =	ssyncset.done $0x0  }
0x6a: {  	[sflag:s25] =	ssyncadd.s32 $0xFFFFF830  }
0x6b: {  	[bflag:$0x0] =	sbarrier.arrive $0xFFFF  }
0x6c: {  	_ =	swait.ge [sflag:s17], $0x3E80  }
0x6d: {  	[sflag:s17] =	ssyncset.done $0x0  }
0x6e: {  	[sflag:s17] =	ssyncadd.s32 $0xFFFFC180  }
0x6f: {  	[spmem:s2] =	stream.indirect.scatter.add.f32 [tilespmem:s12], [sflag:$0x7], $0x80, s29, s11, $0xb8;
	[tilespmem:$0x1E860] =	vst v63  }
0x70: {  	_ = 	snop  }
0x71: {  	[spmem:s3] =	stream.indirect.scatter.add.f32 [tilespmem:s28], [sflag:$0x7], $0x10, s29, s11, $0xb8;
	[tilespmem:$0x1E860] =	vst v63  }
0x72: {  	_ =	swait.ge [sflag:s19], $0x3E80  }
0x73: {  	[sflag:s19] =	ssyncset.done $0x0  }
0x74: {  	[sflag:s19] =	ssyncadd.s32 $0xFFFFC180  }
0x75: {  	_ =	swait.ge [sflag:s19], $0x7D0  }
0x76: {  	s26 =	rddreg [dreg:$0x7];
	[sflag:s19] =	ssyncset.done $0x0  }
0x77: {  	s6 =	rddreg [dreg:$0x6];
	[sflag:s19] =	ssyncadd.s32 $0xFFFFF830;
	s7 =	sadd.s32 $0x0, s26  }
0x78: {  	[tilespmem:s4], [sflag:$0x1] =	stream.linear.gather [hbm4b:s7+s4], $0x80, $0x38;
	[tilespmem:$0x1E860] =	vst v63  }
0x79: {  	s13 =	sadd.s32 $0x0, s6  }
0x7a: {  	[tilespmem:s29], [sflag:$0x1] =	stream.linear.gather [hbm4b:s13+s4], $0x80, $0x38;
	[tilespmem:$0x1E860] =	vst v63  }
0x7b: {  	_ =	swait.ge [sflag:s20], $0x80  }
0x7c: {  	[sflag:s20] =	ssyncset.done $0x0  }
0x7d: {  	[sflag:s20] =	ssyncadd.s32 $0xFFFFFF80  }
0x7e: {  	_ =	swait.ge [sflag:s20], $0x80  }
0x7f: {  	[sflag:s20] =	ssyncset.done $0x0  }
0x80: {  	[sflag:s20] =	ssyncadd.s32 $0xFFFFFF80  }
0x81: {  	[tilespmem:s12], [sflag:$0x5] =	stream.indirect.gather [hbm4b:s1+s11], $0x80, s0, s11, $0xb8;
	[tilespmem:$0x1E860] =	vst v63  }
0x82: {  	_ =	swait.ge [sflag:s21], $0x3E80  }
0x83: {  	[sflag:s21] =	ssyncset.done $0x0  }
0x84: {  	[sflag:s21] =	ssyncadd.s32 $0xFFFFC180  }
0x85: {  	[spmem:s2] =	stream.indirect.scatter.add.f32 [tilespmem:s15], [sflag:$0x8], $0x80, s31, s11, $0xb8;
	[tilespmem:$0x1E860] =	vst v63  }
0x86: {  	_ = 	snop  }
0x87: {  	[spmem:s3] =	stream.indirect.scatter.add.f32 [tilespmem:s28], [sflag:$0x8], $0x10, s31, s11, $0xb8;
	[tilespmem:$0x1E860] =	vst v63  }
0x88: {  	_ =	swait.ge [sflag:s22], $0x3E80  }
0x89: {  	[sflag:s22] =	ssyncset.done $0x0  }
0x8a: {  	[sflag:s22] =	ssyncadd.s32 $0xFFFFC180  }
0x8b: {  	_ =	swait.ge [sflag:s22], $0x7D0  }
0x8c: {  	s7 =	sadd.s32 $0x0, s18;
	[sflag:s22] =	ssyncset.done $0x0;
	s16 =	rddreg [dreg:$0x8]  }
0x8d: {  	s25 =	sadd.s32 $0x50, s7;
	[sflag:s22] =	ssyncadd.s32 $0xFFFFF830;
	s13 =	sadd.s32 $0x0, s16  }
0x8e: {  	[tilespmem:s30], [sflag:$0x2] =	stream.linear.gather [hbm4b:s25+s4], $0x80, $0x38;
	[tilespmem:$0x1E860] =	vst v63  }
0x8f: {  	s26 =	sadd.s32 $0x50, s13  }
0x90: {  	[tilespmem:s31], [sflag:$0x2] =	stream.linear.gather [hbm4b:s26+s4], $0x80, $0x38;
	[tilespmem:$0x1E860] =	vst v63  }
0x91: {  	_ =	swait.ge [sflag:s23], $0x80  }
0x92: {  	[sflag:s23] =	ssyncset.done $0x0  }
0x93: {  	[sflag:s23] =	ssyncadd.s32 $0xFFFFFF80  }
0x94: {  	_ =	swait.ge [sflag:s23], $0x80  }
0x95: {  	[sflag:s23] =	ssyncset.done $0x0  }
0x96: {  	[sflag:s23] =	ssyncadd.s32 $0xFFFFFF80  }
0x97: {  	[tilespmem:s15], [sflag:$0x6] =	stream.indirect.gather [hbm4b:s1+s11], $0x80, s8, s11, $0xb8;
	[tilespmem:$0x1E860] =	vst v63  }
0x98: {  	_ =	swait.ge [sflag:s17], $0x3E80  }
0x99: {  	[sflag:s17] =	ssyncset.done $0x0  }
0x9a: {  	[sflag:s17] =	ssyncadd.s32 $0xFFFFC180  }
0x9b: {  	[spmem:s2] =	stream.indirect.scatter.add.f32 [tilespmem:s12], [sflag:$0x7], $0x80, s5, s11, $0xb8;
	[tilespmem:$0x1E860] =	vst v63  }
0x9c: {  	_ = 	snop  }
0x9d: {  	[spmem:s3] =	stream.indirect.scatter.add.f32 [tilespmem:s28], [sflag:$0x7], $0x10, s5, s11, $0xb8;
	[tilespmem:$0x1E860] =	vst v63  }
0x9e: {  	_ =	swait.ge [sflag:s19], $0x3E80  }
0x9f: {  	[sflag:s19] =	ssyncset.done $0x0  }
0xa0: {  	[sflag:s19] =	ssyncadd.s32 $0xFFFFC180  }
0xa1: {  	_ =	swait.ge [sflag:s19], $0x7D0  }
0xa2: {  	s6 =	rddreg [dreg:$0xa];
	[sflag:s19] =	ssyncset.done $0x0  }
0xa3: {  	s26 =	rddreg [dreg:$0x9];
	[sflag:s19] =	ssyncadd.s32 $0xFFFFF830;
	s25 =	sadd.s32 $0x0, s6  }
0xa4: {  	[tilespmem:s0], [sflag:$0x3] =	stream.linear.gather [hbm4b:s25+s4], $0x80, $0x38;
	[tilespmem:$0x1E860] =	vst v63  }
0xa5: {  	s16 =	sadd.s32 $0x0, s26  }
0xa6: {  	[tilespmem:s5], [sflag:$0x3] =	stream.linear.gather [hbm4b:s16+s4], $0x80, $0x38;
	[tilespmem:$0x1E860] =	vst v63  }
0xa7: {  	_ =	swait.ge [sflag:s10], $0x80  }
0xa8: {  	[sflag:s10] =	ssyncset.done $0x0  }
0xa9: {  	[sflag:s10] =	ssyncadd.s32 $0xFFFFFF80  }
0xaa: {  	_ =	swait.ge [sflag:s10], $0x80  }
0xab: {  	[sflag:s10] =	ssyncset.done $0x0  }
0xac: {  	[sflag:s10] =	ssyncadd.s32 $0xFFFFFF80  }
0xad: {  	[tilespmem:s12], [sflag:$0x5] =	stream.indirect.gather [hbm4b:s1+s11], $0x80, s4, s11, $0xb8;
	[tilespmem:$0x1E860] =	vst v63  }
0xae: {  	_ =	swait.ge [sflag:s21], $0x3E80  }
0xaf: {  	[sflag:s21] =	ssyncset.done $0x0  }
0xb0: {  	[sflag:s21] =	ssyncadd.s32 $0xFFFFC180  }
0xb1: {  	[spmem:s2] =	stream.indirect.scatter.add.f32 [tilespmem:s15], [sflag:$0x8], $0x80, s9, s11, $0xb8;
	[tilespmem:$0x1E860] =	vst v63  }
0xb2: {  	_ = 	snop  }
0xb3: {  	[spmem:s3] =	stream.indirect.scatter.add.f32 [tilespmem:s28], [sflag:$0x8], $0x10, s9, s11, $0xb8;
	[tilespmem:$0x1E860] =	vst v63  }
0xb4: {  	_ =	swait.ge [sflag:s22], $0x3E80  }
0xb5: {  	[sflag:s22] =	ssyncset.done $0x0  }
0xb6: {  	[sflag:s22] =	ssyncadd.s32 $0xFFFFC180  }
0xb7: {  	_ =	swait.ge [sflag:s22], $0x7D0  }
0xb8: {  	[sflag:s22] =	ssyncset.done $0x0  }
0xb9: {  	s7 =	sadd.s32 $0x70, s7;
	[sflag:s22] =	ssyncadd.s32 $0xFFFFF830  }
0xba: {  	[tilespmem:s8], [sflag:$0x4] =	stream.linear.gather [hbm4b:s7+s4], $0x80, $0x38;
	[tilespmem:$0x1E860] =	vst v63  }
0xbb: {  	s26 =	sadd.s32 $0x70, s13  }
0xbc: {  	[tilespmem:s9], [sflag:$0x4] =	stream.linear.gather [hbm4b:s26+s4], $0x80, $0x38;
	[tilespmem:$0x1E860] =	vst v63  }
0xbd: {  	_ =	swait.ge [sflag:s14], $0x80  }
0xbe: {  	[sflag:s14] =	ssyncset.done $0x0  }
0xbf: {  	[sflag:s14] =	ssyncadd.s32 $0xFFFFFF80  }
0xc0: {  	_ =	swait.ge [sflag:s14], $0x80  }
0xc1: {  	s7 =	simm.s32 $0x40;
	[sflag:s14] =	ssyncset.done $0x0  }
.LBB2_2:
0xc2: {  	[sflag:s14] =	ssyncadd.s32 $0xFFFFFF80  }
0xc3: {  	[tilespmem:s15], [sflag:$0x6] =	stream.indirect.gather [hbm4b:s1+s11], $0x80, s30, s11, $0xb8;
	[tilespmem:$0x1E860] =	vst v63  }
0xc4: {  	_ =	swait.ge [sflag:s17], $0x3E80  }
0xc5: {  	[sflag:s17] =	ssyncset.done $0x0  }
0xc6: {  	[sflag:s17] =	ssyncadd.s32 $0xFFFFC180  }
0xc7: {  	[spmem:s2] =	stream.indirect.scatter.add.f32 [tilespmem:s12], [sflag:$0x7], $0x80, s29, s11, $0xb8;
	[tilespmem:$0x1E860] =	vst v63  }
0xc8: {  	_ = 	snop  }
0xc9: {  	[spmem:s3] =	stream.indirect.scatter.add.f32 [tilespmem:s28], [sflag:$0x7], $0x10, s29, s11, $0xb8;
	[tilespmem:$0x1E860] =	vst v63  }
0xca: {  	_ =	swait.ge [sflag:s19], $0x3E80  }
0xcb: {  	[sflag:s19] =	ssyncset.done $0x0  }
0xcc: {  	[sflag:s19] =	ssyncadd.s32 $0xFFFFC180  }
0xcd: {  	_ =	swait.ge [sflag:s19], $0x7D0  }
0xce: {  	s25 =	smov.u32 s7;
	s13 =	rddreg [dreg:$0x7];
	[sflag:s19] =	ssyncset.done $0x0  }
0xcf: {  	s26 =	rddreg [dreg:$0x6];
	[sflag:s19] =	ssyncadd.s32 $0xFFFFF830;
	s13 =	sadd.s32 s25, s13  }
0xd0: {  	[tilespmem:s4], [sflag:$0x1] =	stream.linear.gather [hbm4b:s13+s4], $0x80, $0x38;
	[tilespmem:$0x1E860] =	vst v63  }
0xd1: {  	s26 =	sadd.s32 s25, s26  }
0xd2: {  	[tilespmem:s29], [sflag:$0x1] =	stream.linear.gather [hbm4b:s26+s4], $0x80, $0x38;
	[tilespmem:$0x1E860] =	vst v63  }
0xd3: {  	_ =	swait.ge [sflag:s20], $0x80  }
0xd4: {  	[sflag:s20] =	ssyncset.done $0x0  }
0xd5: {  	[sflag:s20] =	ssyncadd.s32 $0xFFFFFF80  }
0xd6: {  	_ =	swait.ge [sflag:s20], $0x80  }
0xd7: {  	[sflag:s20] =	ssyncset.done $0x0  }
0xd8: {  	[sflag:s20] =	ssyncadd.s32 $0xFFFFFF80  }
0xd9: {  	[tilespmem:s12], [sflag:$0x5] =	stream.indirect.gather [hbm4b:s1+s11], $0x80, s0, s11, $0xb8;
	[tilespmem:$0x1E860] =	vst v63  }
0xda: {  	_ =	swait.ge [sflag:s21], $0x3E80  }
0xdb: {  	[sflag:s21] =	ssyncset.done $0x0  }
0xdc: {  	[sflag:s21] =	ssyncadd.s32 $0xFFFFC180  }
0xdd: {  	[spmem:s2] =	stream.indirect.scatter.add.f32 [tilespmem:s15], [sflag:$0x8], $0x80, s31, s11, $0xb8;
	[tilespmem:$0x1E860] =	vst v63  }
0xde: {  	_ = 	snop  }
0xdf: {  	[spmem:s3] =	stream.indirect.scatter.add.f32 [tilespmem:s28], [sflag:$0x8], $0x10, s31, s11, $0xb8;
	[tilespmem:$0x1E860] =	vst v63  }
0xe0: {  	_ =	swait.ge [sflag:s22], $0x3E80  }
0xe1: {  	[sflag:s22] =	ssyncset.done $0x0  }
0xe2: {  	[sflag:s22] =	ssyncadd.s32 $0xFFFFC180  }
0xe3: {  	_ =	swait.ge [sflag:s22], $0x7D0  }
0xe4: {  	s26 =	sadd.s32 s25, s18;
	[sflag:s22] =	ssyncset.done $0x0;
	s6 =	rddreg [dreg:$0x8]  }
0xe5: {  	s16 =	sadd.s32 $0x50, s26;
	[sflag:s22] =	ssyncadd.s32 $0xFFFFF830;
	s13 =	sadd.s32 s25, s6  }
0xe6: {  	[tilespmem:s30], [sflag:$0x2] =	stream.linear.gather [hbm4b:s16+s4], $0x80, $0x38;
	[tilespmem:$0x1E860] =	vst v63  }
0xe7: {  	s6 =	sadd.s32 $0x50, s13  }
0xe8: {  	[tilespmem:s31], [sflag:$0x2] =	stream.linear.gather [hbm4b:s6+s4], $0x80, $0x38;
	[tilespmem:$0x1E860] =	vst v63  }
0xe9: {  	_ =	swait.ge [sflag:s23], $0x80  }
0xea: {  	[sflag:s23] =	ssyncset.done $0x0  }
0xeb: {  	[sflag:s23] =	ssyncadd.s32 $0xFFFFFF80  }
0xec: {  	_ =	swait.ge [sflag:s23], $0x80  }
0xed: {  	[sflag:s23] =	ssyncset.done $0x0  }
0xee: {  	[sflag:s23] =	ssyncadd.s32 $0xFFFFFF80  }
0xef: {  	[tilespmem:s15], [sflag:$0x6] =	stream.indirect.gather [hbm4b:s1+s11], $0x80, s8, s11, $0xb8;
	[tilespmem:$0x1E860] =	vst v63  }
0xf0: {  	_ =	swait.ge [sflag:s17], $0x3E80  }
0xf1: {  	[sflag:s17] =	ssyncset.done $0x0  }
0xf2: {  	[sflag:s17] =	ssyncadd.s32 $0xFFFFC180  }
0xf3: {  	[spmem:s2] =	stream.indirect.scatter.add.f32 [tilespmem:s12], [sflag:$0x7], $0x80, s5, s11, $0xb8;
	[tilespmem:$0x1E860] =	vst v63  }
0xf4: {  	_ = 	snop  }
0xf5: {  	[spmem:s3] =	stream.indirect.scatter.add.f32 [tilespmem:s28], [sflag:$0x7], $0x10, s5, s11, $0xb8;
	[tilespmem:$0x1E860] =	vst v63  }
0xf6: {  	_ =	swait.ge [sflag:s19], $0x3E80  }
0xf7: {  	[sflag:s19] =	ssyncset.done $0x0  }
0xf8: {  	[sflag:s19] =	ssyncadd.s32 $0xFFFFC180  }
0xf9: {  	_ =	swait.ge [sflag:s19], $0x7D0  }
0xfa: {  	s16 =	rddreg [dreg:$0xa];
	[sflag:s19] =	ssyncset.done $0x0  }
0xfb: {  	s6 =	rddreg [dreg:$0x9];
	[sflag:s19] =	ssyncadd.s32 $0xFFFFF830;
	s16 =	sadd.s32 s25, s16  }
0xfc: {  	[tilespmem:s0], [sflag:$0x3] =	stream.linear.gather [hbm4b:s16+s4], $0x80, $0x38;
	[tilespmem:$0x1E860] =	vst v63  }
0xfd: {  	s6 =	sadd.s32 s25, s6  }
0xfe: {  	[tilespmem:s5], [sflag:$0x3] =	stream.linear.gather [hbm4b:s6+s4], $0x80, $0x38;
	[tilespmem:$0x1E860] =	vst v63  }
0xff: {  	_ =	swait.ge [sflag:s10], $0x80  }
0x100: {  	[sflag:s10] =	ssyncset.done $0x0  }
0x101: {  	[sflag:s10] =	ssyncadd.s32 $0xFFFFFF80  }
0x102: {  	_ =	swait.ge [sflag:s10], $0x80  }
0x103: {  	[sflag:s10] =	ssyncset.done $0x0  }
0x104: {  	[sflag:s10] =	ssyncadd.s32 $0xFFFFFF80  }
0x105: {  	[tilespmem:s12], [sflag:$0x5] =	stream.indirect.gather [hbm4b:s1+s11], $0x80, s4, s11, $0xb8;
	[tilespmem:$0x1E860] =	vst v63  }
0x106: {  	_ =	swait.ge [sflag:s21], $0x3E80  }
0x107: {  	[sflag:s21] =	ssyncset.done $0x0  }
0x108: {  	[sflag:s21] =	ssyncadd.s32 $0xFFFFC180  }
0x109: {  	[spmem:s2] =	stream.indirect.scatter.add.f32 [tilespmem:s15], [sflag:$0x8], $0x80, s9, s11, $0xb8;
	[tilespmem:$0x1E860] =	vst v63  }
0x10a: {  	_ = 	snop  }
0x10b: {  	[spmem:s3] =	stream.indirect.scatter.add.f32 [tilespmem:s28], [sflag:$0x8], $0x10, s9, s11, $0xb8;
	[tilespmem:$0x1E860] =	vst v63  }
0x10c: {  	_ =	swait.ge [sflag:s22], $0x3E80  }
0x10d: {  	[sflag:s22] =	ssyncset.done $0x0  }
0x10e: {  	[sflag:s22] =	ssyncadd.s32 $0xFFFFC180  }
0x10f: {  	_ =	swait.ge [sflag:s22], $0x7D0  }
0x110: {  	[sflag:s22] =	ssyncset.done $0x0  }
0x111: {  	s26 =	sadd.s32 $0x70, s26;
	[sflag:s22] =	ssyncadd.s32 $0xFFFFF830  }
0x112: {  	[tilespmem:s8], [sflag:$0x4] =	stream.linear.gather [hbm4b:s26+s4], $0x80, $0x38;
	[tilespmem:$0x1E860] =	vst v63  }
0x113: {  	p1 =	sne.s32 s7, $0x480;
	s13 =	sadd.s32 $0x70, s13  }
0x114: {  	[tilespmem:s9], [sflag:$0x4] =	stream.linear.gather [hbm4b:s13+s4], $0x80, $0x38;
	[tilespmem:$0x1E860] =	vst v63  }
.Ltmp0:
0x115: {  	_ =	swait.ge [sflag:s14], $0x80;
	(pc) =	sbr.rel @p1 .LBB2_2-.Ltmp0, $4  }
0x116: {  	[sflag:s14] =	ssyncset.done $0x0  }
0x117: {  	[sflag:s14] =	ssyncadd.s32 $0xFFFFFF80  }
0x118: {  	_ =	swait.ge [sflag:s14], $0x80  }
0x119: {  	s7 =	sadd.s32 $0x40, s7;
	[sflag:s14] =	ssyncset.done $0x0  }
0x11a: {  	[sflag:s14] =	ssyncadd.s32 $0xFFFFFF80  }
0x11b: {  	[tilespmem:s15], [sflag:$0x6] =	stream.indirect.gather [hbm4b:s1+s11], $0x80, s30, s11, $0xb8;
	[tilespmem:$0x1E860] =	vst v63  }
0x11c: {  	_ =	swait.ge [sflag:s17], $0x3E80  }
0x11d: {  	[sflag:s17] =	ssyncset.done $0x0  }
0x11e: {  	[sflag:s17] =	ssyncadd.s32 $0xFFFFC180  }
0x11f: {  	[spmem:s2] =	stream.indirect.scatter.add.f32 [tilespmem:s12], [sflag:$0x7], $0x80, s29, s11, $0xb8;
	[tilespmem:$0x1E860] =	vst v63  }
0x120: {  	_ = 	snop  }
0x121: {  	[spmem:s3] =	stream.indirect.scatter.add.f32 [tilespmem:s28], [sflag:$0x7], $0x10, s29, s11, $0xb8;
	[tilespmem:$0x1E860] =	vst v63  }
0x122: {  	_ =	swait.ge [sflag:s19], $0x3E80  }
0x123: {  	[sflag:s19] =	ssyncset.done $0x0  }
0x124: {  	[sflag:s19] =	ssyncadd.s32 $0xFFFFC180  }
0x125: {  	_ =	swait.ge [sflag:s19], $0x7D0  }
0x126: {  	[sflag:s19] =	ssyncset.done $0x0  }
0x127: {  	[sflag:s19] =	ssyncadd.s32 $0xFFFFF830  }
0x128: {  	_ =	swait.ge [sflag:s20], $0x80  }
0x129: {  	[sflag:s20] =	ssyncset.done $0x0  }
0x12a: {  	[sflag:s20] =	ssyncadd.s32 $0xFFFFFF80  }
0x12b: {  	_ =	swait.ge [sflag:s20], $0x80  }
0x12c: {  	[sflag:s20] =	ssyncset.done $0x0  }
0x12d: {  	[sflag:s20] =	ssyncadd.s32 $0xFFFFFF80  }
0x12e: {  	[tilespmem:s12], [sflag:$0x5] =	stream.indirect.gather [hbm4b:s1+s11], $0x80, s0, s11, $0xb8;
	[tilespmem:$0x1E860] =	vst v63  }
0x12f: {  	_ =	swait.ge [sflag:s21], $0x3E80  }
0x130: {  	[sflag:s21] =	ssyncset.done $0x0  }
0x131: {  	[sflag:s21] =	ssyncadd.s32 $0xFFFFC180  }
0x132: {  	[spmem:s2] =	stream.indirect.scatter.add.f32 [tilespmem:s15], [sflag:$0x8], $0x80, s31, s11, $0xb8;
	[tilespmem:$0x1E860] =	vst v63  }
0x133: {  	_ = 	snop  }
0x134: {  	[spmem:s3] =	stream.indirect.scatter.add.f32 [tilespmem:s28], [sflag:$0x8], $0x10, s31, s11, $0xb8;
	[tilespmem:$0x1E860] =	vst v63  }
0x135: {  	_ =	swait.ge [sflag:s22], $0x3E80  }
0x136: {  	[sflag:s22] =	ssyncset.done $0x0  }
0x137: {  	[sflag:s22] =	ssyncadd.s32 $0xFFFFC180  }
0x138: {  	_ =	swait.ge [sflag:s22], $0x7D0  }
0x139: {  	[sflag:s22] =	ssyncset.done $0x0  }
0x13a: {  	[sflag:s22] =	ssyncadd.s32 $0xFFFFF830  }
0x13b: {  	_ =	swait.ge [sflag:s23], $0x80  }
0x13c: {  	[sflag:s23] =	ssyncset.done $0x0  }
0x13d: {  	[sflag:s23] =	ssyncadd.s32 $0xFFFFFF80  }
0x13e: {  	_ =	swait.ge [sflag:s23], $0x80  }
0x13f: {  	[sflag:s23] =	ssyncset.done $0x0  }
0x140: {  	[sflag:s23] =	ssyncadd.s32 $0xFFFFFF80  }
0x141: {  	[tilespmem:s15], [sflag:$0x6] =	stream.indirect.gather [hbm4b:s1+s11], $0x80, s8, s11, $0xb8;
	[tilespmem:$0x1E860] =	vst v63  }
0x142: {  	_ =	swait.ge [sflag:s17], $0x3E80  }
0x143: {  	[sflag:s17] =	ssyncset.done $0x0  }
0x144: {  	[sflag:s17] =	ssyncadd.s32 $0xFFFFC180  }
0x145: {  	[spmem:s2] =	stream.indirect.scatter.add.f32 [tilespmem:s12], [sflag:$0x7], $0x80, s5, s11, $0xb8;
	[tilespmem:$0x1E860] =	vst v63  }
0x146: {  	_ = 	snop  }
0x147: {  	[spmem:s3] =	stream.indirect.scatter.add.f32 [tilespmem:s28], [sflag:$0x7], $0x10, s5, s11, $0xb8;
	[tilespmem:$0x1E860] =	vst v63  }
0x148: {  	_ =	swait.ge [sflag:s19], $0x3E80  }
0x149: {  	[sflag:s19] =	ssyncset.done $0x0  }
0x14a: {  	[sflag:s19] =	ssyncadd.s32 $0xFFFFC180  }
0x14b: {  	_ =	swait.ge [sflag:s19], $0x7D0  }
0x14c: {  	[sflag:s19] =	ssyncset.done $0x0  }
0x14d: {  	[sflag:s19] =	ssyncadd.s32 $0xFFFFF830  }
0x14e: {  	_ =	swait.ge [sflag:s21], $0x3E80  }
0x14f: {  	[sflag:s21] =	ssyncset.done $0x0  }
0x150: {  	[sflag:s21] =	ssyncadd.s32 $0xFFFFC180  }
0x151: {  	[spmem:s2] =	stream.indirect.scatter.add.f32 [tilespmem:s15], [sflag:$0x8], $0x80, s9, s11, $0xb8;
	[tilespmem:$0x1E860] =	vst v63  }
0x152: {  	_ = 	snop  }
0x153: {  	[spmem:s3] =	stream.indirect.scatter.add.f32 [tilespmem:s28], [sflag:$0x8], $0x10, s9, s11, $0xb8;
	[tilespmem:$0x1E860] =	vst v63  }
0x154: {  	_ =	swait.ge [sflag:s22], $0x3E80  }
0x155: {  	[sflag:s22] =	ssyncset.done $0x0  }
0x156: {  	[sflag:s22] =	ssyncadd.s32 $0xFFFFC180  }
0x157: {  	_ =	swait.ge [sflag:s22], $0x7D0  }
0x158: {  	[sflag:s22] =	ssyncset.done $0x0  }
0x159: {  	[sflag:s22] =	ssyncadd.s32 $0xFFFFF830  }
0x15a: {  	[bflag:$0x0] =	sbarrier.arrive $0xFFFF  }
0x15b: {  	s13 =	sld [smem:$0x7FA];
	_ =	sdelay $0x1  }
0x15c: {  	s6 =	simm.s32 @p0 $0x1FCA;
	s7 =	rddreg [dreg:$0x17]  }
0x15d: {  	[hbm:s7], [sflag:s6] =	dma.local @p0 [spmem:s13], $0x1900  }
0x15e: {  	s7 =	simm.s32 @p0 $0xA  }
0x15f: {  	_ =	swait.ge @p0 [sflag:s7], $0x1900  }
0x160: {  	s16 =	sld [smem:$0x7FB]  }
0x161: {  	[sflag:s7] =	ssyncset.done @p0 $0x0  }
0x162: {  	s13 =	rddreg [dreg:$0x19];
	[sflag:s7] =	ssyncadd.s32 @p0 $0xFFFFE700  }
0x163: {  	[hbm:s13], [sflag:s6] =	dma.local @p0 [spmem:s16], $0x320  }
0x164: {  	_ =	swait.ge @p0 [sflag:s7], $0x320  }
0x165: {  	s6 =	sld [smem:$0x7FC]  }
0x166: {  	s13 =	sld [smem:$0x7FD]  }
0x167: {  	[sflag:s7] =	ssyncset.done @p0 $0x0  }
0x168: {  	[sflag:s7] =	ssyncadd.s32 @p0 $0xFFFFFCE0;
	s7 =	rddreg [dreg:$0x16];
	s6 =	sor.u32 @!p0 $0x1C0A, s6  }
0x169: {  	[hbm:s7], [sflag:s6] =	dma.local @!p0 [spmem:s13], $0x2800  }
0x16a: {  	s7 =	simm.s32 @!p0 $0xA  }
0x16b: {  	_ =	swait.ge @!p0 [sflag:s7], $0x2800  }
0x16c: {  	[sflag:s7] =	ssyncset.done @!p0 $0x0;
	s13 =	rddreg [dreg:$0x18]  }
0x16d: {  	s16 =	rddreg [dreg:$0x1f];
	[sflag:s7] =	ssyncadd.s32 @!p0 $0xFFFFD800  }
0x16e: {  	[hbm:s13], [sflag:s6] =	dma.local @!p0 [spmem:s16], $0x500  }
0x16f: {  	_ =	swait.ge @!p0 [sflag:s7], $0x500  }
0x170: {  	s24 =	sadd.s32 $0x1, s24;
	s26 =	rddreg [dreg:$0x1d]  }
0x171: {  	p1 =	sne.s32 s24, s26  }
.Ltmp1:
0x172: {  	_ = 	snop;
	(pc) =	sbr.rel @p1 .LBB2_1-.Ltmp1, $3  }
0x173: {  	_ =	sdelay $0x1  }
0x174: {  	[sflag:s7] =	ssyncset.done @!p0 $0x0  }
0x175: {  	[sflag:s7] =	ssyncadd.s32 @!p0 $0xFFFFFB00  }
0x176: {  	_ =	sfence.sel $0x180000  }
0x177: {  	[bflag:$0x0] =	sbarrier.arrive $0xFFFF  }
0x178: {  	_ =	strace $0x90000047  }
0x179: {  	s0 =	stileid.u32;
	[bflag:$0x2] =	sbarrier.arrive $0xFFFF  }
0x17a: {  	p0 =	sne.s32 s0, $0x0;
	s0 =	rddreg [dreg:$0x5]  }
0x17b: {  	s0 =	sadd.s32 @!p0 $0x100000, s0  }
0x17c: {  	[sflag:s0] =	ssyncadd.tile.s32 @!p0 $0x1;
	_ =	shalt  }
.Lfunc_end2:
_tile_overlayer_lowered:
.L_overlay_start_2:
0x17d: {  	(tag) =	ssettag $0x2  }
0x17e: {  	s0 =	rddreg [dreg:$0x0];
	s2 =	stileid.u32  }
0x17f: {  	s1 =	rddreg [dreg:$0x1];
	p0 =	sne.s32 s2, $0x0  }
0x180: {  	s3 =	rddreg [dreg:$0x2];
	[bflag:$0x3] =	sbarrier.arrive $0xFFFF;
	s2 =	simm.s32 @!p0 $0x1C0A  }
0x181: {  	[timem:s3], [sflag:s2] =	dma.local @!p0 [hbm:s0], s1  }
0x182: {  	s0 =	simm.s32 @!p0 $0xA  }
0x183: {  	_ =	swait.ge @!p0 [sflag:s0], s1  }
0x184: {  	s1 =	ssub.s32 @!p0 $0x0, s1;
	[sflag:s0] =	ssyncset.done @!p0 $0x0  }
0x185: {  	[sflag:s0] =	ssyncadd.s32 @!p0 s1  }
0x186: {  	[bflag:$0x3] =	sbarrier.arrive $0xFFFF  }
0x187: {  	_ =	shalt  }

// kernel: kernel.9.cloned.1.call-start
scs
__scs_entry_jumppad:
0x0: {  	(pc) =	sbr.rel $0x88, $3  }
0x1: {  	(tag) =	ssettag $0x0;
	lr =	simm.s32 $0x1  }
0x2: {  	[smem:$0x3F99] =	sst lr;
	_ =	strace $0xD0000000  }
0x3: {  	_ = 	snop  }
0x4: {  	_ = 	snop  }
0x5: {  	_ = 	snop  }
0x6: {  	_ = 	snop  }
0x7: {  	_ = 	snop  }
__scs_overlays_trampoline_lowered:
0x8: {  	[smem:$0x3FA8] =	sst s0  }
0x9: {  	[smem:$0x3FA9] =	sst s1  }
0xa: {  	[smem:$0x3FAA] =	sst s2  }
0xb: {  	[smem:$0x3FAB] =	sst s3  }
0xc: {  	[smem:$0x3FAC] =	sst s4  }
0xd: {  	[smem:$0x3FAD] =	sst s5  }
0xe: {  	[smem:$0x3FAE] =	sst s6  }
0xf: {  	[smem:$0x3FAF] =	sst s7  }
0x10: {  	[smem:$0x3FB0] =	sst s8  }
0x11: {  	[smem:$0x3FB1] =	sst s9;
	s0 =	simm.s32 @!p0 $0x0  }
0x12: {  	s1 =	sld [smem:$0x3F97];
	s0 =	simm.s32 @p0 $0x1  }
0x13: {  	[smem:$0x3FB2] =	sst s0;
	s0 =	simm.s32 @!p1 $0x0  }
0x14: {  	s2 =	sld [smem:$0x3F96];
	s0 =	simm.s32 @p1 $0x1  }
0x15: {  	[smem:$0x3FB3] =	sst s0;
	s0 =	simm.s32 @!p2 $0x0  }
0x16: {  	s3 =	sld [smem:$0x3FDB];
	s0 =	simm.s32 @p2 $0x1  }
0x17: {  	s4 =	simm.s32 $0x1BF5;
	[smem:$0x3FB5] =	sst s0  }
0x18: {  	s0 =	sld [smem:$0x3F98];
	_ =	swait.ge [sflag:s4], $0x0  }
0x19: {  	s7 =	sld [smem:$0x3F99]  }
0x1a: {  	s8 =	sadd.s32 $0xFFFFE003, lr  }
0x1b: {  	s9 =	sadd.s32 $0xFFFFFEF7, lr;
	s5 =	simm.s32 $0xFFFFFFFF;
	p2 =	slt.u32 s8, $0xFFFFF086  }
0x1c: {  	p1 =	slt.u32 s9, $0xF7A;
	s5 =	simm.s32 @!p2 $0x0  }
0x1d: {  	s5 =	simm.s32 @p1 $0x1;
	p0 =	seq.s32 s7, s2  }
0x1e: {  	s7 =	smul.u32 @!p0 $0xF7A, s2;
	p2 =	seq.s32 @!p0 s5, $0x0  }
0x1f: {  	s9 =	smul.u32 $0xF7A, s1;
	s8 =	simm.s32 @!p0 $0x1BF5;
	p2 =	por !p2, p0  }
0x20: {  	[sflag:s8] =	ssyncset.s32 @!p0 $0xFFFFF086;
	s6 =	sadd.s32 @!p0 s3, s7;
	s7 =	simm.s32 @!p0 $0x108  }
0x21: {  	s3 =	sadd.s32 s3, s9;
	s6 =	sadd.s32 @!p0 $0x88, s6;
	s7 =	simm.s32 @p2 $0x1082  }
0x22: {  	[simem:s7], [sflag:s8] =	dma.local @!p0 [hbm:s6], $0xF7A  }
0x23: {  	s9 =	sor.u32 $0xD0000000, s2;
	s6 =	simm.s32 $0x108;
	_ =	swait.ge @!p0 [sflag:s8], $0x0  }
0x24: {  	s3 =	sadd.s32 $0x88, s3;
	s6 =	simm.s32 @!p1 $0x1082;
	[sflag:s4] =	ssyncset.s32 $0xFFFFF086  }
0x25: {  	[simem:s6], [sflag:s4] =	dma.local [hbm:s3], $0xF7A  }
0x26: {  	[smem:$0x3F99] =	sst s1;
	(tag) =	ssettag s2;
	_ =	strace s9  }
0x27: {  	s1 =	sld [smem:$0x3FA9]  }
0x28: {  	s2 =	sld [smem:$0x3FAA]  }
0x29: {  	s4 =	sld [smem:$0x3FAC]  }
0x2a: {  	p0 =	seq.s32 s5, $0x0;
	s5 =	sld [smem:$0x3FAD]  }
0x2b: {  	s6 =	sld [smem:$0x3FAE]  }
0x2c: {  	s7 =	sld [smem:$0x3FAF]  }
0x2d: {  	s3 =	simm.s32 $0x108;
	s8 =	sld [smem:$0x3FB0]  }
0x2e: {  	s3 =	simm.s32 @!p0 $0x1082;
	s9 =	sld [smem:$0x3FB1]  }
0x2f: {  	lr =	sadd.s32 s0, s3;
	s0 =	sld [smem:$0x3FA8]  }
0x30: {  	s3 =	sld [smem:$0x3FAB]  }
0x31: {  	[smem:$0x3FB4] =	sst s10  }
0x32: {  	s10 =	sld [smem:$0x3FB2];
	_ =	sdelay $0x3  }
0x33: {  	p0 =	seq.s32 s10, $0x1;
	s10 =	sld [smem:$0x3FB4];
	_ =	sdelay $0x3  }
0x34: {  	[smem:$0x3FB4] =	sst s10  }
0x35: {  	s10 =	sld [smem:$0x3FB3];
	_ =	sdelay $0x3  }
0x36: {  	p1 =	seq.s32 s10, $0x1;
	s10 =	sld [smem:$0x3FB4];
	_ =	sdelay $0x3  }
0x37: {  	[smem:$0x3FB4] =	sst s10  }
0x38: {  	s10 =	sld [smem:$0x3FB5]  }
0x39: {  	_ = 	snop;
	(pc) =	sbr.ind lr, $3  }
0x3a: {  	_ = 	snop  }
0x3b: {  	_ = 	snop  }
0x3c: {  	p2 =	seq.s32 s10, $0x1;
	s10 =	sld [smem:$0x3FB4]  }
0x3d: {  	_ =	shalt  }
0x3e: {  	_ =	shalt  }
0x3f: {  	_ =	shalt  }
0x40: {  	_ =	shalt  }
0x41: {  	_ =	shalt  }
0x42: {  	_ =	shalt  }
0x43: {  	_ =	shalt  }
0x44: {  	_ =	shalt  }
0x45: {  	_ =	shalt  }
0x46: {  	_ =	shalt  }
0x47: {  	_ =	shalt  }
0x48: {  	_ =	shalt  }
0x49: {  	_ =	shalt  }
0x4a: {  	_ =	shalt  }
0x4b: {  	_ =	shalt  }
0x4c: {  	_ =	shalt  }
0x4d: {  	_ =	shalt  }
0x4e: {  	_ =	shalt  }
0x4f: {  	_ =	shalt  }
0x50: {  	_ =	shalt  }
0x51: {  	_ =	shalt  }
0x52: {  	_ =	shalt  }
0x53: {  	_ =	shalt  }
0x54: {  	_ =	shalt  }
0x55: {  	_ =	shalt  }
0x56: {  	_ =	shalt  }
0x57: {  	_ =	shalt  }
0x58: {  	_ =	shalt  }
0x59: {  	_ =	shalt  }
0x5a: {  	_ =	shalt  }
0x5b: {  	_ =	shalt  }
0x5c: {  	_ =	shalt  }
0x5d: {  	_ =	shalt  }
0x5e: {  	_ =	shalt  }
0x5f: {  	_ =	shalt  }
0x60: {  	_ =	shalt  }
0x61: {  	_ =	shalt  }
0x62: {  	_ =	shalt  }
0x63: {  	_ =	shalt  }
0x64: {  	_ =	shalt  }
0x65: {  	_ =	shalt  }
0x66: {  	_ =	shalt  }
0x67: {  	_ =	shalt  }
0x68: {  	_ =	shalt  }
0x69: {  	_ =	shalt  }
0x6a: {  	_ =	shalt  }
0x6b: {  	_ =	shalt  }
0x6c: {  	_ =	shalt  }
0x6d: {  	_ =	shalt  }
0x6e: {  	_ =	shalt  }
0x6f: {  	_ =	shalt  }
0x70: {  	_ =	shalt  }
0x71: {  	_ =	shalt  }
0x72: {  	_ =	shalt  }
0x73: {  	_ =	shalt  }
0x74: {  	_ =	shalt  }
0x75: {  	_ =	shalt  }
0x76: {  	_ =	shalt  }
0x77: {  	_ =	shalt  }
0x78: {  	_ =	shalt  }
0x79: {  	_ =	shalt  }
0x7a: {  	_ =	shalt  }
0x7b: {  	_ =	shalt  }
0x7c: {  	_ =	shalt  }
0x7d: {  	_ =	shalt  }
0x7e: {  	_ =	shalt  }
0x7f: {  	_ =	shalt  }
0x80: {  	_ =	shalt  }
0x81: {  	_ =	shalt  }
0x82: {  	_ =	shalt  }
0x83: {  	_ =	shalt  }
0x84: {  	_ =	shalt  }
0x85: {  	_ =	shalt  }
0x86: {  	_ =	shalt  }
0x87: {  	_ =	shalt  }
.Lfunc_end0:
.L_simem_size_0:
called_computation.1_lowered:
.L_overlay_start_0:
0x88: {  	s2 =	sld [smem:$0x3FD9]  }
0x89: {  	s3 =	sld [smem:$0x3FFE];
	_ =	sdelay $0x1  }
0x8a: {  	s1 =	srdreg.scid  }
0x8b: {  	s0 =	sand.u32 $0x1, s1  }
0x8c: {  	s17 =	sshll.u32 s0, $0xA;
	s2 =	sadd.s32 s3, s2  }
0x8d: {  	s2 =	sadd.s32 s2, s17  }
0x8e: {  	[smem:$0x3FC0] =	sst s2  }
0x8f: {  	_ = 	snop  }
0x90: {  	s2 =	sld [smem:$0x3FD0];
	(tm) =	ssettm $0x1  }
0x91: {  	s18 =	sld [smem:$0x3FFB];
	_ =	sdelay $0x3  }
0x92: {  	_ =	strace s18  }
0x93: {  	s3 =	sld [smem:$0x3FFC];
	_ =	sdelay $0x3  }
0x94: {  	_ =	strace s3  }
0x95: {  	s3 =	sld [smem:$0x3FFD];
	_ =	sdelay $0x3  }
0x96: {  	_ =	strace s3  }
0x97: {  	_ =	strace $0x8FFFFFFF  }
0x98: {  	s19 =	sld [smem:$0x3FDB];
	_ =	sdelay $0x1  }
0x99: {  	s4 =	simm.s32 $_scs_section_size  }
0x9a: {  	s5 =	simm.s32 $_size__tile_overlayer_lowered;
	s6 =	simm.s32 $_tile_overlayer_lowered  }
0x9b: {  	s22 =	simm.s32 $0x1BFF;
	s21 =	sshll.u32 s6, $0x1;
	s3 =	sadd.s32 s4, s19  }
0x9c: {  	s7 =	simm.s32 $0x0;
	s20 =	sshll.u32 s5, $0x1;
	s5 =	sadd.s32 s21, s3  }
0x9d: {  	[timem:s7], [sflag:s22] =	dma.local [hbm:s5], s20  }
0x9e: {  	_ =	swait.ge [sflag:s22], s20  }
0x9f: {  	s4 =	ssub.s32 $0x0, s20;
	[sflag:s22] =	ssyncset.done $0x0  }
0xa0: {  	[sflag:s22] =	ssyncadd.s32 s4;
	_ =	sdelay $0x1  }
0xa1: {  	s23 =	simm.s32 $0x1B8B  }
0xa2: {  	_ =	swait.ge [sflag:s23], $0x1  }
0xa3: {  	[sflag:s23] =	ssyncset.done $0x0  }
0xa4: {  	s25 =	simm.s32 $0x1B8E;
	s24 =	sld [smem:$0x3FFE];
	[sflag:s23] =	ssyncadd.s32 $0xFFFFFFFF  }
0xa5: {  	s26 =	simm.s32 $execute0_lowered;
	[smem:$0x3FD2] =	sst s25  }
0xa6: {  	s5 =	sshll.u32 s26, $0x1;
	_ =	strace $0x80000049;
	[dreg:$0x1] =	wrdreg $0xFFFFFFFF  }
0xa7: {  	s28 =	simm.s32 $_size_execute0_lowered;
	s3 =	sadd.s32 s3, s5;
	[dreg:$0x0] =	wrdreg $0x0  }
0xa8: {  	s5 =	sshll.u32 s28, $0x1;
	[dreg:$0x2] =	wrdreg s3  }
0xa9: {  	[dreg:$0x3] =	wrdreg s5  }
0xaa: {  	[dreg:$0x4] =	wrdreg $0xC0  }
0xab: {  	_ =	task [dreg:s7], $0x5FFFF  }
0xac: {  	[dreg:$0x1] =	wrdreg $0xFFFFFFFF  }
0xad: {  	[dreg:$0x0] =	wrdreg $0x60  }
0xae: {  	[dreg:$0x2] =	wrdreg s2  }
0xaf: {  	[dreg:$0x3] =	wrdreg s24  }
0xb0: {  	[dreg:$0x4] =	wrdreg $0x81000  }
0xb1: {  	[dreg:$0x5] =	wrdreg $0x9  }
0xb2: {  	_ =	task.clear_ibuf [dreg:s7], $0x6FFFF;
	_ =	strace $0x90000049  }
0xb3: {  	s29 =	simm.s32 $0x9;
	_ =	strace $0x8000004B  }
0xb4: {  	_ =	swait.ge [sflag:s29], $0x1  }
0xb5: {  	[sflag:s29] =	ssyncadd.s32 $0xFFFFFFFF  }
0xb6: {  	_ =	strace $0x9000004B  }
0xb7: {  	_ =	sfence  }
0xb8: {  	s30 =	sld [smem:$0x0];
	_ =	sdelay $0x2  }
0xb9: {  	s31 =	sshll.u32 s1, $0xD;
	s1 =	sshrl.u32 s1, $0x2  }
0xba: {  	s3 =	sand.u32 $0x4000, s31;
	s1 =	sadd.s32 s1, s30  }
0xbb: {  	s0 =	sor.u32 s3, s0;
	s1 =	sshll.u32 s1, $0x11  }
0xbc: {  	s0 =	sor.u32 s1, s0  }
0xbd: {  	s0 =	sadd.s32 $0x8F2B, s0  }
0xbe: {  	[sflag:s0] =	ssyncadd.remote.s32 $0x1  }
0xbf: {  	_ =	sfence.sel $0xFFFF  }
0xc0: {  	[dreg:$0x0] =	wrdreg $0xFFFFFFFF;
	(pc) =	sbr.abs _section_cstart, $3  }
0xc1: {  	[dreg:$0x1] =	wrdreg $0xFFFFFFFF  }
0xc2: {  	_ =	task.clear_ibuf [dreg:s7], $0x2FFFF;
	_ =	strace $0x9FFFFFFF  }
0xc3: {  	(tm) =	ssettm $0x7FFFFFFF  }
tec
execute0_lowered:
.L_overlay_start_1:
0x0: {  	(tag) =	ssettag $0x1  }
0x1: {  	s1 =	rddreg [dreg:$0x0]  }
0x2: {  	s0 =	rddreg [dreg:$0x1]  }
0x3: {  	s2 =	rddreg [dreg:$0x2];
	s4 =	simm.s32 $0x0  }
0x4: {  	s3 =	srdreg.scid;
	s5 =	stileid.u32;
	s28 =	simm.s32 $0x1  }
0x5: {  	s29 =	simm.s32 $0x7D;
	s30 =	simm.s32 $0x400;
	s31 =	simm.s32 $0x2  }
0x6: {  	[smem:$0x7FF] =	sst s4;
	s6 =	sadd.s32 $0x2800, s0;
	s22 =	smul.u32 $0x50000, s5  }
0x7: {  	s3 =	sand.u32 $0x1, s3;
	s7 =	sshll.u32 s5, $0x1;
	s24 =	smul.u32 $0xA0, s5  }
0x8: {  	s8 =	sadd.s32 $0x17000, s0;
	s0 =	sadd.s32 $0x19800, s0;
	s15 =	smul.u32 $0x2800, s5  }
0x9: {  	s23 =	sadd.s32 $0x12C000, s2;
	p0 =	seq.s32 s5, $0xF;
	s25 =	smul.u32 $0x50, s3  }
0xa: {  	_ =	strace $0x8000004A;
	[dreg:$0x9] =	wrdreg s8;
	s14 =	smul.u32 $0x27100, s3  }
0xb: {  	s7 =	sor.u32 s3, s7;
	s9 =	ssub.s32 $0x2, s3;
	s3 =	smul.u32 $0x138800, s3  }
0xc: {  	[dreg:$0xb] =	wrdreg s23;
	s10 =	smul.u32 $0x500, s7;
	s8 =	sshrl.u32 s22, $0x2  }
0xd: {  	s11 =	sshrl.u32 s9, $0x1;
	s7 =	smul.u32 $0x2800, s7;
	s8 =	sadd.s32 s8, s2  }
0xe: {  	s18 =	sadd.s32 s15, s14;
	[dreg:$0xa] =	wrdreg s8;
	s13 =	sadd.s32 s6, s10  }
0xf: {  	s9 =	ssub.s32 s9, s11;
	s20 =	sadd.s32 s0, s18;
	[dreg:$0xc] =	wrdreg s13  }
0x10: {  	s8 =	sadd.s32 s25, s24;
	s25 =	smax.u32 s9, $0x1;
	[dreg:$0x14] =	wrdreg s20  }
0x11: {  	s3 =	sshrl.u32 s3, $0x3;
	s10 =	sadd.s32 $0xA000, s13;
	[dreg:$0x16] =	wrdreg s25  }
0x12: {  	s7 =	sshrl.u32 s7, $0x3;
	s26 =	sadd.s32 $0x10, s13;
	[dreg:$0xd] =	wrdreg s10  }
0x13: {  	s0 =	sadd.s32 s0, s3;
	s17 =	sadd.s32 $0x30, s13;
	[dreg:$0xe] =	wrdreg s26  }
0x14: {  	s7 =	sadd.s32 s6, s7;
	s0 =	sadd.s32 $0x25800, s0;
	[dreg:$0x12] =	wrdreg s17  }
0x15: {  	s11 =	simm.s32 $0x4;
	s12 =	sadd.s32 $0xA010, s7;
	[dreg:$0x15] =	wrdreg s0  }
0x16: {  	s3 =	simm.s32 $0x5;
	s16 =	sadd.s32 $0xA020, s7;
	[dreg:$0xf] =	wrdreg s12  }
0x17: {  	s8 =	sshll.u32 s8, $0x4;
	s19 =	sadd.s32 $0xA030, s7;
	[dreg:$0x11] =	wrdreg s16  }
0x18: {  	s15 =	sadd.s32 s8, s6;
	s12 =	sadd.s32 $0x20, s13;
	[dreg:$0x13] =	wrdreg s19  }
0x19: {  	s9 =	simm.s32 $0x6;
	s21 =	sadd.s32 $0xA040, s15;
	[dreg:$0x10] =	wrdreg s12  }
0x1a: {  	s20 =	simm.s32 $0x80;
	s22 =	sadd.s32 $0x40, s15;
	[dreg:$0x4] =	wrdreg s21  }
0x1b: {  	s25 =	simm.s32 $0x300;
	s23 =	sadd.s32 $0xA000, s15;
	[dreg:$0x5] =	wrdreg s22  }
0x1c: {  	s0 =	simm.s32 $0x4280;
	s24 =	sadd.s32 $0xA060, s15;
	[dreg:$0x6] =	wrdreg s23  }
0x1d: {  	s6 =	simm.s32 $0x7;
	s26 =	sadd.s32 $0x60, s15;
	[dreg:$0x7] =	wrdreg s24  }
0x1e: {  	s7 =	simm.s32 $0x3;
	s10 =	simm.s32 $0x8;
	[dreg:$0x8] =	wrdreg s26  }
0x1f: {  	s21 =	simm.s32 $0x100;
	s22 =	simm.s32 $0x180;
	s23 =	simm.s32 $0x200  }
0x20: {  	s24 =	simm.s32 $0x280;
	s26 =	simm.s32 $0x380;
	s12 =	simm.s32 $0x0  }
.LBB2_1:
0x21: {  	s5 =	rddreg [dreg:$0xb];
	s8 =	simm.s32 @p0 $0x1FC9  }
0x22: {  	s13 =	rddreg [dreg:$0x9];
	s16 =	sshrl.u32 @p0 s5, $0x3;
	s5 =	stileid.u32  }
0x23: {  	[spmem:s16], [sflag:s8] =	dma.local @p0 [hbm:s13], $0x1900  }
0x24: {  	s5 =	sshll.u32 @!p0 s5, $0x6  }
0x25: {  	[dreg:$0x17] =	wrdreg s5  }
0x26: {  	s8 =	sor.u32 @!p0 $0x1C09, s5;
	s5 =	rddreg [dreg:$0xa]  }
0x27: {  	s14 =	sshrl.u32 @!p0 s5, $0x3  }
0x28: {  	[spmem:s14], [sflag:s8] =	dma.local @!p0 [hbm:s13], $0x2800  }
0x29: {  	s13 =	rddreg [dreg:$0xc]  }
0x2a: {  	[tilespmem:s4], [sflag:$0x1] =	stream.linear.gather [hbm4b:s13+s4], $0x80, $0x38;
	[tilespmem:$0x1B980] =	vst v63  }
0x2b: {  	s17 =	rddreg [dreg:$0xd]  }
0x2c: {  	[tilespmem:s20], [sflag:$0x1] =	stream.linear.gather [hbm4b:s17+s4], $0x80, $0x38;
	[tilespmem:$0x1B980] =	vst v63  }
0x2d: {  	s18 =	rddreg [dreg:$0xe]  }
0x2e: {  	[tilespmem:s21], [sflag:$0x2] =	stream.linear.gather [hbm4b:s18+s4], $0x80, $0x38;
	[tilespmem:$0x1B980] =	vst v63  }
0x2f: {  	s19 =	rddreg [dreg:$0xf]  }
0x30: {  	[tilespmem:s22], [sflag:$0x2] =	stream.linear.gather [hbm4b:s19+s4], $0x80, $0x38;
	[tilespmem:$0x1B980] =	vst v63  }
0x31: {  	s8 =	rddreg [dreg:$0x10]  }
0x32: {  	[tilespmem:s23], [sflag:$0x3] =	stream.linear.gather [hbm4b:s8+s4], $0x80, $0x38;
	[tilespmem:$0x1B980] =	vst v63  }
0x33: {  	s13 =	rddreg [dreg:$0x11]  }
0x34: {  	[tilespmem:s24], [sflag:$0x3] =	stream.linear.gather [hbm4b:s13+s4], $0x80, $0x38;
	[tilespmem:$0x1B980] =	vst v63  }
0x35: {  	s17 =	rddreg [dreg:$0x12]  }
0x36: {  	[tilespmem:s25], [sflag:$0x4] =	stream.linear.gather [hbm4b:s17+s4], $0x80, $0x38;
	[tilespmem:$0x1B980] =	vst v63  }
0x37: {  	s18 =	rddreg [dreg:$0x13]  }
0x38: {  	[tilespmem:s26], [sflag:$0x4] =	stream.linear.gather [hbm4b:s18+s4], $0x80, $0x38;
	[tilespmem:$0x1B980] =	vst v63  }
0x39: {  	_ =	swait.ge [sflag:s28], $0x80  }
0x3a: {  	[sflag:s28] =	ssyncset.done $0x0  }
0x3b: {  	[sflag:s28] =	ssyncadd.s32 $0xFFFFFF80  }
0x3c: {  	_ =	swait.ge [sflag:s28], $0x80  }
0x3d: {  	[sflag:s28] =	ssyncset.done $0x0  }
0x3e: {  	[sflag:s28] =	ssyncadd.s32 $0xFFFFFF80  }
0x3f: {  	[tilespmem:s30], [sflag:$0x5] =	stream.indirect.gather [hbm4b:s1+s29], $0x80, s4, s29, $0xb8;
	[tilespmem:$0x1B980] =	vst v63  }
0x40: {  	_ =	swait.ge [sflag:s31], $0x80  }
0x41: {  	[sflag:s31] =	ssyncset.done $0x0  }
0x42: {  	[sflag:s31] =	ssyncadd.s32 $0xFFFFFF80  }
0x43: {  	_ =	swait.ge [sflag:s31], $0x80  }
0x44: {  	[sflag:s31] =	ssyncset.done $0x0  }
0x45: {  	s8 =	simm.s32 @p0 $0x9;
	[sflag:s31] =	ssyncadd.s32 $0xFFFFFF80  }
0x46: {  	[tilespmem:s0], [sflag:$0x6] =	stream.indirect.gather [hbm4b:s1+s29], $0x80, s21, s29, $0xb8;
	[tilespmem:$0x1B980] =	vst v63  }
0x47: {  	_ =	swait.ge @p0 [sflag:s8], $0x1900  }
0x48: {  	[sflag:s8] =	ssyncset.done @p0 $0x0  }
0x49: {  	[sflag:s8] =	ssyncadd.s32 @p0 $0xFFFFE700;
	s8 =	simm.s32 @!p0 $0x9  }
0x4a: {  	_ =	swait.ge @!p0 [sflag:s8], $0x2800  }
0x4b: {  	[sflag:s8] =	ssyncset.done @!p0 $0x0  }
0x4c: {  	[sflag:s8] =	ssyncadd.s32 @!p0 $0xFFFFD800  }
0x4d: {  	[bflag:$0x0] =	sbarrier.arrive $0xFFFF  }
0x4e: {  	_ =	swait.ge [sflag:s3], $0x3E80  }
0x4f: {  	[sflag:s3] =	ssyncset.done $0x0  }
0x50: {  	[sflag:s3] =	ssyncadd.s32 $0xFFFFC180  }
0x51: {  	[spmem:s2] =	stream.indirect.scatter.add.f32 [tilespmem:s30], [sflag:$0x7], $0x80, s20, s29, $0xb8;
	[tilespmem:$0x1B980] =	vst v63  }
0x52: {  	_ =	swait.ge [sflag:s6], $0x3E80  }
0x53: {  	s19 =	rddreg [dreg:$0x5];
	[sflag:s6] =	ssyncset.done $0x0  }
0x54: {  	s17 =	rddreg [dreg:$0x4];
	[sflag:s6] =	ssyncadd.s32 $0xFFFFC180;
	s8 =	sadd.s32 $0x0, s19  }
0x55: {  	[tilespmem:s4], [sflag:$0x1] =	stream.linear.gather [hbm4b:s8+s4], $0x80, $0x38;
	[tilespmem:$0x1B980] =	vst v63  }
0x56: {  	s5 =	sadd.s32 $0x0, s17  }
0x57: {  	[tilespmem:s20], [sflag:$0x1] =	stream.linear.gather [hbm4b:s5+s4], $0x80, $0x38;
	[tilespmem:$0x1B980] =	vst v63  }
0x58: {  	_ =	swait.ge [sflag:s7], $0x80  }
0x59: {  	[sflag:s7] =	ssyncset.done $0x0  }
0x5a: {  	[sflag:s7] =	ssyncadd.s32 $0xFFFFFF80  }
0x5b: {  	_ =	swait.ge [sflag:s7], $0x80  }
0x5c: {  	[sflag:s7] =	ssyncset.done $0x0  }
0x5d: {  	[sflag:s7] =	ssyncadd.s32 $0xFFFFFF80  }
0x5e: {  	[tilespmem:s30], [sflag:$0x5] =	stream.indirect.gather [hbm4b:s1+s29], $0x80, s23, s29, $0xb8;
	[tilespmem:$0x1B980] =	vst v63  }
0x5f: {  	_ =	swait.ge [sflag:s9], $0x3E80  }
0x60: {  	[sflag:s9] =	ssyncset.done $0x0  }
0x61: {  	[sflag:s9] =	ssyncadd.s32 $0xFFFFC180  }
0x62: {  	[spmem:s2] =	stream.indirect.scatter.add.f32 [tilespmem:s0], [sflag:$0x8], $0x80, s22, s29, $0xb8;
	[tilespmem:$0x1B980] =	vst v63  }
0x63: {  	_ =	swait.ge [sflag:s10], $0x3E80  }
0x64: {  	s8 =	sadd.s32 $0x0, s15;
	[sflag:s10] =	ssyncset.done $0x0;
	s13 =	rddreg [dreg:$0x6]  }
0x65: {  	s18 =	sadd.s32 $0x50, s8;
	[sflag:s10] =	ssyncadd.s32 $0xFFFFC180;
	s17 =	sadd.s32 $0x0, s13  }
0x66: {  	[tilespmem:s21], [sflag:$0x2] =	stream.linear.gather [hbm4b:s18+s4], $0x80, $0x38;
	[tilespmem:$0x1B980] =	vst v63  }
0x67: {  	s19 =	sadd.s32 $0x50, s17  }
0x68: {  	[tilespmem:s22], [sflag:$0x2] =	stream.linear.gather [hbm4b:s19+s4], $0x80, $0x38;
	[tilespmem:$0x1B980] =	vst v63  }
0x69: {  	_ =	swait.ge [sflag:s11], $0x80  }
0x6a: {  	[sflag:s11] =	ssyncset.done $0x0  }
0x6b: {  	[sflag:s11] =	ssyncadd.s32 $0xFFFFFF80  }
0x6c: {  	_ =	swait.ge [sflag:s11], $0x80  }
0x6d: {  	[sflag:s11] =	ssyncset.done $0x0  }
0x6e: {  	[sflag:s11] =	ssyncadd.s32 $0xFFFFFF80  }
0x6f: {  	[tilespmem:s0], [sflag:$0x6] =	stream.indirect.gather [hbm4b:s1+s29], $0x80, s25, s29, $0xb8;
	[tilespmem:$0x1B980] =	vst v63  }
0x70: {  	_ =	swait.ge [sflag:s3], $0x3E80  }
0x71: {  	[sflag:s3] =	ssyncset.done $0x0  }
0x72: {  	[sflag:s3] =	ssyncadd.s32 $0xFFFFC180  }
0x73: {  	[spmem:s2] =	stream.indirect.scatter.add.f32 [tilespmem:s30], [sflag:$0x7], $0x80, s24, s29, $0xb8;
	[tilespmem:$0x1B980] =	vst v63  }
0x74: {  	_ =	swait.ge [sflag:s6], $0x3E80  }
0x75: {  	s5 =	rddreg [dreg:$0x8];
	[sflag:s6] =	ssyncset.done $0x0  }
0x76: {  	s19 =	rddreg [dreg:$0x7];
	[sflag:s6] =	ssyncadd.s32 $0xFFFFC180;
	s18 =	sadd.s32 $0x0, s5  }
0x77: {  	[tilespmem:s23], [sflag:$0x3] =	stream.linear.gather [hbm4b:s18+s4], $0x80, $0x38;
	[tilespmem:$0x1B980] =	vst v63  }
0x78: {  	s13 =	sadd.s32 $0x0, s19  }
0x79: {  	[tilespmem:s24], [sflag:$0x3] =	stream.linear.gather [hbm4b:s13+s4], $0x80, $0x38;
	[tilespmem:$0x1B980] =	vst v63  }
0x7a: {  	_ =	swait.ge [sflag:s28], $0x80  }
0x7b: {  	[sflag:s28] =	ssyncset.done $0x0  }
0x7c: {  	[sflag:s28] =	ssyncadd.s32 $0xFFFFFF80  }
0x7d: {  	_ =	swait.ge [sflag:s28], $0x80  }
0x7e: {  	[sflag:s28] =	ssyncset.done $0x0  }
0x7f: {  	[sflag:s28] =	ssyncadd.s32 $0xFFFFFF80  }
0x80: {  	[tilespmem:s30], [sflag:$0x5] =	stream.indirect.gather [hbm4b:s1+s29], $0x80, s4, s29, $0xb8;
	[tilespmem:$0x1B980] =	vst v63  }
0x81: {  	_ =	swait.ge [sflag:s9], $0x3E80  }
0x82: {  	[sflag:s9] =	ssyncset.done $0x0  }
0x83: {  	[sflag:s9] =	ssyncadd.s32 $0xFFFFC180  }
0x84: {  	[spmem:s2] =	stream.indirect.scatter.add.f32 [tilespmem:s0], [sflag:$0x8], $0x80, s26, s29, $0xb8;
	[tilespmem:$0x1B980] =	vst v63  }
0x85: {  	_ =	swait.ge [sflag:s10], $0x3E80  }
0x86: {  	[sflag:s10] =	ssyncset.done $0x0  }
0x87: {  	s8 =	sadd.s32 $0x70, s8;
	[sflag:s10] =	ssyncadd.s32 $0xFFFFC180  }
0x88: {  	[tilespmem:s25], [sflag:$0x4] =	stream.linear.gather [hbm4b:s8+s4], $0x80, $0x38;
	[tilespmem:$0x1B980] =	vst v63  }
0x89: {  	s19 =	sadd.s32 $0x70, s17  }
0x8a: {  	[tilespmem:s26], [sflag:$0x4] =	stream.linear.gather [hbm4b:s19+s4], $0x80, $0x38;
	[tilespmem:$0x1B980] =	vst v63  }
0x8b: {  	_ =	swait.ge [sflag:s31], $0x80  }
0x8c: {  	[sflag:s31] =	ssyncset.done $0x0  }
0x8d: {  	[sflag:s31] =	ssyncadd.s32 $0xFFFFFF80  }
0x8e: {  	_ =	swait.ge [sflag:s31], $0x80  }
0x8f: {  	s17 =	simm.s32 $0x40;
	[sflag:s31] =	ssyncset.done $0x0  }
.LBB2_2:
0x90: {  	[sflag:s31] =	ssyncadd.s32 $0xFFFFFF80  }
0x91: {  	[tilespmem:s0], [sflag:$0x6] =	stream.indirect.gather [hbm4b:s1+s29], $0x80, s21, s29, $0xb8;
	[tilespmem:$0x1B980] =	vst v63  }
0x92: {  	_ =	swait.ge [sflag:s3], $0x3E80  }
0x93: {  	[sflag:s3] =	ssyncset.done $0x0  }
0x94: {  	[sflag:s3] =	ssyncadd.s32 $0xFFFFC180  }
0x95: {  	[spmem:s2] =	stream.indirect.scatter.add.f32 [tilespmem:s30], [sflag:$0x7], $0x80, s20, s29, $0xb8;
	[tilespmem:$0x1B980] =	vst v63  }
0x96: {  	_ =	swait.ge [sflag:s6], $0x3E80  }
0x97: {  	s18 =	smov.u32 s17;
	s8 =	rddreg [dreg:$0x5];
	[sflag:s6] =	ssyncset.done $0x0  }
0x98: {  	s19 =	rddreg [dreg:$0x4];
	[sflag:s6] =	ssyncadd.s32 $0xFFFFC180;
	s8 =	sadd.s32 s18, s8  }
0x99: {  	[tilespmem:s4], [sflag:$0x1] =	stream.linear.gather [hbm4b:s8+s4], $0x80, $0x38;
	[tilespmem:$0x1B980] =	vst v63  }
0x9a: {  	s5 =	sadd.s32 s18, s19  }
0x9b: {  	[tilespmem:s20], [sflag:$0x1] =	stream.linear.gather [hbm4b:s5+s4], $0x80, $0x38;
	[tilespmem:$0x1B980] =	vst v63  }
0x9c: {  	_ =	swait.ge [sflag:s7], $0x80  }
0x9d: {  	[sflag:s7] =	ssyncset.done $0x0  }
0x9e: {  	[sflag:s7] =	ssyncadd.s32 $0xFFFFFF80  }
0x9f: {  	_ =	swait.ge [sflag:s7], $0x80  }
0xa0: {  	[sflag:s7] =	ssyncset.done $0x0  }
0xa1: {  	[sflag:s7] =	ssyncadd.s32 $0xFFFFFF80  }
0xa2: {  	[tilespmem:s30], [sflag:$0x5] =	stream.indirect.gather [hbm4b:s1+s29], $0x80, s23, s29, $0xb8;
	[tilespmem:$0x1B980] =	vst v63  }
0xa3: {  	_ =	swait.ge [sflag:s9], $0x3E80  }
0xa4: {  	[sflag:s9] =	ssyncset.done $0x0  }
0xa5: {  	[sflag:s9] =	ssyncadd.s32 $0xFFFFC180  }
0xa6: {  	[spmem:s2] =	stream.indirect.scatter.add.f32 [tilespmem:s0], [sflag:$0x8], $0x80, s22, s29, $0xb8;
	[tilespmem:$0x1B980] =	vst v63  }
0xa7: {  	_ =	swait.ge [sflag:s10], $0x3E80  }
0xa8: {  	s19 =	sadd.s32 s18, s15;
	[sflag:s10] =	ssyncset.done $0x0;
	s13 =	rddreg [dreg:$0x6]  }
0xa9: {  	s5 =	sadd.s32 $0x50, s19;
	[sflag:s10] =	ssyncadd.s32 $0xFFFFC180;
	s8 =	sadd.s32 s18, s13  }
0xaa: {  	[tilespmem:s21], [sflag:$0x2] =	stream.linear.gather [hbm4b:s5+s4], $0x80, $0x38;
	[tilespmem:$0x1B980] =	vst v63  }
0xab: {  	s13 =	sadd.s32 $0x50, s8  }
0xac: {  	[tilespmem:s22], [sflag:$0x2] =	stream.linear.gather [hbm4b:s13+s4], $0x80, $0x38;
	[tilespmem:$0x1B980] =	vst v63  }
0xad: {  	_ =	swait.ge [sflag:s11], $0x80  }
0xae: {  	[sflag:s11] =	ssyncset.done $0x0  }
0xaf: {  	[sflag:s11] =	ssyncadd.s32 $0xFFFFFF80  }
0xb0: {  	_ =	swait.ge [sflag:s11], $0x80  }
0xb1: {  	[sflag:s11] =	ssyncset.done $0x0  }
0xb2: {  	[sflag:s11] =	ssyncadd.s32 $0xFFFFFF80  }
0xb3: {  	[tilespmem:s0], [sflag:$0x6] =	stream.indirect.gather [hbm4b:s1+s29], $0x80, s25, s29, $0xb8;
	[tilespmem:$0x1B980] =	vst v63  }
0xb4: {  	_ =	swait.ge [sflag:s3], $0x3E80  }
0xb5: {  	[sflag:s3] =	ssyncset.done $0x0  }
0xb6: {  	[sflag:s3] =	ssyncadd.s32 $0xFFFFC180  }
0xb7: {  	[spmem:s2] =	stream.indirect.scatter.add.f32 [tilespmem:s30], [sflag:$0x7], $0x80, s24, s29, $0xb8;
	[tilespmem:$0x1B980] =	vst v63  }
0xb8: {  	_ =	swait.ge [sflag:s6], $0x3E80  }
0xb9: {  	s5 =	rddreg [dreg:$0x8];
	[sflag:s6] =	ssyncset.done $0x0  }
0xba: {  	s13 =	rddreg [dreg:$0x7];
	[sflag:s6] =	ssyncadd.s32 $0xFFFFC180;
	s5 =	sadd.s32 s18, s5  }
0xbb: {  	[tilespmem:s23], [sflag:$0x3] =	stream.linear.gather [hbm4b:s5+s4], $0x80, $0x38;
	[tilespmem:$0x1B980] =	vst v63  }
0xbc: {  	s18 =	sadd.s32 s18, s13  }
0xbd: {  	[tilespmem:s24], [sflag:$0x3] =	stream.linear.gather [hbm4b:s18+s4], $0x80, $0x38;
	[tilespmem:$0x1B980] =	vst v63  }
0xbe: {  	_ =	swait.ge [sflag:s28], $0x80  }
0xbf: {  	[sflag:s28] =	ssyncset.done $0x0  }
0xc0: {  	[sflag:s28] =	ssyncadd.s32 $0xFFFFFF80  }
0xc1: {  	_ =	swait.ge [sflag:s28], $0x80  }
0xc2: {  	[sflag:s28] =	ssyncset.done $0x0  }
0xc3: {  	[sflag:s28] =	ssyncadd.s32 $0xFFFFFF80  }
0xc4: {  	[tilespmem:s30], [sflag:$0x5] =	stream.indirect.gather [hbm4b:s1+s29], $0x80, s4, s29, $0xb8;
	[tilespmem:$0x1B980] =	vst v63  }
0xc5: {  	_ =	swait.ge [sflag:s9], $0x3E80  }
0xc6: {  	[sflag:s9] =	ssyncset.done $0x0  }
0xc7: {  	[sflag:s9] =	ssyncadd.s32 $0xFFFFC180  }
0xc8: {  	[spmem:s2] =	stream.indirect.scatter.add.f32 [tilespmem:s0], [sflag:$0x8], $0x80, s26, s29, $0xb8;
	[tilespmem:$0x1B980] =	vst v63  }
0xc9: {  	_ =	swait.ge [sflag:s10], $0x3E80  }
0xca: {  	[sflag:s10] =	ssyncset.done $0x0  }
0xcb: {  	s19 =	sadd.s32 $0x70, s19;
	[sflag:s10] =	ssyncadd.s32 $0xFFFFC180  }
0xcc: {  	[tilespmem:s25], [sflag:$0x4] =	stream.linear.gather [hbm4b:s19+s4], $0x80, $0x38;
	[tilespmem:$0x1B980] =	vst v63  }
0xcd: {  	p1 =	sne.s32 s17, $0x480;
	s8 =	sadd.s32 $0x70, s8  }
0xce: {  	[tilespmem:s26], [sflag:$0x4] =	stream.linear.gather [hbm4b:s8+s4], $0x80, $0x38;
	[tilespmem:$0x1B980] =	vst v63  }
.Ltmp0:
0xcf: {  	_ =	swait.ge [sflag:s31], $0x80;
	(pc) =	sbr.rel @p1 .LBB2_2-.Ltmp0, $4  }
0xd0: {  	[sflag:s31] =	ssyncset.done $0x0  }
0xd1: {  	[sflag:s31] =	ssyncadd.s32 $0xFFFFFF80  }
0xd2: {  	_ =	swait.ge [sflag:s31], $0x80  }
0xd3: {  	s17 =	sadd.s32 $0x40, s17;
	[sflag:s31] =	ssyncset.done $0x0  }
0xd4: {  	[sflag:s31] =	ssyncadd.s32 $0xFFFFFF80  }
0xd5: {  	[tilespmem:s0], [sflag:$0x6] =	stream.indirect.gather [hbm4b:s1+s29], $0x80, s21, s29, $0xb8;
	[tilespmem:$0x1B980] =	vst v63  }
0xd6: {  	_ =	swait.ge [sflag:s3], $0x3E80  }
0xd7: {  	[sflag:s3] =	ssyncset.done $0x0  }
0xd8: {  	[sflag:s3] =	ssyncadd.s32 $0xFFFFC180  }
0xd9: {  	[spmem:s2] =	stream.indirect.scatter.add.f32 [tilespmem:s30], [sflag:$0x7], $0x80, s20, s29, $0xb8;
	[tilespmem:$0x1B980] =	vst v63  }
0xda: {  	_ =	swait.ge [sflag:s6], $0x3E80  }
0xdb: {  	[sflag:s6] =	ssyncset.done $0x0  }
0xdc: {  	[sflag:s6] =	ssyncadd.s32 $0xFFFFC180  }
0xdd: {  	_ =	swait.ge [sflag:s7], $0x80  }
0xde: {  	[sflag:s7] =	ssyncset.done $0x0  }
0xdf: {  	[sflag:s7] =	ssyncadd.s32 $0xFFFFFF80  }
0xe0: {  	_ =	swait.ge [sflag:s7], $0x80  }
0xe1: {  	[sflag:s7] =	ssyncset.done $0x0  }
0xe2: {  	[sflag:s7] =	ssyncadd.s32 $0xFFFFFF80  }
0xe3: {  	[tilespmem:s30], [sflag:$0x5] =	stream.indirect.gather [hbm4b:s1+s29], $0x80, s23, s29, $0xb8;
	[tilespmem:$0x1B980] =	vst v63  }
0xe4: {  	_ =	swait.ge [sflag:s9], $0x3E80  }
0xe5: {  	[sflag:s9] =	ssyncset.done $0x0  }
0xe6: {  	[sflag:s9] =	ssyncadd.s32 $0xFFFFC180  }
0xe7: {  	[spmem:s2] =	stream.indirect.scatter.add.f32 [tilespmem:s0], [sflag:$0x8], $0x80, s22, s29, $0xb8;
	[tilespmem:$0x1B980] =	vst v63  }
0xe8: {  	_ =	swait.ge [sflag:s10], $0x3E80  }
0xe9: {  	[sflag:s10] =	ssyncset.done $0x0  }
0xea: {  	[sflag:s10] =	ssyncadd.s32 $0xFFFFC180  }
0xeb: {  	_ =	swait.ge [sflag:s11], $0x80  }
0xec: {  	[sflag:s11] =	ssyncset.done $0x0  }
0xed: {  	[sflag:s11] =	ssyncadd.s32 $0xFFFFFF80  }
0xee: {  	_ =	swait.ge [sflag:s11], $0x80  }
0xef: {  	[sflag:s11] =	ssyncset.done $0x0  }
0xf0: {  	[sflag:s11] =	ssyncadd.s32 $0xFFFFFF80  }
0xf1: {  	[tilespmem:s0], [sflag:$0x6] =	stream.indirect.gather [hbm4b:s1+s29], $0x80, s25, s29, $0xb8;
	[tilespmem:$0x1B980] =	vst v63  }
0xf2: {  	_ =	swait.ge [sflag:s3], $0x3E80  }
0xf3: {  	[sflag:s3] =	ssyncset.done $0x0  }
0xf4: {  	[sflag:s3] =	ssyncadd.s32 $0xFFFFC180  }
0xf5: {  	[spmem:s2] =	stream.indirect.scatter.add.f32 [tilespmem:s30], [sflag:$0x7], $0x80, s24, s29, $0xb8;
	[tilespmem:$0x1B980] =	vst v63  }
0xf6: {  	_ =	swait.ge [sflag:s6], $0x3E80  }
0xf7: {  	[sflag:s6] =	ssyncset.done $0x0  }
0xf8: {  	[sflag:s6] =	ssyncadd.s32 $0xFFFFC180  }
0xf9: {  	_ =	swait.ge [sflag:s9], $0x3E80  }
0xfa: {  	[sflag:s9] =	ssyncset.done $0x0  }
0xfb: {  	[sflag:s9] =	ssyncadd.s32 $0xFFFFC180  }
0xfc: {  	[spmem:s2] =	stream.indirect.scatter.add.f32 [tilespmem:s0], [sflag:$0x8], $0x80, s26, s29, $0xb8;
	[tilespmem:$0x1B980] =	vst v63  }
0xfd: {  	_ =	swait.ge [sflag:s10], $0x3E80  }
0xfe: {  	[sflag:s10] =	ssyncset.done $0x0  }
0xff: {  	[sflag:s10] =	ssyncadd.s32 $0xFFFFC180  }
0x100: {  	[bflag:$0x0] =	sbarrier.arrive $0xFFFF  }
0x101: {  	s5 =	simm.s32 @p0 $0x1FCA;
	s8 =	rddreg [dreg:$0x15]  }
0x102: {  	[hbm:s8], [sflag:s5] =	dma.local @p0 [spmem:s16], $0x1900  }
0x103: {  	s5 =	simm.s32 @p0 $0xA  }
0x104: {  	_ =	swait.ge @p0 [sflag:s5], $0x1900  }
0x105: {  	[sflag:s5] =	ssyncset.done @p0 $0x0  }
0x106: {  	[sflag:s5] =	ssyncadd.s32 @p0 $0xFFFFE700;
	s5 =	rddreg [dreg:$0x17]  }
0x107: {  	s8 =	rddreg [dreg:$0x14];
	s5 =	sor.u32 @!p0 $0x1C0A, s5  }
0x108: {  	[hbm:s8], [sflag:s5] =	dma.local @!p0 [spmem:s14], $0x2800  }
0x109: {  	s5 =	simm.s32 @!p0 $0xA  }
0x10a: {  	_ =	swait.ge @!p0 [sflag:s5], $0x2800  }
0x10b: {  	s12 =	sadd.s32 $0x1, s12;
	s19 =	rddreg [dreg:$0x16]  }
0x10c: {  	p1 =	sne.s32 s12, s19  }
.Ltmp1:
0x10d: {  	_ = 	snop;
	(pc) =	sbr.rel @p1 .LBB2_1-.Ltmp1, $3  }
0x10e: {  	_ =	sdelay $0x1  }
0x10f: {  	[sflag:s5] =	ssyncset.done @!p0 $0x0  }
0x110: {  	[sflag:s5] =	ssyncadd.s32 @!p0 $0xFFFFD800  }
0x111: {  	_ =	sfence.sel $0x180000  }
0x112: {  	[bflag:$0x0] =	sbarrier.arrive $0xFFFF  }
0x113: {  	_ =	strace $0x9000004A  }
0x114: {  	s0 =	stileid.u32;
	[bflag:$0x2] =	sbarrier.arrive $0xFFFF  }
0x115: {  	p0 =	sne.s32 s0, $0x0;
	s0 =	rddreg [dreg:$0x3]  }
0x116: {  	s0 =	sadd.s32 @!p0 $0x100000, s0  }
0x117: {  	[sflag:s0] =	ssyncadd.tile.s32 @!p0 $0x1;
	_ =	shalt  }
.Lfunc_end2:
_tile_overlayer_lowered:
.L_overlay_start_2:
0x118: {  	(tag) =	ssettag $0x2  }
0x119: {  	s0 =	rddreg [dreg:$0x0];
	s2 =	stileid.u32  }
0x11a: {  	s1 =	rddreg [dreg:$0x1];
	p0 =	sne.s32 s2, $0x0  }
0x11b: {  	s3 =	rddreg [dreg:$0x2];
	[bflag:$0x3] =	sbarrier.arrive $0xFFFF;
	s2 =	simm.s32 @!p0 $0x1C0A  }
0x11c: {  	[timem:s3], [sflag:s2] =	dma.local @!p0 [hbm:s0], s1  }
0x11d: {  	s0 =	simm.s32 @!p0 $0xA  }
0x11e: {  	_ =	swait.ge @!p0 [sflag:s0], s1  }
0x11f: {  	s1 =	ssub.s32 @!p0 $0x0, s1;
	[sflag:s0] =	ssyncset.done @!p0 $0x0  }
0x120: {  	[sflag:s0] =	ssyncadd.s32 @!p0 s1  }
0x121: {  	[bflag:$0x3] =	sbarrier.arrive $0xFFFF  }
0x122: {  	_ =	shalt  }

</sc_bundles>
